<compile_context>
chip_gen: v7x
topology: tpu7x:2x2x1
jax: 0.10.2.dev20260603
libtpu: 0.0.44.dev20260713+nightly
codegen_flags: <defaults>
</compile_context>

<pallas_src>
import functools

import jax
import jax.numpy as jnp
from jax import lax
from jax.experimental import pallas as pl
from jax.experimental.pallas import tpu as pltpu
from jax.experimental.pallas import tpu_sc as plsc

_NS_ = 8



def _make_sc_gather(B, D, NC, NS):
    NW = NC * NS
    n_per_w = B // NW
    n_blocks = n_per_w // 16
    mesh = plsc.VectorSubcoreMesh(core_axis_name="c", subcore_axis_name="s")

    @functools.partial(
        pl.kernel,
        mesh=mesh,
        out_type=(
            jax.ShapeDtypeStruct((D, B), jnp.float32),
            jax.ShapeDtypeStruct((D, B), jnp.float32),
        ),
        scratch_types=[
            pltpu.VMEM((n_per_w,), jnp.int32),
            pltpu.VMEM((n_per_w,), jnp.int32),
            pltpu.VMEM((_NS_, D, 128), jnp.float32),
            pltpu.VMEM((_NS_, D, 128), jnp.float32),
            pltpu.VMEM((D, n_per_w), jnp.float32),
            pltpu.VMEM((D, n_per_w), jnp.float32),
            [pltpu.SemaphoreType.DMA for _ in range(_NS_)],
            [pltpu.SemaphoreType.DMA for _ in range(_NS_)],
        ],
        compiler_params=pltpu.CompilerParams(
            use_tc_tiling_on_sc=True, needs_layout_passes=False),
    )
    def sc_gather(uids_hbm, iids_hbm, utabT_hbm, itabT_hbm,
                  uout_hbm, iout_hbm,
                  uidx_v, iidx_v, ubufs, ibufs,
                  urowsT, irowsT, usems, isems):
        wid = lax.axis_index("s") * NC + lax.axis_index("c")
        base = wid * n_per_w
        pltpu.sync_copy(uids_hbm.at[pl.ds(base, n_per_w)], uidx_v)
        pltpu.sync_copy(iids_hbm.at[pl.ds(base, n_per_w)], iidx_v)

        iota16 = lax.iota(jnp.int32, 16)
        slot_vec = iota16 & 7
        half_sel = iota16 >> 3

        def issue(vv, j, tab, bufs, sems):
            c = pl.multiple_of((vv[j] >> 7) << 7, 128)
            pltpu.async_copy(
                tab.at[:, pl.ds(c, 128)], bufs.at[j & 7], sems[j & 7])

        def wait_all(tab, bufs, sems):
            for s in range(_NS_):
                pltpu.make_async_copy(
                    tab.at[:, pl.ds(0, 128)], bufs.at[s], sems[s]).wait()

        def extract(k0, idx_v, bufs, rowsT, tab, sems):
            wait_all(tab, bufs, sems)
            lanes = plsc.load_gather(idx_v, [k0 + slot_vec]) & 127
            cols = k0 + slot_vec
            for rp in range(D // 2):
                row_vec = 2 * rp + half_sel
                g = plsc.load_gather(bufs, [slot_vec, row_vec, lanes])
                plsc.store_scatter(rowsT, [row_vec, cols], g)

        def body(t, _c):
            uv_n = uidx_v[pl.ds(t * 16, 16)]
            iv_n = iidx_v[pl.ds(t * 16, 16)]
            for h in (0, 1):
                cond = (t > 0) if h == 0 else (t >= 0)
                k_old = t * 16 + h * 8 - 8

                @pl.when(cond)
                def _():
                    extract(k_old, uidx_v, ubufs, urowsT, utabT_hbm, usems)

                for j in range(h * 8, h * 8 + 8):
                    issue(uv_n, j, utabT_hbm, ubufs, usems)

                @pl.when(cond)
                def _():
                    extract(k_old, iidx_v, ibufs, irowsT, itabT_hbm, isems)

                for j in range(h * 8, h * 8 + 8):
                    issue(iv_n, j, itabT_hbm, ibufs, isems)
            return 0

        lax.fori_loop(0, n_blocks, body, 0)

        k_last = n_per_w - 8
        extract(k_last, uidx_v, ubufs, urowsT, utabT_hbm, usems)
        extract(k_last, iidx_v, ibufs, irowsT, itabT_hbm, isems)

        pltpu.sync_copy(urowsT, uout_hbm.at[:, pl.ds(base, n_per_w)])
        pltpu.sync_copy(irowsT, iout_hbm.at[:, pl.ds(base, n_per_w)])

    return sc_gather



def _mlp_body(uT_ref, iT_ref, w1u_ref, w1i_ref, b1_ref, w2_ref, b2_ref,
              w3_ref, b3_ref, wo_ref, bo_ref, out_ref):
    dn = (((0,), (0,)), ((), ()))
    x1 = jnp.maximum(
        lax.dot_general(w1u_ref[...], uT_ref[...], dn)
        + lax.dot_general(w1i_ref[...], iT_ref[...], dn)
        + b1_ref[...],
        0.0)
    x2 = jnp.maximum(lax.dot_general(w2_ref[...], x1, dn) + b2_ref[...], 0.0)
    x3 = jnp.maximum(lax.dot_general(w3_ref[...], x2, dn) + b3_ref[...], 0.0)
    logits = lax.dot_general(wo_ref[...], x3, dn) + bo_ref[...]
    out_ref[...] = jax.nn.sigmoid(logits)


def _make_tc_mlp(B, D, H1, H2, H3, BM):
    grid = (B // BM,)
    full = lambda shape: pl.BlockSpec(shape, lambda i: (0, 0))
    return pl.pallas_call(
        _mlp_body,
        grid=grid,
        in_specs=[
            pl.BlockSpec((D, BM), lambda i: (0, i)),
            pl.BlockSpec((D, BM), lambda i: (0, i)),
            full((D, H1)),
            full((D, H1)),
            full((H1, 1)),
            full((H1, H2)),
            full((H2, 1)),
            full((H2, H3)),
            full((H3, 1)),
            full((H3, 1)),
            full((1, 1)),
        ],
        out_specs=pl.BlockSpec((1, BM), lambda i: (0, i)),
        out_shape=jax.ShapeDtypeStruct((1, B), jnp.float32),
    )



def kernel(user_ids, item_ids, user_table, item_table,
           W1, b1, W2, b2, W3, b3, Wo, bo):
    B = user_ids.shape[0]
    D = user_table.shape[1]
    H1, H2, H3 = W1.shape[1], W2.shape[1], W3.shape[1]

    info = plsc.get_sparse_core_info()
    NC, NS = info.num_cores, info.num_subcores

    sc_gather = _make_sc_gather(B, D, NC, NS)
    u_embT, i_embT = sc_gather(
        user_ids.astype(jnp.int32), item_ids.astype(jnp.int32),
        user_table.T, item_table.T)

    tc_mlp = _make_tc_mlp(B, D, H1, H2, H3, BM=4096)
    out = tc_mlp(
        u_embT, i_embT,
        W1[:D, :], W1[D:, :], b1.reshape(H1, 1),
        W2, b2.reshape(H2, 1),
        W3, b3.reshape(H3, 1),
        Wo, bo.reshape(1, 1))
    return out.reshape(B, 1)

# --- scband reference (transcript-rebuilt; emitter-appended) ---
"""Pipeline reference for scband-neural-cf-74234214744142 (READ-ONLY COPY).

The authoritative reference and input builder live on the scoring server;
editing this copy changes nothing except your own understanding.
"""

import jax, jax.numpy as jnp
import numpy as np

NUM_USERS = 1000000
NUM_ITEMS = 1000000
EMBED_DIM = 32
BATCH = 16384
HIDDEN = [128, 64, 32]


def setup_inputs(seed: int = 0) -> dict:
    key = jax.random.key(seed)
    ks = jax.random.split(key, 12)
    user_ids = jax.random.randint(ks[0], (BATCH,), 0, NUM_USERS, dtype=jnp.int64 if jax.config.jax_enable_x64 else jnp.int32)
    item_ids = jax.random.randint(ks[1], (BATCH,), 0, NUM_ITEMS, dtype=jnp.int64 if jax.config.jax_enable_x64 else jnp.int32)
    user_table = jax.random.normal(ks[2], (NUM_USERS, EMBED_DIM), dtype=jnp.float32) * 0.02
    item_table = jax.random.normal(ks[3], (NUM_ITEMS, EMBED_DIM), dtype=jnp.float32) * 0.02
    in_dim = 2 * EMBED_DIM
    W1 = jax.random.normal(ks[4], (in_dim, HIDDEN[0]), dtype=jnp.float32) * (1.0 / np.sqrt(in_dim))
    b1 = jnp.zeros((HIDDEN[0],), dtype=jnp.float32)
    W2 = jax.random.normal(ks[5], (HIDDEN[0], HIDDEN[1]), dtype=jnp.float32) * (1.0 / np.sqrt(HIDDEN[0]))
    b2 = jnp.zeros((HIDDEN[1],), dtype=jnp.float32)
    W3 = jax.random.normal(ks[6], (HIDDEN[1], HIDDEN[2]), dtype=jnp.float32) * (1.0 / np.sqrt(HIDDEN[1]))
    b3 = jnp.zeros((HIDDEN[2],), dtype=jnp.float32)
    Wo = jax.random.normal(ks[7], (HIDDEN[2], 1), dtype=jnp.float32) * (1.0 / np.sqrt(HIDDEN[2]))
    bo = jnp.zeros((1,), dtype=jnp.float32)
    return {
        "user_ids": user_ids,
        "item_ids": item_ids,
        "user_table": user_table,
        "item_table": item_table,
        "W1": W1, "b1": b1,
        "W2": W2, "b2": b2,
        "W3": W3, "b3": b3,
        "Wo": Wo, "bo": bo,
    }


def reference(user_ids, item_ids, user_table, item_table, W1, b1, W2, b2, W3, b3, Wo, bo):
    # Embedding lookups (SparseCore-friendly gathers)
    user_embed = jnp.take(user_table, user_ids, axis=0)  # [B, D]
    item_embed = jnp.take(item_table, item_ids, axis=0)  # [B, D]
    x = jnp.concatenate([user_embed, item_embed], axis=-1)  # [B, 2D]
    # MLP (dropout is identity in eval mode)
    x = jax.nn.relu(x @ W1 + b1)
    x = jax.nn.relu(x @ W2 + b2)
    x = jax.nn.relu(x @ W3 + b3)
    logits = x @ Wo + bo  # [B, 1]
    output = jax.nn.sigmoid(logits)
    return output

if __name__ == "__main__":
    import jax
    _d = setup_inputs()
    print(jax.jit(kernel)(*tuple(_d.values())))

</pallas_src>

<mosaic_0001>
#map = affine_map<(d0, d1) -> (0)>
#map1 = affine_map<(d0, d1) -> (0, 0)>
module attributes {stable_mosaic.version = 14 : i64} {
  func.func @sc_gather(%arg0: i32, %arg1: i32, %arg2: memref<16384xi32, #tpu.memory_space<hbm>>, %arg3: memref<16384xi32, #tpu.memory_space<hbm>>, %arg4: memref<32x1000000xf32, #tpu.memory_space<hbm>>, %arg5: memref<32x1000000xf32, #tpu.memory_space<hbm>>, %arg6: memref<32x16384xf32, #tpu.memory_space<hbm>>, %arg7: memref<32x16384xf32, #tpu.memory_space<hbm>>, %arg8: memref<512xi32, #tpu.memory_space<vmem>>, %arg9: memref<512xi32, #tpu.memory_space<vmem>>, %arg10: memref<8x32x128xf32, #tpu.memory_space<vmem>>, %arg11: memref<8x32x128xf32, #tpu.memory_space<vmem>>, %arg12: memref<32x512xf32, #tpu.memory_space<vmem>>, %arg13: memref<32x512xf32, #tpu.memory_space<vmem>>, %arg14: memref<!tpu.dma_semaphore, #tpu.memory_space<semaphore_mem>>, %arg15: memref<!tpu.dma_semaphore, #tpu.memory_space<semaphore_mem>>, %arg16: memref<!tpu.dma_semaphore, #tpu.memory_space<semaphore_mem>>, %arg17: memref<!tpu.dma_semaphore, #tpu.memory_space<semaphore_mem>>, %arg18: memref<!tpu.dma_semaphore, #tpu.memory_space<semaphore_mem>>, %arg19: memref<!tpu.dma_semaphore, #tpu.memory_space<semaphore_mem>>, %arg20: memref<!tpu.dma_semaphore, #tpu.memory_space<semaphore_mem>>, %arg21: memref<!tpu.dma_semaphore, #tpu.memory_space<semaphore_mem>>, %arg22: memref<!tpu.dma_semaphore, #tpu.memory_space<semaphore_mem>>, %arg23: memref<!tpu.dma_semaphore, #tpu.memory_space<semaphore_mem>>, %arg24: memref<!tpu.dma_semaphore, #tpu.memory_space<semaphore_mem>>, %arg25: memref<!tpu.dma_semaphore, #tpu.memory_space<semaphore_mem>>, %arg26: memref<!tpu.dma_semaphore, #tpu.memory_space<semaphore_mem>>, %arg27: memref<!tpu.dma_semaphore, #tpu.memory_space<semaphore_mem>>, %arg28: memref<!tpu.dma_semaphore, #tpu.memory_space<semaphore_mem>>, %arg29: memref<!tpu.dma_semaphore, #tpu.memory_space<semaphore_mem>>) attributes {dimension_semantics = [#tpu.dimension_semantics<core_parallel>, #tpu.dimension_semantics<subcore_parallel>], iteration_bounds = array<i64: 2, 16>, scalar_prefetch = 0 : i64, scratch_operands = 22 : i64, tpu.core_type = #tpu.core_type<sc_vector_subcore>, window_params = [{transform_indices = #map}, {transform_indices = #map}, {transform_indices = #map1}, {transform_indices = #map1}, {transform_indices = #map1}, {transform_indices = #map1}]} {
    %mul3A = arith.constant 2 : i32
    %mul3A_0 = arith.muli %arg1, %mul3A : i32
    %add3A = arith.addi %mul3A_0, %arg0 : i32
    %mul3A_1 = arith.constant 512 : i32
    %mul3A_2 = arith.muli %add3A, %mul3A_1 : i32
    "tpu.region"() ({
      %run_scoped3A = tpu.sem_alloc : memref<!tpu.dma_semaphore, #tpu.memory_space<semaphore_mem>>
      %dma_start3A = tpu.memref_slice %arg2[%mul3A_2] : memref<16384xi32, #tpu.memory_space<hbm>> -> memref<512xi32, #tpu.memory_space<hbm>>
      %dma_start3A_399 = tpu.memref_slice %arg2[%mul3A_2] : memref<16384xi32, #tpu.memory_space<hbm>> -> memref<512xi32, #tpu.memory_space<hbm>>
      tpu.enqueue_dma source(%dma_start3A_399 : memref<512xi32, #tpu.memory_space<hbm>>) target(%arg8 : memref<512xi32, #tpu.memory_space<vmem>>) target_semaphore(%run_scoped3A : memref<!tpu.dma_semaphore, #tpu.memory_space<semaphore_mem>>)
      %dma_wait3A_400 = tpu.memref_slice %arg2[%mul3A_2] : memref<16384xi32, #tpu.memory_space<hbm>> -> memref<512xi32, #tpu.memory_space<hbm>>
      %dma_wait3A_401 = tpu.memref_slice %arg2[%mul3A_2] : memref<16384xi32, #tpu.memory_space<hbm>> -> memref<512xi32, #tpu.memory_space<hbm>>
      tpu.wait_dma2 semaphore(%run_scoped3A : memref<!tpu.dma_semaphore, #tpu.memory_space<semaphore_mem>>) src(%dma_wait3A_401 : memref<512xi32, #tpu.memory_space<hbm>>) dst(%arg8 : memref<512xi32, #tpu.memory_space<vmem>>)
      tpu.yield
    }) : () -> ()
    "tpu.region"() ({
      %run_scoped3A = tpu.sem_alloc : memref<!tpu.dma_semaphore, #tpu.memory_space<semaphore_mem>>
      %dma_start3A = tpu.memref_slice %arg3[%mul3A_2] : memref<16384xi32, #tpu.memory_space<hbm>> -> memref<512xi32, #tpu.memory_space<hbm>>
      %dma_start3A_399 = tpu.memref_slice %arg3[%mul3A_2] : memref<16384xi32, #tpu.memory_space<hbm>> -> memref<512xi32, #tpu.memory_space<hbm>>
      tpu.enqueue_dma source(%dma_start3A_399 : memref<512xi32, #tpu.memory_space<hbm>>) target(%arg9 : memref<512xi32, #tpu.memory_space<vmem>>) target_semaphore(%run_scoped3A : memref<!tpu.dma_semaphore, #tpu.memory_space<semaphore_mem>>)
      %dma_wait3A_400 = tpu.memref_slice %arg3[%mul3A_2] : memref<16384xi32, #tpu.memory_space<hbm>> -> memref<512xi32, #tpu.memory_space<hbm>>
      %dma_wait3A_401 = tpu.memref_slice %arg3[%mul3A_2] : memref<16384xi32, #tpu.memory_space<hbm>> -> memref<512xi32, #tpu.memory_space<hbm>>
      tpu.wait_dma2 semaphore(%run_scoped3A : memref<!tpu.dma_semaphore, #tpu.memory_space<semaphore_mem>>) src(%dma_wait3A_401 : memref<512xi32, #tpu.memory_space<hbm>>) dst(%arg9 : memref<512xi32, #tpu.memory_space<vmem>>)
      tpu.yield
    }) : () -> ()
    %iota3A = tpu.iota {dimensions = array<i32: 0>} : vector<16xi32>
    %and3A = arith.constant 7 : i32
    %and3A_3 = vector.broadcast %and3A : i32 to vector<16xi32>
    %and3A_4 = arith.andi %iota3A, %and3A_3 : vector<16xi32>
    %shift_right_arithmetic3A = arith.constant 3 : i32
    %shift_right_arithmetic3A_5 = vector.broadcast %shift_right_arithmetic3A : i32 to vector<16xi32>
    %shift_right_arithmetic3A_6 = arith.shrsi %iota3A, %shift_right_arithmetic3A_5 : vector<16xi32>
    %scan3A = arith.constant 0 : i32
    %scan3A_7 = arith.constant 0 : i32
    %scan3A_8 = arith.constant 32 : i32
    %scan3A_9 = arith.addi %scan3A_7, %scan3A_8 : i32
    %scan3A_10 = arith.constant 1 : i32
    %scan3A_11 = scf.for %scan3A_399 = %scan3A_7 to %scan3A_9 step %scan3A_10 iter_args(%scan3A_400 = %scan3A) -> (i32)  : i32 {
      %mul3A_401 = arith.constant 16 : i32
      %mul3A_402 = arith.muli %scan3A_399, %mul3A_401 : i32
      %get3A = arith.index_cast %mul3A_402 : i32 to index
      %get3A_403 = tpu.vector_load %arg8[%get3A] {strides = array<i32>} : memref<512xi32, #tpu.memory_space<vmem>>, vector<16xi32>,
      %mul3A_404 = arith.constant 16 : i32
      %mul3A_405 = arith.muli %scan3A_399, %mul3A_404 : i32
      %get3A_406 = arith.index_cast %mul3A_405 : i32 to index
      %get3A_407 = tpu.vector_load %arg9[%get3A_406] {strides = array<i32>} : memref<512xi32, #tpu.memory_space<vmem>>, vector<16xi32>,
      %gt3A = arith.constant 0 : i32
      %gt3A_408 = arith.cmpi sgt, %scan3A_399, %gt3A : i32
      %mul3A_409 = arith.constant 16 : i32
      %mul3A_410 = arith.muli %scan3A_399, %mul3A_409 : i32
      %add3A_411 = arith.constant 0 : i32
      %add3A_412 = arith.addi %mul3A_410, %add3A_411 : i32
      %sub3A = arith.constant 8 : i32
      %sub3A_413 = arith.subi %add3A_412, %sub3A : i32
      %convert_element_type3A = arith.extui %gt3A_408 : i1 to i32
      %cond3A = arith.constant 0 : i32
      %cond3A_414 = arith.cmpi ne, %convert_element_type3A, %cond3A : i32
      scf.if %cond3A_414 {
        %dma_wait3A_1067 = arith.constant 0 : i32
        %dma_wait3A_1068 = arith.constant 0 : i32
        %dma_wait3A_1069 = arith.constant 0 : i32
        %dma_wait3A_1070 = tpu.memref_slice %arg10[%dma_wait3A_1067, %dma_wait3A_1068, %dma_wait3A_1069] : memref<8x32x128xf32, #tpu.memory_space<vmem>> -> memref<1x32x128xf32, #tpu.memory_space<vmem>>
        %dma_wait3A_1071 = tpu.memref_squeeze %dma_wait3A_1070 : memref<1x32x128xf32, #tpu.memory_space<vmem>> -> memref<32x128xf32, #tpu.memory_space<vmem>>
        %dma_wait3A_1072 = arith.constant 0 : i32
        %dma_wait3A_1073 = arith.constant 0 : i32
        %dma_wait3A_1074 = tpu.memref_slice %arg4[%dma_wait3A_1072, %dma_wait3A_1073] : memref<32x1000000xf32, #tpu.memory_space<hbm>> -> memref<32x128xf32, #tpu.memory_space<hbm>>
        %dma_wait3A_1075 = arith.constant 0 : i32
        %dma_wait3A_1076 = arith.constant 0 : i32
        %dma_wait3A_1077 = tpu.memref_slice %arg10[%dma_wait3A_1067, %dma_wait3A_1075, %dma_wait3A_1076] : memref<8x32x128xf32, #tpu.memory_space<vmem>> -> memref<1x32x128xf32, #tpu.memory_space<vmem>>
        %dma_wait3A_1078 = tpu.memref_squeeze %dma_wait3A_1077 : memref<1x32x128xf32, #tpu.memory_space<vmem>> -> memref<32x128xf32, #tpu.memory_space<vmem>>
        %dma_wait3A_1079 = arith.constant 0 : i32
        %dma_wait3A_1080 = arith.constant 0 : i32
        %dma_wait3A_1081 = tpu.memref_slice %arg4[%dma_wait3A_1079, %dma_wait3A_1080] : memref<32x1000000xf32, #tpu.memory_space<hbm>> -> memref<32x128xf32, #tpu.memory_space<hbm>>
        tpu.wait_dma2 semaphore(%arg14 : memref<!tpu.dma_semaphore, #tpu.memory_space<semaphore_mem>>) src(%dma_wait3A_1081 : memref<32x128xf32, #tpu.memory_space<hbm>>) dst(%dma_wait3A_1078 : memref<32x128xf32, #tpu.memory_space<vmem>>)
        %dma_wait3A_1082 = arith.constant 1 : i32
        %dma_wait3A_1083 = arith.constant 0 : i32
        %dma_wait3A_1084 = arith.constant 0 : i32
        %dma_wait3A_1085 = tpu.memref_slice %arg10[%dma_wait3A_1082, %dma_wait3A_1083, %dma_wait3A_1084] : memref<8x32x128xf32, #tpu.memory_space<vmem>> -> memref<1x32x128xf32, #tpu.memory_space<vmem>>
        %dma_wait3A_1086 = tpu.memref_squeeze %dma_wait3A_1085 : memref<1x32x128xf32, #tpu.memory_space<vmem>> -> memref<32x128xf32, #tpu.memory_space<vmem>>
        %dma_wait3A_1087 = arith.constant 0 : i32
        %dma_wait3A_1088 = arith.constant 0 : i32
        %dma_wait3A_1089 = tpu.memref_slice %arg4[%dma_wait3A_1087, %dma_wait3A_1088] : memref<32x1000000xf32, #tpu.memory_space<hbm>> -> memref<32x128xf32, #tpu.memory_space<hbm>>
        %dma_wait3A_1090 = arith.constant 0 : i32
        %dma_wait3A_1091 = arith.constant 0 : i32
        %dma_wait3A_1092 = tpu.memref_slice %arg10[%dma_wait3A_1082, %dma_wait3A_1090, %dma_wait3A_1091] : memref<8x32x128xf32, #tpu.memory_space<vmem>> -> memref<1x32x128xf32, #tpu.memory_space<vmem>>
        %dma_wait3A_1093 = tpu.memref_squeeze %dma_wait3A_1092 : memref<1x32x128xf32, #tpu.memory_space<vmem>> -> memref<32x128xf32, #tpu.memory_space<vmem>>
        %dma_wait3A_1094 = arith.constant 0 : i32
        %dma_wait3A_1095 = arith.constant 0 : i32
        %dma_wait3A_1096 = tpu.memref_slice %arg4[%dma_wait3A_1094, %dma_wait3A_1095] : memref<32x1000000xf32, #tpu.memory_space<hbm>> -> memref<32x128xf32, #tpu.memory_space<hbm>>
        tpu.wait_dma2 semaphore(%arg15 : memref<!tpu.dma_semaphore, #tpu.memory_space<semaphore_mem>>) src(%dma_wait3A_1096 : memref<32x128xf32, #tpu.memory_space<hbm>>) dst(%dma_wait3A_1093 : memref<32x128xf32, #tpu.memory_space<vmem>>)
        %dma_wait3A_1097 = arith.constant 2 : i32
        %dma_wait3A_1098 = arith.constant 0 : i32
        %dma_wait3A_1099 = arith.constant 0 : i32
        %dma_wait3A_1100 = tpu.memref_slice %arg10[%dma_wait3A_1097, %dma_wait3A_1098, %dma_wait3A_1099] : memref<8x32x128xf32, #tpu.memory_space<vmem>> -> memref<1x32x128xf32, #tpu.memory_space<vmem>>
        %dma_wait3A_1101 = tpu.memref_squeeze %dma_wait3A_1100 : memref<1x32x128xf32, #tpu.memory_space<vmem>> -> memref<32x128xf32, #tpu.memory_space<vmem>>
        %dma_wait3A_1102 = arith.constant 0 : i32
        %dma_wait3A_1103 = arith.constant 0 : i32
        %dma_wait3A_1104 = tpu.memref_slice %arg4[%dma_wait3A_1102, %dma_wait3A_1103] : memref<32x1000000xf32, #tpu.memory_space<hbm>> -> memref<32x128xf32, #tpu.memory_space<hbm>>
        %dma_wait3A_1105 = arith.constant 0 : i32
        %dma_wait3A_1106 = arith.constant 0 : i32
        %dma_wait3A_1107 = tpu.memref_slice %arg10[%dma_wait3A_1097, %dma_wait3A_1105, %dma_wait3A_1106] : memref<8x32x128xf32, #tpu.memory_space<vmem>> -> memref<1x32x128xf32, #tpu.memory_space<vmem>>
        %dma_wait3A_1108 = tpu.memref_squeeze %dma_wait3A_1107 : memref<1x32x128xf32, #tpu.memory_space<vmem>> -> memref<32x128xf32, #tpu.memory_space<vmem>>
        %dma_wait3A_1109 = arith.constant 0 : i32
        %dma_wait3A_1110 = arith.constant 0 : i32
        %dma_wait3A_1111 = tpu.memref_slice %arg4[%dma_wait3A_1109, %dma_wait3A_1110] : memref<32x1000000xf32, #tpu.memory_space<hbm>> -> memref<32x128xf32, #tpu.memory_space<hbm>>
        tpu.wait_dma2 semaphore(%arg16 : memref<!tpu.dma_semaphore, #tpu.memory_space<semaphore_mem>>) src(%dma_wait3A_1111 : memref<32x128xf32, #tpu.memory_space<hbm>>) dst(%dma_wait3A_1108 : memref<32x128xf32, #tpu.memory_space<vmem>>)
        %dma_wait3A_1112 = arith.constant 3 : i32
        %dma_wait3A_1113 = arith.constant 0 : i32
        %dma_wait3A_1114 = arith.constant 0 : i32
        %dma_wait3A_1115 = tpu.memref_slice %arg10[%dma_wait3A_1112, %dma_wait3A_1113, %dma_wait3A_1114] : memref<8x32x128xf32, #tpu.memory_space<vmem>> -> memref<1x32x128xf32, #tpu.memory_space<vmem>>
        %dma_wait3A_1116 = tpu.memref_squeeze %dma_wait3A_1115 : memref<1x32x128xf32, #tpu.memory_space<vmem>> -> memref<32x128xf32, #tpu.memory_space<vmem>>
        %dma_wait3A_1117 = arith.constant 0 : i32
        %dma_wait3A_1118 = arith.constant 0 : i32
        %dma_wait3A_1119 = tpu.memref_slice %arg4[%dma_wait3A_1117, %dma_wait3A_1118] : memref<32x1000000xf32, #tpu.memory_space<hbm>> -> memref<32x128xf32, #tpu.memory_space<hbm>>
        %dma_wait3A_1120 = arith.constant 0 : i32
        %dma_wait3A_1121 = arith.constant 0 : i32
        %dma_wait3A_1122 = tpu.memref_slice %arg10[%dma_wait3A_1112, %dma_wait3A_1120, %dma_wait3A_1121] : memref<8x32x128xf32, #tpu.memory_space<vmem>> -> memref<1x32x128xf32, #tpu.memory_space<vmem>>
        %dma_wait3A_1123 = tpu.memref_squeeze %dma_wait3A_1122 : memref<1x32x128xf32, #tpu.memory_space<vmem>> -> memref<32x128xf32, #tpu.memory_space<vmem>>
        %dma_wait3A_1124 = arith.constant 0 : i32
        %dma_wait3A_1125 = arith.constant 0 : i32
        %dma_wait3A_1126 = tpu.memref_slice %arg4[%dma_wait3A_1124, %dma_wait3A_1125] : memref<32x1000000xf32, #tpu.memory_space<hbm>> -> memref<32x128xf32, #tpu.memory_space<hbm>>
        tpu.wait_dma2 semaphore(%arg17 : memref<!tpu.dma_semaphore, #tpu.memory_space<semaphore_mem>>) src(%dma_wait3A_1126 : memref<32x128xf32, #tpu.memory_space<hbm>>) dst(%dma_wait3A_1123 : memref<32x128xf32, #tpu.memory_space<vmem>>)
        %dma_wait3A_1127 = arith.constant 4 : i32
        %dma_wait3A_1128 = arith.constant 0 : i32
        %dma_wait3A_1129 = arith.constant 0 : i32
        %dma_wait3A_1130 = tpu.memref_slice %arg10[%dma_wait3A_1127, %dma_wait3A_1128, %dma_wait3A_1129] : memref<8x32x128xf32, #tpu.memory_space<vmem>> -> memref<1x32x128xf32, #tpu.memory_space<vmem>>
        %dma_wait3A_1131 = tpu.memref_squeeze %dma_wait3A_1130 : memref<1x32x128xf32, #tpu.memory_space<vmem>> -> memref<32x128xf32, #tpu.memory_space<vmem>>
        %dma_wait3A_1132 = arith.constant 0 : i32
        %dma_wait3A_1133 = arith.constant 0 : i32
        %dma_wait3A_1134 = tpu.memref_slice %arg4[%dma_wait3A_1132, %dma_wait3A_1133] : memref<32x1000000xf32, #tpu.memory_space<hbm>> -> memref<32x128xf32, #tpu.memory_space<hbm>>
        %dma_wait3A_1135 = arith.constant 0 : i32
        %dma_wait3A_1136 = arith.constant 0 : i32
        %dma_wait3A_1137 = tpu.memref_slice %arg10[%dma_wait3A_1127, %dma_wait3A_1135, %dma_wait3A_1136] : memref<8x32x128xf32, #tpu.memory_space<vmem>> -> memref<1x32x128xf32, #tpu.memory_space<vmem>>
        %dma_wait3A_1138 = tpu.memref_squeeze %dma_wait3A_1137 : memref<1x32x128xf32, #tpu.memory_space<vmem>> -> memref<32x128xf32, #tpu.memory_space<vmem>>
        %dma_wait3A_1139 = arith.constant 0 : i32
        %dma_wait3A_1140 = arith.constant 0 : i32
        %dma_wait3A_1141 = tpu.memref_slice %arg4[%dma_wait3A_1139, %dma_wait3A_1140] : memref<32x1000000xf32, #tpu.memory_space<hbm>> -> memref<32x128xf32, #tpu.memory_space<hbm>>
        tpu.wait_dma2 semaphore(%arg18 : memref<!tpu.dma_semaphore, #tpu.memory_space<semaphore_mem>>) src(%dma_wait3A_1141 : memref<32x128xf32, #tpu.memory_space<hbm>>) dst(%dma_wait3A_1138 : memref<32x128xf32, #tpu.memory_space<vmem>>)
        %dma_wait3A_1142 = arith.constant 5 : i32
        %dma_wait3A_1143 = arith.constant 0 : i32
        %dma_wait3A_1144 = arith.constant 0 : i32
        %dma_wait3A_1145 = tpu.memref_slice %arg10[%dma_wait3A_1142, %dma_wait3A_1143, %dma_wait3A_1144] : memref<8x32x128xf32, #tpu.memory_space<vmem>> -> memref<1x32x128xf32, #tpu.memory_space<vmem>>
        %dma_wait3A_1146 = tpu.memref_squeeze %dma_wait3A_1145 : memref<1x32x128xf32, #tpu.memory_space<vmem>> -> memref<32x128xf32, #tpu.memory_space<vmem>>
        %dma_wait3A_1147 = arith.constant 0 : i32
        %dma_wait3A_1148 = arith.constant 0 : i32
        %dma_wait3A_1149 = tpu.memref_slice %arg4[%dma_wait3A_1147, %dma_wait3A_1148] : memref<32x1000000xf32, #tpu.memory_space<hbm>> -> memref<32x128xf32, #tpu.memory_space<hbm>>
        %dma_wait3A_1150 = arith.constant 0 : i32
        %dma_wait3A_1151 = arith.constant 0 : i32
        %dma_wait3A_1152 = tpu.memref_slice %arg10[%dma_wait3A_1142, %dma_wait3A_1150, %dma_wait3A_1151] : memref<8x32x128xf32, #tpu.memory_space<vmem>> -> memref<1x32x128xf32, #tpu.memory_space<vmem>>
        %dma_wait3A_1153 = tpu.memref_squeeze %dma_wait3A_1152 : memref<1x32x128xf32, #tpu.memory_space<vmem>> -> memref<32x128xf32, #tpu.memory_space<vmem>>
        %dma_wait3A_1154 = arith.constant 0 : i32
        %dma_wait3A_1155 = arith.constant 0 : i32
        %dma_wait3A_1156 = tpu.memref_slice %arg4[%dma_wait3A_1154, %dma_wait3A_1155] : memref<32x1000000xf32, #tpu.memory_space<hbm>> -> memref<32x128xf32, #tpu.memory_space<hbm>>
        tpu.wait_dma2 semaphore(%arg19 : memref<!tpu.dma_semaphore, #tpu.memory_space<semaphore_mem>>) src(%dma_wait3A_1156 : memref<32x128xf32, #tpu.memory_space<hbm>>) dst(%dma_wait3A_1153 : memref<32x128xf32, #tpu.memory_space<vmem>>)
        %dma_wait3A_1157 = arith.constant 6 : i32
        %dma_wait3A_1158 = arith.constant 0 : i32
        %dma_wait3A_1159 = arith.constant 0 : i32
        %dma_wait3A_1160 = tpu.memref_slice %arg10[%dma_wait3A_1157, %dma_wait3A_1158, %dma_wait3A_1159] : memref<8x32x128xf32, #tpu.memory_space<vmem>> -> memref<1x32x128xf32, #tpu.memory_space<vmem>>
        %dma_wait3A_1161 = tpu.memref_squeeze %dma_wait3A_1160 : memref<1x32x128xf32, #tpu.memory_space<vmem>> -> memref<32x128xf32, #tpu.memory_space<vmem>>
        %dma_wait3A_1162 = arith.constant 0 : i32
        %dma_wait3A_1163 = arith.constant 0 : i32
        %dma_wait3A_1164 = tpu.memref_slice %arg4[%dma_wait3A_1162, %dma_wait3A_1163] : memref<32x1000000xf32, #tpu.memory_space<hbm>> -> memref<32x128xf32, #tpu.memory_space<hbm>>
        %dma_wait3A_1165 = arith.constant 0 : i32
        %dma_wait3A_1166 = arith.constant 0 : i32
        %dma_wait3A_1167 = tpu.memref_slice %arg10[%dma_wait3A_1157, %dma_wait3A_1165, %dma_wait3A_1166] : memref<8x32x128xf32, #tpu.memory_space<vmem>> -> memref<1x32x128xf32, #tpu.memory_space<vmem>>
        %dma_wait3A_1168 = tpu.memref_squeeze %dma_wait3A_1167 : memref<1x32x128xf32, #tpu.memory_space<vmem>> -> memref<32x128xf32, #tpu.memory_space<vmem>>
        %dma_wait3A_1169 = arith.constant 0 : i32
        %dma_wait3A_1170 = arith.constant 0 : i32
        %dma_wait3A_1171 = tpu.memref_slice %arg4[%dma_wait3A_1169, %dma_wait3A_1170] : memref<32x1000000xf32, #tpu.memory_space<hbm>> -> memref<32x128xf32, #tpu.memory_space<hbm>>
        tpu.wait_dma2 semaphore(%arg20 : memref<!tpu.dma_semaphore, #tpu.memory_space<semaphore_mem>>) src(%dma_wait3A_1171 : memref<32x128xf32, #tpu.memory_space<hbm>>) dst(%dma_wait3A_1168 : memref<32x128xf32, #tpu.memory_space<vmem>>)
        %dma_wait3A_1172 = arith.constant 7 : i32
        %dma_wait3A_1173 = arith.constant 0 : i32
        %dma_wait3A_1174 = arith.constant 0 : i32
        %dma_wait3A_1175 = tpu.memref_slice %arg10[%dma_wait3A_1172, %dma_wait3A_1173, %dma_wait3A_1174] : memref<8x32x128xf32, #tpu.memory_space<vmem>> -> memref<1x32x128xf32, #tpu.memory_space<vmem>>
        %dma_wait3A_1176 = tpu.memref_squeeze %dma_wait3A_1175 : memref<1x32x128xf32, #tpu.memory_space<vmem>> -> memref<32x128xf32, #tpu.memory_space<vmem>>
        %dma_wait3A_1177 = arith.constant 0 : i32
        %dma_wait3A_1178 = arith.constant 0 : i32
        %dma_wait3A_1179 = tpu.memref_slice %arg4[%dma_wait3A_1177, %dma_wait3A_1178] : memref<32x1000000xf32, #tpu.memory_space<hbm>> -> memref<32x128xf32, #tpu.memory_space<hbm>>
        %dma_wait3A_1180 = arith.constant 0 : i32
        %dma_wait3A_1181 = arith.constant 0 : i32
        %dma_wait3A_1182 = tpu.memref_slice %arg10[%dma_wait3A_1172, %dma_wait3A_1180, %dma_wait3A_1181] : memref<8x32x128xf32, #tpu.memory_space<vmem>> -> memref<1x32x128xf32, #tpu.memory_space<vmem>>
        %dma_wait3A_1183 = tpu.memref_squeeze %dma_wait3A_1182 : memref<1x32x128xf32, #tpu.memory_space<vmem>> -> memref<32x128xf32, #tpu.memory_space<vmem>>
        %dma_wait3A_1184 = arith.constant 0 : i32
        %dma_wait3A_1185 = arith.constant 0 : i32
        %dma_wait3A_1186 = tpu.memref_slice %arg4[%dma_wait3A_1184, %dma_wait3A_1185] : memref<32x1000000xf32, #tpu.memory_space<hbm>> -> memref<32x128xf32, #tpu.memory_space<hbm>>
        tpu.wait_dma2 semaphore(%arg21 : memref<!tpu.dma_semaphore, #tpu.memory_space<semaphore_mem>>) src(%dma_wait3A_1186 : memref<32x128xf32, #tpu.memory_space<hbm>>) dst(%dma_wait3A_1183 : memref<32x128xf32, #tpu.memory_space<vmem>>)
        %add3A_1187 = vector.broadcast %sub3A_413 : i32 to vector<16xi32>
        %add3A_1188 = arith.addi %add3A_1187, %and3A_4 : vector<16xi32>
        %gather3A_1189 = tpu.vector_load_idx %arg8[%add3A_1188] : memref<512xi32, #tpu.memory_space<vmem>>[vector<16xi32>], vector<16xi32>,
        %and3A_1190 = arith.constant 127 : i32
        %and3A_1191 = vector.broadcast %and3A_1190 : i32 to vector<16xi32>
        %and3A_1192 = arith.andi %gather3A_1189, %and3A_1191 : vector<16xi32>
        %add3A_1193 = vector.broadcast %sub3A_413 : i32 to vector<16xi32>
        %add3A_1194 = arith.addi %add3A_1193, %and3A_4 : vector<16xi32>
        %add3A_1195 = arith.constant 0 : i32
        %add3A_1196 = vector.broadcast %add3A_1195 : i32 to vector<16xi32>
        %add3A_1197 = arith.addi %add3A_1196, %shift_right_arithmetic3A_6 : vector<16xi32>
        %gather3A_1198 = tpu.vector_load_idx %arg10[%and3A_4, %add3A_1197, %and3A_1192] : memref<8x32x128xf32, #tpu.memory_space<vmem>>[vector<16xi32>, vector<16xi32>, vector<16xi32>], vector<16xf32>,
        tpu.vector_store_idx %arg12[%add3A_1197, %add3A_1194], %gather3A_1198 : memref<32x512xf32, #tpu.memory_space<vmem>>[vector<16xi32>, vector<16xi32>], vector<16xf32>,
        %add3A_1199 = arith.constant 2 : i32
        %add3A_1200 = vector.broadcast %add3A_1199 : i32 to vector<16xi32>
        %add3A_1201 = arith.addi %add3A_1200, %shift_right_arithmetic3A_6 : vector<16xi32>
        %gather3A_1202 = tpu.vector_load_idx %arg10[%and3A_4, %add3A_1201, %and3A_1192] : memref<8x32x128xf32, #tpu.memory_space<vmem>>[vector<16xi32>, vector<16xi32>, vector<16xi32>], vector<16xf32>,
        tpu.vector_store_idx %arg12[%add3A_1201, %add3A_1194], %gather3A_1202 : memref<32x512xf32, #tpu.memory_space<vmem>>[vector<16xi32>, vector<16xi32>], vector<16xf32>,
        %add3A_1203 = arith.constant 4 : i32
        %add3A_1204 = vector.broadcast %add3A_1203 : i32 to vector<16xi32>
        %add3A_1205 = arith.addi %add3A_1204, %shift_right_arithmetic3A_6 : vector<16xi32>
        %gather3A_1206 = tpu.vector_load_idx %arg10[%and3A_4, %add3A_1205, %and3A_1192] : memref<8x32x128xf32, #tpu.memory_space<vmem>>[vector<16xi32>, vector<16xi32>, vector<16xi32>], vector<16xf32>,
        tpu.vector_store_idx %arg12[%add3A_1205, %add3A_1194], %gather3A_1206 : memref<32x512xf32, #tpu.memory_space<vmem>>[vector<16xi32>, vector<16xi32>], vector<16xf32>,
        %add3A_1207 = arith.constant 6 : i32
        %add3A_1208 = vector.broadcast %add3A_1207 : i32 to vector<16xi32>
        %add3A_1209 = arith.addi %add3A_1208, %shift_right_arithmetic3A_6 : vector<16xi32>
        %gather3A_1210 = tpu.vector_load_idx %arg10[%and3A_4, %add3A_1209, %and3A_1192] : memref<8x32x128xf32, #tpu.memory_space<vmem>>[vector<16xi32>, vector<16xi32>, vector<16xi32>], vector<16xf32>,
        tpu.vector_store_idx %arg12[%add3A_1209, %add3A_1194], %gather3A_1210 : memref<32x512xf32, #tpu.memory_space<vmem>>[vector<16xi32>, vector<16xi32>], vector<16xf32>,
        %add3A_1211 = arith.constant 8 : i32
        %add3A_1212 = vector.broadcast %add3A_1211 : i32 to vector<16xi32>
        %add3A_1213 = arith.addi %add3A_1212, %shift_right_arithmetic3A_6 : vector<16xi32>
        %gather3A_1214 = tpu.vector_load_idx %arg10[%and3A_4, %add3A_1213, %and3A_1192] : memref<8x32x128xf32, #tpu.memory_space<vmem>>[vector<16xi32>, vector<16xi32>, vector<16xi32>], vector<16xf32>,
        tpu.vector_store_idx %arg12[%add3A_1213, %add3A_1194], %gather3A_1214 : memref<32x512xf32, #tpu.memory_space<vmem>>[vector<16xi32>, vector<16xi32>], vector<16xf32>,
        %add3A_1215 = arith.constant 10 : i32
        %add3A_1216 = vector.broadcast %add3A_1215 : i32 to vector<16xi32>
        %add3A_1217 = arith.addi %add3A_1216, %shift_right_arithmetic3A_6 : vector<16xi32>
        %gather3A_1218 = tpu.vector_load_idx %arg10[%and3A_4, %add3A_1217, %and3A_1192] : memref<8x32x128xf32, #tpu.memory_space<vmem>>[vector<16xi32>, vector<16xi32>, vector<16xi32>], vector<16xf32>,
        tpu.vector_store_idx %arg12[%add3A_1217, %add3A_1194], %gather3A_1218 : memref<32x512xf32, #tpu.memory_space<vmem>>[vector<16xi32>, vector<16xi32>], vector<16xf32>,
        %add3A_1219 = arith.constant 12 : i32
        %add3A_1220 = vector.broadcast %add3A_1219 : i32 to vector<16xi32>
        %add3A_1221 = arith.addi %add3A_1220, %shift_right_arithmetic3A_6 : vector<16xi32>
        %gather3A_1222 = tpu.vector_load_idx %arg10[%and3A_4, %add3A_1221, %and3A_1192] : memref<8x32x128xf32, #tpu.memory_space<vmem>>[vector<16xi32>, vector<16xi32>, vector<16xi32>], vector<16xf32>,
        tpu.vector_store_idx %arg12[%add3A_1221, %add3A_1194], %gather3A_1222 : memref<32x512xf32, #tpu.memory_space<vmem>>[vector<16xi32>, vector<16xi32>], vector<16xf32>,
        %add3A_1223 = arith.constant 14 : i32
        %add3A_1224 = vector.broadcast %add3A_1223 : i32 to vector<16xi32>
        %add3A_1225 = arith.addi %add3A_1224, %shift_right_arithmetic3A_6 : vector<16xi32>
        %gather3A_1226 = tpu.vector_load_idx %arg10[%and3A_4, %add3A_1225, %and3A_1192] : memref<8x32x128xf32, #tpu.memory_space<vmem>>[vector<16xi32>, vector<16xi32>, vector<16xi32>], vector<16xf32>,
        tpu.vector_store_idx %arg12[%add3A_1225, %add3A_1194], %gather3A_1226 : memref<32x512xf32, #tpu.memory_space<vmem>>[vector<16xi32>, vector<16xi32>], vector<16xf32>,
        %add3A_1227 = arith.constant 16 : i32
        %add3A_1228 = vector.broadcast %add3A_1227 : i32 to vector<16xi32>
        %add3A_1229 = arith.addi %add3A_1228, %shift_right_arithmetic3A_6 : vector<16xi32>
        %gather3A_1230 = tpu.vector_load_idx %arg10[%and3A_4, %add3A_1229, %and3A_1192] : memref<8x32x128xf32, #tpu.memory_space<vmem>>[vector<16xi32>, vector<16xi32>, vector<16xi32>], vector<16xf32>,
        tpu.vector_store_idx %arg12[%add3A_1229, %add3A_1194], %gather3A_1230 : memref<32x512xf32, #tpu.memory_space<vmem>>[vector<16xi32>, vector<16xi32>], vector<16xf32>,
        %add3A_1231 = arith.constant 18 : i32
        %add3A_1232 = vector.broadcast %add3A_1231 : i32 to vector<16xi32>
        %add3A_1233 = arith.addi %add3A_1232, %shift_right_arithmetic3A_6 : vector<16xi32>
        %gather3A_1234 = tpu.vector_load_idx %arg10[%and3A_4, %add3A_1233, %and3A_1192] : memref<8x32x128xf32, #tpu.memory_space<vmem>>[vector<16xi32>, vector<16xi32>, vector<16xi32>], vector<16xf32>,
        tpu.vector_store_idx %arg12[%add3A_1233, %add3A_1194], %gather3A_1234 : memref<32x512xf32, #tpu.memory_space<vmem>>[vector<16xi32>, vector<16xi32>], vector<16xf32>,
        %add3A_1235 = arith.constant 20 : i32
        %add3A_1236 = vector.broadcast %add3A_1235 : i32 to vector<16xi32>
        %add3A_1237 = arith.addi %add3A_1236, %shift_right_arithmetic3A_6 : vector<16xi32>
        %gather3A_1238 = tpu.vector_load_idx %arg10[%and3A_4, %add3A_1237, %and3A_1192] : memref<8x32x128xf32, #tpu.memory_space<vmem>>[vector<16xi32>, vector<16xi32>, vector<16xi32>], vector<16xf32>,
        tpu.vector_store_idx %arg12[%add3A_1237, %add3A_1194], %gather3A_1238 : memref<32x512xf32, #tpu.memory_space<vmem>>[vector<16xi32>, vector<16xi32>], vector<16xf32>,
        %add3A_1239 = arith.constant 22 : i32
        %add3A_1240 = vector.broadcast %add3A_1239 : i32 to vector<16xi32>
        %add3A_1241 = arith.addi %add3A_1240, %shift_right_arithmetic3A_6 : vector<16xi32>
        %gather3A_1242 = tpu.vector_load_idx %arg10[%and3A_4, %add3A_1241, %and3A_1192] : memref<8x32x128xf32, #tpu.memory_space<vmem>>[vector<16xi32>, vector<16xi32>, vector<16xi32>], vector<16xf32>,
        tpu.vector_store_idx %arg12[%add3A_1241, %add3A_1194], %gather3A_1242 : memref<32x512xf32, #tpu.memory_space<vmem>>[vector<16xi32>, vector<16xi32>], vector<16xf32>,
        %add3A_1243 = arith.constant 24 : i32
        %add3A_1244 = vector.broadcast %add3A_1243 : i32 to vector<16xi32>
        %add3A_1245 = arith.addi %add3A_1244, %shift_right_arithmetic3A_6 : vector<16xi32>
        %gather3A_1246 = tpu.vector_load_idx %arg10[%and3A_4, %add3A_1245, %and3A_1192] : memref<8x32x128xf32, #tpu.memory_space<vmem>>[vector<16xi32>, vector<16xi32>, vector<16xi32>], vector<16xf32>,
        tpu.vector_store_idx %arg12[%add3A_1245, %add3A_1194], %gather3A_1246 : memref<32x512xf32, #tpu.memory_space<vmem>>[vector<16xi32>, vector<16xi32>], vector<16xf32>,
        %add3A_1247 = arith.constant 26 : i32
        %add3A_1248 = vector.broadcast %add3A_1247 : i32 to vector<16xi32>
        %add3A_1249 = arith.addi %add3A_1248, %shift_right_arithmetic3A_6 : vector<16xi32>
        %gather3A_1250 = tpu.vector_load_idx %arg10[%and3A_4, %add3A_1249, %and3A_1192] : memref<8x32x128xf32, #tpu.memory_space<vmem>>[vector<16xi32>, vector<16xi32>, vector<16xi32>], vector<16xf32>,
        tpu.vector_store_idx %arg12[%add3A_1249, %add3A_1194], %gather3A_1250 : memref<32x512xf32, #tpu.memory_space<vmem>>[vector<16xi32>, vector<16xi32>], vector<16xf32>,
        %add3A_1251 = arith.constant 28 : i32
        %add3A_1252 = vector.broadcast %add3A_1251 : i32 to vector<16xi32>
        %add3A_1253 = arith.addi %add3A_1252, %shift_right_arithmetic3A_6 : vector<16xi32>
        %gather3A_1254 = tpu.vector_load_idx %arg10[%and3A_4, %add3A_1253, %and3A_1192] : memref<8x32x128xf32, #tpu.memory_space<vmem>>[vector<16xi32>, vector<16xi32>, vector<16xi32>], vector<16xf32>,
        tpu.vector_store_idx %arg12[%add3A_1253, %add3A_1194], %gather3A_1254 : memref<32x512xf32, #tpu.memory_space<vmem>>[vector<16xi32>, vector<16xi32>], vector<16xf32>,
        %add3A_1255 = arith.constant 30 : i32
        %add3A_1256 = vector.broadcast %add3A_1255 : i32 to vector<16xi32>
        %add3A_1257 = arith.addi %add3A_1256, %shift_right_arithmetic3A_6 : vector<16xi32>
        %gather3A_1258 = tpu.vector_load_idx %arg10[%and3A_4, %add3A_1257, %and3A_1192] : memref<8x32x128xf32, #tpu.memory_space<vmem>>[vector<16xi32>, vector<16xi32>, vector<16xi32>], vector<16xf32>,
        tpu.vector_store_idx %arg12[%add3A_1257, %add3A_1194], %gather3A_1258 : memref<32x512xf32, #tpu.memory_space<vmem>>[vector<16xi32>, vector<16xi32>], vector<16xf32>,
      } else {
      }
      %slice3A = vector.extract_strided_slice %get3A_403 {offsets = [0], sizes = [1], strides = [1]} : vector<16xi32> to vector<1xi32>
      %squeeze3A = vector.extract %slice3A[0] : i32 from vector<1xi32>
      %shift_right_arithmetic3A_415 = arith.constant 7 : i32
      %shift_right_arithmetic3A_416 = arith.shrsi %squeeze3A, %shift_right_arithmetic3A_415 : i32
      %shift_left3A = arith.constant 7 : i32
      %shift_left3A_417 = arith.shli %shift_right_arithmetic3A_416, %shift_left3A : i32
      %multiple_of3A = tpu.assume_multiple %shift_left3A_417, 128 : i32
      %dma_start3A = arith.constant 0 : i32
      %dma_start3A_418 = arith.constant 0 : i32
      %dma_start3A_419 = arith.constant 0 : i32
      %dma_start3A_420 = tpu.memref_slice %arg10[%dma_start3A, %dma_start3A_418, %dma_start3A_419] : memref<8x32x128xf32, #tpu.memory_space<vmem>> -> memref<1x32x128xf32, #tpu.memory_space<vmem>>
      %dma_start3A_421 = tpu.memref_squeeze %dma_start3A_420 : memref<1x32x128xf32, #tpu.memory_space<vmem>> -> memref<32x128xf32, #tpu.memory_space<vmem>>
      %dma_start3A_422 = arith.constant 0 : i32
      %dma_start3A_423 = tpu.memref_slice %arg4[%dma_start3A_422, %multiple_of3A] : memref<32x1000000xf32, #tpu.memory_space<hbm>> -> memref<32x128xf32, #tpu.memory_space<hbm>>
      %dma_start3A_424 = arith.constant 0 : i32
      %dma_start3A_425 = arith.constant 0 : i32
      %dma_start3A_426 = tpu.memref_slice %arg10[%dma_start3A, %dma_start3A_424, %dma_start3A_425] : memref<8x32x128xf32, #tpu.memory_space<vmem>> -> memref<1x32x128xf32, #tpu.memory_space<vmem>>
      %dma_start3A_427 = tpu.memref_squeeze %dma_start3A_426 : memref<1x32x128xf32, #tpu.memory_space<vmem>> -> memref<32x128xf32, #tpu.memory_space<vmem>>
      %dma_start3A_428 = arith.constant 0 : i32
      %dma_start3A_429 = tpu.memref_slice %arg4[%dma_start3A_428, %multiple_of3A] : memref<32x1000000xf32, #tpu.memory_space<hbm>> -> memref<32x128xf32, #tpu.memory_space<hbm>>
      tpu.enqueue_dma source(%dma_start3A_429 : memref<32x128xf32, #tpu.memory_space<hbm>>) target(%dma_start3A_427 : memref<32x128xf32, #tpu.memory_space<vmem>>) target_semaphore(%arg14 : memref<!tpu.dma_semaphore, #tpu.memory_space<semaphore_mem>>)
      %slice3A_430 = vector.extract_strided_slice %get3A_403 {offsets = [1], sizes = [1], strides = [1]} : vector<16xi32> to vector<1xi32>
      %squeeze3A_431 = vector.extract %slice3A_430[0] : i32 from vector<1xi32>
      %shift_right_arithmetic3A_432 = arith.constant 7 : i32
      %shift_right_arithmetic3A_433 = arith.shrsi %squeeze3A_431, %shift_right_arithmetic3A_432 : i32
      %shift_left3A_434 = arith.constant 7 : i32
      %shift_left3A_435 = arith.shli %shift_right_arithmetic3A_433, %shift_left3A_434 : i32
      %multiple_of3A_436 = tpu.assume_multiple %shift_left3A_435, 128 : i32
      %dma_start3A_437 = arith.constant 1 : i32
      %dma_start3A_438 = arith.constant 0 : i32
      %dma_start3A_439 = arith.constant 0 : i32
      %dma_start3A_440 = tpu.memref_slice %arg10[%dma_start3A_437, %dma_start3A_438, %dma_start3A_439] : memref<8x32x128xf32, #tpu.memory_space<vmem>> -> memref<1x32x128xf32, #tpu.memory_space<vmem>>
      %dma_start3A_441 = tpu.memref_squeeze %dma_start3A_440 : memref<1x32x128xf32, #tpu.memory_space<vmem>> -> memref<32x128xf32, #tpu.memory_space<vmem>>
      %dma_start3A_442 = arith.constant 0 : i32
      %dma_start3A_443 = tpu.memref_slice %arg4[%dma_start3A_442, %multiple_of3A_436] : memref<32x1000000xf32, #tpu.memory_space<hbm>> -> memref<32x128xf32, #tpu.memory_space<hbm>>
      %dma_start3A_444 = arith.constant 0 : i32
      %dma_start3A_445 = arith.constant 0 : i32
      %dma_start3A_446 = tpu.memref_slice %arg10[%dma_start3A_437, %dma_start3A_444, %dma_start3A_445] : memref<8x32x128xf32, #tpu.memory_space<vmem>> -> memref<1x32x128xf32, #tpu.memory_space<vmem>>
      %dma_start3A_447 = tpu.memref_squeeze %dma_start3A_446 : memref<1x32x128xf32, #tpu.memory_space<vmem>> -> memref<32x128xf32, #tpu.memory_space<vmem>>
      %dma_start3A_448 = arith.constant 0 : i32
      %dma_start3A_449 = tpu.memref_slice %arg4[%dma_start3A_448, %multiple_of3A_436] : memref<32x1000000xf32, #tpu.memory_space<hbm>> -> memref<32x128xf32, #tpu.memory_space<hbm>>
      tpu.enqueue_dma source(%dma_start3A_449 : memref<32x128xf32, #tpu.memory_space<hbm>>) target(%dma_start3A_447 : memref<32x128xf32, #tpu.memory_space<vmem>>) target_semaphore(%arg15 : memref<!tpu.dma_semaphore, #tpu.memory_space<semaphore_mem>>)
      %slice3A_450 = vector.extract_strided_slice %get3A_403 {offsets = [2], sizes = [1], strides = [1]} : vector<16xi32> to vector<1xi32>
      %squeeze3A_451 = vector.extract %slice3A_450[0] : i32 from vector<1xi32>
      %shift_right_arithmetic3A_452 = arith.constant 7 : i32
      %shift_right_arithmetic3A_453 = arith.shrsi %squeeze3A_451, %shift_right_arithmetic3A_452 : i32
      %shift_left3A_454 = arith.constant 7 : i32
      %shift_left3A_455 = arith.shli %shift_right_arithmetic3A_453, %shift_left3A_454 : i32
      %multiple_of3A_456 = tpu.assume_multiple %shift_left3A_455, 128 : i32
      %dma_start3A_457 = arith.constant 2 : i32
      %dma_start3A_458 = arith.constant 0 : i32
      %dma_start3A_459 = arith.constant 0 : i32
      %dma_start3A_460 = tpu.memref_slice %arg10[%dma_start3A_457, %dma_start3A_458, %dma_start3A_459] : memref<8x32x128xf32, #tpu.memory_space<vmem>> -> memref<1x32x128xf32, #tpu.memory_space<vmem>>
      %dma_start3A_461 = tpu.memref_squeeze %dma_start3A_460 : memref<1x32x128xf32, #tpu.memory_space<vmem>> -> memref<32x128xf32, #tpu.memory_space<vmem>>
      %dma_start3A_462 = arith.constant 0 : i32
      %dma_start3A_463 = tpu.memref_slice %arg4[%dma_start3A_462, %multiple_of3A_456] : memref<32x1000000xf32, #tpu.memory_space<hbm>> -> memref<32x128xf32, #tpu.memory_space<hbm>>
      %dma_start3A_464 = arith.constant 0 : i32
      %dma_start3A_465 = arith.constant 0 : i32
      %dma_start3A_466 = tpu.memref_slice %arg10[%dma_start3A_457, %dma_start3A_464, %dma_start3A_465] : memref<8x32x128xf32, #tpu.memory_space<vmem>> -> memref<1x32x128xf32, #tpu.memory_space<vmem>>
      %dma_start3A_467 = tpu.memref_squeeze %dma_start3A_466 : memref<1x32x128xf32, #tpu.memory_space<vmem>> -> memref<32x128xf32, #tpu.memory_space<vmem>>
      %dma_start3A_468 = arith.constant 0 : i32
      %dma_start3A_469 = tpu.memref_slice %arg4[%dma_start3A_468, %multiple_of3A_456] : memref<32x1000000xf32, #tpu.memory_space<hbm>> -> memref<32x128xf32, #tpu.memory_space<hbm>>
      tpu.enqueue_dma source(%dma_start3A_469 : memref<32x128xf32, #tpu.memory_space<hbm>>) target(%dma_start3A_467 : memref<32x128xf32, #tpu.memory_space<vmem>>) target_semaphore(%arg16 : memref<!tpu.dma_semaphore, #tpu.memory_space<semaphore_mem>>)
      %slice3A_470 = vector.extract_strided_slice %get3A_403 {offsets = [3], sizes = [1], strides = [1]} : vector<16xi32> to vector<1xi32>
      %squeeze3A_471 = vector.extract %slice3A_470[0] : i32 from vector<1xi32>
      %shift_right_arithmetic3A_472 = arith.constant 7 : i32
      %shift_right_arithmetic3A_473 = arith.shrsi %squeeze3A_471, %shift_right_arithmetic3A_472 : i32
      %shift_left3A_474 = arith.constant 7 : i32
      %shift_left3A_475 = arith.shli %shift_right_arithmetic3A_473, %shift_left3A_474 : i32
      %multiple_of3A_476 = tpu.assume_multiple %shift_left3A_475, 128 : i32
      %dma_start3A_477 = arith.constant 3 : i32
      %dma_start3A_478 = arith.constant 0 : i32
      %dma_start3A_479 = arith.constant 0 : i32
      %dma_start3A_480 = tpu.memref_slice %arg10[%dma_start3A_477, %dma_start3A_478, %dma_start3A_479] : memref<8x32x128xf32, #tpu.memory_space<vmem>> -> memref<1x32x128xf32, #tpu.memory_space<vmem>>
      %dma_start3A_481 = tpu.memref_squeeze %dma_start3A_480 : memref<1x32x128xf32, #tpu.memory_space<vmem>> -> memref<32x128xf32, #tpu.memory_space<vmem>>
      %dma_start3A_482 = arith.constant 0 : i32
      %dma_start3A_483 = tpu.memref_slice %arg4[%dma_start3A_482, %multiple_of3A_476] : memref<32x1000000xf32, #tpu.memory_space<hbm>> -> memref<32x128xf32, #tpu.memory_space<hbm>>
      %dma_start3A_484 = arith.constant 0 : i32
      %dma_start3A_485 = arith.constant 0 : i32
      %dma_start3A_486 = tpu.memref_slice %arg10[%dma_start3A_477, %dma_start3A_484, %dma_start3A_485] : memref<8x32x128xf32, #tpu.memory_space<vmem>> -> memref<1x32x128xf32, #tpu.memory_space<vmem>>
      %dma_start3A_487 = tpu.memref_squeeze %dma_start3A_486 : memref<1x32x128xf32, #tpu.memory_space<vmem>> -> memref<32x128xf32, #tpu.memory_space<vmem>>
      %dma_start3A_488 = arith.constant 0 : i32
      %dma_start3A_489 = tpu.memref_slice %arg4[%dma_start3A_488, %multiple_of3A_476] : memref<32x1000000xf32, #tpu.memory_space<hbm>> -> memref<32x128xf32, #tpu.memory_space<hbm>>
      tpu.enqueue_dma source(%dma_start3A_489 : memref<32x128xf32, #tpu.memory_space<hbm>>) target(%dma_start3A_487 : memref<32x128xf32, #tpu.memory_space<vmem>>) target_semaphore(%arg17 : memref<!tpu.dma_semaphore, #tpu.memory_space<semaphore_mem>>)
      %slice3A_490 = vector.extract_strided_slice %get3A_403 {offsets = [4], sizes = [1], strides = [1]} : vector<16xi32> to vector<1xi32>
      %squeeze3A_491 = vector.extract %slice3A_490[0] : i32 from vector<1xi32>
      %shift_right_arithmetic3A_492 = arith.constant 7 : i32
      %shift_right_arithmetic3A_493 = arith.shrsi %squeeze3A_491, %shift_right_arithmetic3A_492 : i32
      %shift_left3A_494 = arith.constant 7 : i32
      %shift_left3A_495 = arith.shli %shift_right_arithmetic3A_493, %shift_left3A_494 : i32
      %multiple_of3A_496 = tpu.assume_multiple %shift_left3A_495, 128 : i32
      %dma_start3A_497 = arith.constant 4 : i32
      %dma_start3A_498 = arith.constant 0 : i32
      %dma_start3A_499 = arith.constant 0 : i32
      %dma_start3A_500 = tpu.memref_slice %arg10[%dma_start3A_497, %dma_start3A_498, %dma_start3A_499] : memref<8x32x128xf32, #tpu.memory_space<vmem>> -> memref<1x32x128xf32, #tpu.memory_space<vmem>>
      %dma_start3A_501 = tpu.memref_squeeze %dma_start3A_500 : memref<1x32x128xf32, #tpu.memory_space<vmem>> -> memref<32x128xf32, #tpu.memory_space<vmem>>
      %dma_start3A_502 = arith.constant 0 : i32
      %dma_start3A_503 = tpu.memref_slice %arg4[%dma_start3A_502, %multiple_of3A_496] : memref<32x1000000xf32, #tpu.memory_space<hbm>> -> memref<32x128xf32, #tpu.memory_space<hbm>>
      %dma_start3A_504 = arith.constant 0 : i32
      %dma_start3A_505 = arith.constant 0 : i32
      %dma_start3A_506 = tpu.memref_slice %arg10[%dma_start3A_497, %dma_start3A_504, %dma_start3A_505] : memref<8x32x128xf32, #tpu.memory_space<vmem>> -> memref<1x32x128xf32, #tpu.memory_space<vmem>>
      %dma_start3A_507 = tpu.memref_squeeze %dma_start3A_506 : memref<1x32x128xf32, #tpu.memory_space<vmem>> -> memref<32x128xf32, #tpu.memory_space<vmem>>
      %dma_start3A_508 = arith.constant 0 : i32
      %dma_start3A_509 = tpu.memref_slice %arg4[%dma_start3A_508, %multiple_of3A_496] : memref<32x1000000xf32, #tpu.memory_space<hbm>> -> memref<32x128xf32, #tpu.memory_space<hbm>>
      tpu.enqueue_dma source(%dma_start3A_509 : memref<32x128xf32, #tpu.memory_space<hbm>>) target(%dma_start3A_507 : memref<32x128xf32, #tpu.memory_space<vmem>>) target_semaphore(%arg18 : memref<!tpu.dma_semaphore, #tpu.memory_space<semaphore_mem>>)
      %slice3A_510 = vector.extract_strided_slice %get3A_403 {offsets = [5], sizes = [1], strides = [1]} : vector<16xi32> to vector<1xi32>
      %squeeze3A_511 = vector.extract %slice3A_510[0] : i32 from vector<1xi32>
      %shift_right_arithmetic3A_512 = arith.constant 7 : i32
      %shift_right_arithmetic3A_513 = arith.shrsi %squeeze3A_511, %shift_right_arithmetic3A_512 : i32
      %shift_left3A_514 = arith.constant 7 : i32
      %shift_left3A_515 = arith.shli %shift_right_arithmetic3A_513, %shift_left3A_514 : i32
      %multiple_of3A_516 = tpu.assume_multiple %shift_left3A_515, 128 : i32
      %dma_start3A_517 = arith.constant 5 : i32
      %dma_start3A_518 = arith.constant 0 : i32
      %dma_start3A_519 = arith.constant 0 : i32
      %dma_start3A_520 = tpu.memref_slice %arg10[%dma_start3A_517, %dma_start3A_518, %dma_start3A_519] : memref<8x32x128xf32, #tpu.memory_space<vmem>> -> memref<1x32x128xf32, #tpu.memory_space<vmem>>
      %dma_start3A_521 = tpu.memref_squeeze %dma_start3A_520 : memref<1x32x128xf32, #tpu.memory_space<vmem>> -> memref<32x128xf32, #tpu.memory_space<vmem>>
      %dma_start3A_522 = arith.constant 0 : i32
      %dma_start3A_523 = tpu.memref_slice %arg4[%dma_start3A_522, %multiple_of3A_516] : memref<32x1000000xf32, #tpu.memory_space<hbm>> -> memref<32x128xf32, #tpu.memory_space<hbm>>
      %dma_start3A_524 = arith.constant 0 : i32
      %dma_start3A_525 = arith.constant 0 : i32
      %dma_start3A_526 = tpu.memref_slice %arg10[%dma_start3A_517, %dma_start3A_524, %dma_start3A_525] : memref<8x32x128xf32, #tpu.memory_space<vmem>> -> memref<1x32x128xf32, #tpu.memory_space<vmem>>
      %dma_start3A_527 = tpu.memref_squeeze %dma_start3A_526 : memref<1x32x128xf32, #tpu.memory_space<vmem>> -> memref<32x128xf32, #tpu.memory_space<vmem>>
      %dma_start3A_528 = arith.constant 0 : i32
      %dma_start3A_529 = tpu.memref_slice %arg4[%dma_start3A_528, %multiple_of3A_516] : memref<32x1000000xf32, #tpu.memory_space<hbm>> -> memref<32x128xf32, #tpu.memory_space<hbm>>
      tpu.enqueue_dma source(%dma_start3A_529 : memref<32x128xf32, #tpu.memory_space<hbm>>) target(%dma_start3A_527 : memref<32x128xf32, #tpu.memory_space<vmem>>) target_semaphore(%arg19 : memref<!tpu.dma_semaphore, #tpu.memory_space<semaphore_mem>>)
      %slice3A_530 = vector.extract_strided_slice %get3A_403 {offsets = [6], sizes = [1], strides = [1]} : vector<16xi32> to vector<1xi32>
      %squeeze3A_531 = vector.extract %slice3A_530[0] : i32 from vector<1xi32>
      %shift_right_arithmetic3A_532 = arith.constant 7 : i32
      %shift_right_arithmetic3A_533 = arith.shrsi %squeeze3A_531, %shift_right_arithmetic3A_532 : i32
      %shift_left3A_534 = arith.constant 7 : i32
      %shift_left3A_535 = arith.shli %shift_right_arithmetic3A_533, %shift_left3A_534 : i32
      %multiple_of3A_536 = tpu.assume_multiple %shift_left3A_535, 128 : i32
      %dma_start3A_537 = arith.constant 6 : i32
      %dma_start3A_538 = arith.constant 0 : i32
      %dma_start3A_539 = arith.constant 0 : i32
      %dma_start3A_540 = tpu.memref_slice %arg10[%dma_start3A_537, %dma_start3A_538, %dma_start3A_539] : memref<8x32x128xf32, #tpu.memory_space<vmem>> -> memref<1x32x128xf32, #tpu.memory_space<vmem>>
      %dma_start3A_541 = tpu.memref_squeeze %dma_start3A_540 : memref<1x32x128xf32, #tpu.memory_space<vmem>> -> memref<32x128xf32, #tpu.memory_space<vmem>>
      %dma_start3A_542 = arith.constant 0 : i32
      %dma_start3A_543 = tpu.memref_slice %arg4[%dma_start3A_542, %multiple_of3A_536] : memref<32x1000000xf32, #tpu.memory_space<hbm>> -> memref<32x128xf32, #tpu.memory_space<hbm>>
      %dma_start3A_544 = arith.constant 0 : i32
      %dma_start3A_545 = arith.constant 0 : i32
      %dma_start3A_546 = tpu.memref_slice %arg10[%dma_start3A_537, %dma_start3A_544, %dma_start3A_545] : memref<8x32x128xf32, #tpu.memory_space<vmem>> -> memref<1x32x128xf32, #tpu.memory_space<vmem>>
      %dma_start3A_547 = tpu.memref_squeeze %dma_start3A_546 : memref<1x32x128xf32, #tpu.memory_space<vmem>> -> memref<32x128xf32, #tpu.memory_space<vmem>>
      %dma_start3A_548 = arith.constant 0 : i32
      %dma_start3A_549 = tpu.memref_slice %arg4[%dma_start3A_548, %multiple_of3A_536] : memref<32x1000000xf32, #tpu.memory_space<hbm>> -> memref<32x128xf32, #tpu.memory_space<hbm>>
      tpu.enqueue_dma source(%dma_start3A_549 : memref<32x128xf32, #tpu.memory_space<hbm>>) target(%dma_start3A_547 : memref<32x128xf32, #tpu.memory_space<vmem>>) target_semaphore(%arg20 : memref<!tpu.dma_semaphore, #tpu.memory_space<semaphore_mem>>)
      %slice3A_550 = vector.extract_strided_slice %get3A_403 {offsets = [7], sizes = [1], strides = [1]} : vector<16xi32> to vector<1xi32>
      %squeeze3A_551 = vector.extract %slice3A_550[0] : i32 from vector<1xi32>
      %shift_right_arithmetic3A_552 = arith.constant 7 : i32
      %shift_right_arithmetic3A_553 = arith.shrsi %squeeze3A_551, %shift_right_arithmetic3A_552 : i32
      %shift_left3A_554 = arith.constant 7 : i32
      %shift_left3A_555 = arith.shli %shift_right_arithmetic3A_553, %shift_left3A_554 : i32
      %multiple_of3A_556 = tpu.assume_multiple %shift_left3A_555, 128 : i32
      %dma_start3A_557 = arith.constant 7 : i32
      %dma_start3A_558 = arith.constant 0 : i32
      %dma_start3A_559 = arith.constant 0 : i32
      %dma_start3A_560 = tpu.memref_slice %arg10[%dma_start3A_557, %dma_start3A_558, %dma_start3A_559] : memref<8x32x128xf32, #tpu.memory_space<vmem>> -> memref<1x32x128xf32, #tpu.memory_space<vmem>>
      %dma_start3A_561 = tpu.memref_squeeze %dma_start3A_560 : memref<1x32x128xf32, #tpu.memory_space<vmem>> -> memref<32x128xf32, #tpu.memory_space<vmem>>
      %dma_start3A_562 = arith.constant 0 : i32
      %dma_start3A_563 = tpu.memref_slice %arg4[%dma_start3A_562, %multiple_of3A_556] : memref<32x1000000xf32, #tpu.memory_space<hbm>> -> memref<32x128xf32, #tpu.memory_space<hbm>>
      %dma_start3A_564 = arith.constant 0 : i32
      %dma_start3A_565 = arith.constant 0 : i32
      %dma_start3A_566 = tpu.memref_slice %arg10[%dma_start3A_557, %dma_start3A_564, %dma_start3A_565] : memref<8x32x128xf32, #tpu.memory_space<vmem>> -> memref<1x32x128xf32, #tpu.memory_space<vmem>>
      %dma_start3A_567 = tpu.memref_squeeze %dma_start3A_566 : memref<1x32x128xf32, #tpu.memory_space<vmem>> -> memref<32x128xf32, #tpu.memory_space<vmem>>
      %dma_start3A_568 = arith.constant 0 : i32
      %dma_start3A_569 = tpu.memref_slice %arg4[%dma_start3A_568, %multiple_of3A_556] : memref<32x1000000xf32, #tpu.memory_space<hbm>> -> memref<32x128xf32, #tpu.memory_space<hbm>>
      tpu.enqueue_dma source(%dma_start3A_569 : memref<32x128xf32, #tpu.memory_space<hbm>>) target(%dma_start3A_567 : memref<32x128xf32, #tpu.memory_space<vmem>>) target_semaphore(%arg21 : memref<!tpu.dma_semaphore, #tpu.memory_space<semaphore_mem>>)
      %convert_element_type3A_570 = arith.extui %gt3A_408 : i1 to i32
      %cond3A_571 = arith.constant 0 : i32
      %cond3A_572 = arith.cmpi ne, %convert_element_type3A_570, %cond3A_571 : i32
      scf.if %cond3A_572 {
        %dma_wait3A_1067 = arith.constant 0 : i32
        %dma_wait3A_1068 = arith.constant 0 : i32
        %dma_wait3A_1069 = arith.constant 0 : i32
        %dma_wait3A_1070 = tpu.memref_slice %arg11[%dma_wait3A_1067, %dma_wait3A_1068, %dma_wait3A_1069] : memref<8x32x128xf32, #tpu.memory_space<vmem>> -> memref<1x32x128xf32, #tpu.memory_space<vmem>>
        %dma_wait3A_1071 = tpu.memref_squeeze %dma_wait3A_1070 : memref<1x32x128xf32, #tpu.memory_space<vmem>> -> memref<32x128xf32, #tpu.memory_space<vmem>>
        %dma_wait3A_1072 = arith.constant 0 : i32
        %dma_wait3A_1073 = arith.constant 0 : i32
        %dma_wait3A_1074 = tpu.memref_slice %arg5[%dma_wait3A_1072, %dma_wait3A_1073] : memref<32x1000000xf32, #tpu.memory_space<hbm>> -> memref<32x128xf32, #tpu.memory_space<hbm>>
        %dma_wait3A_1075 = arith.constant 0 : i32
        %dma_wait3A_1076 = arith.constant 0 : i32
        %dma_wait3A_1077 = tpu.memref_slice %arg11[%dma_wait3A_1067, %dma_wait3A_1075, %dma_wait3A_1076] : memref<8x32x128xf32, #tpu.memory_space<vmem>> -> memref<1x32x128xf32, #tpu.memory_space<vmem>>
        %dma_wait3A_1078 = tpu.memref_squeeze %dma_wait3A_1077 : memref<1x32x128xf32, #tpu.memory_space<vmem>> -> memref<32x128xf32, #tpu.memory_space<vmem>>
        %dma_wait3A_1079 = arith.constant 0 : i32
        %dma_wait3A_1080 = arith.constant 0 : i32
        %dma_wait3A_1081 = tpu.memref_slice %arg5[%dma_wait3A_1079, %dma_wait3A_1080] : memref<32x1000000xf32, #tpu.memory_space<hbm>> -> memref<32x128xf32, #tpu.memory_space<hbm>>
        tpu.wait_dma2 semaphore(%arg22 : memref<!tpu.dma_semaphore, #tpu.memory_space<semaphore_mem>>) src(%dma_wait3A_1081 : memref<32x128xf32, #tpu.memory_space<hbm>>) dst(%dma_wait3A_1078 : memref<32x128xf32, #tpu.memory_space<vmem>>)
        %dma_wait3A_1082 = arith.constant 1 : i32
        %dma_wait3A_1083 = arith.constant 0 : i32
        %dma_wait3A_1084 = arith.constant 0 : i32
        %dma_wait3A_1085 = tpu.memref_slice %arg11[%dma_wait3A_1082, %dma_wait3A_1083, %dma_wait3A_1084] : memref<8x32x128xf32, #tpu.memory_space<vmem>> -> memref<1x32x128xf32, #tpu.memory_space<vmem>>
        %dma_wait3A_1086 = tpu.memref_squeeze %dma_wait3A_1085 : memref<1x32x128xf32, #tpu.memory_space<vmem>> -> memref<32x128xf32, #tpu.memory_space<vmem>>
        %dma_wait3A_1087 = arith.constant 0 : i32
        %dma_wait3A_1088 = arith.constant 0 : i32
        %dma_wait3A_1089 = tpu.memref_slice %arg5[%dma_wait3A_1087, %dma_wait3A_1088] : memref<32x1000000xf32, #tpu.memory_space<hbm>> -> memref<32x128xf32, #tpu.memory_space<hbm>>
        %dma_wait3A_1090 = arith.constant 0 : i32
        %dma_wait3A_1091 = arith.constant 0 : i32
        %dma_wait3A_1092 = tpu.memref_slice %arg11[%dma_wait3A_1082, %dma_wait3A_1090, %dma_wait3A_1091] : memref<8x32x128xf32, #tpu.memory_space<vmem>> -> memref<1x32x128xf32, #tpu.memory_space<vmem>>
        %dma_wait3A_1093 = tpu.memref_squeeze %dma_wait3A_1092 : memref<1x32x128xf32, #tpu.memory_space<vmem>> -> memref<32x128xf32, #tpu.memory_space<vmem>>
        %dma_wait3A_1094 = arith.constant 0 : i32
        %dma_wait3A_1095 = arith.constant 0 : i32
        %dma_wait3A_1096 = tpu.memref_slice %arg5[%dma_wait3A_1094, %dma_wait3A_1095] : memref<32x1000000xf32, #tpu.memory_space<hbm>> -> memref<32x128xf32, #tpu.memory_space<hbm>>
        tpu.wait_dma2 semaphore(%arg23 : memref<!tpu.dma_semaphore, #tpu.memory_space<semaphore_mem>>) src(%dma_wait3A_1096 : memref<32x128xf32, #tpu.memory_space<hbm>>) dst(%dma_wait3A_1093 : memref<32x128xf32, #tpu.memory_space<vmem>>)
        %dma_wait3A_1097 = arith.constant 2 : i32
        %dma_wait3A_1098 = arith.constant 0 : i32
        %dma_wait3A_1099 = arith.constant 0 : i32
        %dma_wait3A_1100 = tpu.memref_slice %arg11[%dma_wait3A_1097, %dma_wait3A_1098, %dma_wait3A_1099] : memref<8x32x128xf32, #tpu.memory_space<vmem>> -> memref<1x32x128xf32, #tpu.memory_space<vmem>>
        %dma_wait3A_1101 = tpu.memref_squeeze %dma_wait3A_1100 : memref<1x32x128xf32, #tpu.memory_space<vmem>> -> memref<32x128xf32, #tpu.memory_space<vmem>>
        %dma_wait3A_1102 = arith.constant 0 : i32
        %dma_wait3A_1103 = arith.constant 0 : i32
        %dma_wait3A_1104 = tpu.memref_slice %arg5[%dma_wait3A_1102, %dma_wait3A_1103] : memref<32x1000000xf32, #tpu.memory_space<hbm>> -> memref<32x128xf32, #tpu.memory_space<hbm>>
        %dma_wait3A_1105 = arith.constant 0 : i32
        %dma_wait3A_1106 = arith.constant 0 : i32
        %dma_wait3A_1107 = tpu.memref_slice %arg11[%dma_wait3A_1097, %dma_wait3A_1105, %dma_wait3A_1106] : memref<8x32x128xf32, #tpu.memory_space<vmem>> -> memref<1x32x128xf32, #tpu.memory_space<vmem>>
        %dma_wait3A_1108 = tpu.memref_squeeze %dma_wait3A_1107 : memref<1x32x128xf32, #tpu.memory_space<vmem>> -> memref<32x128xf32, #tpu.memory_space<vmem>>
        %dma_wait3A_1109 = arith.constant 0 : i32
        %dma_wait3A_1110 = arith.constant 0 : i32
        %dma_wait3A_1111 = tpu.memref_slice %arg5[%dma_wait3A_1109, %dma_wait3A_1110] : memref<32x1000000xf32, #tpu.memory_space<hbm>> -> memref<32x128xf32, #tpu.memory_space<hbm>>
        tpu.wait_dma2 semaphore(%arg24 : memref<!tpu.dma_semaphore, #tpu.memory_space<semaphore_mem>>) src(%dma_wait3A_1111 : memref<32x128xf32, #tpu.memory_space<hbm>>) dst(%dma_wait3A_1108 : memref<32x128xf32, #tpu.memory_space<vmem>>)
        %dma_wait3A_1112 = arith.constant 3 : i32
        %dma_wait3A_1113 = arith.constant 0 : i32
        %dma_wait3A_1114 = arith.constant 0 : i32
        %dma_wait3A_1115 = tpu.memref_slice %arg11[%dma_wait3A_1112, %dma_wait3A_1113, %dma_wait3A_1114] : memref<8x32x128xf32, #tpu.memory_space<vmem>> -> memref<1x32x128xf32, #tpu.memory_space<vmem>>
        %dma_wait3A_1116 = tpu.memref_squeeze %dma_wait3A_1115 : memref<1x32x128xf32, #tpu.memory_space<vmem>> -> memref<32x128xf32, #tpu.memory_space<vmem>>
        %dma_wait3A_1117 = arith.constant 0 : i32
        %dma_wait3A_1118 = arith.constant 0 : i32
        %dma_wait3A_1119 = tpu.memref_slice %arg5[%dma_wait3A_1117, %dma_wait3A_1118] : memref<32x1000000xf32, #tpu.memory_space<hbm>> -> memref<32x128xf32, #tpu.memory_space<hbm>>
        %dma_wait3A_1120 = arith.constant 0 : i32
        %dma_wait3A_1121 = arith.constant 0 : i32
        %dma_wait3A_1122 = tpu.memref_slice %arg11[%dma_wait3A_1112, %dma_wait3A_1120, %dma_wait3A_1121] : memref<8x32x128xf32, #tpu.memory_space<vmem>> -> memref<1x32x128xf32, #tpu.memory_space<vmem>>
        %dma_wait3A_1123 = tpu.memref_squeeze %dma_wait3A_1122 : memref<1x32x128xf32, #tpu.memory_space<vmem>> -> memref<32x128xf32, #tpu.memory_space<vmem>>
        %dma_wait3A_1124 = arith.constant 0 : i32
        %dma_wait3A_1125 = arith.constant 0 : i32
        %dma_wait3A_1126 = tpu.memref_slice %arg5[%dma_wait3A_1124, %dma_wait3A_1125] : memref<32x1000000xf32, #tpu.memory_space<hbm>> -> memref<32x128xf32, #tpu.memory_space<hbm>>
        tpu.wait_dma2 semaphore(%arg25 : memref<!tpu.dma_semaphore, #tpu.memory_space<semaphore_mem>>) src(%dma_wait3A_1126 : memref<32x128xf32, #tpu.memory_space<hbm>>) dst(%dma_wait3A_1123 : memref<32x128xf32, #tpu.memory_space<vmem>>)
        %dma_wait3A_1127 = arith.constant 4 : i32
        %dma_wait3A_1128 = arith.constant 0 : i32
        %dma_wait3A_1129 = arith.constant 0 : i32
        %dma_wait3A_1130 = tpu.memref_slice %arg11[%dma_wait3A_1127, %dma_wait3A_1128, %dma_wait3A_1129] : memref<8x32x128xf32, #tpu.memory_space<vmem>> -> memref<1x32x128xf32, #tpu.memory_space<vmem>>
        %dma_wait3A_1131 = tpu.memref_squeeze %dma_wait3A_1130 : memref<1x32x128xf32, #tpu.memory_space<vmem>> -> memref<32x128xf32, #tpu.memory_space<vmem>>
        %dma_wait3A_1132 = arith.constant 0 : i32
        %dma_wait3A_1133 = arith.constant 0 : i32
        %dma_wait3A_1134 = tpu.memref_slice %arg5[%dma_wait3A_1132, %dma_wait3A_1133] : memref<32x1000000xf32, #tpu.memory_space<hbm>> -> memref<32x128xf32, #tpu.memory_space<hbm>>
        %dma_wait3A_1135 = arith.constant 0 : i32
        %dma_wait3A_1136 = arith.constant 0 : i32
        %dma_wait3A_1137 = tpu.memref_slice %arg11[%dma_wait3A_1127, %dma_wait3A_1135, %dma_wait3A_1136] : memref<8x32x128xf32, #tpu.memory_space<vmem>> -> memref<1x32x128xf32, #tpu.memory_space<vmem>>
        %dma_wait3A_1138 = tpu.memref_squeeze %dma_wait3A_1137 : memref<1x32x128xf32, #tpu.memory_space<vmem>> -> memref<32x128xf32, #tpu.memory_space<vmem>>
        %dma_wait3A_1139 = arith.constant 0 : i32
        %dma_wait3A_1140 = arith.constant 0 : i32
        %dma_wait3A_1141 = tpu.memref_slice %arg5[%dma_wait3A_1139, %dma_wait3A_1140] : memref<32x1000000xf32, #tpu.memory_space<hbm>> -> memref<32x128xf32, #tpu.memory_space<hbm>>
        tpu.wait_dma2 semaphore(%arg26 : memref<!tpu.dma_semaphore, #tpu.memory_space<semaphore_mem>>) src(%dma_wait3A_1141 : memref<32x128xf32, #tpu.memory_space<hbm>>) dst(%dma_wait3A_1138 : memref<32x128xf32, #tpu.memory_space<vmem>>)
        %dma_wait3A_1142 = arith.constant 5 : i32
        %dma_wait3A_1143 = arith.constant 0 : i32
        %dma_wait3A_1144 = arith.constant 0 : i32
        %dma_wait3A_1145 = tpu.memref_slice %arg11[%dma_wait3A_1142, %dma_wait3A_1143, %dma_wait3A_1144] : memref<8x32x128xf32, #tpu.memory_space<vmem>> -> memref<1x32x128xf32, #tpu.memory_space<vmem>>
        %dma_wait3A_1146 = tpu.memref_squeeze %dma_wait3A_1145 : memref<1x32x128xf32, #tpu.memory_space<vmem>> -> memref<32x128xf32, #tpu.memory_space<vmem>>
        %dma_wait3A_1147 = arith.constant 0 : i32
        %dma_wait3A_1148 = arith.constant 0 : i32
        %dma_wait3A_1149 = tpu.memref_slice %arg5[%dma_wait3A_1147, %dma_wait3A_1148] : memref<32x1000000xf32, #tpu.memory_space<hbm>> -> memref<32x128xf32, #tpu.memory_space<hbm>>
        %dma_wait3A_1150 = arith.constant 0 : i32
        %dma_wait3A_1151 = arith.constant 0 : i32
        %dma_wait3A_1152 = tpu.memref_slice %arg11[%dma_wait3A_1142, %dma_wait3A_1150, %dma_wait3A_1151] : memref<8x32x128xf32, #tpu.memory_space<vmem>> -> memref<1x32x128xf32, #tpu.memory_space<vmem>>
        %dma_wait3A_1153 = tpu.memref_squeeze %dma_wait3A_1152 : memref<1x32x128xf32, #tpu.memory_space<vmem>> -> memref<32x128xf32, #tpu.memory_space<vmem>>
        %dma_wait3A_1154 = arith.constant 0 : i32
        %dma_wait3A_1155 = arith.constant 0 : i32
        %dma_wait3A_1156 = tpu.memref_slice %arg5[%dma_wait3A_1154, %dma_wait3A_1155] : memref<32x1000000xf32, #tpu.memory_space<hbm>> -> memref<32x128xf32, #tpu.memory_space<hbm>>
        tpu.wait_dma2 semaphore(%arg27 : memref<!tpu.dma_semaphore, #tpu.memory_space<semaphore_mem>>) src(%dma_wait3A_1156 : memref<32x128xf32, #tpu.memory_space<hbm>>) dst(%dma_wait3A_1153 : memref<32x128xf32, #tpu.memory_space<vmem>>)
        %dma_wait3A_1157 = arith.constant 6 : i32
        %dma_wait3A_1158 = arith.constant 0 : i32
        %dma_wait3A_1159 = arith.constant 0 : i32
        %dma_wait3A_1160 = tpu.memref_slice %arg11[%dma_wait3A_1157, %dma_wait3A_1158, %dma_wait3A_1159] : memref<8x32x128xf32, #tpu.memory_space<vmem>> -> memref<1x32x128xf32, #tpu.memory_space<vmem>>
        %dma_wait3A_1161 = tpu.memref_squeeze %dma_wait3A_1160 : memref<1x32x128xf32, #tpu.memory_space<vmem>> -> memref<32x128xf32, #tpu.memory_space<vmem>>
        %dma_wait3A_1162 = arith.constant 0 : i32
        %dma_wait3A_1163 = arith.constant 0 : i32
        %dma_wait3A_1164 = tpu.memref_slice %arg5[%dma_wait3A_1162, %dma_wait3A_1163] : memref<32x1000000xf32, #tpu.memory_space<hbm>> -> memref<32x128xf32, #tpu.memory_space<hbm>>
        %dma_wait3A_1165 = arith.constant 0 : i32
        %dma_wait3A_1166 = arith.constant 0 : i32
        %dma_wait3A_1167 = tpu.memref_slice %arg11[%dma_wait3A_1157, %dma_wait3A_1165, %dma_wait3A_1166] : memref<8x32x128xf32, #tpu.memory_space<vmem>> -> memref<1x32x128xf32, #tpu.memory_space<vmem>>
        %dma_wait3A_1168 = tpu.memref_squeeze %dma_wait3A_1167 : memref<1x32x128xf32, #tpu.memory_space<vmem>> -> memref<32x128xf32, #tpu.memory_space<vmem>>
        %dma_wait3A_1169 = arith.constant 0 : i32
        %dma_wait3A_1170 = arith.constant 0 : i32
        %dma_wait3A_1171 = tpu.memref_slice %arg5[%dma_wait3A_1169, %dma_wait3A_1170] : memref<32x1000000xf32, #tpu.memory_space<hbm>> -> memref<32x128xf32, #tpu.memory_space<hbm>>
        tpu.wait_dma2 semaphore(%arg28 : memref<!tpu.dma_semaphore, #tpu.memory_space<semaphore_mem>>) src(%dma_wait3A_1171 : memref<32x128xf32, #tpu.memory_space<hbm>>) dst(%dma_wait3A_1168 : memref<32x128xf32, #tpu.memory_space<vmem>>)
        %dma_wait3A_1172 = arith.constant 7 : i32
        %dma_wait3A_1173 = arith.constant 0 : i32
        %dma_wait3A_1174 = arith.constant 0 : i32
        %dma_wait3A_1175 = tpu.memref_slice %arg11[%dma_wait3A_1172, %dma_wait3A_1173, %dma_wait3A_1174] : memref<8x32x128xf32, #tpu.memory_space<vmem>> -> memref<1x32x128xf32, #tpu.memory_space<vmem>>
        %dma_wait3A_1176 = tpu.memref_squeeze %dma_wait3A_1175 : memref<1x32x128xf32, #tpu.memory_space<vmem>> -> memref<32x128xf32, #tpu.memory_space<vmem>>
        %dma_wait3A_1177 = arith.constant 0 : i32
        %dma_wait3A_1178 = arith.constant 0 : i32
        %dma_wait3A_1179 = tpu.memref_slice %arg5[%dma_wait3A_1177, %dma_wait3A_1178] : memref<32x1000000xf32, #tpu.memory_space<hbm>> -> memref<32x128xf32, #tpu.memory_space<hbm>>
        %dma_wait3A_1180 = arith.constant 0 : i32
        %dma_wait3A_1181 = arith.constant 0 : i32
        %dma_wait3A_1182 = tpu.memref_slice %arg11[%dma_wait3A_1172, %dma_wait3A_1180, %dma_wait3A_1181] : memref<8x32x128xf32, #tpu.memory_space<vmem>> -> memref<1x32x128xf32, #tpu.memory_space<vmem>>
        %dma_wait3A_1183 = tpu.memref_squeeze %dma_wait3A_1182 : memref<1x32x128xf32, #tpu.memory_space<vmem>> -> memref<32x128xf32, #tpu.memory_space<vmem>>
        %dma_wait3A_1184 = arith.constant 0 : i32
        %dma_wait3A_1185 = arith.constant 0 : i32
        %dma_wait3A_1186 = tpu.memref_slice %arg5[%dma_wait3A_1184, %dma_wait3A_1185] : memref<32x1000000xf32, #tpu.memory_space<hbm>> -> memref<32x128xf32, #tpu.memory_space<hbm>>
        tpu.wait_dma2 semaphore(%arg29 : memref<!tpu.dma_semaphore, #tpu.memory_space<semaphore_mem>>) src(%dma_wait3A_1186 : memref<32x128xf32, #tpu.memory_space<hbm>>) dst(%dma_wait3A_1183 : memref<32x128xf32, #tpu.memory_space<vmem>>)
        %add3A_1187 = vector.broadcast %sub3A_413 : i32 to vector<16xi32>
        %add3A_1188 = arith.addi %add3A_1187, %and3A_4 : vector<16xi32>
        %gather3A_1189 = tpu.vector_load_idx %arg9[%add3A_1188] : memref<512xi32, #tpu.memory_space<vmem>>[vector<16xi32>], vector<16xi32>,
        %and3A_1190 = arith.constant 127 : i32
        %and3A_1191 = vector.broadcast %and3A_1190 : i32 to vector<16xi32>
        %and3A_1192 = arith.andi %gather3A_1189, %and3A_1191 : vector<16xi32>
        %add3A_1193 = vector.broadcast %sub3A_413 : i32 to vector<16xi32>
        %add3A_1194 = arith.addi %add3A_1193, %and3A_4 : vector<16xi32>
        %add3A_1195 = arith.constant 0 : i32
        %add3A_1196 = vector.broadcast %add3A_1195 : i32 to vector<16xi32>
        %add3A_1197 = arith.addi %add3A_1196, %shift_right_arithmetic3A_6 : vector<16xi32>
        %gather3A_1198 = tpu.vector_load_idx %arg11[%and3A_4, %add3A_1197, %and3A_1192] : memref<8x32x128xf32, #tpu.memory_space<vmem>>[vector<16xi32>, vector<16xi32>, vector<16xi32>], vector<16xf32>,
        tpu.vector_store_idx %arg13[%add3A_1197, %add3A_1194], %gather3A_1198 : memref<32x512xf32, #tpu.memory_space<vmem>>[vector<16xi32>, vector<16xi32>], vector<16xf32>,
        %add3A_1199 = arith.constant 2 : i32
        %add3A_1200 = vector.broadcast %add3A_1199 : i32 to vector<16xi32>
        %add3A_1201 = arith.addi %add3A_1200, %shift_right_arithmetic3A_6 : vector<16xi32>
        %gather3A_1202 = tpu.vector_load_idx %arg11[%and3A_4, %add3A_1201, %and3A_1192] : memref<8x32x128xf32, #tpu.memory_space<vmem>>[vector<16xi32>, vector<16xi32>, vector<16xi32>], vector<16xf32>,
        tpu.vector_store_idx %arg13[%add3A_1201, %add3A_1194], %gather3A_1202 : memref<32x512xf32, #tpu.memory_space<vmem>>[vector<16xi32>, vector<16xi32>], vector<16xf32>,
        %add3A_1203 = arith.constant 4 : i32
        %add3A_1204 = vector.broadcast %add3A_1203 : i32 to vector<16xi32>
        %add3A_1205 = arith.addi %add3A_1204, %shift_right_arithmetic3A_6 : vector<16xi32>
        %gather3A_1206 = tpu.vector_load_idx %arg11[%and3A_4, %add3A_1205, %and3A_1192] : memref<8x32x128xf32, #tpu.memory_space<vmem>>[vector<16xi32>, vector<16xi32>, vector<16xi32>], vector<16xf32>,
        tpu.vector_store_idx %arg13[%add3A_1205, %add3A_1194], %gather3A_1206 : memref<32x512xf32, #tpu.memory_space<vmem>>[vector<16xi32>, vector<16xi32>], vector<16xf32>,
        %add3A_1207 = arith.constant 6 : i32
        %add3A_1208 = vector.broadcast %add3A_1207 : i32 to vector<16xi32>
        %add3A_1209 = arith.addi %add3A_1208, %shift_right_arithmetic3A_6 : vector<16xi32>
        %gather3A_1210 = tpu.vector_load_idx %arg11[%and3A_4, %add3A_1209, %and3A_1192] : memref<8x32x128xf32, #tpu.memory_space<vmem>>[vector<16xi32>, vector<16xi32>, vector<16xi32>], vector<16xf32>,
        tpu.vector_store_idx %arg13[%add3A_1209, %add3A_1194], %gather3A_1210 : memref<32x512xf32, #tpu.memory_space<vmem>>[vector<16xi32>, vector<16xi32>], vector<16xf32>,
        %add3A_1211 = arith.constant 8 : i32
        %add3A_1212 = vector.broadcast %add3A_1211 : i32 to vector<16xi32>
        %add3A_1213 = arith.addi %add3A_1212, %shift_right_arithmetic3A_6 : vector<16xi32>
        %gather3A_1214 = tpu.vector_load_idx %arg11[%and3A_4, %add3A_1213, %and3A_1192] : memref<8x32x128xf32, #tpu.memory_space<vmem>>[vector<16xi32>, vector<16xi32>, vector<16xi32>], vector<16xf32>,
        tpu.vector_store_idx %arg13[%add3A_1213, %add3A_1194], %gather3A_1214 : memref<32x512xf32, #tpu.memory_space<vmem>>[vector<16xi32>, vector<16xi32>], vector<16xf32>,
        %add3A_1215 = arith.constant 10 : i32
        %add3A_1216 = vector.broadcast %add3A_1215 : i32 to vector<16xi32>
        %add3A_1217 = arith.addi %add3A_1216, %shift_right_arithmetic3A_6 : vector<16xi32>
        %gather3A_1218 = tpu.vector_load_idx %arg11[%and3A_4, %add3A_1217, %and3A_1192] : memref<8x32x128xf32, #tpu.memory_space<vmem>>[vector<16xi32>, vector<16xi32>, vector<16xi32>], vector<16xf32>,
        tpu.vector_store_idx %arg13[%add3A_1217, %add3A_1194], %gather3A_1218 : memref<32x512xf32, #tpu.memory_space<vmem>>[vector<16xi32>, vector<16xi32>], vector<16xf32>,
        %add3A_1219 = arith.constant 12 : i32
        %add3A_1220 = vector.broadcast %add3A_1219 : i32 to vector<16xi32>
        %add3A_1221 = arith.addi %add3A_1220, %shift_right_arithmetic3A_6 : vector<16xi32>
        %gather3A_1222 = tpu.vector_load_idx %arg11[%and3A_4, %add3A_1221, %and3A_1192] : memref<8x32x128xf32, #tpu.memory_space<vmem>>[vector<16xi32>, vector<16xi32>, vector<16xi32>], vector<16xf32>,
        tpu.vector_store_idx %arg13[%add3A_1221, %add3A_1194], %gather3A_1222 : memref<32x512xf32, #tpu.memory_space<vmem>>[vector<16xi32>, vector<16xi32>], vector<16xf32>,
        %add3A_1223 = arith.constant 14 : i32
        %add3A_1224 = vector.broadcast %add3A_1223 : i32 to vector<16xi32>
        %add3A_1225 = arith.addi %add3A_1224, %shift_right_arithmetic3A_6 : vector<16xi32>
        %gather3A_1226 = tpu.vector_load_idx %arg11[%and3A_4, %add3A_1225, %and3A_1192] : memref<8x32x128xf32, #tpu.memory_space<vmem>>[vector<16xi32>, vector<16xi32>, vector<16xi32>], vector<16xf32>,
        tpu.vector_store_idx %arg13[%add3A_1225, %add3A_1194], %gather3A_1226 : memref<32x512xf32, #tpu.memory_space<vmem>>[vector<16xi32>, vector<16xi32>], vector<16xf32>,
        %add3A_1227 = arith.constant 16 : i32
        %add3A_1228 = vector.broadcast %add3A_1227 : i32 to vector<16xi32>
        %add3A_1229 = arith.addi %add3A_1228, %shift_right_arithmetic3A_6 : vector<16xi32>
        %gather3A_1230 = tpu.vector_load_idx %arg11[%and3A_4, %add3A_1229, %and3A_1192] : memref<8x32x128xf32, #tpu.memory_space<vmem>>[vector<16xi32>, vector<16xi32>, vector<16xi32>], vector<16xf32>,
        tpu.vector_store_idx %arg13[%add3A_1229, %add3A_1194], %gather3A_1230 : memref<32x512xf32, #tpu.memory_space<vmem>>[vector<16xi32>, vector<16xi32>], vector<16xf32>,
        %add3A_1231 = arith.constant 18 : i32
        %add3A_1232 = vector.broadcast %add3A_1231 : i32 to vector<16xi32>
        %add3A_1233 = arith.addi %add3A_1232, %shift_right_arithmetic3A_6 : vector<16xi32>
        %gather3A_1234 = tpu.vector_load_idx %arg11[%and3A_4, %add3A_1233, %and3A_1192] : memref<8x32x128xf32, #tpu.memory_space<vmem>>[vector<16xi32>, vector<16xi32>, vector<16xi32>], vector<16xf32>,
        tpu.vector_store_idx %arg13[%add3A_1233, %add3A_1194], %gather3A_1234 : memref<32x512xf32, #tpu.memory_space<vmem>>[vector<16xi32>, vector<16xi32>], vector<16xf32>,
        %add3A_1235 = arith.constant 20 : i32
        %add3A_1236 = vector.broadcast %add3A_1235 : i32 to vector<16xi32>
        %add3A_1237 = arith.addi %add3A_1236, %shift_right_arithmetic3A_6 : vector<16xi32>
        %gather3A_1238 = tpu.vector_load_idx %arg11[%and3A_4, %add3A_1237, %and3A_1192] : memref<8x32x128xf32, #tpu.memory_space<vmem>>[vector<16xi32>, vector<16xi32>, vector<16xi32>], vector<16xf32>,
        tpu.vector_store_idx %arg13[%add3A_1237, %add3A_1194], %gather3A_1238 : memref<32x512xf32, #tpu.memory_space<vmem>>[vector<16xi32>, vector<16xi32>], vector<16xf32>,
        %add3A_1239 = arith.constant 22 : i32
        %add3A_1240 = vector.broadcast %add3A_1239 : i32 to vector<16xi32>
        %add3A_1241 = arith.addi %add3A_1240, %shift_right_arithmetic3A_6 : vector<16xi32>
        %gather3A_1242 = tpu.vector_load_idx %arg11[%and3A_4, %add3A_1241, %and3A_1192] : memref<8x32x128xf32, #tpu.memory_space<vmem>>[vector<16xi32>, vector<16xi32>, vector<16xi32>], vector<16xf32>,
        tpu.vector_store_idx %arg13[%add3A_1241, %add3A_1194], %gather3A_1242 : memref<32x512xf32, #tpu.memory_space<vmem>>[vector<16xi32>, vector<16xi32>], vector<16xf32>,
        %add3A_1243 = arith.constant 24 : i32
        %add3A_1244 = vector.broadcast %add3A_1243 : i32 to vector<16xi32>
        %add3A_1245 = arith.addi %add3A_1244, %shift_right_arithmetic3A_6 : vector<16xi32>
        %gather3A_1246 = tpu.vector_load_idx %arg11[%and3A_4, %add3A_1245, %and3A_1192] : memref<8x32x128xf32, #tpu.memory_space<vmem>>[vector<16xi32>, vector<16xi32>, vector<16xi32>], vector<16xf32>,
        tpu.vector_store_idx %arg13[%add3A_1245, %add3A_1194], %gather3A_1246 : memref<32x512xf32, #tpu.memory_space<vmem>>[vector<16xi32>, vector<16xi32>], vector<16xf32>,
        %add3A_1247 = arith.constant 26 : i32
        %add3A_1248 = vector.broadcast %add3A_1247 : i32 to vector<16xi32>
        %add3A_1249 = arith.addi %add3A_1248, %shift_right_arithmetic3A_6 : vector<16xi32>
        %gather3A_1250 = tpu.vector_load_idx %arg11[%and3A_4, %add3A_1249, %and3A_1192] : memref<8x32x128xf32, #tpu.memory_space<vmem>>[vector<16xi32>, vector<16xi32>, vector<16xi32>], vector<16xf32>,
        tpu.vector_store_idx %arg13[%add3A_1249, %add3A_1194], %gather3A_1250 : memref<32x512xf32, #tpu.memory_space<vmem>>[vector<16xi32>, vector<16xi32>], vector<16xf32>,
        %add3A_1251 = arith.constant 28 : i32
        %add3A_1252 = vector.broadcast %add3A_1251 : i32 to vector<16xi32>
        %add3A_1253 = arith.addi %add3A_1252, %shift_right_arithmetic3A_6 : vector<16xi32>
        %gather3A_1254 = tpu.vector_load_idx %arg11[%and3A_4, %add3A_1253, %and3A_1192] : memref<8x32x128xf32, #tpu.memory_space<vmem>>[vector<16xi32>, vector<16xi32>, vector<16xi32>], vector<16xf32>,
        tpu.vector_store_idx %arg13[%add3A_1253, %add3A_1194], %gather3A_1254 : memref<32x512xf32, #tpu.memory_space<vmem>>[vector<16xi32>, vector<16xi32>], vector<16xf32>,
        %add3A_1255 = arith.constant 30 : i32
        %add3A_1256 = vector.broadcast %add3A_1255 : i32 to vector<16xi32>
        %add3A_1257 = arith.addi %add3A_1256, %shift_right_arithmetic3A_6 : vector<16xi32>
        %gather3A_1258 = tpu.vector_load_idx %arg11[%and3A_4, %add3A_1257, %and3A_1192] : memref<8x32x128xf32, #tpu.memory_space<vmem>>[vector<16xi32>, vector<16xi32>, vector<16xi32>], vector<16xf32>,
        tpu.vector_store_idx %arg13[%add3A_1257, %add3A_1194], %gather3A_1258 : memref<32x512xf32, #tpu.memory_space<vmem>>[vector<16xi32>, vector<16xi32>], vector<16xf32>,
      } else {
      }
      %slice3A_573 = vector.extract_strided_slice %get3A_407 {offsets = [0], sizes = [1], strides = [1]} : vector<16xi32> to vector<1xi32>
      %squeeze3A_574 = vector.extract %slice3A_573[0] : i32 from vector<1xi32>
      %shift_right_arithmetic3A_575 = arith.constant 7 : i32
      %shift_right_arithmetic3A_576 = arith.shrsi %squeeze3A_574, %shift_right_arithmetic3A_575 : i32
      %shift_left3A_577 = arith.constant 7 : i32
      %shift_left3A_578 = arith.shli %shift_right_arithmetic3A_576, %shift_left3A_577 : i32
      %multiple_of3A_579 = tpu.assume_multiple %shift_left3A_578, 128 : i32
      %dma_start3A_580 = arith.constant 0 : i32
      %dma_start3A_581 = arith.constant 0 : i32
      %dma_start3A_582 = arith.constant 0 : i32
      %dma_start3A_583 = tpu.memref_slice %arg11[%dma_start3A_580, %dma_start3A_581, %dma_start3A_582] : memref<8x32x128xf32, #tpu.memory_space<vmem>> -> memref<1x32x128xf32, #tpu.memory_space<vmem>>
      %dma_start3A_584 = tpu.memref_squeeze %dma_start3A_583 : memref<1x32x128xf32, #tpu.memory_space<vmem>> -> memref<32x128xf32, #tpu.memory_space<vmem>>
      %dma_start3A_585 = arith.constant 0 : i32
      %dma_start3A_586 = tpu.memref_slice %arg5[%dma_start3A_585, %multiple_of3A_579] : memref<32x1000000xf32, #tpu.memory_space<hbm>> -> memref<32x128xf32, #tpu.memory_space<hbm>>
      %dma_start3A_587 = arith.constant 0 : i32
      %dma_start3A_588 = arith.constant 0 : i32
      %dma_start3A_589 = tpu.memref_slice %arg11[%dma_start3A_580, %dma_start3A_587, %dma_start3A_588] : memref<8x32x128xf32, #tpu.memory_space<vmem>> -> memref<1x32x128xf32, #tpu.memory_space<vmem>>
      %dma_start3A_590 = tpu.memref_squeeze %dma_start3A_589 : memref<1x32x128xf32, #tpu.memory_space<vmem>> -> memref<32x128xf32, #tpu.memory_space<vmem>>
      %dma_start3A_591 = arith.constant 0 : i32
      %dma_start3A_592 = tpu.memref_slice %arg5[%dma_start3A_591, %multiple_of3A_579] : memref<32x1000000xf32, #tpu.memory_space<hbm>> -> memref<32x128xf32, #tpu.memory_space<hbm>>
      tpu.enqueue_dma source(%dma_start3A_592 : memref<32x128xf32, #tpu.memory_space<hbm>>) target(%dma_start3A_590 : memref<32x128xf32, #tpu.memory_space<vmem>>) target_semaphore(%arg22 : memref<!tpu.dma_semaphore, #tpu.memory_space<semaphore_mem>>)
      %slice3A_593 = vector.extract_strided_slice %get3A_407 {offsets = [1], sizes = [1], strides = [1]} : vector<16xi32> to vector<1xi32>
      %squeeze3A_594 = vector.extract %slice3A_593[0] : i32 from vector<1xi32>
      %shift_right_arithmetic3A_595 = arith.constant 7 : i32
      %shift_right_arithmetic3A_596 = arith.shrsi %squeeze3A_594, %shift_right_arithmetic3A_595 : i32
      %shift_left3A_597 = arith.constant 7 : i32
      %shift_left3A_598 = arith.shli %shift_right_arithmetic3A_596, %shift_left3A_597 : i32
      %multiple_of3A_599 = tpu.assume_multiple %shift_left3A_598, 128 : i32
      %dma_start3A_600 = arith.constant 1 : i32
      %dma_start3A_601 = arith.constant 0 : i32
      %dma_start3A_602 = arith.constant 0 : i32
      %dma_start3A_603 = tpu.memref_slice %arg11[%dma_start3A_600, %dma_start3A_601, %dma_start3A_602] : memref<8x32x128xf32, #tpu.memory_space<vmem>> -> memref<1x32x128xf32, #tpu.memory_space<vmem>>
      %dma_start3A_604 = tpu.memref_squeeze %dma_start3A_603 : memref<1x32x128xf32, #tpu.memory_space<vmem>> -> memref<32x128xf32, #tpu.memory_space<vmem>>
      %dma_start3A_605 = arith.constant 0 : i32
      %dma_start3A_606 = tpu.memref_slice %arg5[%dma_start3A_605, %multiple_of3A_599] : memref<32x1000000xf32, #tpu.memory_space<hbm>> -> memref<32x128xf32, #tpu.memory_space<hbm>>
      %dma_start3A_607 = arith.constant 0 : i32
      %dma_start3A_608 = arith.constant 0 : i32
      %dma_start3A_609 = tpu.memref_slice %arg11[%dma_start3A_600, %dma_start3A_607, %dma_start3A_608] : memref<8x32x128xf32, #tpu.memory_space<vmem>> -> memref<1x32x128xf32, #tpu.memory_space<vmem>>
      %dma_start3A_610 = tpu.memref_squeeze %dma_start3A_609 : memref<1x32x128xf32, #tpu.memory_space<vmem>> -> memref<32x128xf32, #tpu.memory_space<vmem>>
      %dma_start3A_611 = arith.constant 0 : i32
      %dma_start3A_612 = tpu.memref_slice %arg5[%dma_start3A_611, %multiple_of3A_599] : memref<32x1000000xf32, #tpu.memory_space<hbm>> -> memref<32x128xf32, #tpu.memory_space<hbm>>
      tpu.enqueue_dma source(%dma_start3A_612 : memref<32x128xf32, #tpu.memory_space<hbm>>) target(%dma_start3A_610 : memref<32x128xf32, #tpu.memory_space<vmem>>) target_semaphore(%arg23 : memref<!tpu.dma_semaphore, #tpu.memory_space<semaphore_mem>>)
      %slice3A_613 = vector.extract_strided_slice %get3A_407 {offsets = [2], sizes = [1], strides = [1]} : vector<16xi32> to vector<1xi32>
      %squeeze3A_614 = vector.extract %slice3A_613[0] : i32 from vector<1xi32>
      %shift_right_arithmetic3A_615 = arith.constant 7 : i32
      %shift_right_arithmetic3A_616 = arith.shrsi %squeeze3A_614, %shift_right_arithmetic3A_615 : i32
      %shift_left3A_617 = arith.constant 7 : i32
      %shift_left3A_618 = arith.shli %shift_right_arithmetic3A_616, %shift_left3A_617 : i32
      %multiple_of3A_619 = tpu.assume_multiple %shift_left3A_618, 128 : i32
      %dma_start3A_620 = arith.constant 2 : i32
      %dma_start3A_621 = arith.constant 0 : i32
      %dma_start3A_622 = arith.constant 0 : i32
      %dma_start3A_623 = tpu.memref_slice %arg11[%dma_start3A_620, %dma_start3A_621, %dma_start3A_622] : memref<8x32x128xf32, #tpu.memory_space<vmem>> -> memref<1x32x128xf32, #tpu.memory_space<vmem>>
      %dma_start3A_624 = tpu.memref_squeeze %dma_start3A_623 : memref<1x32x128xf32, #tpu.memory_space<vmem>> -> memref<32x128xf32, #tpu.memory_space<vmem>>
      %dma_start3A_625 = arith.constant 0 : i32
      %dma_start3A_626 = tpu.memref_slice %arg5[%dma_start3A_625, %multiple_of3A_619] : memref<32x1000000xf32, #tpu.memory_space<hbm>> -> memref<32x128xf32, #tpu.memory_space<hbm>>
      %dma_start3A_627 = arith.constant 0 : i32
      %dma_start3A_628 = arith.constant 0 : i32
      %dma_start3A_629 = tpu.memref_slice %arg11[%dma_start3A_620, %dma_start3A_627, %dma_start3A_628] : memref<8x32x128xf32, #tpu.memory_space<vmem>> -> memref<1x32x128xf32, #tpu.memory_space<vmem>>
      %dma_start3A_630 = tpu.memref_squeeze %dma_start3A_629 : memref<1x32x128xf32, #tpu.memory_space<vmem>> -> memref<32x128xf32, #tpu.memory_space<vmem>>
      %dma_start3A_631 = arith.constant 0 : i32
      %dma_start3A_632 = tpu.memref_slice %arg5[%dma_start3A_631, %multiple_of3A_619] : memref<32x1000000xf32, #tpu.memory_space<hbm>> -> memref<32x128xf32, #tpu.memory_space<hbm>>
      tpu.enqueue_dma source(%dma_start3A_632 : memref<32x128xf32, #tpu.memory_space<hbm>>) target(%dma_start3A_630 : memref<32x128xf32, #tpu.memory_space<vmem>>) target_semaphore(%arg24 : memref<!tpu.dma_semaphore, #tpu.memory_space<semaphore_mem>>)
      %slice3A_633 = vector.extract_strided_slice %get3A_407 {offsets = [3], sizes = [1], strides = [1]} : vector<16xi32> to vector<1xi32>
      %squeeze3A_634 = vector.extract %slice3A_633[0] : i32 from vector<1xi32>
      %shift_right_arithmetic3A_635 = arith.constant 7 : i32
      %shift_right_arithmetic3A_636 = arith.shrsi %squeeze3A_634, %shift_right_arithmetic3A_635 : i32
      %shift_left3A_637 = arith.constant 7 : i32
      %shift_left3A_638 = arith.shli %shift_right_arithmetic3A_636, %shift_left3A_637 : i32
      %multiple_of3A_639 = tpu.assume_multiple %shift_left3A_638, 128 : i32
      %dma_start3A_640 = arith.constant 3 : i32
      %dma_start3A_641 = arith.constant 0 : i32
      %dma_start3A_642 = arith.constant 0 : i32
      %dma_start3A_643 = tpu.memref_slice %arg11[%dma_start3A_640, %dma_start3A_641, %dma_start3A_642] : memref<8x32x128xf32, #tpu.memory_space<vmem>> -> memref<1x32x128xf32, #tpu.memory_space<vmem>>
      %dma_start3A_644 = tpu.memref_squeeze %dma_start3A_643 : memref<1x32x128xf32, #tpu.memory_space<vmem>> -> memref<32x128xf32, #tpu.memory_space<vmem>>
      %dma_start3A_645 = arith.constant 0 : i32
      %dma_start3A_646 = tpu.memref_slice %arg5[%dma_start3A_645, %multiple_of3A_639] : memref<32x1000000xf32, #tpu.memory_space<hbm>> -> memref<32x128xf32, #tpu.memory_space<hbm>>
      %dma_start3A_647 = arith.constant 0 : i32
      %dma_start3A_648 = arith.constant 0 : i32
      %dma_start3A_649 = tpu.memref_slice %arg11[%dma_start3A_640, %dma_start3A_647, %dma_start3A_648] : memref<8x32x128xf32, #tpu.memory_space<vmem>> -> memref<1x32x128xf32, #tpu.memory_space<vmem>>
      %dma_start3A_650 = tpu.memref_squeeze %dma_start3A_649 : memref<1x32x128xf32, #tpu.memory_space<vmem>> -> memref<32x128xf32, #tpu.memory_space<vmem>>
      %dma_start3A_651 = arith.constant 0 : i32
      %dma_start3A_652 = tpu.memref_slice %arg5[%dma_start3A_651, %multiple_of3A_639] : memref<32x1000000xf32, #tpu.memory_space<hbm>> -> memref<32x128xf32, #tpu.memory_space<hbm>>
      tpu.enqueue_dma source(%dma_start3A_652 : memref<32x128xf32, #tpu.memory_space<hbm>>) target(%dma_start3A_650 : memref<32x128xf32, #tpu.memory_space<vmem>>) target_semaphore(%arg25 : memref<!tpu.dma_semaphore, #tpu.memory_space<semaphore_mem>>)
      %slice3A_653 = vector.extract_strided_slice %get3A_407 {offsets = [4], sizes = [1], strides = [1]} : vector<16xi32> to vector<1xi32>
      %squeeze3A_654 = vector.extract %slice3A_653[0] : i32 from vector<1xi32>
      %shift_right_arithmetic3A_655 = arith.constant 7 : i32
      %shift_right_arithmetic3A_656 = arith.shrsi %squeeze3A_654, %shift_right_arithmetic3A_655 : i32
      %shift_left3A_657 = arith.constant 7 : i32
      %shift_left3A_658 = arith.shli %shift_right_arithmetic3A_656, %shift_left3A_657 : i32
      %multiple_of3A_659 = tpu.assume_multiple %shift_left3A_658, 128 : i32
      %dma_start3A_660 = arith.constant 4 : i32
      %dma_start3A_661 = arith.constant 0 : i32
      %dma_start3A_662 = arith.constant 0 : i32
      %dma_start3A_663 = tpu.memref_slice %arg11[%dma_start3A_660, %dma_start3A_661, %dma_start3A_662] : memref<8x32x128xf32, #tpu.memory_space<vmem>> -> memref<1x32x128xf32, #tpu.memory_space<vmem>>
      %dma_start3A_664 = tpu.memref_squeeze %dma_start3A_663 : memref<1x32x128xf32, #tpu.memory_space<vmem>> -> memref<32x128xf32, #tpu.memory_space<vmem>>
      %dma_start3A_665 = arith.constant 0 : i32
      %dma_start3A_666 = tpu.memref_slice %arg5[%dma_start3A_665, %multiple_of3A_659] : memref<32x1000000xf32, #tpu.memory_space<hbm>> -> memref<32x128xf32, #tpu.memory_space<hbm>>
      %dma_start3A_667 = arith.constant 0 : i32
      %dma_start3A_668 = arith.constant 0 : i32
      %dma_start3A_669 = tpu.memref_slice %arg11[%dma_start3A_660, %dma_start3A_667, %dma_start3A_668] : memref<8x32x128xf32, #tpu.memory_space<vmem>> -> memref<1x32x128xf32, #tpu.memory_space<vmem>>
      %dma_start3A_670 = tpu.memref_squeeze %dma_start3A_669 : memref<1x32x128xf32, #tpu.memory_space<vmem>> -> memref<32x128xf32, #tpu.memory_space<vmem>>
      %dma_start3A_671 = arith.constant 0 : i32
      %dma_start3A_672 = tpu.memref_slice %arg5[%dma_start3A_671, %multiple_of3A_659] : memref<32x1000000xf32, #tpu.memory_space<hbm>> -> memref<32x128xf32, #tpu.memory_space<hbm>>
      tpu.enqueue_dma source(%dma_start3A_672 : memref<32x128xf32, #tpu.memory_space<hbm>>) target(%dma_start3A_670 : memref<32x128xf32, #tpu.memory_space<vmem>>) target_semaphore(%arg26 : memref<!tpu.dma_semaphore, #tpu.memory_space<semaphore_mem>>)
      %slice3A_673 = vector.extract_strided_slice %get3A_407 {offsets = [5], sizes = [1], strides = [1]} : vector<16xi32> to vector<1xi32>
      %squeeze3A_674 = vector.extract %slice3A_673[0] : i32 from vector<1xi32>
      %shift_right_arithmetic3A_675 = arith.constant 7 : i32
      %shift_right_arithmetic3A_676 = arith.shrsi %squeeze3A_674, %shift_right_arithmetic3A_675 : i32
      %shift_left3A_677 = arith.constant 7 : i32
      %shift_left3A_678 = arith.shli %shift_right_arithmetic3A_676, %shift_left3A_677 : i32
      %multiple_of3A_679 = tpu.assume_multiple %shift_left3A_678, 128 : i32
      %dma_start3A_680 = arith.constant 5 : i32
      %dma_start3A_681 = arith.constant 0 : i32
      %dma_start3A_682 = arith.constant 0 : i32
      %dma_start3A_683 = tpu.memref_slice %arg11[%dma_start3A_680, %dma_start3A_681, %dma_start3A_682] : memref<8x32x128xf32, #tpu.memory_space<vmem>> -> memref<1x32x128xf32, #tpu.memory_space<vmem>>
      %dma_start3A_684 = tpu.memref_squeeze %dma_start3A_683 : memref<1x32x128xf32, #tpu.memory_space<vmem>> -> memref<32x128xf32, #tpu.memory_space<vmem>>
      %dma_start3A_685 = arith.constant 0 : i32
      %dma_start3A_686 = tpu.memref_slice %arg5[%dma_start3A_685, %multiple_of3A_679] : memref<32x1000000xf32, #tpu.memory_space<hbm>> -> memref<32x128xf32, #tpu.memory_space<hbm>>
      %dma_start3A_687 = arith.constant 0 : i32
      %dma_start3A_688 = arith.constant 0 : i32
      %dma_start3A_689 = tpu.memref_slice %arg11[%dma_start3A_680, %dma_start3A_687, %dma_start3A_688] : memref<8x32x128xf32, #tpu.memory_space<vmem>> -> memref<1x32x128xf32, #tpu.memory_space<vmem>>
      %dma_start3A_690 = tpu.memref_squeeze %dma_start3A_689 : memref<1x32x128xf32, #tpu.memory_space<vmem>> -> memref<32x128xf32, #tpu.memory_space<vmem>>
      %dma_start3A_691 = arith.constant 0 : i32
      %dma_start3A_692 = tpu.memref_slice %arg5[%dma_start3A_691, %multiple_of3A_679] : memref<32x1000000xf32, #tpu.memory_space<hbm>> -> memref<32x128xf32, #tpu.memory_space<hbm>>
      tpu.enqueue_dma source(%dma_start3A_692 : memref<32x128xf32, #tpu.memory_space<hbm>>) target(%dma_start3A_690 : memref<32x128xf32, #tpu.memory_space<vmem>>) target_semaphore(%arg27 : memref<!tpu.dma_semaphore, #tpu.memory_space<semaphore_mem>>)
      %slice3A_693 = vector.extract_strided_slice %get3A_407 {offsets = [6], sizes = [1], strides = [1]} : vector<16xi32> to vector<1xi32>
      %squeeze3A_694 = vector.extract %slice3A_693[0] : i32 from vector<1xi32>
      %shift_right_arithmetic3A_695 = arith.constant 7 : i32
      %shift_right_arithmetic3A_696 = arith.shrsi %squeeze3A_694, %shift_right_arithmetic3A_695 : i32
      %shift_left3A_697 = arith.constant 7 : i32
      %shift_left3A_698 = arith.shli %shift_right_arithmetic3A_696, %shift_left3A_697 : i32
      %multiple_of3A_699 = tpu.assume_multiple %shift_left3A_698, 128 : i32
      %dma_start3A_700 = arith.constant 6 : i32
      %dma_start3A_701 = arith.constant 0 : i32
      %dma_start3A_702 = arith.constant 0 : i32
      %dma_start3A_703 = tpu.memref_slice %arg11[%dma_start3A_700, %dma_start3A_701, %dma_start3A_702] : memref<8x32x128xf32, #tpu.memory_space<vmem>> -> memref<1x32x128xf32, #tpu.memory_space<vmem>>
      %dma_start3A_704 = tpu.memref_squeeze %dma_start3A_703 : memref<1x32x128xf32, #tpu.memory_space<vmem>> -> memref<32x128xf32, #tpu.memory_space<vmem>>
      %dma_start3A_705 = arith.constant 0 : i32
      %dma_start3A_706 = tpu.memref_slice %arg5[%dma_start3A_705, %multiple_of3A_699] : memref<32x1000000xf32, #tpu.memory_space<hbm>> -> memref<32x128xf32, #tpu.memory_space<hbm>>
      %dma_start3A_707 = arith.constant 0 : i32
      %dma_start3A_708 = arith.constant 0 : i32
      %dma_start3A_709 = tpu.memref_slice %arg11[%dma_start3A_700, %dma_start3A_707, %dma_start3A_708] : memref<8x32x128xf32, #tpu.memory_space<vmem>> -> memref<1x32x128xf32, #tpu.memory_space<vmem>>
      %dma_start3A_710 = tpu.memref_squeeze %dma_start3A_709 : memref<1x32x128xf32, #tpu.memory_space<vmem>> -> memref<32x128xf32, #tpu.memory_space<vmem>>
      %dma_start3A_711 = arith.constant 0 : i32
      %dma_start3A_712 = tpu.memref_slice %arg5[%dma_start3A_711, %multiple_of3A_699] : memref<32x1000000xf32, #tpu.memory_space<hbm>> -> memref<32x128xf32, #tpu.memory_space<hbm>>
      tpu.enqueue_dma source(%dma_start3A_712 : memref<32x128xf32, #tpu.memory_space<hbm>>) target(%dma_start3A_710 : memref<32x128xf32, #tpu.memory_space<vmem>>) target_semaphore(%arg28 : memref<!tpu.dma_semaphore, #tpu.memory_space<semaphore_mem>>)
      %slice3A_713 = vector.extract_strided_slice %get3A_407 {offsets = [7], sizes = [1], strides = [1]} : vector<16xi32> to vector<1xi32>
      %squeeze3A_714 = vector.extract %slice3A_713[0] : i32 from vector<1xi32>
      %shift_right_arithmetic3A_715 = arith.constant 7 : i32
      %shift_right_arithmetic3A_716 = arith.shrsi %squeeze3A_714, %shift_right_arithmetic3A_715 : i32
      %shift_left3A_717 = arith.constant 7 : i32
      %shift_left3A_718 = arith.shli %shift_right_arithmetic3A_716, %shift_left3A_717 : i32
      %multiple_of3A_719 = tpu.assume_multiple %shift_left3A_718, 128 : i32
      %dma_start3A_720 = arith.constant 7 : i32
      %dma_start3A_721 = arith.constant 0 : i32
      %dma_start3A_722 = arith.constant 0 : i32
      %dma_start3A_723 = tpu.memref_slice %arg11[%dma_start3A_720, %dma_start3A_721, %dma_start3A_722] : memref<8x32x128xf32, #tpu.memory_space<vmem>> -> memref<1x32x128xf32, #tpu.memory_space<vmem>>
      %dma_start3A_724 = tpu.memref_squeeze %dma_start3A_723 : memref<1x32x128xf32, #tpu.memory_space<vmem>> -> memref<32x128xf32, #tpu.memory_space<vmem>>
      %dma_start3A_725 = arith.constant 0 : i32
      %dma_start3A_726 = tpu.memref_slice %arg5[%dma_start3A_725, %multiple_of3A_719] : memref<32x1000000xf32, #tpu.memory_space<hbm>> -> memref<32x128xf32, #tpu.memory_space<hbm>>
      %dma_start3A_727 = arith.constant 0 : i32
      %dma_start3A_728 = arith.constant 0 : i32
      %dma_start3A_729 = tpu.memref_slice %arg11[%dma_start3A_720, %dma_start3A_727, %dma_start3A_728] : memref<8x32x128xf32, #tpu.memory_space<vmem>> -> memref<1x32x128xf32, #tpu.memory_space<vmem>>
      %dma_start3A_730 = tpu.memref_squeeze %dma_start3A_729 : memref<1x32x128xf32, #tpu.memory_space<vmem>> -> memref<32x128xf32, #tpu.memory_space<vmem>>
      %dma_start3A_731 = arith.constant 0 : i32
      %dma_start3A_732 = tpu.memref_slice %arg5[%dma_start3A_731, %multiple_of3A_719] : memref<32x1000000xf32, #tpu.memory_space<hbm>> -> memref<32x128xf32, #tpu.memory_space<hbm>>
      tpu.enqueue_dma source(%dma_start3A_732 : memref<32x128xf32, #tpu.memory_space<hbm>>) target(%dma_start3A_730 : memref<32x128xf32, #tpu.memory_space<vmem>>) target_semaphore(%arg29 : memref<!tpu.dma_semaphore, #tpu.memory_space<semaphore_mem>>)
      %ge3A = arith.constant 0 : i32
      %ge3A_733 = arith.cmpi sge, %scan3A_399, %ge3A : i32
      %mul3A_734 = arith.constant 16 : i32
      %mul3A_735 = arith.muli %scan3A_399, %mul3A_734 : i32
      %add3A_736 = arith.constant 8 : i32
      %add3A_737 = arith.addi %mul3A_735, %add3A_736 : i32
      %sub3A_738 = arith.constant 8 : i32
      %sub3A_739 = arith.subi %add3A_737, %sub3A_738 : i32
      %convert_element_type3A_740 = arith.extui %ge3A_733 : i1 to i32
      %cond3A_741 = arith.constant 0 : i32
      %cond3A_742 = arith.cmpi ne, %convert_element_type3A_740, %cond3A_741 : i32
      scf.if %cond3A_742 {
        %dma_wait3A_1067 = arith.constant 0 : i32
        %dma_wait3A_1068 = arith.constant 0 : i32
        %dma_wait3A_1069 = arith.constant 0 : i32
        %dma_wait3A_1070 = tpu.memref_slice %arg10[%dma_wait3A_1067, %dma_wait3A_1068, %dma_wait3A_1069] : memref<8x32x128xf32, #tpu.memory_space<vmem>> -> memref<1x32x128xf32, #tpu.memory_space<vmem>>
        %dma_wait3A_1071 = tpu.memref_squeeze %dma_wait3A_1070 : memref<1x32x128xf32, #tpu.memory_space<vmem>> -> memref<32x128xf32, #tpu.memory_space<vmem>>
        %dma_wait3A_1072 = arith.constant 0 : i32
        %dma_wait3A_1073 = arith.constant 0 : i32
        %dma_wait3A_1074 = tpu.memref_slice %arg4[%dma_wait3A_1072, %dma_wait3A_1073] : memref<32x1000000xf32, #tpu.memory_space<hbm>> -> memref<32x128xf32, #tpu.memory_space<hbm>>
        %dma_wait3A_1075 = arith.constant 0 : i32
        %dma_wait3A_1076 = arith.constant 0 : i32
        %dma_wait3A_1077 = tpu.memref_slice %arg10[%dma_wait3A_1067, %dma_wait3A_1075, %dma_wait3A_1076] : memref<8x32x128xf32, #tpu.memory_space<vmem>> -> memref<1x32x128xf32, #tpu.memory_space<vmem>>
        %dma_wait3A_1078 = tpu.memref_squeeze %dma_wait3A_1077 : memref<1x32x128xf32, #tpu.memory_space<vmem>> -> memref<32x128xf32, #tpu.memory_space<vmem>>
        %dma_wait3A_1079 = arith.constant 0 : i32
        %dma_wait3A_1080 = arith.constant 0 : i32
        %dma_wait3A_1081 = tpu.memref_slice %arg4[%dma_wait3A_1079, %dma_wait3A_1080] : memref<32x1000000xf32, #tpu.memory_space<hbm>> -> memref<32x128xf32, #tpu.memory_space<hbm>>
        tpu.wait_dma2 semaphore(%arg14 : memref<!tpu.dma_semaphore, #tpu.memory_space<semaphore_mem>>) src(%dma_wait3A_1081 : memref<32x128xf32, #tpu.memory_space<hbm>>) dst(%dma_wait3A_1078 : memref<32x128xf32, #tpu.memory_space<vmem>>)
        %dma_wait3A_1082 = arith.constant 1 : i32
        %dma_wait3A_1083 = arith.constant 0 : i32
        %dma_wait3A_1084 = arith.constant 0 : i32
        %dma_wait3A_1085 = tpu.memref_slice %arg10[%dma_wait3A_1082, %dma_wait3A_1083, %dma_wait3A_1084] : memref<8x32x128xf32, #tpu.memory_space<vmem>> -> memref<1x32x128xf32, #tpu.memory_space<vmem>>
        %dma_wait3A_1086 = tpu.memref_squeeze %dma_wait3A_1085 : memref<1x32x128xf32, #tpu.memory_space<vmem>> -> memref<32x128xf32, #tpu.memory_space<vmem>>
        %dma_wait3A_1087 = arith.constant 0 : i32
        %dma_wait3A_1088 = arith.constant 0 : i32
        %dma_wait3A_1089 = tpu.memref_slice %arg4[%dma_wait3A_1087, %dma_wait3A_1088] : memref<32x1000000xf32, #tpu.memory_space<hbm>> -> memref<32x128xf32, #tpu.memory_space<hbm>>
        %dma_wait3A_1090 = arith.constant 0 : i32
        %dma_wait3A_1091 = arith.constant 0 : i32
        %dma_wait3A_1092 = tpu.memref_slice %arg10[%dma_wait3A_1082, %dma_wait3A_1090, %dma_wait3A_1091] : memref<8x32x128xf32, #tpu.memory_space<vmem>> -> memref<1x32x128xf32, #tpu.memory_space<vmem>>
        %dma_wait3A_1093 = tpu.memref_squeeze %dma_wait3A_1092 : memref<1x32x128xf32, #tpu.memory_space<vmem>> -> memref<32x128xf32, #tpu.memory_space<vmem>>
        %dma_wait3A_1094 = arith.constant 0 : i32
        %dma_wait3A_1095 = arith.constant 0 : i32
        %dma_wait3A_1096 = tpu.memref_slice %arg4[%dma_wait3A_1094, %dma_wait3A_1095] : memref<32x1000000xf32, #tpu.memory_space<hbm>> -> memref<32x128xf32, #tpu.memory_space<hbm>>
        tpu.wait_dma2 semaphore(%arg15 : memref<!tpu.dma_semaphore, #tpu.memory_space<semaphore_mem>>) src(%dma_wait3A_1096 : memref<32x128xf32, #tpu.memory_space<hbm>>) dst(%dma_wait3A_1093 : memref<32x128xf32, #tpu.memory_space<vmem>>)
        %dma_wait3A_1097 = arith.constant 2 : i32
        %dma_wait3A_1098 = arith.constant 0 : i32
        %dma_wait3A_1099 = arith.constant 0 : i32
        %dma_wait3A_1100 = tpu.memref_slice %arg10[%dma_wait3A_1097, %dma_wait3A_1098, %dma_wait3A_1099] : memref<8x32x128xf32, #tpu.memory_space<vmem>> -> memref<1x32x128xf32, #tpu.memory_space<vmem>>
        %dma_wait3A_1101 = tpu.memref_squeeze %dma_wait3A_1100 : memref<1x32x128xf32, #tpu.memory_space<vmem>> -> memref<32x128xf32, #tpu.memory_space<vmem>>
        %dma_wait3A_1102 = arith.constant 0 : i32
        %dma_wait3A_1103 = arith.constant 0 : i32
        %dma_wait3A_1104 = tpu.memref_slice %arg4[%dma_wait3A_1102, %dma_wait3A_1103] : memref<32x1000000xf32, #tpu.memory_space<hbm>> -> memref<32x128xf32, #tpu.memory_space<hbm>>
        %dma_wait3A_1105 = arith.constant 0 : i32
        %dma_wait3A_1106 = arith.constant 0 : i32
        %dma_wait3A_1107 = tpu.memref_slice %arg10[%dma_wait3A_1097, %dma_wait3A_1105, %dma_wait3A_1106] : memref<8x32x128xf32, #tpu.memory_space<vmem>> -> memref<1x32x128xf32, #tpu.memory_space<vmem>>
        %dma_wait3A_1108 = tpu.memref_squeeze %dma_wait3A_1107 : memref<1x32x128xf32, #tpu.memory_space<vmem>> -> memref<32x128xf32, #tpu.memory_space<vmem>>
        %dma_wait3A_1109 = arith.constant 0 : i32
        %dma_wait3A_1110 = arith.constant 0 : i32
        %dma_wait3A_1111 = tpu.memref_slice %arg4[%dma_wait3A_1109, %dma_wait3A_1110] : memref<32x1000000xf32, #tpu.memory_space<hbm>> -> memref<32x128xf32, #tpu.memory_space<hbm>>
        tpu.wait_dma2 semaphore(%arg16 : memref<!tpu.dma_semaphore, #tpu.memory_space<semaphore_mem>>) src(%dma_wait3A_1111 : memref<32x128xf32, #tpu.memory_space<hbm>>) dst(%dma_wait3A_1108 : memref<32x128xf32, #tpu.memory_space<vmem>>)
        %dma_wait3A_1112 = arith.constant 3 : i32
        %dma_wait3A_1113 = arith.constant 0 : i32
        %dma_wait3A_1114 = arith.constant 0 : i32
        %dma_wait3A_1115 = tpu.memref_slice %arg10[%dma_wait3A_1112, %dma_wait3A_1113, %dma_wait3A_1114] : memref<8x32x128xf32, #tpu.memory_space<vmem>> -> memref<1x32x128xf32, #tpu.memory_space<vmem>>
        %dma_wait3A_1116 = tpu.memref_squeeze %dma_wait3A_1115 : memref<1x32x128xf32, #tpu.memory_space<vmem>> -> memref<32x128xf32, #tpu.memory_space<vmem>>
        %dma_wait3A_1117 = arith.constant 0 : i32
        %dma_wait3A_1118 = arith.constant 0 : i32
        %dma_wait3A_1119 = tpu.memref_slice %arg4[%dma_wait3A_1117, %dma_wait3A_1118] : memref<32x1000000xf32, #tpu.memory_space<hbm>> -> memref<32x128xf32, #tpu.memory_space<hbm>>
        %dma_wait3A_1120 = arith.constant 0 : i32
        %dma_wait3A_1121 = arith.constant 0 : i32
        %dma_wait3A_1122 = tpu.memref_slice %arg10[%dma_wait3A_1112, %dma_wait3A_1120, %dma_wait3A_1121] : memref<8x32x128xf32, #tpu.memory_space<vmem>> -> memref<1x32x128xf32, #tpu.memory_space<vmem>>
        %dma_wait3A_1123 = tpu.memref_squeeze %dma_wait3A_1122 : memref<1x32x128xf32, #tpu.memory_space<vmem>> -> memref<32x128xf32, #tpu.memory_space<vmem>>
        %dma_wait3A_1124 = arith.constant 0 : i32
        %dma_wait3A_1125 = arith.constant 0 : i32
        %dma_wait3A_1126 = tpu.memref_slice %arg4[%dma_wait3A_1124, %dma_wait3A_1125] : memref<32x1000000xf32, #tpu.memory_space<hbm>> -> memref<32x128xf32, #tpu.memory_space<hbm>>
        tpu.wait_dma2 semaphore(%arg17 : memref<!tpu.dma_semaphore, #tpu.memory_space<semaphore_mem>>) src(%dma_wait3A_1126 : memref<32x128xf32, #tpu.memory_space<hbm>>) dst(%dma_wait3A_1123 : memref<32x128xf32, #tpu.memory_space<vmem>>)
        %dma_wait3A_1127 = arith.constant 4 : i32
        %dma_wait3A_1128 = arith.constant 0 : i32
        %dma_wait3A_1129 = arith.constant 0 : i32
        %dma_wait3A_1130 = tpu.memref_slice %arg10[%dma_wait3A_1127, %dma_wait3A_1128, %dma_wait3A_1129] : memref<8x32x128xf32, #tpu.memory_space<vmem>> -> memref<1x32x128xf32, #tpu.memory_space<vmem>>
        %dma_wait3A_1131 = tpu.memref_squeeze %dma_wait3A_1130 : memref<1x32x128xf32, #tpu.memory_space<vmem>> -> memref<32x128xf32, #tpu.memory_space<vmem>>
        %dma_wait3A_1132 = arith.constant 0 : i32
        %dma_wait3A_1133 = arith.constant 0 : i32
        %dma_wait3A_1134 = tpu.memref_slice %arg4[%dma_wait3A_1132, %dma_wait3A_1133] : memref<32x1000000xf32, #tpu.memory_space<hbm>> -> memref<32x128xf32, #tpu.memory_space<hbm>>
        %dma_wait3A_1135 = arith.constant 0 : i32
        %dma_wait3A_1136 = arith.constant 0 : i32
        %dma_wait3A_1137 = tpu.memref_slice %arg10[%dma_wait3A_1127, %dma_wait3A_1135, %dma_wait3A_1136] : memref<8x32x128xf32, #tpu.memory_space<vmem>> -> memref<1x32x128xf32, #tpu.memory_space<vmem>>
        %dma_wait3A_1138 = tpu.memref_squeeze %dma_wait3A_1137 : memref<1x32x128xf32, #tpu.memory_space<vmem>> -> memref<32x128xf32, #tpu.memory_space<vmem>>
        %dma_wait3A_1139 = arith.constant 0 : i32
        %dma_wait3A_1140 = arith.constant 0 : i32
        %dma_wait3A_1141 = tpu.memref_slice %arg4[%dma_wait3A_1139, %dma_wait3A_1140] : memref<32x1000000xf32, #tpu.memory_space<hbm>> -> memref<32x128xf32, #tpu.memory_space<hbm>>
        tpu.wait_dma2 semaphore(%arg18 : memref<!tpu.dma_semaphore, #tpu.memory_space<semaphore_mem>>) src(%dma_wait3A_1141 : memref<32x128xf32, #tpu.memory_space<hbm>>) dst(%dma_wait3A_1138 : memref<32x128xf32, #tpu.memory_space<vmem>>)
        %dma_wait3A_1142 = arith.constant 5 : i32
        %dma_wait3A_1143 = arith.constant 0 : i32
        %dma_wait3A_1144 = arith.constant 0 : i32
        %dma_wait3A_1145 = tpu.memref_slice %arg10[%dma_wait3A_1142, %dma_wait3A_1143, %dma_wait3A_1144] : memref<8x32x128xf32, #tpu.memory_space<vmem>> -> memref<1x32x128xf32, #tpu.memory_space<vmem>>
        %dma_wait3A_1146 = tpu.memref_squeeze %dma_wait3A_1145 : memref<1x32x128xf32, #tpu.memory_space<vmem>> -> memref<32x128xf32, #tpu.memory_space<vmem>>
        %dma_wait3A_1147 = arith.constant 0 : i32
        %dma_wait3A_1148 = arith.constant 0 : i32
        %dma_wait3A_1149 = tpu.memref_slice %arg4[%dma_wait3A_1147, %dma_wait3A_1148] : memref<32x1000000xf32, #tpu.memory_space<hbm>> -> memref<32x128xf32, #tpu.memory_space<hbm>>
        %dma_wait3A_1150 = arith.constant 0 : i32
        %dma_wait3A_1151 = arith.constant 0 : i32
        %dma_wait3A_1152 = tpu.memref_slice %arg10[%dma_wait3A_1142, %dma_wait3A_1150, %dma_wait3A_1151] : memref<8x32x128xf32, #tpu.memory_space<vmem>> -> memref<1x32x128xf32, #tpu.memory_space<vmem>>
        %dma_wait3A_1153 = tpu.memref_squeeze %dma_wait3A_1152 : memref<1x32x128xf32, #tpu.memory_space<vmem>> -> memref<32x128xf32, #tpu.memory_space<vmem>>
        %dma_wait3A_1154 = arith.constant 0 : i32
        %dma_wait3A_1155 = arith.constant 0 : i32
        %dma_wait3A_1156 = tpu.memref_slice %arg4[%dma_wait3A_1154, %dma_wait3A_1155] : memref<32x1000000xf32, #tpu.memory_space<hbm>> -> memref<32x128xf32, #tpu.memory_space<hbm>>
        tpu.wait_dma2 semaphore(%arg19 : memref<!tpu.dma_semaphore, #tpu.memory_space<semaphore_mem>>) src(%dma_wait3A_1156 : memref<32x128xf32, #tpu.memory_space<hbm>>) dst(%dma_wait3A_1153 : memref<32x128xf32, #tpu.memory_space<vmem>>)
        %dma_wait3A_1157 = arith.constant 6 : i32
        %dma_wait3A_1158 = arith.constant 0 : i32
        %dma_wait3A_1159 = arith.constant 0 : i32
        %dma_wait3A_1160 = tpu.memref_slice %arg10[%dma_wait3A_1157, %dma_wait3A_1158, %dma_wait3A_1159] : memref<8x32x128xf32, #tpu.memory_space<vmem>> -> memref<1x32x128xf32, #tpu.memory_space<vmem>>
        %dma_wait3A_1161 = tpu.memref_squeeze %dma_wait3A_1160 : memref<1x32x128xf32, #tpu.memory_space<vmem>> -> memref<32x128xf32, #tpu.memory_space<vmem>>
        %dma_wait3A_1162 = arith.constant 0 : i32
        %dma_wait3A_1163 = arith.constant 0 : i32
        %dma_wait3A_1164 = tpu.memref_slice %arg4[%dma_wait3A_1162, %dma_wait3A_1163] : memref<32x1000000xf32, #tpu.memory_space<hbm>> -> memref<32x128xf32, #tpu.memory_space<hbm>>
        %dma_wait3A_1165 = arith.constant 0 : i32
        %dma_wait3A_1166 = arith.constant 0 : i32
        %dma_wait3A_1167 = tpu.memref_slice %arg10[%dma_wait3A_1157, %dma_wait3A_1165, %dma_wait3A_1166] : memref<8x32x128xf32, #tpu.memory_space<vmem>> -> memref<1x32x128xf32, #tpu.memory_space<vmem>>
        %dma_wait3A_1168 = tpu.memref_squeeze %dma_wait3A_1167 : memref<1x32x128xf32, #tpu.memory_space<vmem>> -> memref<32x128xf32, #tpu.memory_space<vmem>>
        %dma_wait3A_1169 = arith.constant 0 : i32
        %dma_wait3A_1170 = arith.constant 0 : i32
        %dma_wait3A_1171 = tpu.memref_slice %arg4[%dma_wait3A_1169, %dma_wait3A_1170] : memref<32x1000000xf32, #tpu.memory_space<hbm>> -> memref<32x128xf32, #tpu.memory_space<hbm>>
        tpu.wait_dma2 semaphore(%arg20 : memref<!tpu.dma_semaphore, #tpu.memory_space<semaphore_mem>>) src(%dma_wait3A_1171 : memref<32x128xf32, #tpu.memory_space<hbm>>) dst(%dma_wait3A_1168 : memref<32x128xf32, #tpu.memory_space<vmem>>)
        %dma_wait3A_1172 = arith.constant 7 : i32
        %dma_wait3A_1173 = arith.constant 0 : i32
        %dma_wait3A_1174 = arith.constant 0 : i32
        %dma_wait3A_1175 = tpu.memref_slice %arg10[%dma_wait3A_1172, %dma_wait3A_1173, %dma_wait3A_1174] : memref<8x32x128xf32, #tpu.memory_space<vmem>> -> memref<1x32x128xf32, #tpu.memory_space<vmem>>
        %dma_wait3A_1176 = tpu.memref_squeeze %dma_wait3A_1175 : memref<1x32x128xf32, #tpu.memory_space<vmem>> -> memref<32x128xf32, #tpu.memory_space<vmem>>
        %dma_wait3A_1177 = arith.constant 0 : i32
        %dma_wait3A_1178 = arith.constant 0 : i32
        %dma_wait3A_1179 = tpu.memref_slice %arg4[%dma_wait3A_1177, %dma_wait3A_1178] : memref<32x1000000xf32, #tpu.memory_space<hbm>> -> memref<32x128xf32, #tpu.memory_space<hbm>>
        %dma_wait3A_1180 = arith.constant 0 : i32
        %dma_wait3A_1181 = arith.constant 0 : i32
        %dma_wait3A_1182 = tpu.memref_slice %arg10[%dma_wait3A_1172, %dma_wait3A_1180, %dma_wait3A_1181] : memref<8x32x128xf32, #tpu.memory_space<vmem>> -> memref<1x32x128xf32, #tpu.memory_space<vmem>>
        %dma_wait3A_1183 = tpu.memref_squeeze %dma_wait3A_1182 : memref<1x32x128xf32, #tpu.memory_space<vmem>> -> memref<32x128xf32, #tpu.memory_space<vmem>>
        %dma_wait3A_1184 = arith.constant 0 : i32
        %dma_wait3A_1185 = arith.constant 0 : i32
        %dma_wait3A_1186 = tpu.memref_slice %arg4[%dma_wait3A_1184, %dma_wait3A_1185] : memref<32x1000000xf32, #tpu.memory_space<hbm>> -> memref<32x128xf32, #tpu.memory_space<hbm>>
        tpu.wait_dma2 semaphore(%arg21 : memref<!tpu.dma_semaphore, #tpu.memory_space<semaphore_mem>>) src(%dma_wait3A_1186 : memref<32x128xf32, #tpu.memory_space<hbm>>) dst(%dma_wait3A_1183 : memref<32x128xf32, #tpu.memory_space<vmem>>)
        %add3A_1187 = vector.broadcast %sub3A_739 : i32 to vector<16xi32>
        %add3A_1188 = arith.addi %add3A_1187, %and3A_4 : vector<16xi32>
        %gather3A_1189 = tpu.vector_load_idx %arg8[%add3A_1188] : memref<512xi32, #tpu.memory_space<vmem>>[vector<16xi32>], vector<16xi32>,
        %and3A_1190 = arith.constant 127 : i32
        %and3A_1191 = vector.broadcast %and3A_1190 : i32 to vector<16xi32>
        %and3A_1192 = arith.andi %gather3A_1189, %and3A_1191 : vector<16xi32>
        %add3A_1193 = vector.broadcast %sub3A_739 : i32 to vector<16xi32>
        %add3A_1194 = arith.addi %add3A_1193, %and3A_4 : vector<16xi32>
        %add3A_1195 = arith.constant 0 : i32
        %add3A_1196 = vector.broadcast %add3A_1195 : i32 to vector<16xi32>
        %add3A_1197 = arith.addi %add3A_1196, %shift_right_arithmetic3A_6 : vector<16xi32>
        %gather3A_1198 = tpu.vector_load_idx %arg10[%and3A_4, %add3A_1197, %and3A_1192] : memref<8x32x128xf32, #tpu.memory_space<vmem>>[vector<16xi32>, vector<16xi32>, vector<16xi32>], vector<16xf32>,
        tpu.vector_store_idx %arg12[%add3A_1197, %add3A_1194], %gather3A_1198 : memref<32x512xf32, #tpu.memory_space<vmem>>[vector<16xi32>, vector<16xi32>], vector<16xf32>,
        %add3A_1199 = arith.constant 2 : i32
        %add3A_1200 = vector.broadcast %add3A_1199 : i32 to vector<16xi32>
        %add3A_1201 = arith.addi %add3A_1200, %shift_right_arithmetic3A_6 : vector<16xi32>
        %gather3A_1202 = tpu.vector_load_idx %arg10[%and3A_4, %add3A_1201, %and3A_1192] : memref<8x32x128xf32, #tpu.memory_space<vmem>>[vector<16xi32>, vector<16xi32>, vector<16xi32>], vector<16xf32>,
        tpu.vector_store_idx %arg12[%add3A_1201, %add3A_1194], %gather3A_1202 : memref<32x512xf32, #tpu.memory_space<vmem>>[vector<16xi32>, vector<16xi32>], vector<16xf32>,
        %add3A_1203 = arith.constant 4 : i32
        %add3A_1204 = vector.broadcast %add3A_1203 : i32 to vector<16xi32>
        %add3A_1205 = arith.addi %add3A_1204, %shift_right_arithmetic3A_6 : vector<16xi32>
        %gather3A_1206 = tpu.vector_load_idx %arg10[%and3A_4, %add3A_1205, %and3A_1192] : memref<8x32x128xf32, #tpu.memory_space<vmem>>[vector<16xi32>, vector<16xi32>, vector<16xi32>], vector<16xf32>,
        tpu.vector_store_idx %arg12[%add3A_1205, %add3A_1194], %gather3A_1206 : memref<32x512xf32, #tpu.memory_space<vmem>>[vector<16xi32>, vector<16xi32>], vector<16xf32>,
        %add3A_1207 = arith.constant 6 : i32
        %add3A_1208 = vector.broadcast %add3A_1207 : i32 to vector<16xi32>
        %add3A_1209 = arith.addi %add3A_1208, %shift_right_arithmetic3A_6 : vector<16xi32>
        %gather3A_1210 = tpu.vector_load_idx %arg10[%and3A_4, %add3A_1209, %and3A_1192] : memref<8x32x128xf32, #tpu.memory_space<vmem>>[vector<16xi32>, vector<16xi32>, vector<16xi32>], vector<16xf32>,
        tpu.vector_store_idx %arg12[%add3A_1209, %add3A_1194], %gather3A_1210 : memref<32x512xf32, #tpu.memory_space<vmem>>[vector<16xi32>, vector<16xi32>], vector<16xf32>,
        %add3A_1211 = arith.constant 8 : i32
        %add3A_1212 = vector.broadcast %add3A_1211 : i32 to vector<16xi32>
        %add3A_1213 = arith.addi %add3A_1212, %shift_right_arithmetic3A_6 : vector<16xi32>
        %gather3A_1214 = tpu.vector_load_idx %arg10[%and3A_4, %add3A_1213, %and3A_1192] : memref<8x32x128xf32, #tpu.memory_space<vmem>>[vector<16xi32>, vector<16xi32>, vector<16xi32>], vector<16xf32>,
        tpu.vector_store_idx %arg12[%add3A_1213, %add3A_1194], %gather3A_1214 : memref<32x512xf32, #tpu.memory_space<vmem>>[vector<16xi32>, vector<16xi32>], vector<16xf32>,
        %add3A_1215 = arith.constant 10 : i32
        %add3A_1216 = vector.broadcast %add3A_1215 : i32 to vector<16xi32>
        %add3A_1217 = arith.addi %add3A_1216, %shift_right_arithmetic3A_6 : vector<16xi32>
        %gather3A_1218 = tpu.vector_load_idx %arg10[%and3A_4, %add3A_1217, %and3A_1192] : memref<8x32x128xf32, #tpu.memory_space<vmem>>[vector<16xi32>, vector<16xi32>, vector<16xi32>], vector<16xf32>,
        tpu.vector_store_idx %arg12[%add3A_1217, %add3A_1194], %gather3A_1218 : memref<32x512xf32, #tpu.memory_space<vmem>>[vector<16xi32>, vector<16xi32>], vector<16xf32>,
        %add3A_1219 = arith.constant 12 : i32
        %add3A_1220 = vector.broadcast %add3A_1219 : i32 to vector<16xi32>
        %add3A_1221 = arith.addi %add3A_1220, %shift_right_arithmetic3A_6 : vector<16xi32>
        %gather3A_1222 = tpu.vector_load_idx %arg10[%and3A_4, %add3A_1221, %and3A_1192] : memref<8x32x128xf32, #tpu.memory_space<vmem>>[vector<16xi32>, vector<16xi32>, vector<16xi32>], vector<16xf32>,
        tpu.vector_store_idx %arg12[%add3A_1221, %add3A_1194], %gather3A_1222 : memref<32x512xf32, #tpu.memory_space<vmem>>[vector<16xi32>, vector<16xi32>], vector<16xf32>,
        %add3A_1223 = arith.constant 14 : i32
        %add3A_1224 = vector.broadcast %add3A_1223 : i32 to vector<16xi32>
        %add3A_1225 = arith.addi %add3A_1224, %shift_right_arithmetic3A_6 : vector<16xi32>
        %gather3A_1226 = tpu.vector_load_idx %arg10[%and3A_4, %add3A_1225, %and3A_1192] : memref<8x32x128xf32, #tpu.memory_space<vmem>>[vector<16xi32>, vector<16xi32>, vector<16xi32>], vector<16xf32>,
        tpu.vector_store_idx %arg12[%add3A_1225, %add3A_1194], %gather3A_1226 : memref<32x512xf32, #tpu.memory_space<vmem>>[vector<16xi32>, vector<16xi32>], vector<16xf32>,
        %add3A_1227 = arith.constant 16 : i32
        %add3A_1228 = vector.broadcast %add3A_1227 : i32 to vector<16xi32>
        %add3A_1229 = arith.addi %add3A_1228, %shift_right_arithmetic3A_6 : vector<16xi32>
        %gather3A_1230 = tpu.vector_load_idx %arg10[%and3A_4, %add3A_1229, %and3A_1192] : memref<8x32x128xf32, #tpu.memory_space<vmem>>[vector<16xi32>, vector<16xi32>, vector<16xi32>], vector<16xf32>,
        tpu.vector_store_idx %arg12[%add3A_1229, %add3A_1194], %gather3A_1230 : memref<32x512xf32, #tpu.memory_space<vmem>>[vector<16xi32>, vector<16xi32>], vector<16xf32>,
        %add3A_1231 = arith.constant 18 : i32
        %add3A_1232 = vector.broadcast %add3A_1231 : i32 to vector<16xi32>
        %add3A_1233 = arith.addi %add3A_1232, %shift_right_arithmetic3A_6 : vector<16xi32>
        %gather3A_1234 = tpu.vector_load_idx %arg10[%and3A_4, %add3A_1233, %and3A_1192] : memref<8x32x128xf32, #tpu.memory_space<vmem>>[vector<16xi32>, vector<16xi32>, vector<16xi32>], vector<16xf32>,
        tpu.vector_store_idx %arg12[%add3A_1233, %add3A_1194], %gather3A_1234 : memref<32x512xf32, #tpu.memory_space<vmem>>[vector<16xi32>, vector<16xi32>], vector<16xf32>,
        %add3A_1235 = arith.constant 20 : i32
        %add3A_1236 = vector.broadcast %add3A_1235 : i32 to vector<16xi32>
        %add3A_1237 = arith.addi %add3A_1236, %shift_right_arithmetic3A_6 : vector<16xi32>
        %gather3A_1238 = tpu.vector_load_idx %arg10[%and3A_4, %add3A_1237, %and3A_1192] : memref<8x32x128xf32, #tpu.memory_space<vmem>>[vector<16xi32>, vector<16xi32>, vector<16xi32>], vector<16xf32>,
        tpu.vector_store_idx %arg12[%add3A_1237, %add3A_1194], %gather3A_1238 : memref<32x512xf32, #tpu.memory_space<vmem>>[vector<16xi32>, vector<16xi32>], vector<16xf32>,
        %add3A_1239 = arith.constant 22 : i32
        %add3A_1240 = vector.broadcast %add3A_1239 : i32 to vector<16xi32>
        %add3A_1241 = arith.addi %add3A_1240, %shift_right_arithmetic3A_6 : vector<16xi32>
        %gather3A_1242 = tpu.vector_load_idx %arg10[%and3A_4, %add3A_1241, %and3A_1192] : memref<8x32x128xf32, #tpu.memory_space<vmem>>[vector<16xi32>, vector<16xi32>, vector<16xi32>], vector<16xf32>,
        tpu.vector_store_idx %arg12[%add3A_1241, %add3A_1194], %gather3A_1242 : memref<32x512xf32, #tpu.memory_space<vmem>>[vector<16xi32>, vector<16xi32>], vector<16xf32>,
        %add3A_1243 = arith.constant 24 : i32
        %add3A_1244 = vector.broadcast %add3A_1243 : i32 to vector<16xi32>
        %add3A_1245 = arith.addi %add3A_1244, %shift_right_arithmetic3A_6 : vector<16xi32>
        %gather3A_1246 = tpu.vector_load_idx %arg10[%and3A_4, %add3A_1245, %and3A_1192] : memref<8x32x128xf32, #tpu.memory_space<vmem>>[vector<16xi32>, vector<16xi32>, vector<16xi32>], vector<16xf32>,
        tpu.vector_store_idx %arg12[%add3A_1245, %add3A_1194], %gather3A_1246 : memref<32x512xf32, #tpu.memory_space<vmem>>[vector<16xi32>, vector<16xi32>], vector<16xf32>,
        %add3A_1247 = arith.constant 26 : i32
        %add3A_1248 = vector.broadcast %add3A_1247 : i32 to vector<16xi32>
        %add3A_1249 = arith.addi %add3A_1248, %shift_right_arithmetic3A_6 : vector<16xi32>
        %gather3A_1250 = tpu.vector_load_idx %arg10[%and3A_4, %add3A_1249, %and3A_1192] : memref<8x32x128xf32, #tpu.memory_space<vmem>>[vector<16xi32>, vector<16xi32>, vector<16xi32>], vector<16xf32>,
        tpu.vector_store_idx %arg12[%add3A_1249, %add3A_1194], %gather3A_1250 : memref<32x512xf32, #tpu.memory_space<vmem>>[vector<16xi32>, vector<16xi32>], vector<16xf32>,
        %add3A_1251 = arith.constant 28 : i32
        %add3A_1252 = vector.broadcast %add3A_1251 : i32 to vector<16xi32>
        %add3A_1253 = arith.addi %add3A_1252, %shift_right_arithmetic3A_6 : vector<16xi32>
        %gather3A_1254 = tpu.vector_load_idx %arg10[%and3A_4, %add3A_1253, %and3A_1192] : memref<8x32x128xf32, #tpu.memory_space<vmem>>[vector<16xi32>, vector<16xi32>, vector<16xi32>], vector<16xf32>,
        tpu.vector_store_idx %arg12[%add3A_1253, %add3A_1194], %gather3A_1254 : memref<32x512xf32, #tpu.memory_space<vmem>>[vector<16xi32>, vector<16xi32>], vector<16xf32>,
        %add3A_1255 = arith.constant 30 : i32
        %add3A_1256 = vector.broadcast %add3A_1255 : i32 to vector<16xi32>
        %add3A_1257 = arith.addi %add3A_1256, %shift_right_arithmetic3A_6 : vector<16xi32>
        %gather3A_1258 = tpu.vector_load_idx %arg10[%and3A_4, %add3A_1257, %and3A_1192] : memref<8x32x128xf32, #tpu.memory_space<vmem>>[vector<16xi32>, vector<16xi32>, vector<16xi32>], vector<16xf32>,
        tpu.vector_store_idx %arg12[%add3A_1257, %add3A_1194], %gather3A_1258 : memref<32x512xf32, #tpu.memory_space<vmem>>[vector<16xi32>, vector<16xi32>], vector<16xf32>,
      } else {
      }
      %slice3A_743 = vector.extract_strided_slice %get3A_403 {offsets = [8], sizes = [1], strides = [1]} : vector<16xi32> to vector<1xi32>
      %squeeze3A_744 = vector.extract %slice3A_743[0] : i32 from vector<1xi32>
      %shift_right_arithmetic3A_745 = arith.constant 7 : i32
      %shift_right_arithmetic3A_746 = arith.shrsi %squeeze3A_744, %shift_right_arithmetic3A_745 : i32
      %shift_left3A_747 = arith.constant 7 : i32
      %shift_left3A_748 = arith.shli %shift_right_arithmetic3A_746, %shift_left3A_747 : i32
      %multiple_of3A_749 = tpu.assume_multiple %shift_left3A_748, 128 : i32
      %dma_start3A_750 = arith.constant 0 : i32
      %dma_start3A_751 = arith.constant 0 : i32
      %dma_start3A_752 = arith.constant 0 : i32
      %dma_start3A_753 = tpu.memref_slice %arg10[%dma_start3A_750, %dma_start3A_751, %dma_start3A_752] : memref<8x32x128xf32, #tpu.memory_space<vmem>> -> memref<1x32x128xf32, #tpu.memory_space<vmem>>
      %dma_start3A_754 = tpu.memref_squeeze %dma_start3A_753 : memref<1x32x128xf32, #tpu.memory_space<vmem>> -> memref<32x128xf32, #tpu.memory_space<vmem>>
      %dma_start3A_755 = arith.constant 0 : i32
      %dma_start3A_756 = tpu.memref_slice %arg4[%dma_start3A_755, %multiple_of3A_749] : memref<32x1000000xf32, #tpu.memory_space<hbm>> -> memref<32x128xf32, #tpu.memory_space<hbm>>
      %dma_start3A_757 = arith.constant 0 : i32
      %dma_start3A_758 = arith.constant 0 : i32
      %dma_start3A_759 = tpu.memref_slice %arg10[%dma_start3A_750, %dma_start3A_757, %dma_start3A_758] : memref<8x32x128xf32, #tpu.memory_space<vmem>> -> memref<1x32x128xf32, #tpu.memory_space<vmem>>
      %dma_start3A_760 = tpu.memref_squeeze %dma_start3A_759 : memref<1x32x128xf32, #tpu.memory_space<vmem>> -> memref<32x128xf32, #tpu.memory_space<vmem>>
      %dma_start3A_761 = arith.constant 0 : i32
      %dma_start3A_762 = tpu.memref_slice %arg4[%dma_start3A_761, %multiple_of3A_749] : memref<32x1000000xf32, #tpu.memory_space<hbm>> -> memref<32x128xf32, #tpu.memory_space<hbm>>
      tpu.enqueue_dma source(%dma_start3A_762 : memref<32x128xf32, #tpu.memory_space<hbm>>) target(%dma_start3A_760 : memref<32x128xf32, #tpu.memory_space<vmem>>) target_semaphore(%arg14 : memref<!tpu.dma_semaphore, #tpu.memory_space<semaphore_mem>>)
      %slice3A_763 = vector.extract_strided_slice %get3A_403 {offsets = [9], sizes = [1], strides = [1]} : vector<16xi32> to vector<1xi32>
      %squeeze3A_764 = vector.extract %slice3A_763[0] : i32 from vector<1xi32>
      %shift_right_arithmetic3A_765 = arith.constant 7 : i32
      %shift_right_arithmetic3A_766 = arith.shrsi %squeeze3A_764, %shift_right_arithmetic3A_765 : i32
      %shift_left3A_767 = arith.constant 7 : i32
      %shift_left3A_768 = arith.shli %shift_right_arithmetic3A_766, %shift_left3A_767 : i32
      %multiple_of3A_769 = tpu.assume_multiple %shift_left3A_768, 128 : i32
      %dma_start3A_770 = arith.constant 1 : i32
      %dma_start3A_771 = arith.constant 0 : i32
      %dma_start3A_772 = arith.constant 0 : i32
      %dma_start3A_773 = tpu.memref_slice %arg10[%dma_start3A_770, %dma_start3A_771, %dma_start3A_772] : memref<8x32x128xf32, #tpu.memory_space<vmem>> -> memref<1x32x128xf32, #tpu.memory_space<vmem>>
      %dma_start3A_774 = tpu.memref_squeeze %dma_start3A_773 : memref<1x32x128xf32, #tpu.memory_space<vmem>> -> memref<32x128xf32, #tpu.memory_space<vmem>>
      %dma_start3A_775 = arith.constant 0 : i32
      %dma_start3A_776 = tpu.memref_slice %arg4[%dma_start3A_775, %multiple_of3A_769] : memref<32x1000000xf32, #tpu.memory_space<hbm>> -> memref<32x128xf32, #tpu.memory_space<hbm>>
      %dma_start3A_777 = arith.constant 0 : i32
      %dma_start3A_778 = arith.constant 0 : i32
      %dma_start3A_779 = tpu.memref_slice %arg10[%dma_start3A_770, %dma_start3A_777, %dma_start3A_778] : memref<8x32x128xf32, #tpu.memory_space<vmem>> -> memref<1x32x128xf32, #tpu.memory_space<vmem>>
      %dma_start3A_780 = tpu.memref_squeeze %dma_start3A_779 : memref<1x32x128xf32, #tpu.memory_space<vmem>> -> memref<32x128xf32, #tpu.memory_space<vmem>>
      %dma_start3A_781 = arith.constant 0 : i32
      %dma_start3A_782 = tpu.memref_slice %arg4[%dma_start3A_781, %multiple_of3A_769] : memref<32x1000000xf32, #tpu.memory_space<hbm>> -> memref<32x128xf32, #tpu.memory_space<hbm>>
      tpu.enqueue_dma source(%dma_start3A_782 : memref<32x128xf32, #tpu.memory_space<hbm>>) target(%dma_start3A_780 : memref<32x128xf32, #tpu.memory_space<vmem>>) target_semaphore(%arg15 : memref<!tpu.dma_semaphore, #tpu.memory_space<semaphore_mem>>)
      %slice3A_783 = vector.extract_strided_slice %get3A_403 {offsets = [10], sizes = [1], strides = [1]} : vector<16xi32> to vector<1xi32>
      %squeeze3A_784 = vector.extract %slice3A_783[0] : i32 from vector<1xi32>
      %shift_right_arithmetic3A_785 = arith.constant 7 : i32
      %shift_right_arithmetic3A_786 = arith.shrsi %squeeze3A_784, %shift_right_arithmetic3A_785 : i32
      %shift_left3A_787 = arith.constant 7 : i32
      %shift_left3A_788 = arith.shli %shift_right_arithmetic3A_786, %shift_left3A_787 : i32
      %multiple_of3A_789 = tpu.assume_multiple %shift_left3A_788, 128 : i32
      %dma_start3A_790 = arith.constant 2 : i32
      %dma_start3A_791 = arith.constant 0 : i32
      %dma_start3A_792 = arith.constant 0 : i32
      %dma_start3A_793 = tpu.memref_slice %arg10[%dma_start3A_790, %dma_start3A_791, %dma_start3A_792] : memref<8x32x128xf32, #tpu.memory_space<vmem>> -> memref<1x32x128xf32, #tpu.memory_space<vmem>>
      %dma_start3A_794 = tpu.memref_squeeze %dma_start3A_793 : memref<1x32x128xf32, #tpu.memory_space<vmem>> -> memref<32x128xf32, #tpu.memory_space<vmem>>
      %dma_start3A_795 = arith.constant 0 : i32
      %dma_start3A_796 = tpu.memref_slice %arg4[%dma_start3A_795, %multiple_of3A_789] : memref<32x1000000xf32, #tpu.memory_space<hbm>> -> memref<32x128xf32, #tpu.memory_space<hbm>>
      %dma_start3A_797 = arith.constant 0 : i32
      %dma_start3A_798 = arith.constant 0 : i32
      %dma_start3A_799 = tpu.memref_slice %arg10[%dma_start3A_790, %dma_start3A_797, %dma_start3A_798] : memref<8x32x128xf32, #tpu.memory_space<vmem>> -> memref<1x32x128xf32, #tpu.memory_space<vmem>>
      %dma_start3A_800 = tpu.memref_squeeze %dma_start3A_799 : memref<1x32x128xf32, #tpu.memory_space<vmem>> -> memref<32x128xf32, #tpu.memory_space<vmem>>
      %dma_start3A_801 = arith.constant 0 : i32
      %dma_start3A_802 = tpu.memref_slice %arg4[%dma_start3A_801, %multiple_of3A_789] : memref<32x1000000xf32, #tpu.memory_space<hbm>> -> memref<32x128xf32, #tpu.memory_space<hbm>>
      tpu.enqueue_dma source(%dma_start3A_802 : memref<32x128xf32, #tpu.memory_space<hbm>>) target(%dma_start3A_800 : memref<32x128xf32, #tpu.memory_space<vmem>>) target_semaphore(%arg16 : memref<!tpu.dma_semaphore, #tpu.memory_space<semaphore_mem>>)
      %slice3A_803 = vector.extract_strided_slice %get3A_403 {offsets = [11], sizes = [1], strides = [1]} : vector<16xi32> to vector<1xi32>
      %squeeze3A_804 = vector.extract %slice3A_803[0] : i32 from vector<1xi32>
      %shift_right_arithmetic3A_805 = arith.constant 7 : i32
      %shift_right_arithmetic3A_806 = arith.shrsi %squeeze3A_804, %shift_right_arithmetic3A_805 : i32
      %shift_left3A_807 = arith.constant 7 : i32
      %shift_left3A_808 = arith.shli %shift_right_arithmetic3A_806, %shift_left3A_807 : i32
      %multiple_of3A_809 = tpu.assume_multiple %shift_left3A_808, 128 : i32
      %dma_start3A_810 = arith.constant 3 : i32
      %dma_start3A_811 = arith.constant 0 : i32
      %dma_start3A_812 = arith.constant 0 : i32
      %dma_start3A_813 = tpu.memref_slice %arg10[%dma_start3A_810, %dma_start3A_811, %dma_start3A_812] : memref<8x32x128xf32, #tpu.memory_space<vmem>> -> memref<1x32x128xf32, #tpu.memory_space<vmem>>
      %dma_start3A_814 = tpu.memref_squeeze %dma_start3A_813 : memref<1x32x128xf32, #tpu.memory_space<vmem>> -> memref<32x128xf32, #tpu.memory_space<vmem>>
      %dma_start3A_815 = arith.constant 0 : i32
      %dma_start3A_816 = tpu.memref_slice %arg4[%dma_start3A_815, %multiple_of3A_809] : memref<32x1000000xf32, #tpu.memory_space<hbm>> -> memref<32x128xf32, #tpu.memory_space<hbm>>
      %dma_start3A_817 = arith.constant 0 : i32
      %dma_start3A_818 = arith.constant 0 : i32
      %dma_start3A_819 = tpu.memref_slice %arg10[%dma_start3A_810, %dma_start3A_817, %dma_start3A_818] : memref<8x32x128xf32, #tpu.memory_space<vmem>> -> memref<1x32x128xf32, #tpu.memory_space<vmem>>
      %dma_start3A_820 = tpu.memref_squeeze %dma_start3A_819 : memref<1x32x128xf32, #tpu.memory_space<vmem>> -> memref<32x128xf32, #tpu.memory_space<vmem>>
      %dma_start3A_821 = arith.constant 0 : i32
      %dma_start3A_822 = tpu.memref_slice %arg4[%dma_start3A_821, %multiple_of3A_809] : memref<32x1000000xf32, #tpu.memory_space<hbm>> -> memref<32x128xf32, #tpu.memory_space<hbm>>
      tpu.enqueue_dma source(%dma_start3A_822 : memref<32x128xf32, #tpu.memory_space<hbm>>) target(%dma_start3A_820 : memref<32x128xf32, #tpu.memory_space<vmem>>) target_semaphore(%arg17 : memref<!tpu.dma_semaphore, #tpu.memory_space<semaphore_mem>>)
      %slice3A_823 = vector.extract_strided_slice %get3A_403 {offsets = [12], sizes = [1], strides = [1]} : vector<16xi32> to vector<1xi32>
      %squeeze3A_824 = vector.extract %slice3A_823[0] : i32 from vector<1xi32>
      %shift_right_arithmetic3A_825 = arith.constant 7 : i32
      %shift_right_arithmetic3A_826 = arith.shrsi %squeeze3A_824, %shift_right_arithmetic3A_825 : i32
      %shift_left3A_827 = arith.constant 7 : i32
      %shift_left3A_828 = arith.shli %shift_right_arithmetic3A_826, %shift_left3A_827 : i32
      %multiple_of3A_829 = tpu.assume_multiple %shift_left3A_828, 128 : i32
      %dma_start3A_830 = arith.constant 4 : i32
      %dma_start3A_831 = arith.constant 0 : i32
      %dma_start3A_832 = arith.constant 0 : i32
      %dma_start3A_833 = tpu.memref_slice %arg10[%dma_start3A_830, %dma_start3A_831, %dma_start3A_832] : memref<8x32x128xf32, #tpu.memory_space<vmem>> -> memref<1x32x128xf32, #tpu.memory_space<vmem>>
      %dma_start3A_834 = tpu.memref_squeeze %dma_start3A_833 : memref<1x32x128xf32, #tpu.memory_space<vmem>> -> memref<32x128xf32, #tpu.memory_space<vmem>>
      %dma_start3A_835 = arith.constant 0 : i32
      %dma_start3A_836 = tpu.memref_slice %arg4[%dma_start3A_835, %multiple_of3A_829] : memref<32x1000000xf32, #tpu.memory_space<hbm>> -> memref<32x128xf32, #tpu.memory_space<hbm>>
      %dma_start3A_837 = arith.constant 0 : i32
      %dma_start3A_838 = arith.constant 0 : i32
      %dma_start3A_839 = tpu.memref_slice %arg10[%dma_start3A_830, %dma_start3A_837, %dma_start3A_838] : memref<8x32x128xf32, #tpu.memory_space<vmem>> -> memref<1x32x128xf32, #tpu.memory_space<vmem>>
      %dma_start3A_840 = tpu.memref_squeeze %dma_start3A_839 : memref<1x32x128xf32, #tpu.memory_space<vmem>> -> memref<32x128xf32, #tpu.memory_space<vmem>>
      %dma_start3A_841 = arith.constant 0 : i32
      %dma_start3A_842 = tpu.memref_slice %arg4[%dma_start3A_841, %multiple_of3A_829] : memref<32x1000000xf32, #tpu.memory_space<hbm>> -> memref<32x128xf32, #tpu.memory_space<hbm>>
      tpu.enqueue_dma source(%dma_start3A_842 : memref<32x128xf32, #tpu.memory_space<hbm>>) target(%dma_start3A_840 : memref<32x128xf32, #tpu.memory_space<vmem>>) target_semaphore(%arg18 : memref<!tpu.dma_semaphore, #tpu.memory_space<semaphore_mem>>)
      %slice3A_843 = vector.extract_strided_slice %get3A_403 {offsets = [13], sizes = [1], strides = [1]} : vector<16xi32> to vector<1xi32>
      %squeeze3A_844 = vector.extract %slice3A_843[0] : i32 from vector<1xi32>
      %shift_right_arithmetic3A_845 = arith.constant 7 : i32
      %shift_right_arithmetic3A_846 = arith.shrsi %squeeze3A_844, %shift_right_arithmetic3A_845 : i32
      %shift_left3A_847 = arith.constant 7 : i32
      %shift_left3A_848 = arith.shli %shift_right_arithmetic3A_846, %shift_left3A_847 : i32
      %multiple_of3A_849 = tpu.assume_multiple %shift_left3A_848, 128 : i32
      %dma_start3A_850 = arith.constant 5 : i32
      %dma_start3A_851 = arith.constant 0 : i32
      %dma_start3A_852 = arith.constant 0 : i32
      %dma_start3A_853 = tpu.memref_slice %arg10[%dma_start3A_850, %dma_start3A_851, %dma_start3A_852] : memref<8x32x128xf32, #tpu.memory_space<vmem>> -> memref<1x32x128xf32, #tpu.memory_space<vmem>>
      %dma_start3A_854 = tpu.memref_squeeze %dma_start3A_853 : memref<1x32x128xf32, #tpu.memory_space<vmem>> -> memref<32x128xf32, #tpu.memory_space<vmem>>
      %dma_start3A_855 = arith.constant 0 : i32
      %dma_start3A_856 = tpu.memref_slice %arg4[%dma_start3A_855, %multiple_of3A_849] : memref<32x1000000xf32, #tpu.memory_space<hbm>> -> memref<32x128xf32, #tpu.memory_space<hbm>>
      %dma_start3A_857 = arith.constant 0 : i32
      %dma_start3A_858 = arith.constant 0 : i32
      %dma_start3A_859 = tpu.memref_slice %arg10[%dma_start3A_850, %dma_start3A_857, %dma_start3A_858] : memref<8x32x128xf32, #tpu.memory_space<vmem>> -> memref<1x32x128xf32, #tpu.memory_space<vmem>>
      %dma_start3A_860 = tpu.memref_squeeze %dma_start3A_859 : memref<1x32x128xf32, #tpu.memory_space<vmem>> -> memref<32x128xf32, #tpu.memory_space<vmem>>
      %dma_start3A_861 = arith.constant 0 : i32
      %dma_start3A_862 = tpu.memref_slice %arg4[%dma_start3A_861, %multiple_of3A_849] : memref<32x1000000xf32, #tpu.memory_space<hbm>> -> memref<32x128xf32, #tpu.memory_space<hbm>>
      tpu.enqueue_dma source(%dma_start3A_862 : memref<32x128xf32, #tpu.memory_space<hbm>>) target(%dma_start3A_860 : memref<32x128xf32, #tpu.memory_space<vmem>>) target_semaphore(%arg19 : memref<!tpu.dma_semaphore, #tpu.memory_space<semaphore_mem>>)
      %slice3A_863 = vector.extract_strided_slice %get3A_403 {offsets = [14], sizes = [1], strides = [1]} : vector<16xi32> to vector<1xi32>
      %squeeze3A_864 = vector.extract %slice3A_863[0] : i32 from vector<1xi32>
      %shift_right_arithmetic3A_865 = arith.constant 7 : i32
      %shift_right_arithmetic3A_866 = arith.shrsi %squeeze3A_864, %shift_right_arithmetic3A_865 : i32
      %shift_left3A_867 = arith.constant 7 : i32
      %shift_left3A_868 = arith.shli %shift_right_arithmetic3A_866, %shift_left3A_867 : i32
      %multiple_of3A_869 = tpu.assume_multiple %shift_left3A_868, 128 : i32
      %dma_start3A_870 = arith.constant 6 : i32
      %dma_start3A_871 = arith.constant 0 : i32
      %dma_start3A_872 = arith.constant 0 : i32
      %dma_start3A_873 = tpu.memref_slice %arg10[%dma_start3A_870, %dma_start3A_871, %dma_start3A_872] : memref<8x32x128xf32, #tpu.memory_space<vmem>> -> memref<1x32x128xf32, #tpu.memory_space<vmem>>
      %dma_start3A_874 = tpu.memref_squeeze %dma_start3A_873 : memref<1x32x128xf32, #tpu.memory_space<vmem>> -> memref<32x128xf32, #tpu.memory_space<vmem>>
      %dma_start3A_875 = arith.constant 0 : i32
      %dma_start3A_876 = tpu.memref_slice %arg4[%dma_start3A_875, %multiple_of3A_869] : memref<32x1000000xf32, #tpu.memory_space<hbm>> -> memref<32x128xf32, #tpu.memory_space<hbm>>
      %dma_start3A_877 = arith.constant 0 : i32
      %dma_start3A_878 = arith.constant 0 : i32
      %dma_start3A_879 = tpu.memref_slice %arg10[%dma_start3A_870, %dma_start3A_877, %dma_start3A_878] : memref<8x32x128xf32, #tpu.memory_space<vmem>> -> memref<1x32x128xf32, #tpu.memory_space<vmem>>
      %dma_start3A_880 = tpu.memref_squeeze %dma_start3A_879 : memref<1x32x128xf32, #tpu.memory_space<vmem>> -> memref<32x128xf32, #tpu.memory_space<vmem>>
      %dma_start3A_881 = arith.constant 0 : i32
      %dma_start3A_882 = tpu.memref_slice %arg4[%dma_start3A_881, %multiple_of3A_869] : memref<32x1000000xf32, #tpu.memory_space<hbm>> -> memref<32x128xf32, #tpu.memory_space<hbm>>
      tpu.enqueue_dma source(%dma_start3A_882 : memref<32x128xf32, #tpu.memory_space<hbm>>) target(%dma_start3A_880 : memref<32x128xf32, #tpu.memory_space<vmem>>) target_semaphore(%arg20 : memref<!tpu.dma_semaphore, #tpu.memory_space<semaphore_mem>>)
      %slice3A_883 = vector.extract_strided_slice %get3A_403 {offsets = [15], sizes = [1], strides = [1]} : vector<16xi32> to vector<1xi32>
      %squeeze3A_884 = vector.extract %slice3A_883[0] : i32 from vector<1xi32>
      %shift_right_arithmetic3A_885 = arith.constant 7 : i32
      %shift_right_arithmetic3A_886 = arith.shrsi %squeeze3A_884, %shift_right_arithmetic3A_885 : i32
      %shift_left3A_887 = arith.constant 7 : i32
      %shift_left3A_888 = arith.shli %shift_right_arithmetic3A_886, %shift_left3A_887 : i32
      %multiple_of3A_889 = tpu.assume_multiple %shift_left3A_888, 128 : i32
      %dma_start3A_890 = arith.constant 7 : i32
      %dma_start3A_891 = arith.constant 0 : i32
      %dma_start3A_892 = arith.constant 0 : i32
      %dma_start3A_893 = tpu.memref_slice %arg10[%dma_start3A_890, %dma_start3A_891, %dma_start3A_892] : memref<8x32x128xf32, #tpu.memory_space<vmem>> -> memref<1x32x128xf32, #tpu.memory_space<vmem>>
      %dma_start3A_894 = tpu.memref_squeeze %dma_start3A_893 : memref<1x32x128xf32, #tpu.memory_space<vmem>> -> memref<32x128xf32, #tpu.memory_space<vmem>>
      %dma_start3A_895 = arith.constant 0 : i32
      %dma_start3A_896 = tpu.memref_slice %arg4[%dma_start3A_895, %multiple_of3A_889] : memref<32x1000000xf32, #tpu.memory_space<hbm>> -> memref<32x128xf32, #tpu.memory_space<hbm>>
      %dma_start3A_897 = arith.constant 0 : i32
      %dma_start3A_898 = arith.constant 0 : i32
      %dma_start3A_899 = tpu.memref_slice %arg10[%dma_start3A_890, %dma_start3A_897, %dma_start3A_898] : memref<8x32x128xf32, #tpu.memory_space<vmem>> -> memref<1x32x128xf32, #tpu.memory_space<vmem>>
      %dma_start3A_900 = tpu.memref_squeeze %dma_start3A_899 : memref<1x32x128xf32, #tpu.memory_space<vmem>> -> memref<32x128xf32, #tpu.memory_space<vmem>>
      %dma_start3A_901 = arith.constant 0 : i32
      %dma_start3A_902 = tpu.memref_slice %arg4[%dma_start3A_901, %multiple_of3A_889] : memref<32x1000000xf32, #tpu.memory_space<hbm>> -> memref<32x128xf32, #tpu.memory_space<hbm>>
      tpu.enqueue_dma source(%dma_start3A_902 : memref<32x128xf32, #tpu.memory_space<hbm>>) target(%dma_start3A_900 : memref<32x128xf32, #tpu.memory_space<vmem>>) target_semaphore(%arg21 : memref<!tpu.dma_semaphore, #tpu.memory_space<semaphore_mem>>)
      %convert_element_type3A_903 = arith.extui %ge3A_733 : i1 to i32
      %cond3A_904 = arith.constant 0 : i32
      %cond3A_905 = arith.cmpi ne, %convert_element_type3A_903, %cond3A_904 : i32
      scf.if %cond3A_905 {
        %dma_wait3A_1067 = arith.constant 0 : i32
        %dma_wait3A_1068 = arith.constant 0 : i32
        %dma_wait3A_1069 = arith.constant 0 : i32
        %dma_wait3A_1070 = tpu.memref_slice %arg11[%dma_wait3A_1067, %dma_wait3A_1068, %dma_wait3A_1069] : memref<8x32x128xf32, #tpu.memory_space<vmem>> -> memref<1x32x128xf32, #tpu.memory_space<vmem>>
        %dma_wait3A_1071 = tpu.memref_squeeze %dma_wait3A_1070 : memref<1x32x128xf32, #tpu.memory_space<vmem>> -> memref<32x128xf32, #tpu.memory_space<vmem>>
        %dma_wait3A_1072 = arith.constant 0 : i32
        %dma_wait3A_1073 = arith.constant 0 : i32
        %dma_wait3A_1074 = tpu.memref_slice %arg5[%dma_wait3A_1072, %dma_wait3A_1073] : memref<32x1000000xf32, #tpu.memory_space<hbm>> -> memref<32x128xf32, #tpu.memory_space<hbm>>
        %dma_wait3A_1075 = arith.constant 0 : i32
        %dma_wait3A_1076 = arith.constant 0 : i32
        %dma_wait3A_1077 = tpu.memref_slice %arg11[%dma_wait3A_1067, %dma_wait3A_1075, %dma_wait3A_1076] : memref<8x32x128xf32, #tpu.memory_space<vmem>> -> memref<1x32x128xf32, #tpu.memory_space<vmem>>
        %dma_wait3A_1078 = tpu.memref_squeeze %dma_wait3A_1077 : memref<1x32x128xf32, #tpu.memory_space<vmem>> -> memref<32x128xf32, #tpu.memory_space<vmem>>
        %dma_wait3A_1079 = arith.constant 0 : i32
        %dma_wait3A_1080 = arith.constant 0 : i32
        %dma_wait3A_1081 = tpu.memref_slice %arg5[%dma_wait3A_1079, %dma_wait3A_1080] : memref<32x1000000xf32, #tpu.memory_space<hbm>> -> memref<32x128xf32, #tpu.memory_space<hbm>>
        tpu.wait_dma2 semaphore(%arg22 : memref<!tpu.dma_semaphore, #tpu.memory_space<semaphore_mem>>) src(%dma_wait3A_1081 : memref<32x128xf32, #tpu.memory_space<hbm>>) dst(%dma_wait3A_1078 : memref<32x128xf32, #tpu.memory_space<vmem>>)
        %dma_wait3A_1082 = arith.constant 1 : i32
        %dma_wait3A_1083 = arith.constant 0 : i32
        %dma_wait3A_1084 = arith.constant 0 : i32
        %dma_wait3A_1085 = tpu.memref_slice %arg11[%dma_wait3A_1082, %dma_wait3A_1083, %dma_wait3A_1084] : memref<8x32x128xf32, #tpu.memory_space<vmem>> -> memref<1x32x128xf32, #tpu.memory_space<vmem>>
        %dma_wait3A_1086 = tpu.memref_squeeze %dma_wait3A_1085 : memref<1x32x128xf32, #tpu.memory_space<vmem>> -> memref<32x128xf32, #tpu.memory_space<vmem>>
        %dma_wait3A_1087 = arith.constant 0 : i32
        %dma_wait3A_1088 = arith.constant 0 : i32
        %dma_wait3A_1089 = tpu.memref_slice %arg5[%dma_wait3A_1087, %dma_wait3A_1088] : memref<32x1000000xf32, #tpu.memory_space<hbm>> -> memref<32x128xf32, #tpu.memory_space<hbm>>
        %dma_wait3A_1090 = arith.constant 0 : i32
        %dma_wait3A_1091 = arith.constant 0 : i32
        %dma_wait3A_1092 = tpu.memref_slice %arg11[%dma_wait3A_1082, %dma_wait3A_1090, %dma_wait3A_1091] : memref<8x32x128xf32, #tpu.memory_space<vmem>> -> memref<1x32x128xf32, #tpu.memory_space<vmem>>
        %dma_wait3A_1093 = tpu.memref_squeeze %dma_wait3A_1092 : memref<1x32x128xf32, #tpu.memory_space<vmem>> -> memref<32x128xf32, #tpu.memory_space<vmem>>
        %dma_wait3A_1094 = arith.constant 0 : i32
        %dma_wait3A_1095 = arith.constant 0 : i32
        %dma_wait3A_1096 = tpu.memref_slice %arg5[%dma_wait3A_1094, %dma_wait3A_1095] : memref<32x1000000xf32, #tpu.memory_space<hbm>> -> memref<32x128xf32, #tpu.memory_space<hbm>>
        tpu.wait_dma2 semaphore(%arg23 : memref<!tpu.dma_semaphore, #tpu.memory_space<semaphore_mem>>) src(%dma_wait3A_1096 : memref<32x128xf32, #tpu.memory_space<hbm>>) dst(%dma_wait3A_1093 : memref<32x128xf32, #tpu.memory_space<vmem>>)
        %dma_wait3A_1097 = arith.constant 2 : i32
        %dma_wait3A_1098 = arith.constant 0 : i32
        %dma_wait3A_1099 = arith.constant 0 : i32
        %dma_wait3A_1100 = tpu.memref_slice %arg11[%dma_wait3A_1097, %dma_wait3A_1098, %dma_wait3A_1099] : memref<8x32x128xf32, #tpu.memory_space<vmem>> -> memref<1x32x128xf32, #tpu.memory_space<vmem>>
        %dma_wait3A_1101 = tpu.memref_squeeze %dma_wait3A_1100 : memref<1x32x128xf32, #tpu.memory_space<vmem>> -> memref<32x128xf32, #tpu.memory_space<vmem>>
        %dma_wait3A_1102 = arith.constant 0 : i32
        %dma_wait3A_1103 = arith.constant 0 : i32
        %dma_wait3A_1104 = tpu.memref_slice %arg5[%dma_wait3A_1102, %dma_wait3A_1103] : memref<32x1000000xf32, #tpu.memory_space<hbm>> -> memref<32x128xf32, #tpu.memory_space<hbm>>
        %dma_wait3A_1105 = arith.constant 0 : i32
        %dma_wait3A_1106 = arith.constant 0 : i32
        %dma_wait3A_1107 = tpu.memref_slice %arg11[%dma_wait3A_1097, %dma_wait3A_1105, %dma_wait3A_1106] : memref<8x32x128xf32, #tpu.memory_space<vmem>> -> memref<1x32x128xf32, #tpu.memory_space<vmem>>
        %dma_wait3A_1108 = tpu.memref_squeeze %dma_wait3A_1107 : memref<1x32x128xf32, #tpu.memory_space<vmem>> -> memref<32x128xf32, #tpu.memory_space<vmem>>
        %dma_wait3A_1109 = arith.constant 0 : i32
        %dma_wait3A_1110 = arith.constant 0 : i32
        %dma_wait3A_1111 = tpu.memref_slice %arg5[%dma_wait3A_1109, %dma_wait3A_1110] : memref<32x1000000xf32, #tpu.memory_space<hbm>> -> memref<32x128xf32, #tpu.memory_space<hbm>>
        tpu.wait_dma2 semaphore(%arg24 : memref<!tpu.dma_semaphore, #tpu.memory_space<semaphore_mem>>) src(%dma_wait3A_1111 : memref<32x128xf32, #tpu.memory_space<hbm>>) dst(%dma_wait3A_1108 : memref<32x128xf32, #tpu.memory_space<vmem>>)
        %dma_wait3A_1112 = arith.constant 3 : i32
        %dma_wait3A_1113 = arith.constant 0 : i32
        %dma_wait3A_1114 = arith.constant 0 : i32
        %dma_wait3A_1115 = tpu.memref_slice %arg11[%dma_wait3A_1112, %dma_wait3A_1113, %dma_wait3A_1114] : memref<8x32x128xf32, #tpu.memory_space<vmem>> -> memref<1x32x128xf32, #tpu.memory_space<vmem>>
        %dma_wait3A_1116 = tpu.memref_squeeze %dma_wait3A_1115 : memref<1x32x128xf32, #tpu.memory_space<vmem>> -> memref<32x128xf32, #tpu.memory_space<vmem>>
        %dma_wait3A_1117 = arith.constant 0 : i32
        %dma_wait3A_1118 = arith.constant 0 : i32
        %dma_wait3A_1119 = tpu.memref_slice %arg5[%dma_wait3A_1117, %dma_wait3A_1118] : memref<32x1000000xf32, #tpu.memory_space<hbm>> -> memref<32x128xf32, #tpu.memory_space<hbm>>
        %dma_wait3A_1120 = arith.constant 0 : i32
        %dma_wait3A_1121 = arith.constant 0 : i32
        %dma_wait3A_1122 = tpu.memref_slice %arg11[%dma_wait3A_1112, %dma_wait3A_1120, %dma_wait3A_1121] : memref<8x32x128xf32, #tpu.memory_space<vmem>> -> memref<1x32x128xf32, #tpu.memory_space<vmem>>
        %dma_wait3A_1123 = tpu.memref_squeeze %dma_wait3A_1122 : memref<1x32x128xf32, #tpu.memory_space<vmem>> -> memref<32x128xf32, #tpu.memory_space<vmem>>
        %dma_wait3A_1124 = arith.constant 0 : i32
        %dma_wait3A_1125 = arith.constant 0 : i32
        %dma_wait3A_1126 = tpu.memref_slice %arg5[%dma_wait3A_1124, %dma_wait3A_1125] : memref<32x1000000xf32, #tpu.memory_space<hbm>> -> memref<32x128xf32, #tpu.memory_space<hbm>>
        tpu.wait_dma2 semaphore(%arg25 : memref<!tpu.dma_semaphore, #tpu.memory_space<semaphore_mem>>) src(%dma_wait3A_1126 : memref<32x128xf32, #tpu.memory_space<hbm>>) dst(%dma_wait3A_1123 : memref<32x128xf32, #tpu.memory_space<vmem>>)
        %dma_wait3A_1127 = arith.constant 4 : i32
        %dma_wait3A_1128 = arith.constant 0 : i32
        %dma_wait3A_1129 = arith.constant 0 : i32
        %dma_wait3A_1130 = tpu.memref_slice %arg11[%dma_wait3A_1127, %dma_wait3A_1128, %dma_wait3A_1129] : memref<8x32x128xf32, #tpu.memory_space<vmem>> -> memref<1x32x128xf32, #tpu.memory_space<vmem>>
        %dma_wait3A_1131 = tpu.memref_squeeze %dma_wait3A_1130 : memref<1x32x128xf32, #tpu.memory_space<vmem>> -> memref<32x128xf32, #tpu.memory_space<vmem>>
        %dma_wait3A_1132 = arith.constant 0 : i32
        %dma_wait3A_1133 = arith.constant 0 : i32
        %dma_wait3A_1134 = tpu.memref_slice %arg5[%dma_wait3A_1132, %dma_wait3A_1133] : memref<32x1000000xf32, #tpu.memory_space<hbm>> -> memref<32x128xf32, #tpu.memory_space<hbm>>
        %dma_wait3A_1135 = arith.constant 0 : i32
        %dma_wait3A_1136 = arith.constant 0 : i32
        %dma_wait3A_1137 = tpu.memref_slice %arg11[%dma_wait3A_1127, %dma_wait3A_1135, %dma_wait3A_1136] : memref<8x32x128xf32, #tpu.memory_space<vmem>> -> memref<1x32x128xf32, #tpu.memory_space<vmem>>
        %dma_wait3A_1138 = tpu.memref_squeeze %dma_wait3A_1137 : memref<1x32x128xf32, #tpu.memory_space<vmem>> -> memref<32x128xf32, #tpu.memory_space<vmem>>
        %dma_wait3A_1139 = arith.constant 0 : i32
        %dma_wait3A_1140 = arith.constant 0 : i32
        %dma_wait3A_1141 = tpu.memref_slice %arg5[%dma_wait3A_1139, %dma_wait3A_1140] : memref<32x1000000xf32, #tpu.memory_space<hbm>> -> memref<32x128xf32, #tpu.memory_space<hbm>>
        tpu.wait_dma2 semaphore(%arg26 : memref<!tpu.dma_semaphore, #tpu.memory_space<semaphore_mem>>) src(%dma_wait3A_1141 : memref<32x128xf32, #tpu.memory_space<hbm>>) dst(%dma_wait3A_1138 : memref<32x128xf32, #tpu.memory_space<vmem>>)
        %dma_wait3A_1142 = arith.constant 5 : i32
        %dma_wait3A_1143 = arith.constant 0 : i32
        %dma_wait3A_1144 = arith.constant 0 : i32
        %dma_wait3A_1145 = tpu.memref_slice %arg11[%dma_wait3A_1142, %dma_wait3A_1143, %dma_wait3A_1144] : memref<8x32x128xf32, #tpu.memory_space<vmem>> -> memref<1x32x128xf32, #tpu.memory_space<vmem>>
        %dma_wait3A_1146 = tpu.memref_squeeze %dma_wait3A_1145 : memref<1x32x128xf32, #tpu.memory_space<vmem>> -> memref<32x128xf32, #tpu.memory_space<vmem>>
        %dma_wait3A_1147 = arith.constant 0 : i32
        %dma_wait3A_1148 = arith.constant 0 : i32
        %dma_wait3A_1149 = tpu.memref_slice %arg5[%dma_wait3A_1147, %dma_wait3A_1148] : memref<32x1000000xf32, #tpu.memory_space<hbm>> -> memref<32x128xf32, #tpu.memory_space<hbm>>
        %dma_wait3A_1150 = arith.constant 0 : i32
        %dma_wait3A_1151 = arith.constant 0 : i32
        %dma_wait3A_1152 = tpu.memref_slice %arg11[%dma_wait3A_1142, %dma_wait3A_1150, %dma_wait3A_1151] : memref<8x32x128xf32, #tpu.memory_space<vmem>> -> memref<1x32x128xf32, #tpu.memory_space<vmem>>
        %dma_wait3A_1153 = tpu.memref_squeeze %dma_wait3A_1152 : memref<1x32x128xf32, #tpu.memory_space<vmem>> -> memref<32x128xf32, #tpu.memory_space<vmem>>
        %dma_wait3A_1154 = arith.constant 0 : i32
        %dma_wait3A_1155 = arith.constant 0 : i32
        %dma_wait3A_1156 = tpu.memref_slice %arg5[%dma_wait3A_1154, %dma_wait3A_1155] : memref<32x1000000xf32, #tpu.memory_space<hbm>> -> memref<32x128xf32, #tpu.memory_space<hbm>>
        tpu.wait_dma2 semaphore(%arg27 : memref<!tpu.dma_semaphore, #tpu.memory_space<semaphore_mem>>) src(%dma_wait3A_1156 : memref<32x128xf32, #tpu.memory_space<hbm>>) dst(%dma_wait3A_1153 : memref<32x128xf32, #tpu.memory_space<vmem>>)
        %dma_wait3A_1157 = arith.constant 6 : i32
        %dma_wait3A_1158 = arith.constant 0 : i32
        %dma_wait3A_1159 = arith.constant 0 : i32
        %dma_wait3A_1160 = tpu.memref_slice %arg11[%dma_wait3A_1157, %dma_wait3A_1158, %dma_wait3A_1159] : memref<8x32x128xf32, #tpu.memory_space<vmem>> -> memref<1x32x128xf32, #tpu.memory_space<vmem>>
        %dma_wait3A_1161 = tpu.memref_squeeze %dma_wait3A_1160 : memref<1x32x128xf32, #tpu.memory_space<vmem>> -> memref<32x128xf32, #tpu.memory_space<vmem>>
        %dma_wait3A_1162 = arith.constant 0 : i32
        %dma_wait3A_1163 = arith.constant 0 : i32
        %dma_wait3A_1164 = tpu.memref_slice %arg5[%dma_wait3A_1162, %dma_wait3A_1163] : memref<32x1000000xf32, #tpu.memory_space<hbm>> -> memref<32x128xf32, #tpu.memory_space<hbm>>
        %dma_wait3A_1165 = arith.constant 0 : i32
        %dma_wait3A_1166 = arith.constant 0 : i32
        %dma_wait3A_1167 = tpu.memref_slice %arg11[%dma_wait3A_1157, %dma_wait3A_1165, %dma_wait3A_1166] : memref<8x32x128xf32, #tpu.memory_space<vmem>> -> memref<1x32x128xf32, #tpu.memory_space<vmem>>
        %dma_wait3A_1168 = tpu.memref_squeeze %dma_wait3A_1167 : memref<1x32x128xf32, #tpu.memory_space<vmem>> -> memref<32x128xf32, #tpu.memory_space<vmem>>
        %dma_wait3A_1169 = arith.constant 0 : i32
        %dma_wait3A_1170 = arith.constant 0 : i32
        %dma_wait3A_1171 = tpu.memref_slice %arg5[%dma_wait3A_1169, %dma_wait3A_1170] : memref<32x1000000xf32, #tpu.memory_space<hbm>> -> memref<32x128xf32, #tpu.memory_space<hbm>>
        tpu.wait_dma2 semaphore(%arg28 : memref<!tpu.dma_semaphore, #tpu.memory_space<semaphore_mem>>) src(%dma_wait3A_1171 : memref<32x128xf32, #tpu.memory_space<hbm>>) dst(%dma_wait3A_1168 : memref<32x128xf32, #tpu.memory_space<vmem>>)
        %dma_wait3A_1172 = arith.constant 7 : i32
        %dma_wait3A_1173 = arith.constant 0 : i32
        %dma_wait3A_1174 = arith.constant 0 : i32
        %dma_wait3A_1175 = tpu.memref_slice %arg11[%dma_wait3A_1172, %dma_wait3A_1173, %dma_wait3A_1174] : memref<8x32x128xf32, #tpu.memory_space<vmem>> -> memref<1x32x128xf32, #tpu.memory_space<vmem>>
        %dma_wait3A_1176 = tpu.memref_squeeze %dma_wait3A_1175 : memref<1x32x128xf32, #tpu.memory_space<vmem>> -> memref<32x128xf32, #tpu.memory_space<vmem>>
        %dma_wait3A_1177 = arith.constant 0 : i32
        %dma_wait3A_1178 = arith.constant 0 : i32
        %dma_wait3A_1179 = tpu.memref_slice %arg5[%dma_wait3A_1177, %dma_wait3A_1178] : memref<32x1000000xf32, #tpu.memory_space<hbm>> -> memref<32x128xf32, #tpu.memory_space<hbm>>
        %dma_wait3A_1180 = arith.constant 0 : i32
        %dma_wait3A_1181 = arith.constant 0 : i32
        %dma_wait3A_1182 = tpu.memref_slice %arg11[%dma_wait3A_1172, %dma_wait3A_1180, %dma_wait3A_1181] : memref<8x32x128xf32, #tpu.memory_space<vmem>> -> memref<1x32x128xf32, #tpu.memory_space<vmem>>
        %dma_wait3A_1183 = tpu.memref_squeeze %dma_wait3A_1182 : memref<1x32x128xf32, #tpu.memory_space<vmem>> -> memref<32x128xf32, #tpu.memory_space<vmem>>
        %dma_wait3A_1184 = arith.constant 0 : i32
        %dma_wait3A_1185 = arith.constant 0 : i32
        %dma_wait3A_1186 = tpu.memref_slice %arg5[%dma_wait3A_1184, %dma_wait3A_1185] : memref<32x1000000xf32, #tpu.memory_space<hbm>> -> memref<32x128xf32, #tpu.memory_space<hbm>>
        tpu.wait_dma2 semaphore(%arg29 : memref<!tpu.dma_semaphore, #tpu.memory_space<semaphore_mem>>) src(%dma_wait3A_1186 : memref<32x128xf32, #tpu.memory_space<hbm>>) dst(%dma_wait3A_1183 : memref<32x128xf32, #tpu.memory_space<vmem>>)
        %add3A_1187 = vector.broadcast %sub3A_739 : i32 to vector<16xi32>
        %add3A_1188 = arith.addi %add3A_1187, %and3A_4 : vector<16xi32>
        %gather3A_1189 = tpu.vector_load_idx %arg9[%add3A_1188] : memref<512xi32, #tpu.memory_space<vmem>>[vector<16xi32>], vector<16xi32>,
        %and3A_1190 = arith.constant 127 : i32
        %and3A_1191 = vector.broadcast %and3A_1190 : i32 to vector<16xi32>
        %and3A_1192 = arith.andi %gather3A_1189, %and3A_1191 : vector<16xi32>
        %add3A_1193 = vector.broadcast %sub3A_739 : i32 to vector<16xi32>
        %add3A_1194 = arith.addi %add3A_1193, %and3A_4 : vector<16xi32>
        %add3A_1195 = arith.constant 0 : i32
        %add3A_1196 = vector.broadcast %add3A_1195 : i32 to vector<16xi32>
        %add3A_1197 = arith.addi %add3A_1196, %shift_right_arithmetic3A_6 : vector<16xi32>
        %gather3A_1198 = tpu.vector_load_idx %arg11[%and3A_4, %add3A_1197, %and3A_1192] : memref<8x32x128xf32, #tpu.memory_space<vmem>>[vector<16xi32>, vector<16xi32>, vector<16xi32>], vector<16xf32>,
        tpu.vector_store_idx %arg13[%add3A_1197, %add3A_1194], %gather3A_1198 : memref<32x512xf32, #tpu.memory_space<vmem>>[vector<16xi32>, vector<16xi32>], vector<16xf32>,
        %add3A_1199 = arith.constant 2 : i32
        %add3A_1200 = vector.broadcast %add3A_1199 : i32 to vector<16xi32>
        %add3A_1201 = arith.addi %add3A_1200, %shift_right_arithmetic3A_6 : vector<16xi32>
        %gather3A_1202 = tpu.vector_load_idx %arg11[%and3A_4, %add3A_1201, %and3A_1192] : memref<8x32x128xf32, #tpu.memory_space<vmem>>[vector<16xi32>, vector<16xi32>, vector<16xi32>], vector<16xf32>,
        tpu.vector_store_idx %arg13[%add3A_1201, %add3A_1194], %gather3A_1202 : memref<32x512xf32, #tpu.memory_space<vmem>>[vector<16xi32>, vector<16xi32>], vector<16xf32>,
        %add3A_1203 = arith.constant 4 : i32
        %add3A_1204 = vector.broadcast %add3A_1203 : i32 to vector<16xi32>
        %add3A_1205 = arith.addi %add3A_1204, %shift_right_arithmetic3A_6 : vector<16xi32>
        %gather3A_1206 = tpu.vector_load_idx %arg11[%and3A_4, %add3A_1205, %and3A_1192] : memref<8x32x128xf32, #tpu.memory_space<vmem>>[vector<16xi32>, vector<16xi32>, vector<16xi32>], vector<16xf32>,
        tpu.vector_store_idx %arg13[%add3A_1205, %add3A_1194], %gather3A_1206 : memref<32x512xf32, #tpu.memory_space<vmem>>[vector<16xi32>, vector<16xi32>], vector<16xf32>,
        %add3A_1207 = arith.constant 6 : i32
        %add3A_1208 = vector.broadcast %add3A_1207 : i32 to vector<16xi32>
        %add3A_1209 = arith.addi %add3A_1208, %shift_right_arithmetic3A_6 : vector<16xi32>
        %gather3A_1210 = tpu.vector_load_idx %arg11[%and3A_4, %add3A_1209, %and3A_1192] : memref<8x32x128xf32, #tpu.memory_space<vmem>>[vector<16xi32>, vector<16xi32>, vector<16xi32>], vector<16xf32>,
        tpu.vector_store_idx %arg13[%add3A_1209, %add3A_1194], %gather3A_1210 : memref<32x512xf32, #tpu.memory_space<vmem>>[vector<16xi32>, vector<16xi32>], vector<16xf32>,
        %add3A_1211 = arith.constant 8 : i32
        %add3A_1212 = vector.broadcast %add3A_1211 : i32 to vector<16xi32>
        %add3A_1213 = arith.addi %add3A_1212, %shift_right_arithmetic3A_6 : vector<16xi32>
        %gather3A_1214 = tpu.vector_load_idx %arg11[%and3A_4, %add3A_1213, %and3A_1192] : memref<8x32x128xf32, #tpu.memory_space<vmem>>[vector<16xi32>, vector<16xi32>, vector<16xi32>], vector<16xf32>,
        tpu.vector_store_idx %arg13[%add3A_1213, %add3A_1194], %gather3A_1214 : memref<32x512xf32, #tpu.memory_space<vmem>>[vector<16xi32>, vector<16xi32>], vector<16xf32>,
        %add3A_1215 = arith.constant 10 : i32
        %add3A_1216 = vector.broadcast %add3A_1215 : i32 to vector<16xi32>
        %add3A_1217 = arith.addi %add3A_1216, %shift_right_arithmetic3A_6 : vector<16xi32>
        %gather3A_1218 = tpu.vector_load_idx %arg11[%and3A_4, %add3A_1217, %and3A_1192] : memref<8x32x128xf32, #tpu.memory_space<vmem>>[vector<16xi32>, vector<16xi32>, vector<16xi32>], vector<16xf32>,
        tpu.vector_store_idx %arg13[%add3A_1217, %add3A_1194], %gather3A_1218 : memref<32x512xf32, #tpu.memory_space<vmem>>[vector<16xi32>, vector<16xi32>], vector<16xf32>,
        %add3A_1219 = arith.constant 12 : i32
        %add3A_1220 = vector.broadcast %add3A_1219 : i32 to vector<16xi32>
        %add3A_1221 = arith.addi %add3A_1220, %shift_right_arithmetic3A_6 : vector<16xi32>
        %gather3A_1222 = tpu.vector_load_idx %arg11[%and3A_4, %add3A_1221, %and3A_1192] : memref<8x32x128xf32, #tpu.memory_space<vmem>>[vector<16xi32>, vector<16xi32>, vector<16xi32>], vector<16xf32>,
        tpu.vector_store_idx %arg13[%add3A_1221, %add3A_1194], %gather3A_1222 : memref<32x512xf32, #tpu.memory_space<vmem>>[vector<16xi32>, vector<16xi32>], vector<16xf32>,
        %add3A_1223 = arith.constant 14 : i32
        %add3A_1224 = vector.broadcast %add3A_1223 : i32 to vector<16xi32>
        %add3A_1225 = arith.addi %add3A_1224, %shift_right_arithmetic3A_6 : vector<16xi32>
        %gather3A_1226 = tpu.vector_load_idx %arg11[%and3A_4, %add3A_1225, %and3A_1192] : memref<8x32x128xf32, #tpu.memory_space<vmem>>[vector<16xi32>, vector<16xi32>, vector<16xi32>], vector<16xf32>,
        tpu.vector_store_idx %arg13[%add3A_1225, %add3A_1194], %gather3A_1226 : memref<32x512xf32, #tpu.memory_space<vmem>>[vector<16xi32>, vector<16xi32>], vector<16xf32>,
        %add3A_1227 = arith.constant 16 : i32
        %add3A_1228 = vector.broadcast %add3A_1227 : i32 to vector<16xi32>
        %add3A_1229 = arith.addi %add3A_1228, %shift_right_arithmetic3A_6 : vector<16xi32>
        %gather3A_1230 = tpu.vector_load_idx %arg11[%and3A_4, %add3A_1229, %and3A_1192] : memref<8x32x128xf32, #tpu.memory_space<vmem>>[vector<16xi32>, vector<16xi32>, vector<16xi32>], vector<16xf32>,
        tpu.vector_store_idx %arg13[%add3A_1229, %add3A_1194], %gather3A_1230 : memref<32x512xf32, #tpu.memory_space<vmem>>[vector<16xi32>, vector<16xi32>], vector<16xf32>,
        %add3A_1231 = arith.constant 18 : i32
        %add3A_1232 = vector.broadcast %add3A_1231 : i32 to vector<16xi32>
        %add3A_1233 = arith.addi %add3A_1232, %shift_right_arithmetic3A_6 : vector<16xi32>
        %gather3A_1234 = tpu.vector_load_idx %arg11[%and3A_4, %add3A_1233, %and3A_1192] : memref<8x32x128xf32, #tpu.memory_space<vmem>>[vector<16xi32>, vector<16xi32>, vector<16xi32>], vector<16xf32>,
        tpu.vector_store_idx %arg13[%add3A_1233, %add3A_1194], %gather3A_1234 : memref<32x512xf32, #tpu.memory_space<vmem>>[vector<16xi32>, vector<16xi32>], vector<16xf32>,
        %add3A_1235 = arith.constant 20 : i32
        %add3A_1236 = vector.broadcast %add3A_1235 : i32 to vector<16xi32>
        %add3A_1237 = arith.addi %add3A_1236, %shift_right_arithmetic3A_6 : vector<16xi32>
        %gather3A_1238 = tpu.vector_load_idx %arg11[%and3A_4, %add3A_1237, %and3A_1192] : memref<8x32x128xf32, #tpu.memory_space<vmem>>[vector<16xi32>, vector<16xi32>, vector<16xi32>], vector<16xf32>,
        tpu.vector_store_idx %arg13[%add3A_1237, %add3A_1194], %gather3A_1238 : memref<32x512xf32, #tpu.memory_space<vmem>>[vector<16xi32>, vector<16xi32>], vector<16xf32>,
        %add3A_1239 = arith.constant 22 : i32
        %add3A_1240 = vector.broadcast %add3A_1239 : i32 to vector<16xi32>
        %add3A_1241 = arith.addi %add3A_1240, %shift_right_arithmetic3A_6 : vector<16xi32>
        %gather3A_1242 = tpu.vector_load_idx %arg11[%and3A_4, %add3A_1241, %and3A_1192] : memref<8x32x128xf32, #tpu.memory_space<vmem>>[vector<16xi32>, vector<16xi32>, vector<16xi32>], vector<16xf32>,
        tpu.vector_store_idx %arg13[%add3A_1241, %add3A_1194], %gather3A_1242 : memref<32x512xf32, #tpu.memory_space<vmem>>[vector<16xi32>, vector<16xi32>], vector<16xf32>,
        %add3A_1243 = arith.constant 24 : i32
        %add3A_1244 = vector.broadcast %add3A_1243 : i32 to vector<16xi32>
        %add3A_1245 = arith.addi %add3A_1244, %shift_right_arithmetic3A_6 : vector<16xi32>
        %gather3A_1246 = tpu.vector_load_idx %arg11[%and3A_4, %add3A_1245, %and3A_1192] : memref<8x32x128xf32, #tpu.memory_space<vmem>>[vector<16xi32>, vector<16xi32>, vector<16xi32>], vector<16xf32>,
        tpu.vector_store_idx %arg13[%add3A_1245, %add3A_1194], %gather3A_1246 : memref<32x512xf32, #tpu.memory_space<vmem>>[vector<16xi32>, vector<16xi32>], vector<16xf32>,
        %add3A_1247 = arith.constant 26 : i32
        %add3A_1248 = vector.broadcast %add3A_1247 : i32 to vector<16xi32>
        %add3A_1249 = arith.addi %add3A_1248, %shift_right_arithmetic3A_6 : vector<16xi32>
        %gather3A_1250 = tpu.vector_load_idx %arg11[%and3A_4, %add3A_1249, %and3A_1192] : memref<8x32x128xf32, #tpu.memory_space<vmem>>[vector<16xi32>, vector<16xi32>, vector<16xi32>], vector<16xf32>,
        tpu.vector_store_idx %arg13[%add3A_1249, %add3A_1194], %gather3A_1250 : memref<32x512xf32, #tpu.memory_space<vmem>>[vector<16xi32>, vector<16xi32>], vector<16xf32>,
        %add3A_1251 = arith.constant 28 : i32
        %add3A_1252 = vector.broadcast %add3A_1251 : i32 to vector<16xi32>
        %add3A_1253 = arith.addi %add3A_1252, %shift_right_arithmetic3A_6 : vector<16xi32>
        %gather3A_1254 = tpu.vector_load_idx %arg11[%and3A_4, %add3A_1253, %and3A_1192] : memref<8x32x128xf32, #tpu.memory_space<vmem>>[vector<16xi32>, vector<16xi32>, vector<16xi32>], vector<16xf32>,
        tpu.vector_store_idx %arg13[%add3A_1253, %add3A_1194], %gather3A_1254 : memref<32x512xf32, #tpu.memory_space<vmem>>[vector<16xi32>, vector<16xi32>], vector<16xf32>,
        %add3A_1255 = arith.constant 30 : i32
        %add3A_1256 = vector.broadcast %add3A_1255 : i32 to vector<16xi32>
        %add3A_1257 = arith.addi %add3A_1256, %shift_right_arithmetic3A_6 : vector<16xi32>
        %gather3A_1258 = tpu.vector_load_idx %arg11[%and3A_4, %add3A_1257, %and3A_1192] : memref<8x32x128xf32, #tpu.memory_space<vmem>>[vector<16xi32>, vector<16xi32>, vector<16xi32>], vector<16xf32>,
        tpu.vector_store_idx %arg13[%add3A_1257, %add3A_1194], %gather3A_1258 : memref<32x512xf32, #tpu.memory_space<vmem>>[vector<16xi32>, vector<16xi32>], vector<16xf32>,
      } else {
      }
      %slice3A_906 = vector.extract_strided_slice %get3A_407 {offsets = [8], sizes = [1], strides = [1]} : vector<16xi32> to vector<1xi32>
      %squeeze3A_907 = vector.extract %slice3A_906[0] : i32 from vector<1xi32>
      %shift_right_arithmetic3A_908 = arith.constant 7 : i32
      %shift_right_arithmetic3A_909 = arith.shrsi %squeeze3A_907, %shift_right_arithmetic3A_908 : i32
      %shift_left3A_910 = arith.constant 7 : i32
      %shift_left3A_911 = arith.shli %shift_right_arithmetic3A_909, %shift_left3A_910 : i32
      %multiple_of3A_912 = tpu.assume_multiple %shift_left3A_911, 128 : i32
      %dma_start3A_913 = arith.constant 0 : i32
      %dma_start3A_914 = arith.constant 0 : i32
      %dma_start3A_915 = arith.constant 0 : i32
      %dma_start3A_916 = tpu.memref_slice %arg11[%dma_start3A_913, %dma_start3A_914, %dma_start3A_915] : memref<8x32x128xf32, #tpu.memory_space<vmem>> -> memref<1x32x128xf32, #tpu.memory_space<vmem>>
      %dma_start3A_917 = tpu.memref_squeeze %dma_start3A_916 : memref<1x32x128xf32, #tpu.memory_space<vmem>> -> memref<32x128xf32, #tpu.memory_space<vmem>>
      %dma_start3A_918 = arith.constant 0 : i32
      %dma_start3A_919 = tpu.memref_slice %arg5[%dma_start3A_918, %multiple_of3A_912] : memref<32x1000000xf32, #tpu.memory_space<hbm>> -> memref<32x128xf32, #tpu.memory_space<hbm>>
      %dma_start3A_920 = arith.constant 0 : i32
      %dma_start3A_921 = arith.constant 0 : i32
      %dma_start3A_922 = tpu.memref_slice %arg11[%dma_start3A_913, %dma_start3A_920, %dma_start3A_921] : memref<8x32x128xf32, #tpu.memory_space<vmem>> -> memref<1x32x128xf32, #tpu.memory_space<vmem>>
      %dma_start3A_923 = tpu.memref_squeeze %dma_start3A_922 : memref<1x32x128xf32, #tpu.memory_space<vmem>> -> memref<32x128xf32, #tpu.memory_space<vmem>>
      %dma_start3A_924 = arith.constant 0 : i32
      %dma_start3A_925 = tpu.memref_slice %arg5[%dma_start3A_924, %multiple_of3A_912] : memref<32x1000000xf32, #tpu.memory_space<hbm>> -> memref<32x128xf32, #tpu.memory_space<hbm>>
      tpu.enqueue_dma source(%dma_start3A_925 : memref<32x128xf32, #tpu.memory_space<hbm>>) target(%dma_start3A_923 : memref<32x128xf32, #tpu.memory_space<vmem>>) target_semaphore(%arg22 : memref<!tpu.dma_semaphore, #tpu.memory_space<semaphore_mem>>)
      %slice3A_926 = vector.extract_strided_slice %get3A_407 {offsets = [9], sizes = [1], strides = [1]} : vector<16xi32> to vector<1xi32>
      %squeeze3A_927 = vector.extract %slice3A_926[0] : i32 from vector<1xi32>
      %shift_right_arithmetic3A_928 = arith.constant 7 : i32
      %shift_right_arithmetic3A_929 = arith.shrsi %squeeze3A_927, %shift_right_arithmetic3A_928 : i32
      %shift_left3A_930 = arith.constant 7 : i32
      %shift_left3A_931 = arith.shli %shift_right_arithmetic3A_929, %shift_left3A_930 : i32
      %multiple_of3A_932 = tpu.assume_multiple %shift_left3A_931, 128 : i32
      %dma_start3A_933 = arith.constant 1 : i32
      %dma_start3A_934 = arith.constant 0 : i32
      %dma_start3A_935 = arith.constant 0 : i32
      %dma_start3A_936 = tpu.memref_slice %arg11[%dma_start3A_933, %dma_start3A_934, %dma_start3A_935] : memref<8x32x128xf32, #tpu.memory_space<vmem>> -> memref<1x32x128xf32, #tpu.memory_space<vmem>>
      %dma_start3A_937 = tpu.memref_squeeze %dma_start3A_936 : memref<1x32x128xf32, #tpu.memory_space<vmem>> -> memref<32x128xf32, #tpu.memory_space<vmem>>
      %dma_start3A_938 = arith.constant 0 : i32
      %dma_start3A_939 = tpu.memref_slice %arg5[%dma_start3A_938, %multiple_of3A_932] : memref<32x1000000xf32, #tpu.memory_space<hbm>> -> memref<32x128xf32, #tpu.memory_space<hbm>>
      %dma_start3A_940 = arith.constant 0 : i32
      %dma_start3A_941 = arith.constant 0 : i32
      %dma_start3A_942 = tpu.memref_slice %arg11[%dma_start3A_933, %dma_start3A_940, %dma_start3A_941] : memref<8x32x128xf32, #tpu.memory_space<vmem>> -> memref<1x32x128xf32, #tpu.memory_space<vmem>>
      %dma_start3A_943 = tpu.memref_squeeze %dma_start3A_942 : memref<1x32x128xf32, #tpu.memory_space<vmem>> -> memref<32x128xf32, #tpu.memory_space<vmem>>
      %dma_start3A_944 = arith.constant 0 : i32
      %dma_start3A_945 = tpu.memref_slice %arg5[%dma_start3A_944, %multiple_of3A_932] : memref<32x1000000xf32, #tpu.memory_space<hbm>> -> memref<32x128xf32, #tpu.memory_space<hbm>>
      tpu.enqueue_dma source(%dma_start3A_945 : memref<32x128xf32, #tpu.memory_space<hbm>>) target(%dma_start3A_943 : memref<32x128xf32, #tpu.memory_space<vmem>>) target_semaphore(%arg23 : memref<!tpu.dma_semaphore, #tpu.memory_space<semaphore_mem>>)
      %slice3A_946 = vector.extract_strided_slice %get3A_407 {offsets = [10], sizes = [1], strides = [1]} : vector<16xi32> to vector<1xi32>
      %squeeze3A_947 = vector.extract %slice3A_946[0] : i32 from vector<1xi32>
      %shift_right_arithmetic3A_948 = arith.constant 7 : i32
      %shift_right_arithmetic3A_949 = arith.shrsi %squeeze3A_947, %shift_right_arithmetic3A_948 : i32
      %shift_left3A_950 = arith.constant 7 : i32
      %shift_left3A_951 = arith.shli %shift_right_arithmetic3A_949, %shift_left3A_950 : i32
      %multiple_of3A_952 = tpu.assume_multiple %shift_left3A_951, 128 : i32
      %dma_start3A_953 = arith.constant 2 : i32
      %dma_start3A_954 = arith.constant 0 : i32
      %dma_start3A_955 = arith.constant 0 : i32
      %dma_start3A_956 = tpu.memref_slice %arg11[%dma_start3A_953, %dma_start3A_954, %dma_start3A_955] : memref<8x32x128xf32, #tpu.memory_space<vmem>> -> memref<1x32x128xf32, #tpu.memory_space<vmem>>
      %dma_start3A_957 = tpu.memref_squeeze %dma_start3A_956 : memref<1x32x128xf32, #tpu.memory_space<vmem>> -> memref<32x128xf32, #tpu.memory_space<vmem>>
      %dma_start3A_958 = arith.constant 0 : i32
      %dma_start3A_959 = tpu.memref_slice %arg5[%dma_start3A_958, %multiple_of3A_952] : memref<32x1000000xf32, #tpu.memory_space<hbm>> -> memref<32x128xf32, #tpu.memory_space<hbm>>
      %dma_start3A_960 = arith.constant 0 : i32
      %dma_start3A_961 = arith.constant 0 : i32
      %dma_start3A_962 = tpu.memref_slice %arg11[%dma_start3A_953, %dma_start3A_960, %dma_start3A_961] : memref<8x32x128xf32, #tpu.memory_space<vmem>> -> memref<1x32x128xf32, #tpu.memory_space<vmem>>
      %dma_start3A_963 = tpu.memref_squeeze %dma_start3A_962 : memref<1x32x128xf32, #tpu.memory_space<vmem>> -> memref<32x128xf32, #tpu.memory_space<vmem>>
      %dma_start3A_964 = arith.constant 0 : i32
      %dma_start3A_965 = tpu.memref_slice %arg5[%dma_start3A_964, %multiple_of3A_952] : memref<32x1000000xf32, #tpu.memory_space<hbm>> -> memref<32x128xf32, #tpu.memory_space<hbm>>
      tpu.enqueue_dma source(%dma_start3A_965 : memref<32x128xf32, #tpu.memory_space<hbm>>) target(%dma_start3A_963 : memref<32x128xf32, #tpu.memory_space<vmem>>) target_semaphore(%arg24 : memref<!tpu.dma_semaphore, #tpu.memory_space<semaphore_mem>>)
      %slice3A_966 = vector.extract_strided_slice %get3A_407 {offsets = [11], sizes = [1], strides = [1]} : vector<16xi32> to vector<1xi32>
      %squeeze3A_967 = vector.extract %slice3A_966[0] : i32 from vector<1xi32>
      %shift_right_arithmetic3A_968 = arith.constant 7 : i32
      %shift_right_arithmetic3A_969 = arith.shrsi %squeeze3A_967, %shift_right_arithmetic3A_968 : i32
      %shift_left3A_970 = arith.constant 7 : i32
      %shift_left3A_971 = arith.shli %shift_right_arithmetic3A_969, %shift_left3A_970 : i32
      %multiple_of3A_972 = tpu.assume_multiple %shift_left3A_971, 128 : i32
      %dma_start3A_973 = arith.constant 3 : i32
      %dma_start3A_974 = arith.constant 0 : i32
      %dma_start3A_975 = arith.constant 0 : i32
      %dma_start3A_976 = tpu.memref_slice %arg11[%dma_start3A_973, %dma_start3A_974, %dma_start3A_975] : memref<8x32x128xf32, #tpu.memory_space<vmem>> -> memref<1x32x128xf32, #tpu.memory_space<vmem>>
      %dma_start3A_977 = tpu.memref_squeeze %dma_start3A_976 : memref<1x32x128xf32, #tpu.memory_space<vmem>> -> memref<32x128xf32, #tpu.memory_space<vmem>>
      %dma_start3A_978 = arith.constant 0 : i32
      %dma_start3A_979 = tpu.memref_slice %arg5[%dma_start3A_978, %multiple_of3A_972] : memref<32x1000000xf32, #tpu.memory_space<hbm>> -> memref<32x128xf32, #tpu.memory_space<hbm>>
      %dma_start3A_980 = arith.constant 0 : i32
      %dma_start3A_981 = arith.constant 0 : i32
      %dma_start3A_982 = tpu.memref_slice %arg11[%dma_start3A_973, %dma_start3A_980, %dma_start3A_981] : memref<8x32x128xf32, #tpu.memory_space<vmem>> -> memref<1x32x128xf32, #tpu.memory_space<vmem>>
      %dma_start3A_983 = tpu.memref_squeeze %dma_start3A_982 : memref<1x32x128xf32, #tpu.memory_space<vmem>> -> memref<32x128xf32, #tpu.memory_space<vmem>>
      %dma_start3A_984 = arith.constant 0 : i32
      %dma_start3A_985 = tpu.memref_slice %arg5[%dma_start3A_984, %multiple_of3A_972] : memref<32x1000000xf32, #tpu.memory_space<hbm>> -> memref<32x128xf32, #tpu.memory_space<hbm>>
      tpu.enqueue_dma source(%dma_start3A_985 : memref<32x128xf32, #tpu.memory_space<hbm>>) target(%dma_start3A_983 : memref<32x128xf32, #tpu.memory_space<vmem>>) target_semaphore(%arg25 : memref<!tpu.dma_semaphore, #tpu.memory_space<semaphore_mem>>)
      %slice3A_986 = vector.extract_strided_slice %get3A_407 {offsets = [12], sizes = [1], strides = [1]} : vector<16xi32> to vector<1xi32>
      %squeeze3A_987 = vector.extract %slice3A_986[0] : i32 from vector<1xi32>
      %shift_right_arithmetic3A_988 = arith.constant 7 : i32
      %shift_right_arithmetic3A_989 = arith.shrsi %squeeze3A_987, %shift_right_arithmetic3A_988 : i32
      %shift_left3A_990 = arith.constant 7 : i32
      %shift_left3A_991 = arith.shli %shift_right_arithmetic3A_989, %shift_left3A_990 : i32
      %multiple_of3A_992 = tpu.assume_multiple %shift_left3A_991, 128 : i32
      %dma_start3A_993 = arith.constant 4 : i32
      %dma_start3A_994 = arith.constant 0 : i32
      %dma_start3A_995 = arith.constant 0 : i32
      %dma_start3A_996 = tpu.memref_slice %arg11[%dma_start3A_993, %dma_start3A_994, %dma_start3A_995] : memref<8x32x128xf32, #tpu.memory_space<vmem>> -> memref<1x32x128xf32, #tpu.memory_space<vmem>>
      %dma_start3A_997 = tpu.memref_squeeze %dma_start3A_996 : memref<1x32x128xf32, #tpu.memory_space<vmem>> -> memref<32x128xf32, #tpu.memory_space<vmem>>
      %dma_start3A_998 = arith.constant 0 : i32
      %dma_start3A_999 = tpu.memref_slice %arg5[%dma_start3A_998, %multiple_of3A_992] : memref<32x1000000xf32, #tpu.memory_space<hbm>> -> memref<32x128xf32, #tpu.memory_space<hbm>>
      %dma_start3A_1000 = arith.constant 0 : i32
      %dma_start3A_1001 = arith.constant 0 : i32
      %dma_start3A_1002 = tpu.memref_slice %arg11[%dma_start3A_993, %dma_start3A_1000, %dma_start3A_1001] : memref<8x32x128xf32, #tpu.memory_space<vmem>> -> memref<1x32x128xf32, #tpu.memory_space<vmem>>
      %dma_start3A_1003 = tpu.memref_squeeze %dma_start3A_1002 : memref<1x32x128xf32, #tpu.memory_space<vmem>> -> memref<32x128xf32, #tpu.memory_space<vmem>>
      %dma_start3A_1004 = arith.constant 0 : i32
      %dma_start3A_1005 = tpu.memref_slice %arg5[%dma_start3A_1004, %multiple_of3A_992] : memref<32x1000000xf32, #tpu.memory_space<hbm>> -> memref<32x128xf32, #tpu.memory_space<hbm>>
      tpu.enqueue_dma source(%dma_start3A_1005 : memref<32x128xf32, #tpu.memory_space<hbm>>) target(%dma_start3A_1003 : memref<32x128xf32, #tpu.memory_space<vmem>>) target_semaphore(%arg26 : memref<!tpu.dma_semaphore, #tpu.memory_space<semaphore_mem>>)
      %slice3A_1006 = vector.extract_strided_slice %get3A_407 {offsets = [13], sizes = [1], strides = [1]} : vector<16xi32> to vector<1xi32>
      %squeeze3A_1007 = vector.extract %slice3A_1006[0] : i32 from vector<1xi32>
      %shift_right_arithmetic3A_1008 = arith.constant 7 : i32
      %shift_right_arithmetic3A_1009 = arith.shrsi %squeeze3A_1007, %shift_right_arithmetic3A_1008 : i32
      %shift_left3A_1010 = arith.constant 7 : i32
      %shift_left3A_1011 = arith.shli %shift_right_arithmetic3A_1009, %shift_left3A_1010 : i32
      %multiple_of3A_1012 = tpu.assume_multiple %shift_left3A_1011, 128 : i32
      %dma_start3A_1013 = arith.constant 5 : i32
      %dma_start3A_1014 = arith.constant 0 : i32
      %dma_start3A_1015 = arith.constant 0 : i32
      %dma_start3A_1016 = tpu.memref_slice %arg11[%dma_start3A_1013, %dma_start3A_1014, %dma_start3A_1015] : memref<8x32x128xf32, #tpu.memory_space<vmem>> -> memref<1x32x128xf32, #tpu.memory_space<vmem>>
      %dma_start3A_1017 = tpu.memref_squeeze %dma_start3A_1016 : memref<1x32x128xf32, #tpu.memory_space<vmem>> -> memref<32x128xf32, #tpu.memory_space<vmem>>
      %dma_start3A_1018 = arith.constant 0 : i32
      %dma_start3A_1019 = tpu.memref_slice %arg5[%dma_start3A_1018, %multiple_of3A_1012] : memref<32x1000000xf32, #tpu.memory_space<hbm>> -> memref<32x128xf32, #tpu.memory_space<hbm>>
      %dma_start3A_1020 = arith.constant 0 : i32
      %dma_start3A_1021 = arith.constant 0 : i32
      %dma_start3A_1022 = tpu.memref_slice %arg11[%dma_start3A_1013, %dma_start3A_1020, %dma_start3A_1021] : memref<8x32x128xf32, #tpu.memory_space<vmem>> -> memref<1x32x128xf32, #tpu.memory_space<vmem>>
      %dma_start3A_1023 = tpu.memref_squeeze %dma_start3A_1022 : memref<1x32x128xf32, #tpu.memory_space<vmem>> -> memref<32x128xf32, #tpu.memory_space<vmem>>
      %dma_start3A_1024 = arith.constant 0 : i32
      %dma_start3A_1025 = tpu.memref_slice %arg5[%dma_start3A_1024, %multiple_of3A_1012] : memref<32x1000000xf32, #tpu.memory_space<hbm>> -> memref<32x128xf32, #tpu.memory_space<hbm>>
      tpu.enqueue_dma source(%dma_start3A_1025 : memref<32x128xf32, #tpu.memory_space<hbm>>) target(%dma_start3A_1023 : memref<32x128xf32, #tpu.memory_space<vmem>>) target_semaphore(%arg27 : memref<!tpu.dma_semaphore, #tpu.memory_space<semaphore_mem>>)
      %slice3A_1026 = vector.extract_strided_slice %get3A_407 {offsets = [14], sizes = [1], strides = [1]} : vector<16xi32> to vector<1xi32>
      %squeeze3A_1027 = vector.extract %slice3A_1026[0] : i32 from vector<1xi32>
      %shift_right_arithmetic3A_1028 = arith.constant 7 : i32
      %shift_right_arithmetic3A_1029 = arith.shrsi %squeeze3A_1027, %shift_right_arithmetic3A_1028 : i32
      %shift_left3A_1030 = arith.constant 7 : i32
      %shift_left3A_1031 = arith.shli %shift_right_arithmetic3A_1029, %shift_left3A_1030 : i32
      %multiple_of3A_1032 = tpu.assume_multiple %shift_left3A_1031, 128 : i32
      %dma_start3A_1033 = arith.constant 6 : i32
      %dma_start3A_1034 = arith.constant 0 : i32
      %dma_start3A_1035 = arith.constant 0 : i32
      %dma_start3A_1036 = tpu.memref_slice %arg11[%dma_start3A_1033, %dma_start3A_1034, %dma_start3A_1035] : memref<8x32x128xf32, #tpu.memory_space<vmem>> -> memref<1x32x128xf32, #tpu.memory_space<vmem>>
      %dma_start3A_1037 = tpu.memref_squeeze %dma_start3A_1036 : memref<1x32x128xf32, #tpu.memory_space<vmem>> -> memref<32x128xf32, #tpu.memory_space<vmem>>
      %dma_start3A_1038 = arith.constant 0 : i32
      %dma_start3A_1039 = tpu.memref_slice %arg5[%dma_start3A_1038, %multiple_of3A_1032] : memref<32x1000000xf32, #tpu.memory_space<hbm>> -> memref<32x128xf32, #tpu.memory_space<hbm>>
      %dma_start3A_1040 = arith.constant 0 : i32
      %dma_start3A_1041 = arith.constant 0 : i32
      %dma_start3A_1042 = tpu.memref_slice %arg11[%dma_start3A_1033, %dma_start3A_1040, %dma_start3A_1041] : memref<8x32x128xf32, #tpu.memory_space<vmem>> -> memref<1x32x128xf32, #tpu.memory_space<vmem>>
      %dma_start3A_1043 = tpu.memref_squeeze %dma_start3A_1042 : memref<1x32x128xf32, #tpu.memory_space<vmem>> -> memref<32x128xf32, #tpu.memory_space<vmem>>
      %dma_start3A_1044 = arith.constant 0 : i32
      %dma_start3A_1045 = tpu.memref_slice %arg5[%dma_start3A_1044, %multiple_of3A_1032] : memref<32x1000000xf32, #tpu.memory_space<hbm>> -> memref<32x128xf32, #tpu.memory_space<hbm>>
      tpu.enqueue_dma source(%dma_start3A_1045 : memref<32x128xf32, #tpu.memory_space<hbm>>) target(%dma_start3A_1043 : memref<32x128xf32, #tpu.memory_space<vmem>>) target_semaphore(%arg28 : memref<!tpu.dma_semaphore, #tpu.memory_space<semaphore_mem>>)
      %slice3A_1046 = vector.extract_strided_slice %get3A_407 {offsets = [15], sizes = [1], strides = [1]} : vector<16xi32> to vector<1xi32>
      %squeeze3A_1047 = vector.extract %slice3A_1046[0] : i32 from vector<1xi32>
      %shift_right_arithmetic3A_1048 = arith.constant 7 : i32
      %shift_right_arithmetic3A_1049 = arith.shrsi %squeeze3A_1047, %shift_right_arithmetic3A_1048 : i32
      %shift_left3A_1050 = arith.constant 7 : i32
      %shift_left3A_1051 = arith.shli %shift_right_arithmetic3A_1049, %shift_left3A_1050 : i32
      %multiple_of3A_1052 = tpu.assume_multiple %shift_left3A_1051, 128 : i32
      %dma_start3A_1053 = arith.constant 7 : i32
      %dma_start3A_1054 = arith.constant 0 : i32
      %dma_start3A_1055 = arith.constant 0 : i32
      %dma_start3A_1056 = tpu.memref_slice %arg11[%dma_start3A_1053, %dma_start3A_1054, %dma_start3A_1055] : memref<8x32x128xf32, #tpu.memory_space<vmem>> -> memref<1x32x128xf32, #tpu.memory_space<vmem>>
      %dma_start3A_1057 = tpu.memref_squeeze %dma_start3A_1056 : memref<1x32x128xf32, #tpu.memory_space<vmem>> -> memref<32x128xf32, #tpu.memory_space<vmem>>
      %dma_start3A_1058 = arith.constant 0 : i32
      %dma_start3A_1059 = tpu.memref_slice %arg5[%dma_start3A_1058, %multiple_of3A_1052] : memref<32x1000000xf32, #tpu.memory_space<hbm>> -> memref<32x128xf32, #tpu.memory_space<hbm>>
      %dma_start3A_1060 = arith.constant 0 : i32
      %dma_start3A_1061 = arith.constant 0 : i32
      %dma_start3A_1062 = tpu.memref_slice %arg11[%dma_start3A_1053, %dma_start3A_1060, %dma_start3A_1061] : memref<8x32x128xf32, #tpu.memory_space<vmem>> -> memref<1x32x128xf32, #tpu.memory_space<vmem>>
      %dma_start3A_1063 = tpu.memref_squeeze %dma_start3A_1062 : memref<1x32x128xf32, #tpu.memory_space<vmem>> -> memref<32x128xf32, #tpu.memory_space<vmem>>
      %dma_start3A_1064 = arith.constant 0 : i32
      %dma_start3A_1065 = tpu.memref_slice %arg5[%dma_start3A_1064, %multiple_of3A_1052] : memref<32x1000000xf32, #tpu.memory_space<hbm>> -> memref<32x128xf32, #tpu.memory_space<hbm>>
      tpu.enqueue_dma source(%dma_start3A_1065 : memref<32x128xf32, #tpu.memory_space<hbm>>) target(%dma_start3A_1063 : memref<32x128xf32, #tpu.memory_space<vmem>>) target_semaphore(%arg29 : memref<!tpu.dma_semaphore, #tpu.memory_space<semaphore_mem>>)
      %scan3A_1066 = arith.constant 0 : i32
      scf.yield %scan3A_1066 : i32
    }
    %scan3A_12 = arith.constant 32 : i32
    %dma_wait3A = arith.constant 0 : i32
    %dma_wait3A_13 = arith.constant 0 : i32
    %dma_wait3A_14 = arith.constant 0 : i32
    %dma_wait3A_15 = tpu.memref_slice %arg10[%dma_wait3A, %dma_wait3A_13, %dma_wait3A_14] : memref<8x32x128xf32, #tpu.memory_space<vmem>> -> memref<1x32x128xf32, #tpu.memory_space<vmem>>
    %dma_wait3A_16 = tpu.memref_squeeze %dma_wait3A_15 : memref<1x32x128xf32, #tpu.memory_space<vmem>> -> memref<32x128xf32, #tpu.memory_space<vmem>>
    %dma_wait3A_17 = arith.constant 0 : i32
    %dma_wait3A_18 = arith.constant 0 : i32
    %dma_wait3A_19 = tpu.memref_slice %arg4[%dma_wait3A_17, %dma_wait3A_18] : memref<32x1000000xf32, #tpu.memory_space<hbm>> -> memref<32x128xf32, #tpu.memory_space<hbm>>
    %dma_wait3A_20 = arith.constant 0 : i32
    %dma_wait3A_21 = arith.constant 0 : i32
    %dma_wait3A_22 = tpu.memref_slice %arg10[%dma_wait3A, %dma_wait3A_20, %dma_wait3A_21] : memref<8x32x128xf32, #tpu.memory_space<vmem>> -> memref<1x32x128xf32, #tpu.memory_space<vmem>>
    %dma_wait3A_23 = tpu.memref_squeeze %dma_wait3A_22 : memref<1x32x128xf32, #tpu.memory_space<vmem>> -> memref<32x128xf32, #tpu.memory_space<vmem>>
    %dma_wait3A_24 = arith.constant 0 : i32
    %dma_wait3A_25 = arith.constant 0 : i32
    %dma_wait3A_26 = tpu.memref_slice %arg4[%dma_wait3A_24, %dma_wait3A_25] : memref<32x1000000xf32, #tpu.memory_space<hbm>> -> memref<32x128xf32, #tpu.memory_space<hbm>>
    tpu.wait_dma2 semaphore(%arg14 : memref<!tpu.dma_semaphore, #tpu.memory_space<semaphore_mem>>) src(%dma_wait3A_26 : memref<32x128xf32, #tpu.memory_space<hbm>>) dst(%dma_wait3A_23 : memref<32x128xf32, #tpu.memory_space<vmem>>)
    %dma_wait3A_27 = arith.constant 1 : i32
    %dma_wait3A_28 = arith.constant 0 : i32
    %dma_wait3A_29 = arith.constant 0 : i32
    %dma_wait3A_30 = tpu.memref_slice %arg10[%dma_wait3A_27, %dma_wait3A_28, %dma_wait3A_29] : memref<8x32x128xf32, #tpu.memory_space<vmem>> -> memref<1x32x128xf32, #tpu.memory_space<vmem>>
    %dma_wait3A_31 = tpu.memref_squeeze %dma_wait3A_30 : memref<1x32x128xf32, #tpu.memory_space<vmem>> -> memref<32x128xf32, #tpu.memory_space<vmem>>
    %dma_wait3A_32 = arith.constant 0 : i32
    %dma_wait3A_33 = arith.constant 0 : i32
    %dma_wait3A_34 = tpu.memref_slice %arg4[%dma_wait3A_32, %dma_wait3A_33] : memref<32x1000000xf32, #tpu.memory_space<hbm>> -> memref<32x128xf32, #tpu.memory_space<hbm>>
    %dma_wait3A_35 = arith.constant 0 : i32
    %dma_wait3A_36 = arith.constant 0 : i32
    %dma_wait3A_37 = tpu.memref_slice %arg10[%dma_wait3A_27, %dma_wait3A_35, %dma_wait3A_36] : memref<8x32x128xf32, #tpu.memory_space<vmem>> -> memref<1x32x128xf32, #tpu.memory_space<vmem>>
    %dma_wait3A_38 = tpu.memref_squeeze %dma_wait3A_37 : memref<1x32x128xf32, #tpu.memory_space<vmem>> -> memref<32x128xf32, #tpu.memory_space<vmem>>
    %dma_wait3A_39 = arith.constant 0 : i32
    %dma_wait3A_40 = arith.constant 0 : i32
    %dma_wait3A_41 = tpu.memref_slice %arg4[%dma_wait3A_39, %dma_wait3A_40] : memref<32x1000000xf32, #tpu.memory_space<hbm>> -> memref<32x128xf32, #tpu.memory_space<hbm>>
    tpu.wait_dma2 semaphore(%arg15 : memref<!tpu.dma_semaphore, #tpu.memory_space<semaphore_mem>>) src(%dma_wait3A_41 : memref<32x128xf32, #tpu.memory_space<hbm>>) dst(%dma_wait3A_38 : memref<32x128xf32, #tpu.memory_space<vmem>>)
    %dma_wait3A_42 = arith.constant 2 : i32
    %dma_wait3A_43 = arith.constant 0 : i32
    %dma_wait3A_44 = arith.constant 0 : i32
    %dma_wait3A_45 = tpu.memref_slice %arg10[%dma_wait3A_42, %dma_wait3A_43, %dma_wait3A_44] : memref<8x32x128xf32, #tpu.memory_space<vmem>> -> memref<1x32x128xf32, #tpu.memory_space<vmem>>
    %dma_wait3A_46 = tpu.memref_squeeze %dma_wait3A_45 : memref<1x32x128xf32, #tpu.memory_space<vmem>> -> memref<32x128xf32, #tpu.memory_space<vmem>>
    %dma_wait3A_47 = arith.constant 0 : i32
    %dma_wait3A_48 = arith.constant 0 : i32
    %dma_wait3A_49 = tpu.memref_slice %arg4[%dma_wait3A_47, %dma_wait3A_48] : memref<32x1000000xf32, #tpu.memory_space<hbm>> -> memref<32x128xf32, #tpu.memory_space<hbm>>
    %dma_wait3A_50 = arith.constant 0 : i32
    %dma_wait3A_51 = arith.constant 0 : i32
    %dma_wait3A_52 = tpu.memref_slice %arg10[%dma_wait3A_42, %dma_wait3A_50, %dma_wait3A_51] : memref<8x32x128xf32, #tpu.memory_space<vmem>> -> memref<1x32x128xf32, #tpu.memory_space<vmem>>
    %dma_wait3A_53 = tpu.memref_squeeze %dma_wait3A_52 : memref<1x32x128xf32, #tpu.memory_space<vmem>> -> memref<32x128xf32, #tpu.memory_space<vmem>>
    %dma_wait3A_54 = arith.constant 0 : i32
    %dma_wait3A_55 = arith.constant 0 : i32
    %dma_wait3A_56 = tpu.memref_slice %arg4[%dma_wait3A_54, %dma_wait3A_55] : memref<32x1000000xf32, #tpu.memory_space<hbm>> -> memref<32x128xf32, #tpu.memory_space<hbm>>
    tpu.wait_dma2 semaphore(%arg16 : memref<!tpu.dma_semaphore, #tpu.memory_space<semaphore_mem>>) src(%dma_wait3A_56 : memref<32x128xf32, #tpu.memory_space<hbm>>) dst(%dma_wait3A_53 : memref<32x128xf32, #tpu.memory_space<vmem>>)
    %dma_wait3A_57 = arith.constant 3 : i32
    %dma_wait3A_58 = arith.constant 0 : i32
    %dma_wait3A_59 = arith.constant 0 : i32
    %dma_wait3A_60 = tpu.memref_slice %arg10[%dma_wait3A_57, %dma_wait3A_58, %dma_wait3A_59] : memref<8x32x128xf32, #tpu.memory_space<vmem>> -> memref<1x32x128xf32, #tpu.memory_space<vmem>>
    %dma_wait3A_61 = tpu.memref_squeeze %dma_wait3A_60 : memref<1x32x128xf32, #tpu.memory_space<vmem>> -> memref<32x128xf32, #tpu.memory_space<vmem>>
    %dma_wait3A_62 = arith.constant 0 : i32
    %dma_wait3A_63 = arith.constant 0 : i32
    %dma_wait3A_64 = tpu.memref_slice %arg4[%dma_wait3A_62, %dma_wait3A_63] : memref<32x1000000xf32, #tpu.memory_space<hbm>> -> memref<32x128xf32, #tpu.memory_space<hbm>>
    %dma_wait3A_65 = arith.constant 0 : i32
    %dma_wait3A_66 = arith.constant 0 : i32
    %dma_wait3A_67 = tpu.memref_slice %arg10[%dma_wait3A_57, %dma_wait3A_65, %dma_wait3A_66] : memref<8x32x128xf32, #tpu.memory_space<vmem>> -> memref<1x32x128xf32, #tpu.memory_space<vmem>>
    %dma_wait3A_68 = tpu.memref_squeeze %dma_wait3A_67 : memref<1x32x128xf32, #tpu.memory_space<vmem>> -> memref<32x128xf32, #tpu.memory_space<vmem>>
    %dma_wait3A_69 = arith.constant 0 : i32
    %dma_wait3A_70 = arith.constant 0 : i32
    %dma_wait3A_71 = tpu.memref_slice %arg4[%dma_wait3A_69, %dma_wait3A_70] : memref<32x1000000xf32, #tpu.memory_space<hbm>> -> memref<32x128xf32, #tpu.memory_space<hbm>>
    tpu.wait_dma2 semaphore(%arg17 : memref<!tpu.dma_semaphore, #tpu.memory_space<semaphore_mem>>) src(%dma_wait3A_71 : memref<32x128xf32, #tpu.memory_space<hbm>>) dst(%dma_wait3A_68 : memref<32x128xf32, #tpu.memory_space<vmem>>)
    %dma_wait3A_72 = arith.constant 4 : i32
    %dma_wait3A_73 = arith.constant 0 : i32
    %dma_wait3A_74 = arith.constant 0 : i32
    %dma_wait3A_75 = tpu.memref_slice %arg10[%dma_wait3A_72, %dma_wait3A_73, %dma_wait3A_74] : memref<8x32x128xf32, #tpu.memory_space<vmem>> -> memref<1x32x128xf32, #tpu.memory_space<vmem>>
    %dma_wait3A_76 = tpu.memref_squeeze %dma_wait3A_75 : memref<1x32x128xf32, #tpu.memory_space<vmem>> -> memref<32x128xf32, #tpu.memory_space<vmem>>
    %dma_wait3A_77 = arith.constant 0 : i32
    %dma_wait3A_78 = arith.constant 0 : i32
    %dma_wait3A_79 = tpu.memref_slice %arg4[%dma_wait3A_77, %dma_wait3A_78] : memref<32x1000000xf32, #tpu.memory_space<hbm>> -> memref<32x128xf32, #tpu.memory_space<hbm>>
    %dma_wait3A_80 = arith.constant 0 : i32
    %dma_wait3A_81 = arith.constant 0 : i32
    %dma_wait3A_82 = tpu.memref_slice %arg10[%dma_wait3A_72, %dma_wait3A_80, %dma_wait3A_81] : memref<8x32x128xf32, #tpu.memory_space<vmem>> -> memref<1x32x128xf32, #tpu.memory_space<vmem>>
    %dma_wait3A_83 = tpu.memref_squeeze %dma_wait3A_82 : memref<1x32x128xf32, #tpu.memory_space<vmem>> -> memref<32x128xf32, #tpu.memory_space<vmem>>
    %dma_wait3A_84 = arith.constant 0 : i32
    %dma_wait3A_85 = arith.constant 0 : i32
    %dma_wait3A_86 = tpu.memref_slice %arg4[%dma_wait3A_84, %dma_wait3A_85] : memref<32x1000000xf32, #tpu.memory_space<hbm>> -> memref<32x128xf32, #tpu.memory_space<hbm>>
    tpu.wait_dma2 semaphore(%arg18 : memref<!tpu.dma_semaphore, #tpu.memory_space<semaphore_mem>>) src(%dma_wait3A_86 : memref<32x128xf32, #tpu.memory_space<hbm>>) dst(%dma_wait3A_83 : memref<32x128xf32, #tpu.memory_space<vmem>>)
    %dma_wait3A_87 = arith.constant 5 : i32
    %dma_wait3A_88 = arith.constant 0 : i32
    %dma_wait3A_89 = arith.constant 0 : i32
    %dma_wait3A_90 = tpu.memref_slice %arg10[%dma_wait3A_87, %dma_wait3A_88, %dma_wait3A_89] : memref<8x32x128xf32, #tpu.memory_space<vmem>> -> memref<1x32x128xf32, #tpu.memory_space<vmem>>
    %dma_wait3A_91 = tpu.memref_squeeze %dma_wait3A_90 : memref<1x32x128xf32, #tpu.memory_space<vmem>> -> memref<32x128xf32, #tpu.memory_space<vmem>>
    %dma_wait3A_92 = arith.constant 0 : i32
    %dma_wait3A_93 = arith.constant 0 : i32
    %dma_wait3A_94 = tpu.memref_slice %arg4[%dma_wait3A_92, %dma_wait3A_93] : memref<32x1000000xf32, #tpu.memory_space<hbm>> -> memref<32x128xf32, #tpu.memory_space<hbm>>
    %dma_wait3A_95 = arith.constant 0 : i32
    %dma_wait3A_96 = arith.constant 0 : i32
    %dma_wait3A_97 = tpu.memref_slice %arg10[%dma_wait3A_87, %dma_wait3A_95, %dma_wait3A_96] : memref<8x32x128xf32, #tpu.memory_space<vmem>> -> memref<1x32x128xf32, #tpu.memory_space<vmem>>
    %dma_wait3A_98 = tpu.memref_squeeze %dma_wait3A_97 : memref<1x32x128xf32, #tpu.memory_space<vmem>> -> memref<32x128xf32, #tpu.memory_space<vmem>>
    %dma_wait3A_99 = arith.constant 0 : i32
    %dma_wait3A_100 = arith.constant 0 : i32
    %dma_wait3A_101 = tpu.memref_slice %arg4[%dma_wait3A_99, %dma_wait3A_100] : memref<32x1000000xf32, #tpu.memory_space<hbm>> -> memref<32x128xf32, #tpu.memory_space<hbm>>
    tpu.wait_dma2 semaphore(%arg19 : memref<!tpu.dma_semaphore, #tpu.memory_space<semaphore_mem>>) src(%dma_wait3A_101 : memref<32x128xf32, #tpu.memory_space<hbm>>) dst(%dma_wait3A_98 : memref<32x128xf32, #tpu.memory_space<vmem>>)
    %dma_wait3A_102 = arith.constant 6 : i32
    %dma_wait3A_103 = arith.constant 0 : i32
    %dma_wait3A_104 = arith.constant 0 : i32
    %dma_wait3A_105 = tpu.memref_slice %arg10[%dma_wait3A_102, %dma_wait3A_103, %dma_wait3A_104] : memref<8x32x128xf32, #tpu.memory_space<vmem>> -> memref<1x32x128xf32, #tpu.memory_space<vmem>>
    %dma_wait3A_106 = tpu.memref_squeeze %dma_wait3A_105 : memref<1x32x128xf32, #tpu.memory_space<vmem>> -> memref<32x128xf32, #tpu.memory_space<vmem>>
    %dma_wait3A_107 = arith.constant 0 : i32
    %dma_wait3A_108 = arith.constant 0 : i32
    %dma_wait3A_109 = tpu.memref_slice %arg4[%dma_wait3A_107, %dma_wait3A_108] : memref<32x1000000xf32, #tpu.memory_space<hbm>> -> memref<32x128xf32, #tpu.memory_space<hbm>>
    %dma_wait3A_110 = arith.constant 0 : i32
    %dma_wait3A_111 = arith.constant 0 : i32
    %dma_wait3A_112 = tpu.memref_slice %arg10[%dma_wait3A_102, %dma_wait3A_110, %dma_wait3A_111] : memref<8x32x128xf32, #tpu.memory_space<vmem>> -> memref<1x32x128xf32, #tpu.memory_space<vmem>>
    %dma_wait3A_113 = tpu.memref_squeeze %dma_wait3A_112 : memref<1x32x128xf32, #tpu.memory_space<vmem>> -> memref<32x128xf32, #tpu.memory_space<vmem>>
    %dma_wait3A_114 = arith.constant 0 : i32
    %dma_wait3A_115 = arith.constant 0 : i32
    %dma_wait3A_116 = tpu.memref_slice %arg4[%dma_wait3A_114, %dma_wait3A_115] : memref<32x1000000xf32, #tpu.memory_space<hbm>> -> memref<32x128xf32, #tpu.memory_space<hbm>>
    tpu.wait_dma2 semaphore(%arg20 : memref<!tpu.dma_semaphore, #tpu.memory_space<semaphore_mem>>) src(%dma_wait3A_116 : memref<32x128xf32, #tpu.memory_space<hbm>>) dst(%dma_wait3A_113 : memref<32x128xf32, #tpu.memory_space<vmem>>)
    %dma_wait3A_117 = arith.constant 7 : i32
    %dma_wait3A_118 = arith.constant 0 : i32
    %dma_wait3A_119 = arith.constant 0 : i32
    %dma_wait3A_120 = tpu.memref_slice %arg10[%dma_wait3A_117, %dma_wait3A_118, %dma_wait3A_119] : memref<8x32x128xf32, #tpu.memory_space<vmem>> -> memref<1x32x128xf32, #tpu.memory_space<vmem>>
    %dma_wait3A_121 = tpu.memref_squeeze %dma_wait3A_120 : memref<1x32x128xf32, #tpu.memory_space<vmem>> -> memref<32x128xf32, #tpu.memory_space<vmem>>
    %dma_wait3A_122 = arith.constant 0 : i32
    %dma_wait3A_123 = arith.constant 0 : i32
    %dma_wait3A_124 = tpu.memref_slice %arg4[%dma_wait3A_122, %dma_wait3A_123] : memref<32x1000000xf32, #tpu.memory_space<hbm>> -> memref<32x128xf32, #tpu.memory_space<hbm>>
    %dma_wait3A_125 = arith.constant 0 : i32
    %dma_wait3A_126 = arith.constant 0 : i32
    %dma_wait3A_127 = tpu.memref_slice %arg10[%dma_wait3A_117, %dma_wait3A_125, %dma_wait3A_126] : memref<8x32x128xf32, #tpu.memory_space<vmem>> -> memref<1x32x128xf32, #tpu.memory_space<vmem>>
    %dma_wait3A_128 = tpu.memref_squeeze %dma_wait3A_127 : memref<1x32x128xf32, #tpu.memory_space<vmem>> -> memref<32x128xf32, #tpu.memory_space<vmem>>
    %dma_wait3A_129 = arith.constant 0 : i32
    %dma_wait3A_130 = arith.constant 0 : i32
    %dma_wait3A_131 = tpu.memref_slice %arg4[%dma_wait3A_129, %dma_wait3A_130] : memref<32x1000000xf32, #tpu.memory_space<hbm>> -> memref<32x128xf32, #tpu.memory_space<hbm>>
    tpu.wait_dma2 semaphore(%arg21 : memref<!tpu.dma_semaphore, #tpu.memory_space<semaphore_mem>>) src(%dma_wait3A_131 : memref<32x128xf32, #tpu.memory_space<hbm>>) dst(%dma_wait3A_128 : memref<32x128xf32, #tpu.memory_space<vmem>>)
    %add3A_132 = arith.constant 504 : i32
    %add3A_133 = vector.broadcast %add3A_132 : i32 to vector<16xi32>
    %add3A_134 = arith.addi %add3A_133, %and3A_4 : vector<16xi32>
    %gather3A = tpu.vector_load_idx %arg8[%add3A_134] : memref<512xi32, #tpu.memory_space<vmem>>[vector<16xi32>], vector<16xi32>,
    %and3A_135 = arith.constant 127 : i32
    %and3A_136 = vector.broadcast %and3A_135 : i32 to vector<16xi32>
    %and3A_137 = arith.andi %gather3A, %and3A_136 : vector<16xi32>
    %add3A_138 = arith.constant 504 : i32
    %add3A_139 = vector.broadcast %add3A_138 : i32 to vector<16xi32>
    %add3A_140 = arith.addi %add3A_139, %and3A_4 : vector<16xi32>
    %add3A_141 = arith.constant 0 : i32
    %add3A_142 = vector.broadcast %add3A_141 : i32 to vector<16xi32>
    %add3A_143 = arith.addi %add3A_142, %shift_right_arithmetic3A_6 : vector<16xi32>
    %gather3A_144 = tpu.vector_load_idx %arg10[%and3A_4, %add3A_143, %and3A_137] : memref<8x32x128xf32, #tpu.memory_space<vmem>>[vector<16xi32>, vector<16xi32>, vector<16xi32>], vector<16xf32>,
    tpu.vector_store_idx %arg12[%add3A_143, %add3A_140], %gather3A_144 : memref<32x512xf32, #tpu.memory_space<vmem>>[vector<16xi32>, vector<16xi32>], vector<16xf32>,
    %add3A_145 = arith.constant 2 : i32
    %add3A_146 = vector.broadcast %add3A_145 : i32 to vector<16xi32>
    %add3A_147 = arith.addi %add3A_146, %shift_right_arithmetic3A_6 : vector<16xi32>
    %gather3A_148 = tpu.vector_load_idx %arg10[%and3A_4, %add3A_147, %and3A_137] : memref<8x32x128xf32, #tpu.memory_space<vmem>>[vector<16xi32>, vector<16xi32>, vector<16xi32>], vector<16xf32>,
    tpu.vector_store_idx %arg12[%add3A_147, %add3A_140], %gather3A_148 : memref<32x512xf32, #tpu.memory_space<vmem>>[vector<16xi32>, vector<16xi32>], vector<16xf32>,
    %add3A_149 = arith.constant 4 : i32
    %add3A_150 = vector.broadcast %add3A_149 : i32 to vector<16xi32>
    %add3A_151 = arith.addi %add3A_150, %shift_right_arithmetic3A_6 : vector<16xi32>
    %gather3A_152 = tpu.vector_load_idx %arg10[%and3A_4, %add3A_151, %and3A_137] : memref<8x32x128xf32, #tpu.memory_space<vmem>>[vector<16xi32>, vector<16xi32>, vector<16xi32>], vector<16xf32>,
    tpu.vector_store_idx %arg12[%add3A_151, %add3A_140], %gather3A_152 : memref<32x512xf32, #tpu.memory_space<vmem>>[vector<16xi32>, vector<16xi32>], vector<16xf32>,
    %add3A_153 = arith.constant 6 : i32
    %add3A_154 = vector.broadcast %add3A_153 : i32 to vector<16xi32>
    %add3A_155 = arith.addi %add3A_154, %shift_right_arithmetic3A_6 : vector<16xi32>
    %gather3A_156 = tpu.vector_load_idx %arg10[%and3A_4, %add3A_155, %and3A_137] : memref<8x32x128xf32, #tpu.memory_space<vmem>>[vector<16xi32>, vector<16xi32>, vector<16xi32>], vector<16xf32>,
    tpu.vector_store_idx %arg12[%add3A_155, %add3A_140], %gather3A_156 : memref<32x512xf32, #tpu.memory_space<vmem>>[vector<16xi32>, vector<16xi32>], vector<16xf32>,
    %add3A_157 = arith.constant 8 : i32
    %add3A_158 = vector.broadcast %add3A_157 : i32 to vector<16xi32>
    %add3A_159 = arith.addi %add3A_158, %shift_right_arithmetic3A_6 : vector<16xi32>
    %gather3A_160 = tpu.vector_load_idx %arg10[%and3A_4, %add3A_159, %and3A_137] : memref<8x32x128xf32, #tpu.memory_space<vmem>>[vector<16xi32>, vector<16xi32>, vector<16xi32>], vector<16xf32>,
    tpu.vector_store_idx %arg12[%add3A_159, %add3A_140], %gather3A_160 : memref<32x512xf32, #tpu.memory_space<vmem>>[vector<16xi32>, vector<16xi32>], vector<16xf32>,
    %add3A_161 = arith.constant 10 : i32
    %add3A_162 = vector.broadcast %add3A_161 : i32 to vector<16xi32>
    %add3A_163 = arith.addi %add3A_162, %shift_right_arithmetic3A_6 : vector<16xi32>
    %gather3A_164 = tpu.vector_load_idx %arg10[%and3A_4, %add3A_163, %and3A_137] : memref<8x32x128xf32, #tpu.memory_space<vmem>>[vector<16xi32>, vector<16xi32>, vector<16xi32>], vector<16xf32>,
    tpu.vector_store_idx %arg12[%add3A_163, %add3A_140], %gather3A_164 : memref<32x512xf32, #tpu.memory_space<vmem>>[vector<16xi32>, vector<16xi32>], vector<16xf32>,
    %add3A_165 = arith.constant 12 : i32
    %add3A_166 = vector.broadcast %add3A_165 : i32 to vector<16xi32>
    %add3A_167 = arith.addi %add3A_166, %shift_right_arithmetic3A_6 : vector<16xi32>
    %gather3A_168 = tpu.vector_load_idx %arg10[%and3A_4, %add3A_167, %and3A_137] : memref<8x32x128xf32, #tpu.memory_space<vmem>>[vector<16xi32>, vector<16xi32>, vector<16xi32>], vector<16xf32>,
    tpu.vector_store_idx %arg12[%add3A_167, %add3A_140], %gather3A_168 : memref<32x512xf32, #tpu.memory_space<vmem>>[vector<16xi32>, vector<16xi32>], vector<16xf32>,
    %add3A_169 = arith.constant 14 : i32
    %add3A_170 = vector.broadcast %add3A_169 : i32 to vector<16xi32>
    %add3A_171 = arith.addi %add3A_170, %shift_right_arithmetic3A_6 : vector<16xi32>
    %gather3A_172 = tpu.vector_load_idx %arg10[%and3A_4, %add3A_171, %and3A_137] : memref<8x32x128xf32, #tpu.memory_space<vmem>>[vector<16xi32>, vector<16xi32>, vector<16xi32>], vector<16xf32>,
    tpu.vector_store_idx %arg12[%add3A_171, %add3A_140], %gather3A_172 : memref<32x512xf32, #tpu.memory_space<vmem>>[vector<16xi32>, vector<16xi32>], vector<16xf32>,
    %add3A_173 = arith.constant 16 : i32
    %add3A_174 = vector.broadcast %add3A_173 : i32 to vector<16xi32>
    %add3A_175 = arith.addi %add3A_174, %shift_right_arithmetic3A_6 : vector<16xi32>
    %gather3A_176 = tpu.vector_load_idx %arg10[%and3A_4, %add3A_175, %and3A_137] : memref<8x32x128xf32, #tpu.memory_space<vmem>>[vector<16xi32>, vector<16xi32>, vector<16xi32>], vector<16xf32>,
    tpu.vector_store_idx %arg12[%add3A_175, %add3A_140], %gather3A_176 : memref<32x512xf32, #tpu.memory_space<vmem>>[vector<16xi32>, vector<16xi32>], vector<16xf32>,
    %add3A_177 = arith.constant 18 : i32
    %add3A_178 = vector.broadcast %add3A_177 : i32 to vector<16xi32>
    %add3A_179 = arith.addi %add3A_178, %shift_right_arithmetic3A_6 : vector<16xi32>
    %gather3A_180 = tpu.vector_load_idx %arg10[%and3A_4, %add3A_179, %and3A_137] : memref<8x32x128xf32, #tpu.memory_space<vmem>>[vector<16xi32>, vector<16xi32>, vector<16xi32>], vector<16xf32>,
    tpu.vector_store_idx %arg12[%add3A_179, %add3A_140], %gather3A_180 : memref<32x512xf32, #tpu.memory_space<vmem>>[vector<16xi32>, vector<16xi32>], vector<16xf32>,
    %add3A_181 = arith.constant 20 : i32
    %add3A_182 = vector.broadcast %add3A_181 : i32 to vector<16xi32>
    %add3A_183 = arith.addi %add3A_182, %shift_right_arithmetic3A_6 : vector<16xi32>
    %gather3A_184 = tpu.vector_load_idx %arg10[%and3A_4, %add3A_183, %and3A_137] : memref<8x32x128xf32, #tpu.memory_space<vmem>>[vector<16xi32>, vector<16xi32>, vector<16xi32>], vector<16xf32>,
    tpu.vector_store_idx %arg12[%add3A_183, %add3A_140], %gather3A_184 : memref<32x512xf32, #tpu.memory_space<vmem>>[vector<16xi32>, vector<16xi32>], vector<16xf32>,
    %add3A_185 = arith.constant 22 : i32
    %add3A_186 = vector.broadcast %add3A_185 : i32 to vector<16xi32>
    %add3A_187 = arith.addi %add3A_186, %shift_right_arithmetic3A_6 : vector<16xi32>
    %gather3A_188 = tpu.vector_load_idx %arg10[%and3A_4, %add3A_187, %and3A_137] : memref<8x32x128xf32, #tpu.memory_space<vmem>>[vector<16xi32>, vector<16xi32>, vector<16xi32>], vector<16xf32>,
    tpu.vector_store_idx %arg12[%add3A_187, %add3A_140], %gather3A_188 : memref<32x512xf32, #tpu.memory_space<vmem>>[vector<16xi32>, vector<16xi32>], vector<16xf32>,
    %add3A_189 = arith.constant 24 : i32
    %add3A_190 = vector.broadcast %add3A_189 : i32 to vector<16xi32>
    %add3A_191 = arith.addi %add3A_190, %shift_right_arithmetic3A_6 : vector<16xi32>
    %gather3A_192 = tpu.vector_load_idx %arg10[%and3A_4, %add3A_191, %and3A_137] : memref<8x32x128xf32, #tpu.memory_space<vmem>>[vector<16xi32>, vector<16xi32>, vector<16xi32>], vector<16xf32>,
    tpu.vector_store_idx %arg12[%add3A_191, %add3A_140], %gather3A_192 : memref<32x512xf32, #tpu.memory_space<vmem>>[vector<16xi32>, vector<16xi32>], vector<16xf32>,
    %add3A_193 = arith.constant 26 : i32
    %add3A_194 = vector.broadcast %add3A_193 : i32 to vector<16xi32>
    %add3A_195 = arith.addi %add3A_194, %shift_right_arithmetic3A_6 : vector<16xi32>
    %gather3A_196 = tpu.vector_load_idx %arg10[%and3A_4, %add3A_195, %and3A_137] : memref<8x32x128xf32, #tpu.memory_space<vmem>>[vector<16xi32>, vector<16xi32>, vector<16xi32>], vector<16xf32>,
    tpu.vector_store_idx %arg12[%add3A_195, %add3A_140], %gather3A_196 : memref<32x512xf32, #tpu.memory_space<vmem>>[vector<16xi32>, vector<16xi32>], vector<16xf32>,
    %add3A_197 = arith.constant 28 : i32
    %add3A_198 = vector.broadcast %add3A_197 : i32 to vector<16xi32>
    %add3A_199 = arith.addi %add3A_198, %shift_right_arithmetic3A_6 : vector<16xi32>
    %gather3A_200 = tpu.vector_load_idx %arg10[%and3A_4, %add3A_199, %and3A_137] : memref<8x32x128xf32, #tpu.memory_space<vmem>>[vector<16xi32>, vector<16xi32>, vector<16xi32>], vector<16xf32>,
    tpu.vector_store_idx %arg12[%add3A_199, %add3A_140], %gather3A_200 : memref<32x512xf32, #tpu.memory_space<vmem>>[vector<16xi32>, vector<16xi32>], vector<16xf32>,
    %add3A_201 = arith.constant 30 : i32
    %add3A_202 = vector.broadcast %add3A_201 : i32 to vector<16xi32>
    %add3A_203 = arith.addi %add3A_202, %shift_right_arithmetic3A_6 : vector<16xi32>
    %gather3A_204 = tpu.vector_load_idx %arg10[%and3A_4, %add3A_203, %and3A_137] : memref<8x32x128xf32, #tpu.memory_space<vmem>>[vector<16xi32>, vector<16xi32>, vector<16xi32>], vector<16xf32>,
    tpu.vector_store_idx %arg12[%add3A_203, %add3A_140], %gather3A_204 : memref<32x512xf32, #tpu.memory_space<vmem>>[vector<16xi32>, vector<16xi32>], vector<16xf32>,
    %dma_wait3A_205 = arith.constant 0 : i32
    %dma_wait3A_206 = arith.constant 0 : i32
    %dma_wait3A_207 = arith.constant 0 : i32
    %dma_wait3A_208 = tpu.memref_slice %arg11[%dma_wait3A_205, %dma_wait3A_206, %dma_wait3A_207] : memref<8x32x128xf32, #tpu.memory_space<vmem>> -> memref<1x32x128xf32, #tpu.memory_space<vmem>>
    %dma_wait3A_209 = tpu.memref_squeeze %dma_wait3A_208 : memref<1x32x128xf32, #tpu.memory_space<vmem>> -> memref<32x128xf32, #tpu.memory_space<vmem>>
    %dma_wait3A_210 = arith.constant 0 : i32
    %dma_wait3A_211 = arith.constant 0 : i32
    %dma_wait3A_212 = tpu.memref_slice %arg5[%dma_wait3A_210, %dma_wait3A_211] : memref<32x1000000xf32, #tpu.memory_space<hbm>> -> memref<32x128xf32, #tpu.memory_space<hbm>>
    %dma_wait3A_213 = arith.constant 0 : i32
    %dma_wait3A_214 = arith.constant 0 : i32
    %dma_wait3A_215 = tpu.memref_slice %arg11[%dma_wait3A_205, %dma_wait3A_213, %dma_wait3A_214] : memref<8x32x128xf32, #tpu.memory_space<vmem>> -> memref<1x32x128xf32, #tpu.memory_space<vmem>>
    %dma_wait3A_216 = tpu.memref_squeeze %dma_wait3A_215 : memref<1x32x128xf32, #tpu.memory_space<vmem>> -> memref<32x128xf32, #tpu.memory_space<vmem>>
    %dma_wait3A_217 = arith.constant 0 : i32
    %dma_wait3A_218 = arith.constant 0 : i32
    %dma_wait3A_219 = tpu.memref_slice %arg5[%dma_wait3A_217, %dma_wait3A_218] : memref<32x1000000xf32, #tpu.memory_space<hbm>> -> memref<32x128xf32, #tpu.memory_space<hbm>>
    tpu.wait_dma2 semaphore(%arg22 : memref<!tpu.dma_semaphore, #tpu.memory_space<semaphore_mem>>) src(%dma_wait3A_219 : memref<32x128xf32, #tpu.memory_space<hbm>>) dst(%dma_wait3A_216 : memref<32x128xf32, #tpu.memory_space<vmem>>)
    %dma_wait3A_220 = arith.constant 1 : i32
    %dma_wait3A_221 = arith.constant 0 : i32
    %dma_wait3A_222 = arith.constant 0 : i32
    %dma_wait3A_223 = tpu.memref_slice %arg11[%dma_wait3A_220, %dma_wait3A_221, %dma_wait3A_222] : memref<8x32x128xf32, #tpu.memory_space<vmem>> -> memref<1x32x128xf32, #tpu.memory_space<vmem>>
    %dma_wait3A_224 = tpu.memref_squeeze %dma_wait3A_223 : memref<1x32x128xf32, #tpu.memory_space<vmem>> -> memref<32x128xf32, #tpu.memory_space<vmem>>
    %dma_wait3A_225 = arith.constant 0 : i32
    %dma_wait3A_226 = arith.constant 0 : i32
    %dma_wait3A_227 = tpu.memref_slice %arg5[%dma_wait3A_225, %dma_wait3A_226] : memref<32x1000000xf32, #tpu.memory_space<hbm>> -> memref<32x128xf32, #tpu.memory_space<hbm>>
    %dma_wait3A_228 = arith.constant 0 : i32
    %dma_wait3A_229 = arith.constant 0 : i32
    %dma_wait3A_230 = tpu.memref_slice %arg11[%dma_wait3A_220, %dma_wait3A_228, %dma_wait3A_229] : memref<8x32x128xf32, #tpu.memory_space<vmem>> -> memref<1x32x128xf32, #tpu.memory_space<vmem>>
    %dma_wait3A_231 = tpu.memref_squeeze %dma_wait3A_230 : memref<1x32x128xf32, #tpu.memory_space<vmem>> -> memref<32x128xf32, #tpu.memory_space<vmem>>
    %dma_wait3A_232 = arith.constant 0 : i32
    %dma_wait3A_233 = arith.constant 0 : i32
    %dma_wait3A_234 = tpu.memref_slice %arg5[%dma_wait3A_232, %dma_wait3A_233] : memref<32x1000000xf32, #tpu.memory_space<hbm>> -> memref<32x128xf32, #tpu.memory_space<hbm>>
    tpu.wait_dma2 semaphore(%arg23 : memref<!tpu.dma_semaphore, #tpu.memory_space<semaphore_mem>>) src(%dma_wait3A_234 : memref<32x128xf32, #tpu.memory_space<hbm>>) dst(%dma_wait3A_231 : memref<32x128xf32, #tpu.memory_space<vmem>>)
    %dma_wait3A_235 = arith.constant 2 : i32
    %dma_wait3A_236 = arith.constant 0 : i32
    %dma_wait3A_237 = arith.constant 0 : i32
    %dma_wait3A_238 = tpu.memref_slice %arg11[%dma_wait3A_235, %dma_wait3A_236, %dma_wait3A_237] : memref<8x32x128xf32, #tpu.memory_space<vmem>> -> memref<1x32x128xf32, #tpu.memory_space<vmem>>
    %dma_wait3A_239 = tpu.memref_squeeze %dma_wait3A_238 : memref<1x32x128xf32, #tpu.memory_space<vmem>> -> memref<32x128xf32, #tpu.memory_space<vmem>>
    %dma_wait3A_240 = arith.constant 0 : i32
    %dma_wait3A_241 = arith.constant 0 : i32
    %dma_wait3A_242 = tpu.memref_slice %arg5[%dma_wait3A_240, %dma_wait3A_241] : memref<32x1000000xf32, #tpu.memory_space<hbm>> -> memref<32x128xf32, #tpu.memory_space<hbm>>
    %dma_wait3A_243 = arith.constant 0 : i32
    %dma_wait3A_244 = arith.constant 0 : i32
    %dma_wait3A_245 = tpu.memref_slice %arg11[%dma_wait3A_235, %dma_wait3A_243, %dma_wait3A_244] : memref<8x32x128xf32, #tpu.memory_space<vmem>> -> memref<1x32x128xf32, #tpu.memory_space<vmem>>
    %dma_wait3A_246 = tpu.memref_squeeze %dma_wait3A_245 : memref<1x32x128xf32, #tpu.memory_space<vmem>> -> memref<32x128xf32, #tpu.memory_space<vmem>>
    %dma_wait3A_247 = arith.constant 0 : i32
    %dma_wait3A_248 = arith.constant 0 : i32
    %dma_wait3A_249 = tpu.memref_slice %arg5[%dma_wait3A_247, %dma_wait3A_248] : memref<32x1000000xf32, #tpu.memory_space<hbm>> -> memref<32x128xf32, #tpu.memory_space<hbm>>
    tpu.wait_dma2 semaphore(%arg24 : memref<!tpu.dma_semaphore, #tpu.memory_space<semaphore_mem>>) src(%dma_wait3A_249 : memref<32x128xf32, #tpu.memory_space<hbm>>) dst(%dma_wait3A_246 : memref<32x128xf32, #tpu.memory_space<vmem>>)
    %dma_wait3A_250 = arith.constant 3 : i32
    %dma_wait3A_251 = arith.constant 0 : i32
    %dma_wait3A_252 = arith.constant 0 : i32
    %dma_wait3A_253 = tpu.memref_slice %arg11[%dma_wait3A_250, %dma_wait3A_251, %dma_wait3A_252] : memref<8x32x128xf32, #tpu.memory_space<vmem>> -> memref<1x32x128xf32, #tpu.memory_space<vmem>>
    %dma_wait3A_254 = tpu.memref_squeeze %dma_wait3A_253 : memref<1x32x128xf32, #tpu.memory_space<vmem>> -> memref<32x128xf32, #tpu.memory_space<vmem>>
    %dma_wait3A_255 = arith.constant 0 : i32
    %dma_wait3A_256 = arith.constant 0 : i32
    %dma_wait3A_257 = tpu.memref_slice %arg5[%dma_wait3A_255, %dma_wait3A_256] : memref<32x1000000xf32, #tpu.memory_space<hbm>> -> memref<32x128xf32, #tpu.memory_space<hbm>>
    %dma_wait3A_258 = arith.constant 0 : i32
    %dma_wait3A_259 = arith.constant 0 : i32
    %dma_wait3A_260 = tpu.memref_slice %arg11[%dma_wait3A_250, %dma_wait3A_258, %dma_wait3A_259] : memref<8x32x128xf32, #tpu.memory_space<vmem>> -> memref<1x32x128xf32, #tpu.memory_space<vmem>>
    %dma_wait3A_261 = tpu.memref_squeeze %dma_wait3A_260 : memref<1x32x128xf32, #tpu.memory_space<vmem>> -> memref<32x128xf32, #tpu.memory_space<vmem>>
    %dma_wait3A_262 = arith.constant 0 : i32
    %dma_wait3A_263 = arith.constant 0 : i32
    %dma_wait3A_264 = tpu.memref_slice %arg5[%dma_wait3A_262, %dma_wait3A_263] : memref<32x1000000xf32, #tpu.memory_space<hbm>> -> memref<32x128xf32, #tpu.memory_space<hbm>>
    tpu.wait_dma2 semaphore(%arg25 : memref<!tpu.dma_semaphore, #tpu.memory_space<semaphore_mem>>) src(%dma_wait3A_264 : memref<32x128xf32, #tpu.memory_space<hbm>>) dst(%dma_wait3A_261 : memref<32x128xf32, #tpu.memory_space<vmem>>)
    %dma_wait3A_265 = arith.constant 4 : i32
    %dma_wait3A_266 = arith.constant 0 : i32
    %dma_wait3A_267 = arith.constant 0 : i32
    %dma_wait3A_268 = tpu.memref_slice %arg11[%dma_wait3A_265, %dma_wait3A_266, %dma_wait3A_267] : memref<8x32x128xf32, #tpu.memory_space<vmem>> -> memref<1x32x128xf32, #tpu.memory_space<vmem>>
    %dma_wait3A_269 = tpu.memref_squeeze %dma_wait3A_268 : memref<1x32x128xf32, #tpu.memory_space<vmem>> -> memref<32x128xf32, #tpu.memory_space<vmem>>
    %dma_wait3A_270 = arith.constant 0 : i32
    %dma_wait3A_271 = arith.constant 0 : i32
    %dma_wait3A_272 = tpu.memref_slice %arg5[%dma_wait3A_270, %dma_wait3A_271] : memref<32x1000000xf32, #tpu.memory_space<hbm>> -> memref<32x128xf32, #tpu.memory_space<hbm>>
    %dma_wait3A_273 = arith.constant 0 : i32
    %dma_wait3A_274 = arith.constant 0 : i32
    %dma_wait3A_275 = tpu.memref_slice %arg11[%dma_wait3A_265, %dma_wait3A_273, %dma_wait3A_274] : memref<8x32x128xf32, #tpu.memory_space<vmem>> -> memref<1x32x128xf32, #tpu.memory_space<vmem>>
    %dma_wait3A_276 = tpu.memref_squeeze %dma_wait3A_275 : memref<1x32x128xf32, #tpu.memory_space<vmem>> -> memref<32x128xf32, #tpu.memory_space<vmem>>
    %dma_wait3A_277 = arith.constant 0 : i32
    %dma_wait3A_278 = arith.constant 0 : i32
    %dma_wait3A_279 = tpu.memref_slice %arg5[%dma_wait3A_277, %dma_wait3A_278] : memref<32x1000000xf32, #tpu.memory_space<hbm>> -> memref<32x128xf32, #tpu.memory_space<hbm>>
    tpu.wait_dma2 semaphore(%arg26 : memref<!tpu.dma_semaphore, #tpu.memory_space<semaphore_mem>>) src(%dma_wait3A_279 : memref<32x128xf32, #tpu.memory_space<hbm>>) dst(%dma_wait3A_276 : memref<32x128xf32, #tpu.memory_space<vmem>>)
    %dma_wait3A_280 = arith.constant 5 : i32
    %dma_wait3A_281 = arith.constant 0 : i32
    %dma_wait3A_282 = arith.constant 0 : i32
    %dma_wait3A_283 = tpu.memref_slice %arg11[%dma_wait3A_280, %dma_wait3A_281, %dma_wait3A_282] : memref<8x32x128xf32, #tpu.memory_space<vmem>> -> memref<1x32x128xf32, #tpu.memory_space<vmem>>
    %dma_wait3A_284 = tpu.memref_squeeze %dma_wait3A_283 : memref<1x32x128xf32, #tpu.memory_space<vmem>> -> memref<32x128xf32, #tpu.memory_space<vmem>>
    %dma_wait3A_285 = arith.constant 0 : i32
    %dma_wait3A_286 = arith.constant 0 : i32
    %dma_wait3A_287 = tpu.memref_slice %arg5[%dma_wait3A_285, %dma_wait3A_286] : memref<32x1000000xf32, #tpu.memory_space<hbm>> -> memref<32x128xf32, #tpu.memory_space<hbm>>
    %dma_wait3A_288 = arith.constant 0 : i32
    %dma_wait3A_289 = arith.constant 0 : i32
    %dma_wait3A_290 = tpu.memref_slice %arg11[%dma_wait3A_280, %dma_wait3A_288, %dma_wait3A_289] : memref<8x32x128xf32, #tpu.memory_space<vmem>> -> memref<1x32x128xf32, #tpu.memory_space<vmem>>
    %dma_wait3A_291 = tpu.memref_squeeze %dma_wait3A_290 : memref<1x32x128xf32, #tpu.memory_space<vmem>> -> memref<32x128xf32, #tpu.memory_space<vmem>>
    %dma_wait3A_292 = arith.constant 0 : i32
    %dma_wait3A_293 = arith.constant 0 : i32
    %dma_wait3A_294 = tpu.memref_slice %arg5[%dma_wait3A_292, %dma_wait3A_293] : memref<32x1000000xf32, #tpu.memory_space<hbm>> -> memref<32x128xf32, #tpu.memory_space<hbm>>
    tpu.wait_dma2 semaphore(%arg27 : memref<!tpu.dma_semaphore, #tpu.memory_space<semaphore_mem>>) src(%dma_wait3A_294 : memref<32x128xf32, #tpu.memory_space<hbm>>) dst(%dma_wait3A_291 : memref<32x128xf32, #tpu.memory_space<vmem>>)
    %dma_wait3A_295 = arith.constant 6 : i32
    %dma_wait3A_296 = arith.constant 0 : i32
    %dma_wait3A_297 = arith.constant 0 : i32
    %dma_wait3A_298 = tpu.memref_slice %arg11[%dma_wait3A_295, %dma_wait3A_296, %dma_wait3A_297] : memref<8x32x128xf32, #tpu.memory_space<vmem>> -> memref<1x32x128xf32, #tpu.memory_space<vmem>>
    %dma_wait3A_299 = tpu.memref_squeeze %dma_wait3A_298 : memref<1x32x128xf32, #tpu.memory_space<vmem>> -> memref<32x128xf32, #tpu.memory_space<vmem>>
    %dma_wait3A_300 = arith.constant 0 : i32
    %dma_wait3A_301 = arith.constant 0 : i32
    %dma_wait3A_302 = tpu.memref_slice %arg5[%dma_wait3A_300, %dma_wait3A_301] : memref<32x1000000xf32, #tpu.memory_space<hbm>> -> memref<32x128xf32, #tpu.memory_space<hbm>>
    %dma_wait3A_303 = arith.constant 0 : i32
    %dma_wait3A_304 = arith.constant 0 : i32
    %dma_wait3A_305 = tpu.memref_slice %arg11[%dma_wait3A_295, %dma_wait3A_303, %dma_wait3A_304] : memref<8x32x128xf32, #tpu.memory_space<vmem>> -> memref<1x32x128xf32, #tpu.memory_space<vmem>>
    %dma_wait3A_306 = tpu.memref_squeeze %dma_wait3A_305 : memref<1x32x128xf32, #tpu.memory_space<vmem>> -> memref<32x128xf32, #tpu.memory_space<vmem>>
    %dma_wait3A_307 = arith.constant 0 : i32
    %dma_wait3A_308 = arith.constant 0 : i32
    %dma_wait3A_309 = tpu.memref_slice %arg5[%dma_wait3A_307, %dma_wait3A_308] : memref<32x1000000xf32, #tpu.memory_space<hbm>> -> memref<32x128xf32, #tpu.memory_space<hbm>>
    tpu.wait_dma2 semaphore(%arg28 : memref<!tpu.dma_semaphore, #tpu.memory_space<semaphore_mem>>) src(%dma_wait3A_309 : memref<32x128xf32, #tpu.memory_space<hbm>>) dst(%dma_wait3A_306 : memref<32x128xf32, #tpu.memory_space<vmem>>)
    %dma_wait3A_310 = arith.constant 7 : i32
    %dma_wait3A_311 = arith.constant 0 : i32
    %dma_wait3A_312 = arith.constant 0 : i32
    %dma_wait3A_313 = tpu.memref_slice %arg11[%dma_wait3A_310, %dma_wait3A_311, %dma_wait3A_312] : memref<8x32x128xf32, #tpu.memory_space<vmem>> -> memref<1x32x128xf32, #tpu.memory_space<vmem>>
    %dma_wait3A_314 = tpu.memref_squeeze %dma_wait3A_313 : memref<1x32x128xf32, #tpu.memory_space<vmem>> -> memref<32x128xf32, #tpu.memory_space<vmem>>
    %dma_wait3A_315 = arith.constant 0 : i32
    %dma_wait3A_316 = arith.constant 0 : i32
    %dma_wait3A_317 = tpu.memref_slice %arg5[%dma_wait3A_315, %dma_wait3A_316] : memref<32x1000000xf32, #tpu.memory_space<hbm>> -> memref<32x128xf32, #tpu.memory_space<hbm>>
    %dma_wait3A_318 = arith.constant 0 : i32
    %dma_wait3A_319 = arith.constant 0 : i32
    %dma_wait3A_320 = tpu.memref_slice %arg11[%dma_wait3A_310, %dma_wait3A_318, %dma_wait3A_319] : memref<8x32x128xf32, #tpu.memory_space<vmem>> -> memref<1x32x128xf32, #tpu.memory_space<vmem>>
    %dma_wait3A_321 = tpu.memref_squeeze %dma_wait3A_320 : memref<1x32x128xf32, #tpu.memory_space<vmem>> -> memref<32x128xf32, #tpu.memory_space<vmem>>
    %dma_wait3A_322 = arith.constant 0 : i32
    %dma_wait3A_323 = arith.constant 0 : i32
    %dma_wait3A_324 = tpu.memref_slice %arg5[%dma_wait3A_322, %dma_wait3A_323] : memref<32x1000000xf32, #tpu.memory_space<hbm>> -> memref<32x128xf32, #tpu.memory_space<hbm>>
    tpu.wait_dma2 semaphore(%arg29 : memref<!tpu.dma_semaphore, #tpu.memory_space<semaphore_mem>>) src(%dma_wait3A_324 : memref<32x128xf32, #tpu.memory_space<hbm>>) dst(%dma_wait3A_321 : memref<32x128xf32, #tpu.memory_space<vmem>>)
    %add3A_325 = arith.constant 504 : i32
    %add3A_326 = vector.broadcast %add3A_325 : i32 to vector<16xi32>
    %add3A_327 = arith.addi %add3A_326, %and3A_4 : vector<16xi32>
    %gather3A_328 = tpu.vector_load_idx %arg9[%add3A_327] : memref<512xi32, #tpu.memory_space<vmem>>[vector<16xi32>], vector<16xi32>,
    %and3A_329 = arith.constant 127 : i32
    %and3A_330 = vector.broadcast %and3A_329 : i32 to vector<16xi32>
    %and3A_331 = arith.andi %gather3A_328, %and3A_330 : vector<16xi32>
    %add3A_332 = arith.constant 504 : i32
    %add3A_333 = vector.broadcast %add3A_332 : i32 to vector<16xi32>
    %add3A_334 = arith.addi %add3A_333, %and3A_4 : vector<16xi32>
    %add3A_335 = arith.constant 0 : i32
    %add3A_336 = vector.broadcast %add3A_335 : i32 to vector<16xi32>
    %add3A_337 = arith.addi %add3A_336, %shift_right_arithmetic3A_6 : vector<16xi32>
    %gather3A_338 = tpu.vector_load_idx %arg11[%and3A_4, %add3A_337, %and3A_331] : memref<8x32x128xf32, #tpu.memory_space<vmem>>[vector<16xi32>, vector<16xi32>, vector<16xi32>], vector<16xf32>,
    tpu.vector_store_idx %arg13[%add3A_337, %add3A_334], %gather3A_338 : memref<32x512xf32, #tpu.memory_space<vmem>>[vector<16xi32>, vector<16xi32>], vector<16xf32>,
    %add3A_339 = arith.constant 2 : i32
    %add3A_340 = vector.broadcast %add3A_339 : i32 to vector<16xi32>
    %add3A_341 = arith.addi %add3A_340, %shift_right_arithmetic3A_6 : vector<16xi32>
    %gather3A_342 = tpu.vector_load_idx %arg11[%and3A_4, %add3A_341, %and3A_331] : memref<8x32x128xf32, #tpu.memory_space<vmem>>[vector<16xi32>, vector<16xi32>, vector<16xi32>], vector<16xf32>,
    tpu.vector_store_idx %arg13[%add3A_341, %add3A_334], %gather3A_342 : memref<32x512xf32, #tpu.memory_space<vmem>>[vector<16xi32>, vector<16xi32>], vector<16xf32>,
    %add3A_343 = arith.constant 4 : i32
    %add3A_344 = vector.broadcast %add3A_343 : i32 to vector<16xi32>
    %add3A_345 = arith.addi %add3A_344, %shift_right_arithmetic3A_6 : vector<16xi32>
    %gather3A_346 = tpu.vector_load_idx %arg11[%and3A_4, %add3A_345, %and3A_331] : memref<8x32x128xf32, #tpu.memory_space<vmem>>[vector<16xi32>, vector<16xi32>, vector<16xi32>], vector<16xf32>,
    tpu.vector_store_idx %arg13[%add3A_345, %add3A_334], %gather3A_346 : memref<32x512xf32, #tpu.memory_space<vmem>>[vector<16xi32>, vector<16xi32>], vector<16xf32>,
    %add3A_347 = arith.constant 6 : i32
    %add3A_348 = vector.broadcast %add3A_347 : i32 to vector<16xi32>
    %add3A_349 = arith.addi %add3A_348, %shift_right_arithmetic3A_6 : vector<16xi32>
    %gather3A_350 = tpu.vector_load_idx %arg11[%and3A_4, %add3A_349, %and3A_331] : memref<8x32x128xf32, #tpu.memory_space<vmem>>[vector<16xi32>, vector<16xi32>, vector<16xi32>], vector<16xf32>,
    tpu.vector_store_idx %arg13[%add3A_349, %add3A_334], %gather3A_350 : memref<32x512xf32, #tpu.memory_space<vmem>>[vector<16xi32>, vector<16xi32>], vector<16xf32>,
    %add3A_351 = arith.constant 8 : i32
    %add3A_352 = vector.broadcast %add3A_351 : i32 to vector<16xi32>
    %add3A_353 = arith.addi %add3A_352, %shift_right_arithmetic3A_6 : vector<16xi32>
    %gather3A_354 = tpu.vector_load_idx %arg11[%and3A_4, %add3A_353, %and3A_331] : memref<8x32x128xf32, #tpu.memory_space<vmem>>[vector<16xi32>, vector<16xi32>, vector<16xi32>], vector<16xf32>,
    tpu.vector_store_idx %arg13[%add3A_353, %add3A_334], %gather3A_354 : memref<32x512xf32, #tpu.memory_space<vmem>>[vector<16xi32>, vector<16xi32>], vector<16xf32>,
    %add3A_355 = arith.constant 10 : i32
    %add3A_356 = vector.broadcast %add3A_355 : i32 to vector<16xi32>
    %add3A_357 = arith.addi %add3A_356, %shift_right_arithmetic3A_6 : vector<16xi32>
    %gather3A_358 = tpu.vector_load_idx %arg11[%and3A_4, %add3A_357, %and3A_331] : memref<8x32x128xf32, #tpu.memory_space<vmem>>[vector<16xi32>, vector<16xi32>, vector<16xi32>], vector<16xf32>,
    tpu.vector_store_idx %arg13[%add3A_357, %add3A_334], %gather3A_358 : memref<32x512xf32, #tpu.memory_space<vmem>>[vector<16xi32>, vector<16xi32>], vector<16xf32>,
    %add3A_359 = arith.constant 12 : i32
    %add3A_360 = vector.broadcast %add3A_359 : i32 to vector<16xi32>
    %add3A_361 = arith.addi %add3A_360, %shift_right_arithmetic3A_6 : vector<16xi32>
    %gather3A_362 = tpu.vector_load_idx %arg11[%and3A_4, %add3A_361, %and3A_331] : memref<8x32x128xf32, #tpu.memory_space<vmem>>[vector<16xi32>, vector<16xi32>, vector<16xi32>], vector<16xf32>,
    tpu.vector_store_idx %arg13[%add3A_361, %add3A_334], %gather3A_362 : memref<32x512xf32, #tpu.memory_space<vmem>>[vector<16xi32>, vector<16xi32>], vector<16xf32>,
    %add3A_363 = arith.constant 14 : i32
    %add3A_364 = vector.broadcast %add3A_363 : i32 to vector<16xi32>
    %add3A_365 = arith.addi %add3A_364, %shift_right_arithmetic3A_6 : vector<16xi32>
    %gather3A_366 = tpu.vector_load_idx %arg11[%and3A_4, %add3A_365, %and3A_331] : memref<8x32x128xf32, #tpu.memory_space<vmem>>[vector<16xi32>, vector<16xi32>, vector<16xi32>], vector<16xf32>,
    tpu.vector_store_idx %arg13[%add3A_365, %add3A_334], %gather3A_366 : memref<32x512xf32, #tpu.memory_space<vmem>>[vector<16xi32>, vector<16xi32>], vector<16xf32>,
    %add3A_367 = arith.constant 16 : i32
    %add3A_368 = vector.broadcast %add3A_367 : i32 to vector<16xi32>
    %add3A_369 = arith.addi %add3A_368, %shift_right_arithmetic3A_6 : vector<16xi32>
    %gather3A_370 = tpu.vector_load_idx %arg11[%and3A_4, %add3A_369, %and3A_331] : memref<8x32x128xf32, #tpu.memory_space<vmem>>[vector<16xi32>, vector<16xi32>, vector<16xi32>], vector<16xf32>,
    tpu.vector_store_idx %arg13[%add3A_369, %add3A_334], %gather3A_370 : memref<32x512xf32, #tpu.memory_space<vmem>>[vector<16xi32>, vector<16xi32>], vector<16xf32>,
    %add3A_371 = arith.constant 18 : i32
    %add3A_372 = vector.broadcast %add3A_371 : i32 to vector<16xi32>
    %add3A_373 = arith.addi %add3A_372, %shift_right_arithmetic3A_6 : vector<16xi32>
    %gather3A_374 = tpu.vector_load_idx %arg11[%and3A_4, %add3A_373, %and3A_331] : memref<8x32x128xf32, #tpu.memory_space<vmem>>[vector<16xi32>, vector<16xi32>, vector<16xi32>], vector<16xf32>,
    tpu.vector_store_idx %arg13[%add3A_373, %add3A_334], %gather3A_374 : memref<32x512xf32, #tpu.memory_space<vmem>>[vector<16xi32>, vector<16xi32>], vector<16xf32>,
    %add3A_375 = arith.constant 20 : i32
    %add3A_376 = vector.broadcast %add3A_375 : i32 to vector<16xi32>
    %add3A_377 = arith.addi %add3A_376, %shift_right_arithmetic3A_6 : vector<16xi32>
    %gather3A_378 = tpu.vector_load_idx %arg11[%and3A_4, %add3A_377, %and3A_331] : memref<8x32x128xf32, #tpu.memory_space<vmem>>[vector<16xi32>, vector<16xi32>, vector<16xi32>], vector<16xf32>,
    tpu.vector_store_idx %arg13[%add3A_377, %add3A_334], %gather3A_378 : memref<32x512xf32, #tpu.memory_space<vmem>>[vector<16xi32>, vector<16xi32>], vector<16xf32>,
    %add3A_379 = arith.constant 22 : i32
    %add3A_380 = vector.broadcast %add3A_379 : i32 to vector<16xi32>
    %add3A_381 = arith.addi %add3A_380, %shift_right_arithmetic3A_6 : vector<16xi32>
    %gather3A_382 = tpu.vector_load_idx %arg11[%and3A_4, %add3A_381, %and3A_331] : memref<8x32x128xf32, #tpu.memory_space<vmem>>[vector<16xi32>, vector<16xi32>, vector<16xi32>], vector<16xf32>,
    tpu.vector_store_idx %arg13[%add3A_381, %add3A_334], %gather3A_382 : memref<32x512xf32, #tpu.memory_space<vmem>>[vector<16xi32>, vector<16xi32>], vector<16xf32>,
    %add3A_383 = arith.constant 24 : i32
    %add3A_384 = vector.broadcast %add3A_383 : i32 to vector<16xi32>
    %add3A_385 = arith.addi %add3A_384, %shift_right_arithmetic3A_6 : vector<16xi32>
    %gather3A_386 = tpu.vector_load_idx %arg11[%and3A_4, %add3A_385, %and3A_331] : memref<8x32x128xf32, #tpu.memory_space<vmem>>[vector<16xi32>, vector<16xi32>, vector<16xi32>], vector<16xf32>,
    tpu.vector_store_idx %arg13[%add3A_385, %add3A_334], %gather3A_386 : memref<32x512xf32, #tpu.memory_space<vmem>>[vector<16xi32>, vector<16xi32>], vector<16xf32>,
    %add3A_387 = arith.constant 26 : i32
    %add3A_388 = vector.broadcast %add3A_387 : i32 to vector<16xi32>
    %add3A_389 = arith.addi %add3A_388, %shift_right_arithmetic3A_6 : vector<16xi32>
    %gather3A_390 = tpu.vector_load_idx %arg11[%and3A_4, %add3A_389, %and3A_331] : memref<8x32x128xf32, #tpu.memory_space<vmem>>[vector<16xi32>, vector<16xi32>, vector<16xi32>], vector<16xf32>,
    tpu.vector_store_idx %arg13[%add3A_389, %add3A_334], %gather3A_390 : memref<32x512xf32, #tpu.memory_space<vmem>>[vector<16xi32>, vector<16xi32>], vector<16xf32>,
    %add3A_391 = arith.constant 28 : i32
    %add3A_392 = vector.broadcast %add3A_391 : i32 to vector<16xi32>
    %add3A_393 = arith.addi %add3A_392, %shift_right_arithmetic3A_6 : vector<16xi32>
    %gather3A_394 = tpu.vector_load_idx %arg11[%and3A_4, %add3A_393, %and3A_331] : memref<8x32x128xf32, #tpu.memory_space<vmem>>[vector<16xi32>, vector<16xi32>, vector<16xi32>], vector<16xf32>,
    tpu.vector_store_idx %arg13[%add3A_393, %add3A_334], %gather3A_394 : memref<32x512xf32, #tpu.memory_space<vmem>>[vector<16xi32>, vector<16xi32>], vector<16xf32>,
    %add3A_395 = arith.constant 30 : i32
    %add3A_396 = vector.broadcast %add3A_395 : i32 to vector<16xi32>
    %add3A_397 = arith.addi %add3A_396, %shift_right_arithmetic3A_6 : vector<16xi32>
    %gather3A_398 = tpu.vector_load_idx %arg11[%and3A_4, %add3A_397, %and3A_331] : memref<8x32x128xf32, #tpu.memory_space<vmem>>[vector<16xi32>, vector<16xi32>, vector<16xi32>], vector<16xf32>,
    tpu.vector_store_idx %arg13[%add3A_397, %add3A_334], %gather3A_398 : memref<32x512xf32, #tpu.memory_space<vmem>>[vector<16xi32>, vector<16xi32>], vector<16xf32>,
    "tpu.region"() ({
      %run_scoped3A = tpu.sem_alloc : memref<!tpu.dma_semaphore, #tpu.memory_space<semaphore_mem>>
      %dma_start3A = arith.constant 0 : i32
      %dma_start3A_399 = tpu.memref_slice %arg6[%dma_start3A, %mul3A_2] : memref<32x16384xf32, #tpu.memory_space<hbm>> -> memref<32x512xf32, #tpu.memory_space<hbm>>
      %dma_start3A_400 = arith.constant 0 : i32
      %dma_start3A_401 = tpu.memref_slice %arg6[%dma_start3A_400, %mul3A_2] : memref<32x16384xf32, #tpu.memory_space<hbm>> -> memref<32x512xf32, #tpu.memory_space<hbm>>
      tpu.enqueue_dma source(%arg12 : memref<32x512xf32, #tpu.memory_space<vmem>>) target(%dma_start3A_401 : memref<32x512xf32, #tpu.memory_space<hbm>>) target_semaphore(%run_scoped3A : memref<!tpu.dma_semaphore, #tpu.memory_space<semaphore_mem>>)
      %dma_wait3A_402 = arith.constant 0 : i32
      %dma_wait3A_403 = tpu.memref_slice %arg6[%dma_wait3A_402, %mul3A_2] : memref<32x16384xf32, #tpu.memory_space<hbm>> -> memref<32x512xf32, #tpu.memory_space<hbm>>
      %dma_wait3A_404 = arith.constant 0 : i32
      %dma_wait3A_405 = tpu.memref_slice %arg6[%dma_wait3A_404, %mul3A_2] : memref<32x16384xf32, #tpu.memory_space<hbm>> -> memref<32x512xf32, #tpu.memory_space<hbm>>
      tpu.wait_dma2 semaphore(%run_scoped3A : memref<!tpu.dma_semaphore, #tpu.memory_space<semaphore_mem>>) src(%arg12 : memref<32x512xf32, #tpu.memory_space<vmem>>) dst(%dma_wait3A_405 : memref<32x512xf32, #tpu.memory_space<hbm>>)
      tpu.yield
    }) : () -> ()
    "tpu.region"() ({
      %run_scoped3A = tpu.sem_alloc : memref<!tpu.dma_semaphore, #tpu.memory_space<semaphore_mem>>
      %dma_start3A = arith.constant 0 : i32
      %dma_start3A_399 = tpu.memref_slice %arg7[%dma_start3A, %mul3A_2] : memref<32x16384xf32, #tpu.memory_space<hbm>> -> memref<32x512xf32, #tpu.memory_space<hbm>>
      %dma_start3A_400 = arith.constant 0 : i32
      %dma_start3A_401 = tpu.memref_slice %arg7[%dma_start3A_400, %mul3A_2] : memref<32x16384xf32, #tpu.memory_space<hbm>> -> memref<32x512xf32, #tpu.memory_space<hbm>>
      tpu.enqueue_dma source(%arg13 : memref<32x512xf32, #tpu.memory_space<vmem>>) target(%dma_start3A_401 : memref<32x512xf32, #tpu.memory_space<hbm>>) target_semaphore(%run_scoped3A : memref<!tpu.dma_semaphore, #tpu.memory_space<semaphore_mem>>)
      %dma_wait3A_402 = arith.constant 0 : i32
      %dma_wait3A_403 = tpu.memref_slice %arg7[%dma_wait3A_402, %mul3A_2] : memref<32x16384xf32, #tpu.memory_space<hbm>> -> memref<32x512xf32, #tpu.memory_space<hbm>>
      %dma_wait3A_404 = arith.constant 0 : i32
      %dma_wait3A_405 = tpu.memref_slice %arg7[%dma_wait3A_404, %mul3A_2] : memref<32x16384xf32, #tpu.memory_space<hbm>> -> memref<32x512xf32, #tpu.memory_space<hbm>>
      tpu.wait_dma2 semaphore(%run_scoped3A : memref<!tpu.dma_semaphore, #tpu.memory_space<semaphore_mem>>) src(%arg13 : memref<32x512xf32, #tpu.memory_space<vmem>>) dst(%dma_wait3A_405 : memref<32x512xf32, #tpu.memory_space<hbm>>)
      tpu.yield
    }) : () -> ()
    return
  }
}

module attributes {stable_mosaic.version = 14 : i64} {
  func.func @_mlp_body(%arg0: i32, %arg1: memref<32x4096xf32, #tpu.memory_space<vmem>>, %arg2: memref<32x4096xf32, #tpu.memory_space<vmem>>, %arg3: memref<32x128xf32, #tpu.memory_space<vmem>>, %arg4: memref<32x128xf32, #tpu.memory_space<vmem>>, %arg5: memref<128x1xf32, #tpu.memory_space<vmem>>, %arg6: memref<128x64xf32, #tpu.memory_space<vmem>>, %arg7: memref<64x1xf32, #tpu.memory_space<vmem>>, %arg8: memref<64x32xf32, #tpu.memory_space<vmem>>, %arg9: memref<32x1xf32, #tpu.memory_space<vmem>>, %arg10: memref<32x1xf32, #tpu.memory_space<vmem>>, %arg11: memref<1x1xf32, #tpu.memory_space<vmem>>, %arg12: memref<1x4096xf32, #tpu.memory_space<vmem>>) attributes {dimension_semantics = [#tpu.dimension_semantics<arbitrary>], iteration_bounds = array<i64: 4>, scalar_prefetch = 0 : i64, scratch_operands = 0 : i64, tpu.core_type = #tpu.core_type<tc>, window_params = [{transform_indices = @transform_0, window_bounds = array<i64: 32, 4096>}, {transform_indices = @transform_1, window_bounds = array<i64: 32, 4096>}, {pipeline_mode = #tpu.pipeline_mode<synchronous>, transform_indices = @transform_2, window_bounds = array<i64: 32, 128>}, {pipeline_mode = #tpu.pipeline_mode<synchronous>, transform_indices = @transform_3, window_bounds = array<i64: 32, 128>}, {pipeline_mode = #tpu.pipeline_mode<synchronous>, transform_indices = @transform_4, window_bounds = array<i64: 128, 1>}, {pipeline_mode = #tpu.pipeline_mode<synchronous>, transform_indices = @transform_5, window_bounds = array<i64: 128, 64>}, {pipeline_mode = #tpu.pipeline_mode<synchronous>, transform_indices = @transform_6, window_bounds = array<i64: 64, 1>}, {pipeline_mode = #tpu.pipeline_mode<synchronous>, transform_indices = @transform_7, window_bounds = array<i64: 64, 32>}, {pipeline_mode = #tpu.pipeline_mode<synchronous>, transform_indices = @transform_8, window_bounds = array<i64: 32, 1>}, {pipeline_mode = #tpu.pipeline_mode<synchronous>, transform_indices = @transform_9, window_bounds = array<i64: 32, 1>}, {pipeline_mode = #tpu.pipeline_mode<synchronous>, transform_indices = @transform_10, window_bounds = array<i64: 1, 1>}, {transform_indices = @transform_11, window_bounds = array<i64: 1, 4096>}]} {
    %get3A = arith.constant 0 : index
    %get3A_0 = arith.constant 0 : index
    %get3A_1 = vector.load %arg3[%get3A, %get3A_0] : memref<32x128xf32, #tpu.memory_space<vmem>>, vector<32x128xf32>
    %get3A_2 = arith.constant 0 : index
    %get3A_3 = arith.constant 0 : index
    %get3A_4 = vector.load %arg1[%get3A_2, %get3A_3] : memref<32x4096xf32, #tpu.memory_space<vmem>>, vector<32x4096xf32>
    %dot_general3A = arith.constant dense<0.000000e+00> : vector<128x4096xf32>
    %dot_general3A_5 = tpu.matmul %get3A_1, %get3A_4, %dot_general3A {dimension_numbers = #tpu.dot_dimension_numbers<[0], [0], [1], [1], [0, 1, 1, 1], [], []>, transpose_lhs_hint = false} : vector<32x128xf32>, vector<32x4096xf32>, vector<128x4096xf32> -> vector<128x4096xf32>
    %get3A_6 = arith.constant 0 : index
    %get3A_7 = arith.constant 0 : index
    %get3A_8 = vector.load %arg4[%get3A_6, %get3A_7] : memref<32x128xf32, #tpu.memory_space<vmem>>, vector<32x128xf32>
    %get3A_9 = arith.constant 0 : index
    %get3A_10 = arith.constant 0 : index
    %get3A_11 = vector.load %arg2[%get3A_9, %get3A_10] : memref<32x4096xf32, #tpu.memory_space<vmem>>, vector<32x4096xf32>
    %dot_general3A_12 = arith.constant dense<0.000000e+00> : vector<128x4096xf32>
    %dot_general3A_13 = tpu.matmul %get3A_8, %get3A_11, %dot_general3A_12 {dimension_numbers = #tpu.dot_dimension_numbers<[0], [0], [1], [1], [0, 1, 1, 1], [], []>, transpose_lhs_hint = false} : vector<32x128xf32>, vector<32x4096xf32>, vector<128x4096xf32> -> vector<128x4096xf32>
    %add3A = arith.addf %dot_general3A_5, %dot_general3A_13 : vector<128x4096xf32>
    %get3A_14 = arith.constant 0 : index
    %get3A_15 = arith.constant 0 : index
    %get3A_16 = vector.load %arg5[%get3A_14, %get3A_15] : memref<128x1xf32, #tpu.memory_space<vmem>>, vector<128x1xf32>
    %add3A_17 = vector.broadcast %get3A_16 : vector<128x1xf32> to vector<128x4096xf32>
    %add3A_18 = arith.addf %add3A, %add3A_17 : vector<128x4096xf32>
    %max3A = arith.constant 0.000000e+00 : f32
    %max3A_19 = vector.broadcast %max3A : f32 to vector<128x4096xf32>
    %max3A_20 = arith.maximumf %add3A_18, %max3A_19 : vector<128x4096xf32>
    %get3A_21 = arith.constant 0 : index
    %get3A_22 = arith.constant 0 : index
    %get3A_23 = vector.load %arg6[%get3A_21, %get3A_22] : memref<128x64xf32, #tpu.memory_space<vmem>>, vector<128x64xf32>
    %dot_general3A_24 = arith.constant dense<0.000000e+00> : vector<64x4096xf32>
    %dot_general3A_25 = tpu.matmul %get3A_23, %max3A_20, %dot_general3A_24 {dimension_numbers = #tpu.dot_dimension_numbers<[0], [0], [1], [1], [0, 1, 1, 1], [], []>, transpose_lhs_hint = false} : vector<128x64xf32>, vector<128x4096xf32>, vector<64x4096xf32> -> vector<64x4096xf32>
    %get3A_26 = arith.constant 0 : index
    %get3A_27 = arith.constant 0 : index
    %get3A_28 = vector.load %arg7[%get3A_26, %get3A_27] : memref<64x1xf32, #tpu.memory_space<vmem>>, vector<64x1xf32>
    %add3A_29 = vector.broadcast %get3A_28 : vector<64x1xf32> to vector<64x4096xf32>
    %add3A_30 = arith.addf %dot_general3A_25, %add3A_29 : vector<64x4096xf32>
    %max3A_31 = arith.constant 0.000000e+00 : f32
    %max3A_32 = vector.broadcast %max3A_31 : f32 to vector<64x4096xf32>
    %max3A_33 = arith.maximumf %add3A_30, %max3A_32 : vector<64x4096xf32>
    %get3A_34 = arith.constant 0 : index
    %get3A_35 = arith.constant 0 : index
    %get3A_36 = vector.load %arg8[%get3A_34, %get3A_35] : memref<64x32xf32, #tpu.memory_space<vmem>>, vector<64x32xf32>
    %dot_general3A_37 = arith.constant dense<0.000000e+00> : vector<32x4096xf32>
    %dot_general3A_38 = tpu.matmul %get3A_36, %max3A_33, %dot_general3A_37 {dimension_numbers = #tpu.dot_dimension_numbers<[0], [0], [1], [1], [0, 1, 1, 1], [], []>, transpose_lhs_hint = false} : vector<64x32xf32>, vector<64x4096xf32>, vector<32x4096xf32> -> vector<32x4096xf32>
    %get3A_39 = arith.constant 0 : index
    %get3A_40 = arith.constant 0 : index
    %get3A_41 = vector.load %arg9[%get3A_39, %get3A_40] : memref<32x1xf32, #tpu.memory_space<vmem>>, vector<32x1xf32>
    %add3A_42 = vector.broadcast %get3A_41 : vector<32x1xf32> to vector<32x4096xf32>
    %add3A_43 = arith.addf %dot_general3A_38, %add3A_42 : vector<32x4096xf32>
    %max3A_44 = arith.constant 0.000000e+00 : f32
    %max3A_45 = vector.broadcast %max3A_44 : f32 to vector<32x4096xf32>
    %max3A_46 = arith.maximumf %add3A_43, %max3A_45 : vector<32x4096xf32>
    %get3A_47 = arith.constant 0 : index
    %get3A_48 = arith.constant 0 : index
    %get3A_49 = vector.load %arg10[%get3A_47, %get3A_48] : memref<32x1xf32, #tpu.memory_space<vmem>>, vector<32x1xf32>
    %dot_general3A_50 = arith.constant dense<0.000000e+00> : vector<1x4096xf32>
    %dot_general3A_51 = tpu.matmul %get3A_49, %max3A_46, %dot_general3A_50 {dimension_numbers = #tpu.dot_dimension_numbers<[0], [0], [1], [1], [0, 1, 1, 1], [], []>, transpose_lhs_hint = false} : vector<32x1xf32>, vector<32x4096xf32>, vector<1x4096xf32> -> vector<1x4096xf32>
    %get3A_52 = arith.constant 0 : index
    %get3A_53 = arith.constant 0 : index
    %get3A_54 = vector.load %arg11[%get3A_52, %get3A_53] : memref<1x1xf32, #tpu.memory_space<vmem>>, vector<1x1xf32>
    %add3A_55 = vector.broadcast %get3A_54 : vector<1x1xf32> to vector<1x4096xf32>
    %add3A_56 = arith.addf %dot_general3A_51, %add3A_55 : vector<1x4096xf32>
    %logistic3A = arith.negf %add3A_56 : vector<1x4096xf32>
    %logistic3A_57 = math.exp %logistic3A : vector<1x4096xf32>
    %logistic3A_58 = arith.constant 1.000000e+00 : f32
    %logistic3A_59 = vector.broadcast %logistic3A_58 : f32 to vector<1x4096xf32>
    %logistic3A_60 = arith.addf %logistic3A_59, %logistic3A_57 : vector<1x4096xf32>
    %logistic3A_61 = arith.divf %logistic3A_59, %logistic3A_60 : vector<1x4096xf32>
    %swap3A = arith.constant 0 : index
    %swap3A_62 = arith.constant 0 : index
    %swap3A_63 = vector.load %arg12[%swap3A, %swap3A_62] : memref<1x4096xf32, #tpu.memory_space<vmem>>, vector<1x4096xf32>
    tpu.vector_store %arg12[%swap3A, %swap3A_62], %logistic3A_61 {strides = array<i32>} : memref<1x4096xf32, #tpu.memory_space<vmem>>, vector<1x4096xf32>,
    return
  }
  func.func @transform_0(%arg0: i32) -> (i32, i32) {
    %c0_i32 = arith.constant 0 : i32
    %c0_i32_0 = arith.constant 0 : i32
    return %c0_i32, %arg0 : i32, i32
  }
  func.func @transform_1(%arg0: i32) -> (i32, i32) {
    %c0_i32 = arith.constant 0 : i32
    %c0_i32_0 = arith.constant 0 : i32
    return %c0_i32, %arg0 : i32, i32
  }
  func.func @transform_2(%arg0: i32) -> (i32, i32) {
    %c0_i32 = arith.constant 0 : i32
    %c0_i32_0 = arith.constant 0 : i32
    %c0_i32_1 = arith.constant 0 : i32
    return %c0_i32, %c0_i32_0 : i32, i32
  }
  func.func @transform_3(%arg0: i32) -> (i32, i32) {
    %c0_i32 = arith.constant 0 : i32
    %c0_i32_0 = arith.constant 0 : i32
    %c0_i32_1 = arith.constant 0 : i32
    return %c0_i32, %c0_i32_0 : i32, i32
  }
  func.func @transform_4(%arg0: i32) -> (i32, i32) {
    %c0_i32 = arith.constant 0 : i32
    %c0_i32_0 = arith.constant 0 : i32
    %c0_i32_1 = arith.constant 0 : i32
    return %c0_i32, %c0_i32_0 : i32, i32
  }
  func.func @transform_5(%arg0: i32) -> (i32, i32) {
    %c0_i32 = arith.constant 0 : i32
    %c0_i32_0 = arith.constant 0 : i32
    %c0_i32_1 = arith.constant 0 : i32
    return %c0_i32, %c0_i32_0 : i32, i32
  }
  func.func @transform_6(%arg0: i32) -> (i32, i32) {
    %c0_i32 = arith.constant 0 : i32
    %c0_i32_0 = arith.constant 0 : i32
    %c0_i32_1 = arith.constant 0 : i32
    return %c0_i32, %c0_i32_0 : i32, i32
  }
  func.func @transform_7(%arg0: i32) -> (i32, i32) {
    %c0_i32 = arith.constant 0 : i32
    %c0_i32_0 = arith.constant 0 : i32
    %c0_i32_1 = arith.constant 0 : i32
    return %c0_i32, %c0_i32_0 : i32, i32
  }
  func.func @transform_8(%arg0: i32) -> (i32, i32) {
    %c0_i32 = arith.constant 0 : i32
    %c0_i32_0 = arith.constant 0 : i32
    %c0_i32_1 = arith.constant 0 : i32
    return %c0_i32, %c0_i32_0 : i32, i32
  }
  func.func @transform_9(%arg0: i32) -> (i32, i32) {
    %c0_i32 = arith.constant 0 : i32
    %c0_i32_0 = arith.constant 0 : i32
    %c0_i32_1 = arith.constant 0 : i32
    return %c0_i32, %c0_i32_0 : i32, i32
  }
  func.func @transform_10(%arg0: i32) -> (i32, i32) {
    %c0_i32 = arith.constant 0 : i32
    %c0_i32_0 = arith.constant 0 : i32
    %c0_i32_1 = arith.constant 0 : i32
    return %c0_i32, %c0_i32_0 : i32, i32
  }
  func.func @transform_11(%arg0: i32) -> (i32, i32) {
    %c0_i32 = arith.constant 0 : i32
    %c0_i32_0 = arith.constant 0 : i32
    return %c0_i32, %arg0 : i32, i32
  }
}

</mosaic_0001>

<sc_bundles>
// kernel: kernel.4.cloned.1.call-start
scs
__scs_entry_jumppad:
0x0: {  	(pc) =	sbr.rel $0x88, $3  }
0x1: {  	(tag) =	ssettag $0x0;
	lr =	simm.s32 $0x1  }
0x2: {  	[smem:$0x3F95] =	sst lr;
	_ =	strace $0xD0000000  }
0x3: {  	_ = 	snop  }
0x4: {  	_ = 	snop  }
0x5: {  	_ = 	snop  }
0x6: {  	_ = 	snop  }
0x7: {  	_ = 	snop  }
__scs_overlays_trampoline_lowered:
0x8: {  	[smem:$0x3FA4] =	sst s0  }
0x9: {  	[smem:$0x3FA5] =	sst s1  }
0xa: {  	[smem:$0x3FA6] =	sst s2  }
0xb: {  	[smem:$0x3FA7] =	sst s3  }
0xc: {  	[smem:$0x3FA8] =	sst s4  }
0xd: {  	[smem:$0x3FA9] =	sst s5  }
0xe: {  	[smem:$0x3FAA] =	sst s6  }
0xf: {  	[smem:$0x3FAB] =	sst s7  }
0x10: {  	[smem:$0x3FAC] =	sst s8  }
0x11: {  	[smem:$0x3FAD] =	sst s9;
	s0 =	simm.s32 @!p0 $0x0  }
0x12: {  	s1 =	sld [smem:$0x3F93];
	s0 =	simm.s32 @p0 $0x1  }
0x13: {  	[smem:$0x3FAE] =	sst s0;
	s0 =	simm.s32 @!p1 $0x0  }
0x14: {  	s2 =	sld [smem:$0x3F92];
	s0 =	simm.s32 @p1 $0x1  }
0x15: {  	[smem:$0x3FAF] =	sst s0;
	s0 =	simm.s32 @!p2 $0x0  }
0x16: {  	s3 =	sld [smem:$0x3FDB];
	s0 =	simm.s32 @p2 $0x1  }
0x17: {  	s4 =	simm.s32 $0x1BF5;
	[smem:$0x3FB1] =	sst s0  }
0x18: {  	s0 =	sld [smem:$0x3F94];
	_ =	swait.ge [sflag:s4], $0x0  }
0x19: {  	s7 =	sld [smem:$0x3F95]  }
0x1a: {  	s8 =	sadd.s32 $0xFFFFE003, lr  }
0x1b: {  	s9 =	sadd.s32 $0xFFFFFEF7, lr;
	s5 =	simm.s32 $0xFFFFFFFF;
	p2 =	slt.u32 s8, $0xFFFFF086  }
0x1c: {  	p1 =	slt.u32 s9, $0xF7A;
	s5 =	simm.s32 @!p2 $0x0  }
0x1d: {  	s5 =	simm.s32 @p1 $0x1;
	p0 =	seq.s32 s7, s2  }
0x1e: {  	s7 =	smul.u32 @!p0 $0xF7A, s2;
	p2 =	seq.s32 @!p0 s5, $0x0  }
0x1f: {  	s9 =	smul.u32 $0xF7A, s1;
	s8 =	simm.s32 @!p0 $0x1BF5;
	p2 =	por !p2, p0  }
0x20: {  	[sflag:s8] =	ssyncset.s32 @!p0 $0xFFFFF086;
	s6 =	sadd.s32 @!p0 s3, s7;
	s7 =	simm.s32 @!p0 $0x108  }
0x21: {  	s3 =	sadd.s32 s3, s9;
	s6 =	sadd.s32 @!p0 $0x88, s6;
	s7 =	simm.s32 @p2 $0x1082  }
0x22: {  	[simem:s7], [sflag:s8] =	dma.local @!p0 [hbm:s6], $0xF7A  }
0x23: {  	s9 =	sor.u32 $0xD0000000, s2;
	s6 =	simm.s32 $0x108;
	_ =	swait.ge @!p0 [sflag:s8], $0x0  }
0x24: {  	s3 =	sadd.s32 $0x88, s3;
	s6 =	simm.s32 @!p1 $0x1082;
	[sflag:s4] =	ssyncset.s32 $0xFFFFF086  }
0x25: {  	[simem:s6], [sflag:s4] =	dma.local [hbm:s3], $0xF7A  }
0x26: {  	[smem:$0x3F95] =	sst s1;
	(tag) =	ssettag s2;
	_ =	strace s9  }
0x27: {  	s1 =	sld [smem:$0x3FA5]  }
0x28: {  	s2 =	sld [smem:$0x3FA6]  }
0x29: {  	s4 =	sld [smem:$0x3FA8]  }
0x2a: {  	p0 =	seq.s32 s5, $0x0;
	s5 =	sld [smem:$0x3FA9]  }
0x2b: {  	s6 =	sld [smem:$0x3FAA]  }
0x2c: {  	s7 =	sld [smem:$0x3FAB]  }
0x2d: {  	s3 =	simm.s32 $0x108;
	s8 =	sld [smem:$0x3FAC]  }
0x2e: {  	s3 =	simm.s32 @!p0 $0x1082;
	s9 =	sld [smem:$0x3FAD]  }
0x2f: {  	lr =	sadd.s32 s0, s3;
	s0 =	sld [smem:$0x3FA4]  }
0x30: {  	s3 =	sld [smem:$0x3FA7]  }
0x31: {  	[smem:$0x3FB0] =	sst s10  }
0x32: {  	s10 =	sld [smem:$0x3FAE];
	_ =	sdelay $0x3  }
0x33: {  	p0 =	seq.s32 s10, $0x1;
	s10 =	sld [smem:$0x3FB0];
	_ =	sdelay $0x3  }
0x34: {  	[smem:$0x3FB0] =	sst s10  }
0x35: {  	s10 =	sld [smem:$0x3FAF];
	_ =	sdelay $0x3  }
0x36: {  	p1 =	seq.s32 s10, $0x1;
	s10 =	sld [smem:$0x3FB0];
	_ =	sdelay $0x3  }
0x37: {  	[smem:$0x3FB0] =	sst s10  }
0x38: {  	s10 =	sld [smem:$0x3FB1]  }
0x39: {  	_ = 	snop;
	(pc) =	sbr.ind lr, $3  }
0x3a: {  	_ = 	snop  }
0x3b: {  	_ = 	snop  }
0x3c: {  	p2 =	seq.s32 s10, $0x1;
	s10 =	sld [smem:$0x3FB0]  }
0x3d: {  	_ =	shalt  }
0x3e: {  	_ =	shalt  }
0x3f: {  	_ =	shalt  }
0x40: {  	_ =	shalt  }
0x41: {  	_ =	shalt  }
0x42: {  	_ =	shalt  }
0x43: {  	_ =	shalt  }
0x44: {  	_ =	shalt  }
0x45: {  	_ =	shalt  }
0x46: {  	_ =	shalt  }
0x47: {  	_ =	shalt  }
0x48: {  	_ =	shalt  }
0x49: {  	_ =	shalt  }
0x4a: {  	_ =	shalt  }
0x4b: {  	_ =	shalt  }
0x4c: {  	_ =	shalt  }
0x4d: {  	_ =	shalt  }
0x4e: {  	_ =	shalt  }
0x4f: {  	_ =	shalt  }
0x50: {  	_ =	shalt  }
0x51: {  	_ =	shalt  }
0x52: {  	_ =	shalt  }
0x53: {  	_ =	shalt  }
0x54: {  	_ =	shalt  }
0x55: {  	_ =	shalt  }
0x56: {  	_ =	shalt  }
0x57: {  	_ =	shalt  }
0x58: {  	_ =	shalt  }
0x59: {  	_ =	shalt  }
0x5a: {  	_ =	shalt  }
0x5b: {  	_ =	shalt  }
0x5c: {  	_ =	shalt  }
0x5d: {  	_ =	shalt  }
0x5e: {  	_ =	shalt  }
0x5f: {  	_ =	shalt  }
0x60: {  	_ =	shalt  }
0x61: {  	_ =	shalt  }
0x62: {  	_ =	shalt  }
0x63: {  	_ =	shalt  }
0x64: {  	_ =	shalt  }
0x65: {  	_ =	shalt  }
0x66: {  	_ =	shalt  }
0x67: {  	_ =	shalt  }
0x68: {  	_ =	shalt  }
0x69: {  	_ =	shalt  }
0x6a: {  	_ =	shalt  }
0x6b: {  	_ =	shalt  }
0x6c: {  	_ =	shalt  }
0x6d: {  	_ =	shalt  }
0x6e: {  	_ =	shalt  }
0x6f: {  	_ =	shalt  }
0x70: {  	_ =	shalt  }
0x71: {  	_ =	shalt  }
0x72: {  	_ =	shalt  }
0x73: {  	_ =	shalt  }
0x74: {  	_ =	shalt  }
0x75: {  	_ =	shalt  }
0x76: {  	_ =	shalt  }
0x77: {  	_ =	shalt  }
0x78: {  	_ =	shalt  }
0x79: {  	_ =	shalt  }
0x7a: {  	_ =	shalt  }
0x7b: {  	_ =	shalt  }
0x7c: {  	_ =	shalt  }
0x7d: {  	_ =	shalt  }
0x7e: {  	_ =	shalt  }
0x7f: {  	_ =	shalt  }
0x80: {  	_ =	shalt  }
0x81: {  	_ =	shalt  }
0x82: {  	_ =	shalt  }
0x83: {  	_ =	shalt  }
0x84: {  	_ =	shalt  }
0x85: {  	_ =	shalt  }
0x86: {  	_ =	shalt  }
0x87: {  	_ =	shalt  }
.Lfunc_end0:
.L_simem_size_0:
called_computation_lowered:
.L_overlay_start_0:
0x88: {  	s2 =	sld [smem:$0x3FD9]  }
0x89: {  	s3 =	sld [smem:$0x3FFE];
	_ =	sdelay $0x1  }
0x8a: {  	s1 =	srdreg.scid  }
0x8b: {  	s0 =	sand.u32 $0x1, s1  }
0x8c: {  	s17 =	sshll.u32 s0, $0xA;
	s2 =	sadd.s32 s3, s2  }
0x8d: {  	s2 =	sadd.s32 s2, s17  }
0x8e: {  	[smem:$0x3FBC] =	sst s2  }
0x8f: {  	_ = 	snop  }
0x90: {  	s2 =	sld [smem:$0x3FC9]  }
0x91: {  	s18 =	sld [smem:$0x3FC8]  }
0x92: {  	s4 =	sld [smem:$0x3FC7]  }
0x93: {  	s5 =	sld [smem:$0x3FC6];
	(tm) =	ssettm $0x1  }
0x94: {  	s6 =	sld [smem:$0x3FFB];
	_ =	sdelay $0x3  }
0x95: {  	_ =	strace s6  }
0x96: {  	s6 =	sld [smem:$0x3FFC];
	_ =	sdelay $0x3  }
0x97: {  	_ =	strace s6  }
0x98: {  	s6 =	sld [smem:$0x3FFD];
	_ =	sdelay $0x3  }
0x99: {  	_ =	strace s6  }
0x9a: {  	_ =	strace $0x8FFFFFFF  }
0x9b: {  	s19 =	sld [smem:$0x3FDB];
	_ =	sdelay $0x1  }
0x9c: {  	s7 =	simm.s32 $_scs_section_size  }
0x9d: {  	s8 =	simm.s32 $_size__tile_overlayer_lowered;
	s9 =	simm.s32 $_tile_overlayer_lowered  }
0x9e: {  	s22 =	simm.s32 $0x1BFF;
	s21 =	sshll.u32 s9, $0x1;
	s6 =	sadd.s32 s7, s19  }
0x9f: {  	s10 =	simm.s32 $0x0;
	s20 =	sshll.u32 s8, $0x1;
	s8 =	sadd.s32 s21, s6  }
0xa0: {  	[timem:s10], [sflag:s22] =	dma.local [hbm:s8], s20  }
0xa1: {  	_ =	swait.ge [sflag:s22], s20  }
0xa2: {  	s7 =	ssub.s32 $0x0, s20;
	[sflag:s22] =	ssyncset.done $0x0  }
0xa3: {  	[sflag:s22] =	ssyncadd.s32 s7;
	_ =	sdelay $0x1  }
0xa4: {  	s23 =	simm.s32 $0x1B8B  }
0xa5: {  	_ =	swait.ge [sflag:s23], $0x1  }
0xa6: {  	[sflag:s23] =	ssyncset.done $0x0  }
0xa7: {  	s25 =	simm.s32 $0x1B8E;
	s24 =	sld [smem:$0x3FFE];
	[sflag:s23] =	ssyncadd.s32 $0xFFFFFFFF  }
0xa8: {  	s26 =	simm.s32 $execute0_lowered;
	[smem:$0x3FD2] =	sst s25  }
0xa9: {  	s8 =	sshll.u32 s26, $0x1;
	_ =	strace $0x80000046;
	[dreg:$0x1] =	wrdreg $0xFFFFFFFF  }
0xaa: {  	s28 =	simm.s32 $_size_execute0_lowered;
	s6 =	sadd.s32 s6, s8;
	[dreg:$0x0] =	wrdreg $0x0  }
0xab: {  	s8 =	sshll.u32 s28, $0x1;
	[dreg:$0x2] =	wrdreg s6  }
0xac: {  	[dreg:$0x3] =	wrdreg s8  }
0xad: {  	[dreg:$0x4] =	wrdreg $0xC0  }
0xae: {  	_ =	task [dreg:s10], $0x5FFFF  }
0xaf: {  	[dreg:$0x1] =	wrdreg $0xFFFFFFFF  }
0xb0: {  	[dreg:$0x0] =	wrdreg $0x60  }
0xb1: {  	[dreg:$0x2] =	wrdreg s2  }
0xb2: {  	[dreg:$0x3] =	wrdreg s18  }
0xb3: {  	[dreg:$0x4] =	wrdreg s4  }
0xb4: {  	[dreg:$0x5] =	wrdreg s5  }
0xb5: {  	[dreg:$0x6] =	wrdreg s24  }
0xb6: {  	[dreg:$0x7] =	wrdreg $0x9  }
0xb7: {  	_ =	task.clear_ibuf [dreg:s10], $0x8FFFF;
	_ =	strace $0x90000046  }
0xb8: {  	s29 =	simm.s32 $0x9;
	_ =	strace $0x80000048  }
0xb9: {  	_ =	swait.ge [sflag:s29], $0x1  }
0xba: {  	[sflag:s29] =	ssyncadd.s32 $0xFFFFFFFF  }
0xbb: {  	_ =	strace $0x90000048  }
0xbc: {  	_ =	sfence  }
0xbd: {  	s30 =	sld [smem:$0x0];
	_ =	sdelay $0x2  }
0xbe: {  	s31 =	sshll.u32 s1, $0xD;
	s1 =	sshrl.u32 s1, $0x2  }
0xbf: {  	s3 =	sand.u32 $0x4000, s31;
	s1 =	sadd.s32 s1, s30  }
0xc0: {  	s0 =	sor.u32 s3, s0;
	s1 =	sshll.u32 s1, $0x11  }
0xc1: {  	s0 =	sor.u32 s1, s0  }
0xc2: {  	s0 =	sadd.s32 $0x8F2B, s0  }
0xc3: {  	[sflag:s0] =	ssyncadd.remote.s32 $0x1  }
0xc4: {  	_ =	sfence.sel $0xFFFF  }
0xc5: {  	[dreg:$0x0] =	wrdreg $0xFFFFFFFF;
	(pc) =	sbr.abs _section_cstart, $3  }
0xc6: {  	[dreg:$0x1] =	wrdreg $0xFFFFFFFF  }
0xc7: {  	_ =	task.clear_ibuf [dreg:s10], $0x2FFFF;
	_ =	strace $0x9FFFFFFF  }
0xc8: {  	(tm) =	ssettm $0x7FFFFFFF  }
0xc9: {  	_ =	shalt  }
tec
execute0_lowered:
.L_overlay_start_1:
0x0: {  	(tag) =	ssettag $0x1  }
0x1: {  	v33 =	vlaneseq.u32  }
0x2: {  	v1 =	vimm.s32 $0x7080;
	vm14 =	vcmask $0x300;
	vm13 =	vcmask $0x704  }
0x3: {  	v2 =	vimm.s32 $0x7180;
	vm12 =	vcmask $0xB08;
	vm11 =	vcmask $0xF0C  }
0x4: {  	vm10 =	vcmask $0x1310;
	vm9 =	vcmask $0x1714;
	vm7 =	vcmask $0x1B18  }
0x5: {  	vm8 =	vcmask $0x1F1C;
	vm6 =	vcmask $0x2320;
	vm5 =	vcmask $0x2724  }
0x6: {  	vm4 =	vcmask $0x2B28;
	vm3 =	vcmask $0x2F2C;
	vm2 =	vcmask $0x3330  }
0x7: {  	vm1 =	vcmask $0x3734;
	vm0 =	vcmask $0x3B38;
	v5 =	vimm.s32 $0x7280  }
0x8: {  	v6 =	vimm.s32 $0x7380;
	v7 =	vimm.s32 $0x7480;
	v11 =	vimm.s32 $0x7580  }
0x9: {  	v12 =	vimm.s32 $0x7680;
	v13 =	vimm.s32 $0x7780;
	v17 =	vimm.s32 $0x7880  }
0xa: {  	v18 =	vimm.s32 $0x7980;
	v19 =	vimm.s32 $0x7A80;
	v23 =	vimm.s32 $0x7B80  }
0xb: {  	v24 =	vimm.s32 $0x7C80;
	v25 =	vimm.s32 $0x7D80;
	v29 =	vimm.s32 $0x7E80  }
0xc: {  	v30 =	vimm.s32 $0x7F80;
	v31 =	vimm.s32 $0xCFF;
	v35 =	vimm.s32 $0xDFF  }
0xd: {  	v36 =	vimm.s32 $0xEFF;
	v37 =	vimm.s32 $0xFFF;
	v38 =	vimm.s32 $0x1CFF  }
0xe: {  	v39 =	vimm.s32 $0x1DFF;
	v40 =	vimm.s32 $0x1EFF;
	v41 =	vimm.s32 $0x1FFF  }
0xf: {  	v42 =	vimm.s32 $0x2CFF;
	v43 =	vimm.s32 $0x2DFF;
	v44 =	vimm.s32 $0x2EFF  }
0x10: {  	v45 =	vimm.s32 $0x2FFF;
	v46 =	vimm.s32 $0x3CFF;
	v47 =	vimm.s32 $0x3DFF  }
0x11: {  	v48 =	vimm.s32 $0x3EFF;
	v49 =	vimm.s32 $0x3FFF;
	v0 =	vand.u32 $0x7, v33  }
0x12: {  	v1 =	vsel vm14, $0x0, v1;
	v2 =	vsel vm14, $0x100, v2;
	v5 =	vsel vm14, $0x200, v5  }
0x13: {  	v6 =	vsel vm14, $0x300, v6;
	v7 =	vsel vm14, $0x400, v7;
	v11 =	vsel vm14, $0x500, v11  }
0x14: {  	v12 =	vsel vm14, $0x600, v12;
	v13 =	vsel vm14, $0x700, v13;
	v17 =	vsel vm14, $0x800, v17  }
0x15: {  	v18 =	vsel vm14, $0x900, v18;
	v19 =	vsel vm14, $0xA00, v19;
	v23 =	vsel vm14, $0xB00, v23  }
0x16: {  	v24 =	vsel vm14, $0xC00, v24;
	v25 =	vsel vm14, $0xD00, v25;
	v29 =	vsel vm14, $0xE00, v29  }
0x17: {  	v30 =	vsel vm14, $0xF00, v30;
	v31 =	vsel vm14, $0xC78, v31;
	v35 =	vsel vm14, $0xD78, v35  }
0x18: {  	v36 =	vsel vm14, $0xE78, v36;
	v37 =	vsel vm14, $0xF78, v37;
	v38 =	vsel vm14, $0x1C78, v38  }
0x19: {  	v39 =	vsel vm14, $0x1D78, v39;
	v40 =	vsel vm14, $0x1E78, v40;
	v41 =	vsel vm14, $0x1F78, v41  }
0x1a: {  	v42 =	vsel vm14, $0x2C78, v42;
	v43 =	vsel vm14, $0x2D78, v43;
	v44 =	vsel vm14, $0x2E78, v44  }
0x1b: {  	v45 =	vsel vm14, $0x2F78, v45;
	v46 =	vsel vm14, $0x3C78, v46;
	v47 =	vsel vm14, $0x3D78, v47  }
0x1c: {  	v48 =	vsel vm14, $0x3E78, v48;
	v49 =	vsel vm14, $0x3F78, v49;
	v1 =	vsel vm13, $0x1000, v1  }
0x1d: {  	v2 =	vsel vm13, $0x1100, v2;
	v5 =	vsel vm13, $0x1200, v5;
	v6 =	vsel vm13, $0x1300, v6  }
0x1e: {  	v7 =	vsel vm13, $0x1400, v7;
	v11 =	vsel vm13, $0x1500, v11;
	v12 =	vsel vm13, $0x1600, v12  }
0x1f: {  	v13 =	vsel vm13, $0x1700, v13;
	v17 =	vsel vm13, $0x1800, v17;
	v18 =	vsel vm13, $0x1900, v18  }
0x20: {  	v19 =	vsel vm13, $0x1A00, v19;
	v23 =	vsel vm13, $0x1B00, v23;
	v24 =	vsel vm13, $0x1C00, v24  }
0x21: {  	v25 =	vsel vm13, $0x1D00, v25;
	v29 =	vsel vm13, $0x1E00, v29;
	v30 =	vsel vm13, $0x1F00, v30  }
0x22: {  	v31 =	vsel vm13, $0xC79, v31;
	v35 =	vsel vm13, $0xD79, v35;
	v36 =	vsel vm13, $0xE79, v36  }
0x23: {  	v37 =	vsel vm13, $0xF79, v37;
	v38 =	vsel vm13, $0x1C79, v38;
	v39 =	vsel vm13, $0x1D79, v39  }
0x24: {  	v40 =	vsel vm13, $0x1E79, v40;
	v41 =	vsel vm13, $0x1F79, v41;
	v42 =	vsel vm13, $0x2C79, v42  }
0x25: {  	v43 =	vsel vm13, $0x2D79, v43;
	v44 =	vsel vm13, $0x2E79, v44;
	v45 =	vsel vm13, $0x2F79, v45  }
0x26: {  	v46 =	vsel vm13, $0x3C79, v46;
	v47 =	vsel vm13, $0x3D79, v47;
	v48 =	vsel vm13, $0x3E79, v48  }
0x27: {  	v49 =	vsel vm13, $0x3F79, v49;
	v1 =	vsel vm12, $0x2000, v1;
	v2 =	vsel vm12, $0x2100, v2  }
0x28: {  	v5 =	vsel vm12, $0x2200, v5;
	v6 =	vsel vm12, $0x2300, v6;
	v7 =	vsel vm12, $0x2400, v7  }
0x29: {  	v11 =	vsel vm12, $0x2500, v11;
	v12 =	vsel vm12, $0x2600, v12;
	v13 =	vsel vm12, $0x2700, v13  }
0x2a: {  	v17 =	vsel vm12, $0x2800, v17;
	v18 =	vsel vm12, $0x2900, v18;
	v19 =	vsel vm12, $0x2A00, v19  }
0x2b: {  	v23 =	vsel vm12, $0x2B00, v23;
	v24 =	vsel vm12, $0x2C00, v24;
	v25 =	vsel vm12, $0x2D00, v25  }
0x2c: {  	v29 =	vsel vm12, $0x2E00, v29;
	v30 =	vsel vm12, $0x2F00, v30;
	v31 =	vsel vm12, $0xC7A, v31  }
0x2d: {  	v35 =	vsel vm12, $0xD7A, v35;
	v36 =	vsel vm12, $0xE7A, v36;
	v37 =	vsel vm12, $0xF7A, v37  }
0x2e: {  	v38 =	vsel vm12, $0x1C7A, v38;
	v39 =	vsel vm12, $0x1D7A, v39;
	v40 =	vsel vm12, $0x1E7A, v40  }
0x2f: {  	v41 =	vsel vm12, $0x1F7A, v41;
	v42 =	vsel vm12, $0x2C7A, v42;
	v43 =	vsel vm12, $0x2D7A, v43  }
0x30: {  	v44 =	vsel vm12, $0x2E7A, v44;
	v45 =	vsel vm12, $0x2F7A, v45;
	v46 =	vsel vm12, $0x3C7A, v46  }
0x31: {  	v47 =	vsel vm12, $0x3D7A, v47;
	v48 =	vsel vm12, $0x3E7A, v48;
	v49 =	vsel vm12, $0x3F7A, v49  }
0x32: {  	v1 =	vsel vm11, $0x3000, v1;
	v2 =	vsel vm11, $0x3100, v2;
	v5 =	vsel vm11, $0x3200, v5  }
0x33: {  	v6 =	vsel vm11, $0x3300, v6;
	v7 =	vsel vm11, $0x3400, v7;
	v11 =	vsel vm11, $0x3500, v11  }
0x34: {  	v12 =	vsel vm11, $0x3600, v12;
	v13 =	vsel vm11, $0x3700, v13;
	v17 =	vsel vm11, $0x3800, v17  }
0x35: {  	v18 =	vsel vm11, $0x3900, v18;
	v19 =	vsel vm11, $0x3A00, v19;
	v23 =	vsel vm11, $0x3B00, v23  }
0x36: {  	v24 =	vsel vm11, $0x3C00, v24;
	v25 =	vsel vm11, $0x3D00, v25;
	v29 =	vsel vm11, $0x3E00, v29  }
0x37: {  	v30 =	vsel vm11, $0x3F00, v30;
	v31 =	vsel vm11, $0xC7B, v31;
	v35 =	vsel vm11, $0xD7B, v35  }
0x38: {  	v36 =	vsel vm11, $0xE7B, v36;
	v37 =	vsel vm11, $0xF7B, v37;
	v38 =	vsel vm11, $0x1C7B, v38  }
0x39: {  	v39 =	vsel vm11, $0x1D7B, v39;
	v40 =	vsel vm11, $0x1E7B, v40;
	v41 =	vsel vm11, $0x1F7B, v41  }
0x3a: {  	v42 =	vsel vm11, $0x2C7B, v42;
	v43 =	vsel vm11, $0x2D7B, v43;
	v44 =	vsel vm11, $0x2E7B, v44  }
0x3b: {  	v45 =	vsel vm11, $0x2F7B, v45;
	v46 =	vsel vm11, $0x3C7B, v46;
	v47 =	vsel vm11, $0x3D7B, v47  }
0x3c: {  	v48 =	vsel vm11, $0x3E7B, v48;
	v49 =	vsel vm11, $0x3F7B, v49;
	v1 =	vsel vm10, $0x4000, v1  }
0x3d: {  	v2 =	vsel vm10, $0x4100, v2;
	v5 =	vsel vm10, $0x4200, v5;
	v6 =	vsel vm10, $0x4300, v6  }
0x3e: {  	v7 =	vsel vm10, $0x4400, v7;
	v11 =	vsel vm10, $0x4500, v11;
	v12 =	vsel vm10, $0x4600, v12  }
0x3f: {  	v13 =	vsel vm10, $0x4700, v13;
	v17 =	vsel vm10, $0x4800, v17;
	v18 =	vsel vm10, $0x4900, v18  }
0x40: {  	v19 =	vsel vm10, $0x4A00, v19;
	v23 =	vsel vm10, $0x4B00, v23;
	v24 =	vsel vm10, $0x4C00, v24  }
0x41: {  	v25 =	vsel vm10, $0x4D00, v25;
	v29 =	vsel vm10, $0x4E00, v29;
	v30 =	vsel vm10, $0x4F00, v30  }
0x42: {  	v31 =	vsel vm10, $0xC7C, v31;
	v35 =	vsel vm10, $0xD7C, v35;
	v36 =	vsel vm10, $0xE7C, v36  }
0x43: {  	v37 =	vsel vm10, $0xF7C, v37;
	v38 =	vsel vm10, $0x1C7C, v38;
	v39 =	vsel vm10, $0x1D7C, v39  }
0x44: {  	v40 =	vsel vm10, $0x1E7C, v40;
	v41 =	vsel vm10, $0x1F7C, v41;
	v42 =	vsel vm10, $0x2C7C, v42  }
0x45: {  	v43 =	vsel vm10, $0x2D7C, v43;
	v44 =	vsel vm10, $0x2E7C, v44;
	v45 =	vsel vm10, $0x2F7C, v45  }
0x46: {  	v46 =	vsel vm10, $0x3C7C, v46;
	v47 =	vsel vm10, $0x3D7C, v47;
	v48 =	vsel vm10, $0x3E7C, v48  }
0x47: {  	v49 =	vsel vm10, $0x3F7C, v49;
	v1 =	vsel vm9, $0x5000, v1;
	v2 =	vsel vm9, $0x5100, v2  }
0x48: {  	v5 =	vsel vm9, $0x5200, v5;
	v6 =	vsel vm9, $0x5300, v6;
	v7 =	vsel vm9, $0x5400, v7  }
0x49: {  	v11 =	vsel vm9, $0x5500, v11;
	v12 =	vsel vm9, $0x5600, v12;
	v13 =	vsel vm9, $0x5700, v13  }
0x4a: {  	v17 =	vsel vm9, $0x5800, v17;
	v18 =	vsel vm9, $0x5900, v18;
	v19 =	vsel vm9, $0x5A00, v19  }
0x4b: {  	v23 =	vsel vm9, $0x5B00, v23;
	v24 =	vsel vm9, $0x5C00, v24;
	v25 =	vsel vm9, $0x5D00, v25  }
0x4c: {  	v29 =	vsel vm9, $0x5E00, v29;
	v30 =	vsel vm9, $0x5F00, v30;
	v31 =	vsel vm9, $0xC7D, v31  }
0x4d: {  	v35 =	vsel vm9, $0xD7D, v35;
	v36 =	vsel vm9, $0xE7D, v36;
	v37 =	vsel vm9, $0xF7D, v37  }
0x4e: {  	v38 =	vsel vm9, $0x1C7D, v38;
	v39 =	vsel vm9, $0x1D7D, v39;
	v40 =	vsel vm9, $0x1E7D, v40  }
0x4f: {  	v41 =	vsel vm9, $0x1F7D, v41;
	v42 =	vsel vm9, $0x2C7D, v42;
	v43 =	vsel vm9, $0x2D7D, v43  }
0x50: {  	v44 =	vsel vm9, $0x2E7D, v44;
	v45 =	vsel vm9, $0x2F7D, v45;
	v46 =	vsel vm9, $0x3C7D, v46  }
0x51: {  	v47 =	vsel vm9, $0x3D7D, v47;
	v48 =	vsel vm9, $0x3E7D, v48;
	v49 =	vsel vm9, $0x3F7D, v49  }
0x52: {  	v1 =	vsel vm7, $0x6000, v1;
	v2 =	vsel vm7, $0x6100, v2;
	v5 =	vsel vm7, $0x6200, v5  }
0x53: {  	v6 =	vsel vm7, $0x6300, v6;
	v7 =	vsel vm7, $0x6400, v7;
	v11 =	vsel vm7, $0x6500, v11  }
0x54: {  	v12 =	vsel vm7, $0x6600, v12;
	v13 =	vsel vm7, $0x6700, v13;
	v17 =	vsel vm7, $0x6800, v17  }
0x55: {  	v18 =	vsel vm7, $0x6900, v18;
	v19 =	vsel vm7, $0x6A00, v19;
	v23 =	vsel vm7, $0x6B00, v23  }
0x56: {  	v24 =	vsel vm7, $0x6C00, v24;
	v25 =	vsel vm7, $0x6D00, v25;
	v29 =	vsel vm7, $0x6E00, v29  }
0x57: {  	v30 =	vsel vm7, $0x6F00, v30;
	v31 =	vsel vm7, $0xC7E, v31;
	v35 =	vsel vm7, $0xD7E, v35  }
0x58: {  	v36 =	vsel vm7, $0xE7E, v36;
	v37 =	vsel vm7, $0xF7E, v37;
	v38 =	vsel vm7, $0x1C7E, v38  }
0x59: {  	v39 =	vsel vm7, $0x1D7E, v39;
	v40 =	vsel vm7, $0x1E7E, v40;
	v41 =	vsel vm7, $0x1F7E, v41  }
0x5a: {  	v42 =	vsel vm7, $0x2C7E, v42;
	v43 =	vsel vm7, $0x2D7E, v43;
	v44 =	vsel vm7, $0x2E7E, v44  }
0x5b: {  	v45 =	vsel vm7, $0x2F7E, v45;
	v46 =	vsel vm7, $0x3C7E, v46;
	v47 =	vsel vm7, $0x3D7E, v47  }
0x5c: {  	v48 =	vsel vm7, $0x3E7E, v48;
	v49 =	vsel vm7, $0x3F7E, v49;
	v1 =	vsel vm8, $0x7000, v1  }
0x5d: {  	v2 =	vsel vm8, $0x7100, v2;
	v5 =	vsel vm8, $0x7200, v5;
	v6 =	vsel vm8, $0x7300, v6  }
0x5e: {  	v7 =	vsel vm8, $0x7400, v7;
	v11 =	vsel vm8, $0x7500, v11;
	v12 =	vsel vm8, $0x7600, v12  }
0x5f: {  	v13 =	vsel vm8, $0x7700, v13;
	v17 =	vsel vm8, $0x7800, v17;
	v18 =	vsel vm8, $0x7900, v18  }
0x60: {  	v19 =	vsel vm8, $0x7A00, v19;
	v23 =	vsel vm8, $0x7B00, v23;
	v24 =	vsel vm8, $0x7C00, v24  }
0x61: {  	v25 =	vsel vm8, $0x7D00, v25;
	v29 =	vsel vm8, $0x7E00, v29;
	v30 =	vsel vm8, $0x7F00, v30  }
0x62: {  	v31 =	vsel vm8, $0xC7F, v31;
	v35 =	vsel vm8, $0xD7F, v35;
	v36 =	vsel vm8, $0xE7F, v36  }
0x63: {  	v37 =	vsel vm8, $0xF7F, v37;
	v38 =	vsel vm8, $0x1C7F, v38;
	v39 =	vsel vm8, $0x1D7F, v39  }
0x64: {  	v40 =	vsel vm8, $0x1E7F, v40;
	v41 =	vsel vm8, $0x1F7F, v41;
	v42 =	vsel vm8, $0x2C7F, v42  }
0x65: {  	v43 =	vsel vm8, $0x2D7F, v43;
	v44 =	vsel vm8, $0x2E7F, v44;
	v45 =	vsel vm8, $0x2F7F, v45  }
0x66: {  	v46 =	vsel vm8, $0x3C7F, v46;
	v47 =	vsel vm8, $0x3D7F, v47;
	v48 =	vsel vm8, $0x3E7F, v48  }
0x67: {  	v49 =	vsel vm8, $0x3F7F, v49;
	v1 =	vsel vm6, $0x80, v1;
	v2 =	vsel vm6, $0x180, v2  }
0x68: {  	v5 =	vsel vm6, $0x280, v5;
	v6 =	vsel vm6, $0x380, v6;
	v7 =	vsel vm6, $0x480, v7  }
0x69: {  	v11 =	vsel vm6, $0x580, v11;
	v12 =	vsel vm6, $0x680, v12;
	v13 =	vsel vm6, $0x780, v13  }
0x6a: {  	v17 =	vsel vm6, $0x880, v17;
	v18 =	vsel vm6, $0x980, v18;
	v19 =	vsel vm6, $0xA80, v19  }
0x6b: {  	v23 =	vsel vm6, $0xB80, v23;
	v24 =	vsel vm6, $0xC80, v24;
	v25 =	vsel vm6, $0xD80, v25  }
0x6c: {  	v29 =	vsel vm6, $0xE80, v29;
	v30 =	vsel vm6, $0xF80, v30;
	v31 =	vsel vm6, $0xCF8, v31  }
0x6d: {  	v35 =	vsel vm6, $0xDF8, v35;
	v36 =	vsel vm6, $0xEF8, v36;
	v37 =	vsel vm6, $0xFF8, v37  }
0x6e: {  	v38 =	vsel vm6, $0x1CF8, v38;
	v39 =	vsel vm6, $0x1DF8, v39;
	v40 =	vsel vm6, $0x1EF8, v40  }
0x6f: {  	v41 =	vsel vm6, $0x1FF8, v41;
	v42 =	vsel vm6, $0x2CF8, v42;
	v43 =	vsel vm6, $0x2DF8, v43  }
0x70: {  	v44 =	vsel vm6, $0x2EF8, v44;
	v45 =	vsel vm6, $0x2FF8, v45;
	v46 =	vsel vm6, $0x3CF8, v46  }
0x71: {  	v47 =	vsel vm6, $0x3DF8, v47;
	v48 =	vsel vm6, $0x3EF8, v48;
	v49 =	vsel vm6, $0x3FF8, v49  }
0x72: {  	v1 =	vsel vm5, $0x1080, v1;
	v2 =	vsel vm5, $0x1180, v2;
	v5 =	vsel vm5, $0x1280, v5  }
0x73: {  	v6 =	vsel vm5, $0x1380, v6;
	v7 =	vsel vm5, $0x1480, v7;
	v11 =	vsel vm5, $0x1580, v11  }
0x74: {  	v12 =	vsel vm5, $0x1680, v12;
	v13 =	vsel vm5, $0x1780, v13;
	v17 =	vsel vm5, $0x1880, v17  }
0x75: {  	v18 =	vsel vm5, $0x1980, v18;
	v19 =	vsel vm5, $0x1A80, v19;
	v23 =	vsel vm5, $0x1B80, v23  }
0x76: {  	v24 =	vsel vm5, $0x1C80, v24;
	v25 =	vsel vm5, $0x1D80, v25;
	v29 =	vsel vm5, $0x1E80, v29  }
0x77: {  	v30 =	vsel vm5, $0x1F80, v30;
	v31 =	vsel vm5, $0xCF9, v31;
	v35 =	vsel vm5, $0xDF9, v35  }
0x78: {  	v36 =	vsel vm5, $0xEF9, v36;
	v37 =	vsel vm5, $0xFF9, v37;
	v38 =	vsel vm5, $0x1CF9, v38  }
0x79: {  	v39 =	vsel vm5, $0x1DF9, v39;
	v40 =	vsel vm5, $0x1EF9, v40;
	v41 =	vsel vm5, $0x1FF9, v41  }
0x7a: {  	v42 =	vsel vm5, $0x2CF9, v42;
	v43 =	vsel vm5, $0x2DF9, v43;
	v44 =	vsel vm5, $0x2EF9, v44  }
0x7b: {  	v45 =	vsel vm5, $0x2FF9, v45;
	v46 =	vsel vm5, $0x3CF9, v46;
	v47 =	vsel vm5, $0x3DF9, v47  }
0x7c: {  	v48 =	vsel vm5, $0x3EF9, v48;
	v49 =	vsel vm5, $0x3FF9, v49;
	v1 =	vsel vm4, $0x2080, v1  }
0x7d: {  	v2 =	vsel vm4, $0x2180, v2;
	v5 =	vsel vm4, $0x2280, v5;
	v6 =	vsel vm4, $0x2380, v6  }
0x7e: {  	v7 =	vsel vm4, $0x2480, v7;
	v11 =	vsel vm4, $0x2580, v11;
	v12 =	vsel vm4, $0x2680, v12  }
0x7f: {  	v13 =	vsel vm4, $0x2780, v13;
	v17 =	vsel vm4, $0x2880, v17;
	v18 =	vsel vm4, $0x2980, v18  }
0x80: {  	v19 =	vsel vm4, $0x2A80, v19;
	v23 =	vsel vm4, $0x2B80, v23;
	v24 =	vsel vm4, $0x2C80, v24  }
0x81: {  	v25 =	vsel vm4, $0x2D80, v25;
	v29 =	vsel vm4, $0x2E80, v29;
	v30 =	vsel vm4, $0x2F80, v30  }
0x82: {  	v31 =	vsel vm4, $0xCFA, v31;
	v35 =	vsel vm4, $0xDFA, v35;
	v36 =	vsel vm4, $0xEFA, v36  }
0x83: {  	v37 =	vsel vm4, $0xFFA, v37;
	v38 =	vsel vm4, $0x1CFA, v38;
	v39 =	vsel vm4, $0x1DFA, v39  }
0x84: {  	v40 =	vsel vm4, $0x1EFA, v40;
	v41 =	vsel vm4, $0x1FFA, v41;
	v42 =	vsel vm4, $0x2CFA, v42  }
0x85: {  	v43 =	vsel vm4, $0x2DFA, v43;
	v44 =	vsel vm4, $0x2EFA, v44;
	v45 =	vsel vm4, $0x2FFA, v45  }
0x86: {  	v46 =	vsel vm4, $0x3CFA, v46;
	v47 =	vsel vm4, $0x3DFA, v47;
	v48 =	vsel vm4, $0x3EFA, v48  }
0x87: {  	v49 =	vsel vm4, $0x3FFA, v49;
	v1 =	vsel vm3, $0x3080, v1;
	v2 =	vsel vm3, $0x3180, v2  }
0x88: {  	v5 =	vsel vm3, $0x3280, v5;
	v6 =	vsel vm3, $0x3380, v6;
	v7 =	vsel vm3, $0x3480, v7  }
0x89: {  	v11 =	vsel vm3, $0x3580, v11;
	v12 =	vsel vm3, $0x3680, v12;
	v13 =	vsel vm3, $0x3780, v13  }
0x8a: {  	v17 =	vsel vm3, $0x3880, v17;
	v18 =	vsel vm3, $0x3980, v18;
	v19 =	vsel vm3, $0x3A80, v19  }
0x8b: {  	v23 =	vsel vm3, $0x3B80, v23;
	v24 =	vsel vm3, $0x3C80, v24;
	v25 =	vsel vm3, $0x3D80, v25  }
0x8c: {  	v29 =	vsel vm3, $0x3E80, v29;
	v30 =	vsel vm3, $0x3F80, v30;
	v31 =	vsel vm3, $0xCFB, v31  }
0x8d: {  	v35 =	vsel vm3, $0xDFB, v35;
	v36 =	vsel vm3, $0xEFB, v36;
	v37 =	vsel vm3, $0xFFB, v37  }
0x8e: {  	v38 =	vsel vm3, $0x1CFB, v38;
	v39 =	vsel vm3, $0x1DFB, v39;
	v40 =	vsel vm3, $0x1EFB, v40  }
0x8f: {  	v41 =	vsel vm3, $0x1FFB, v41;
	v42 =	vsel vm3, $0x2CFB, v42;
	v43 =	vsel vm3, $0x2DFB, v43  }
0x90: {  	v44 =	vsel vm3, $0x2EFB, v44;
	v45 =	vsel vm3, $0x2FFB, v45;
	v46 =	vsel vm3, $0x3CFB, v46  }
0x91: {  	v47 =	vsel vm3, $0x3DFB, v47;
	v48 =	vsel vm3, $0x3EFB, v48;
	v49 =	vsel vm3, $0x3FFB, v49  }
0x92: {  	v1 =	vsel vm2, $0x4080, v1;
	v2 =	vsel vm2, $0x4180, v2;
	v5 =	vsel vm2, $0x4280, v5  }
0x93: {  	v6 =	vsel vm2, $0x4380, v6;
	v9 =	vsel vm2, $0x4480, v7;
	v11 =	vsel vm2, $0x4580, v11  }
0x94: {  	v12 =	vsel vm2, $0x4680, v12;
	v15 =	vsel vm2, $0x4780, v13;
	v17 =	vsel vm2, $0x4880, v17  }
0x95: {  	v18 =	vsel vm2, $0x4980, v18;
	v21 =	vsel vm2, $0x4A80, v19;
	v23 =	vsel vm2, $0x4B80, v23  }
0x96: {  	v24 =	vsel vm2, $0x4C80, v24;
	v27 =	vsel vm2, $0x4D80, v25;
	v29 =	vsel vm2, $0x4E80, v29  }
0x97: {  	v30 =	vsel vm2, $0x4F80, v30;
	v34 =	vsel vm2, $0xCFC, v31;
	v35 =	vsel vm2, $0xDFC, v35  }
0x98: {  	v36 =	vsel vm2, $0xEFC, v36;
	v37 =	vsel vm2, $0xFFC, v37;
	v38 =	vsel vm2, $0x1CFC, v38  }
0x99: {  	v39 =	vsel vm2, $0x1DFC, v39;
	v40 =	vsel vm2, $0x1EFC, v40;
	v41 =	vsel vm2, $0x1FFC, v41  }
0x9a: {  	v42 =	vsel vm2, $0x2CFC, v42;
	v43 =	vsel vm2, $0x2DFC, v43;
	v44 =	vsel vm2, $0x2EFC, v44  }
0x9b: {  	v45 =	vsel vm2, $0x2FFC, v45;
	v46 =	vsel vm2, $0x3CFC, v46;
	v47 =	vsel vm2, $0x3DFC, v47  }
0x9c: {  	v48 =	vsel vm2, $0x3EFC, v48;
	v49 =	vsel vm2, $0x3FFC, v49;
	v3 =	vsel vm1, $0x5080, v1  }
0x9d: {  	v1 =	vshrl.u32 v33, $0x3;
	v4 =	vsel vm1, $0x5180, v2;
	v5 =	vsel vm1, $0x5280, v5  }
0x9e: {  	v8 =	vsel vm1, $0x5380, v6;
	v9 =	vsel vm1, $0x5480, v9;
	v11 =	vsel vm1, $0x5580, v11  }
0x9f: {  	v14 =	vsel vm1, $0x5680, v12;
	v15 =	vsel vm1, $0x5780, v15;
	v17 =	vsel vm1, $0x5880, v17  }
0xa0: {  	v20 =	vsel vm1, $0x5980, v18;
	v21 =	vsel vm1, $0x5A80, v21;
	v23 =	vsel vm1, $0x5B80, v23  }
0xa1: {  	v26 =	vsel vm1, $0x5C80, v24;
	v27 =	vsel vm1, $0x5D80, v27;
	v29 =	vsel vm1, $0x5E80, v29  }
0xa2: {  	v32 =	vsel vm1, $0x5F80, v30;
	v34 =	vsel vm1, $0xCFD, v34;
	v33 =	vor.u32 $0x1F8, v33  }
0xa3: {  	s2 =	rddreg [dreg:$0x0];
	v35 =	vsel vm1, $0xDFD, v35;
	v36 =	vsel vm1, $0xEFD, v36;
	v37 =	vsel vm1, $0xFFD, v37  }
0xa4: {  	s3 =	rddreg [dreg:$0x1];
	v38 =	vsel vm1, $0x1CFD, v38;
	v39 =	vsel vm1, $0x1DFD, v39;
	v40 =	vsel vm1, $0x1EFD, v40  }
0xa5: {  	s0 =	rddreg [dreg:$0x2];
	v41 =	vsel vm1, $0x1FFD, v41;
	v42 =	vsel vm1, $0x2CFD, v42;
	v43 =	vsel vm1, $0x2DFD, v43  }
0xa6: {  	s1 =	rddreg [dreg:$0x3];
	v44 =	vsel vm1, $0x2EFD, v44;
	v45 =	vsel vm1, $0x2FFD, v45;
	v46 =	vsel vm1, $0x3CFD, v46  }
0xa7: {  	s4 =	rddreg [dreg:$0x4];
	v47 =	vsel vm1, $0x3DFD, v47;
	v48 =	vsel vm1, $0x3EFD, v48;
	v49 =	vsel vm1, $0x3FFD, v49  }
0xa8: {  	s24 =	simm.s32 $0x0;
	s5 =	srdreg.scid;
	s10 =	simm.s32 $0x7A1400;
	v1 =	vmul.u32 $0x80, v1;
	v2 =	vsel vm0, $0x6080, v3;
	v3 =	vsel vm0, $0x6180, v4  }
0xa9: {  	s12 =	simm.s32 $0x400;
	s20 =	simm.s32 $0x8400;
	s8 =	simm.s32 $0x10400;
	v5 =	vsel vm0, $0x6280, v5;
	v7 =	vsel vm0, $0x6380, v8;
	v9 =	vsel vm0, $0x6480, v9  }
0xaa: {  	s9 =	simm.s32 $0x9;
	s11 =	simm.s32 $0xA;
	s13 =	simm.s32 $0xC;
	v11 =	vsel vm0, $0x6580, v11;
	v13 =	vsel vm0, $0x6680, v14;
	v15 =	vsel vm0, $0x6780, v15  }
0xab: {  	s14 =	simm.s32 $0xD;
	s15 =	simm.s32 $0xE;
	s16 =	simm.s32 $0xF;
	v17 =	vsel vm0, $0x6880, v17;
	v19 =	vsel vm0, $0x6980, v20;
	v21 =	vsel vm0, $0x6A80, v21  }
0xac: {  	s6 =	stileid.u32;
	s18 =	simm.s32 $0x14400;
	s28 =	simm.s32 $0xA400;
	v23 =	vsel vm0, $0x6B80, v23;
	v25 =	vsel vm0, $0x6C80, v26;
	[tilespmem:$0x1FF90] =	vst v33;
	v58 =	vsel vm0, $0xCFE, v34  }
0xad: {  	s17 =	simm.s32 $0x10;
	s29 =	simm.s32 $0xB400;
	s30 =	simm.s32 $0xC400;
	v27 =	vsel vm0, $0x6D80, v27;
	v29 =	vsel vm0, $0x6E80, v29;
	v59 =	vsel vm0, $0xDFE, v35;
	[tilespmem:$0x1FFA0] =	vst v58  }
0xae: {  	s31 =	simm.s32 $0xD400;
	[smem:$0x7FF] =	sst s24;
	s5 =	sand.u32 $0x1, s5;
	v31 =	vsel vm0, $0x6F80, v32;
	v60 =	vsel vm0, $0xEFE, v36;
	v61 =	vsel vm0, $0xFFE, v37;
	[tilespmem:$0x1FFB0] =	vst v59  }
0xaf: {  	s6 =	sshll.u32 s6, $0xA;
	s7 =	sshll.u32 s5, $0x9;
	s5 =	ssub.s32 $0x2, s5;
	v62 =	vsel vm0, $0x1CFE, v38;
	v63 =	vsel vm0, $0x1DFE, v39;
	v40 =	vsel vm0, $0x1EFE, v40;
	[tilespmem:$0x1FFC0] =	vst v60  }
0xb0: {  	s6 =	sor.u32 s7, s6;
	s21 =	sshrl.u32 s5, $0x1;
	s7 =	simm.s32 $0x8;
	v41 =	vsel vm0, $0x1FFE, v41;
	v42 =	vsel vm0, $0x2CFE, v42;
	v43 =	vsel vm0, $0x2DFE, v43;
	[tilespmem:$0x1FFD0] =	vst v61  }
0xb1: {  	s4 =	sadd.s32 s6, s4;
	s5 =	ssub.s32 s5, s21;
	s6 =	sshrl.u32 s6, $0x3;
	v44 =	vsel vm0, $0x2EFE, v44;
	v45 =	vsel vm0, $0x2FFE, v45;
	v46 =	vsel vm0, $0x3CFE, v46;
	[tilespmem:$0x1FFE0] =	vst v62  }
0xb2: {  	s21 =	simm.s32 $0x11;
	s2 =	sadd.s32 s2, s6;
	s22 =	sadd.s32 s3, s6;
	v47 =	vsel vm0, $0x3DFE, v47;
	v48 =	vsel vm0, $0x3EFE, v48;
	v49 =	vsel vm0, $0x3FFE, v49;
	[tilespmem:$0x1FFF0] =	vst v63  }
.Ltmp0:
0xb3: {  	v4 =	vor.u32 $0x100, v1;
	v6 =	vor.u32 $0x200, v1;
	v8 =	vor.u32 $0x300, v1;
	_ =	strace $0x80000047;
	[dreg:$0x6] =	wrdreg s2;
	(pc) =	sbr.rel .LBB2_1-.Ltmp0, $4  }
0xb4: {  	s23 =	sadd.s32 $0x1C00, s4;
	s25 =	sadd.s32 $0x11C00, s4;
	v10 =	vor.u32 $0x1000, v1;
	v12 =	vor.u32 $0x1100, v1;
	v14 =	vor.u32 $0x1200, v1;
	[dreg:$0x7] =	wrdreg s22  }
0xb5: {  	s26 =	smax.u32 s5, $0x1;
	s6 =	simm.s32 $0x7;
	v16 =	vor.u32 $0x1300, v1;
	v18 =	vor.u32 $0x2000, v1;
	v20 =	vor.u32 $0x2100, v1;
	[dreg:$0x8] =	wrdreg s23  }
0xb6: {  	s3 =	simm.s32 $0xB;
	s4 =	simm.s32 $0x200;
	v22 =	vor.u32 $0x2200, v1;
	v24 =	vor.u32 $0x2300, v1;
	v26 =	vor.u32 $0x3000, v1;
	[dreg:$0x9] =	wrdreg s25  }
0xb7: {  	v28 =	vor.u32 $0x3100, v1;
	v30 =	vor.u32 $0x3200, v1;
	v32 =	vor.u32 $0x3300, v1;
	[dreg:$0xa] =	wrdreg s26;
	s2 =	simm.s32 $0x0;
	s26 =	simm.s32 $0x9400  }
.LBB2_7:
0xb8: {  	s2 =	simm.s32 $0x1  }
0xb9: {  	_ =	swait.ge [sflag:s2], $0x1000  }
0xba: {  	[sflag:s2] =	ssyncset.done $0x0  }
0xbb: {  	s5 =	simm.s32 $0x2;
	[sflag:s2] =	ssyncadd.s32 $0xFFFFF000  }
0xbc: {  	_ =	swait.ge [sflag:s5], $0x1000  }
0xbd: {  	[sflag:s5] =	ssyncset.done $0x0  }
0xbe: {  	s19 =	simm.s32 $0x3;
	[sflag:s5] =	ssyncadd.s32 $0xFFFFF000  }
0xbf: {  	_ =	swait.ge [sflag:s19], $0x1000  }
0xc0: {  	[sflag:s19] =	ssyncset.done $0x0  }
0xc1: {  	s21 =	simm.s32 $0x4;
	[sflag:s19] =	ssyncadd.s32 $0xFFFFF000  }
0xc2: {  	_ =	swait.ge [sflag:s21], $0x1000  }
0xc3: {  	[sflag:s21] =	ssyncset.done $0x0  }
0xc4: {  	s22 =	simm.s32 $0x5;
	[sflag:s21] =	ssyncadd.s32 $0xFFFFF000  }
0xc5: {  	_ =	swait.ge [sflag:s22], $0x1000  }
0xc6: {  	[sflag:s22] =	ssyncset.done $0x0  }
0xc7: {  	s23 =	simm.s32 $0x6;
	[sflag:s22] =	ssyncadd.s32 $0xFFFFF000  }
0xc8: {  	_ =	swait.ge [sflag:s23], $0x1000  }
0xc9: {  	[sflag:s23] =	ssyncset.done $0x0  }
0xca: {  	[sflag:s23] =	ssyncadd.s32 $0xFFFFF000  }
0xcb: {  	_ =	swait.ge [sflag:s6], $0x1000  }
0xcc: {  	[sflag:s6] =	ssyncset.done $0x0  }
0xcd: {  	[sflag:s6] =	ssyncadd.s32 $0xFFFFF000  }
0xce: {  	_ =	swait.ge [sflag:s7], $0x1000  }
0xcf: {  	v36 =	vld [tilespmem:$0x1FF90];
	_ =	sdelay $0x5  }
0xd0: {  	[sflag:s7] =	ssyncset.done $0x0  }
0xd1: {  	[sflag:s7] =	ssyncadd.s32 $0xFFFFF000  }
0xd2: {  	v33 =	vld.idx.msk [tilespmem:v36+s24+$0x0], $0xffff;
	_ =	sdelay $0x4  }
0xd3: {  	v33 =	vand.u32 $0x7F, v33  }
0xd4: {  	v34 =	vor.u32 v2, v33;
	_ =	sdelay $0x1  }
0xd5: {  	v37 =	vld [tilespmem:$0x1FFA0];
	_ =	sdelay $0x2  }
0xd6: {  	v34 =	vld.idx.msk [tilespmem:v34+s12+$0x0], $0xffff  }
0xd7: {  	v35 =	vor.u32 v3, v33;
	_ =	sdelay $0x1  }
0xd8: {  	v38 =	vld [tilespmem:$0x1FFB0];
	_ =	sdelay $0x1  }
0xd9: {  	[tilespmem:v37+s8+$0x0] =	vst.idx.msk $0xffff, v34  }
0xda: {  	v34 =	vld.idx.msk [tilespmem:v35+s12+$0x0], $0xffff  }
0xdb: {  	v59 =	vor.u32 v5, v33;
	_ =	sdelay $0x1  }
0xdc: {  	v39 =	vld [tilespmem:$0x1FFC0];
	_ =	sdelay $0x1  }
0xdd: {  	[tilespmem:v38+s8+$0x0] =	vst.idx.msk $0xffff, v34  }
0xde: {  	v34 =	vld.idx.msk [tilespmem:v59+s12+$0x0], $0xffff  }
0xdf: {  	v60 =	vor.u32 v7, v33;
	_ =	sdelay $0x1  }
0xe0: {  	v50 =	vld [tilespmem:$0x1FFD0];
	_ =	sdelay $0x1  }
0xe1: {  	[tilespmem:v39+s8+$0x0] =	vst.idx.msk $0xffff, v34  }
0xe2: {  	v34 =	vld.idx.msk [tilespmem:v60+s12+$0x0], $0xffff  }
0xe3: {  	v61 =	vor.u32 v9, v33;
	_ =	sdelay $0x1  }
0xe4: {  	v51 =	vld [tilespmem:$0x1FFE0];
	_ =	sdelay $0x1  }
0xe5: {  	[tilespmem:v50+s8+$0x0] =	vst.idx.msk $0xffff, v34  }
0xe6: {  	v34 =	vld.idx.msk [tilespmem:v61+s12+$0x0], $0xffff  }
0xe7: {  	v62 =	vor.u32 v11, v33;
	_ =	sdelay $0x1  }
0xe8: {  	v52 =	vld [tilespmem:$0x1FFF0];
	_ =	sdelay $0x1  }
0xe9: {  	[tilespmem:v51+s8+$0x0] =	vst.idx.msk $0xffff, v34  }
0xea: {  	v34 =	vld.idx.msk [tilespmem:v62+s12+$0x0], $0xffff  }
0xeb: {  	v63 =	vor.u32 v13, v33;
	_ =	sdelay $0x3  }
0xec: {  	[tilespmem:v52+s8+$0x0] =	vst.idx.msk $0xffff, v34  }
0xed: {  	v34 =	vld.idx.msk [tilespmem:v63+s12+$0x0], $0xffff  }
0xee: {  	v54 =	vor.u32 v15, v33;
	_ =	sdelay $0x3  }
0xef: {  	[tilespmem:v40+s8+$0x0] =	vst.idx.msk $0xffff, v34  }
0xf0: {  	v34 =	vld.idx.msk [tilespmem:v54+s12+$0x0], $0xffff  }
0xf1: {  	v55 =	vor.u32 v17, v33;
	_ =	sdelay $0x3  }
0xf2: {  	[tilespmem:v41+s8+$0x0] =	vst.idx.msk $0xffff, v34  }
0xf3: {  	v34 =	vld.idx.msk [tilespmem:v55+s12+$0x0], $0xffff  }
0xf4: {  	v56 =	vor.u32 v19, v33;
	_ =	sdelay $0x3  }
0xf5: {  	[tilespmem:v42+s8+$0x0] =	vst.idx.msk $0xffff, v34  }
0xf6: {  	v34 =	vld.idx.msk [tilespmem:v56+s12+$0x0], $0xffff  }
0xf7: {  	v57 =	vor.u32 v21, v33;
	_ =	sdelay $0x3  }
0xf8: {  	[tilespmem:v43+s8+$0x0] =	vst.idx.msk $0xffff, v34  }
0xf9: {  	v34 =	vld.idx.msk [tilespmem:v57+s12+$0x0], $0xffff  }
0xfa: {  	v58 =	vor.u32 v23, v33;
	_ =	sdelay $0x3  }
0xfb: {  	[tilespmem:v44+s8+$0x0] =	vst.idx.msk $0xffff, v34  }
0xfc: {  	v34 =	vld.idx.msk [tilespmem:v58+s12+$0x0], $0xffff  }
0xfd: {  	v59 =	vor.u32 v25, v33;
	_ =	sdelay $0x3  }
0xfe: {  	[tilespmem:v45+s8+$0x0] =	vst.idx.msk $0xffff, v34  }
0xff: {  	v34 =	vld.idx.msk [tilespmem:v59+s12+$0x0], $0xffff  }
0x100: {  	v60 =	vor.u32 v27, v33;
	_ =	sdelay $0x3  }
0x101: {  	[tilespmem:v46+s8+$0x0] =	vst.idx.msk $0xffff, v34  }
0x102: {  	v34 =	vld.idx.msk [tilespmem:v60+s12+$0x0], $0xffff  }
0x103: {  	v61 =	vor.u32 v29, v33;
	_ =	sdelay $0x3  }
0x104: {  	[tilespmem:v47+s8+$0x0] =	vst.idx.msk $0xffff, v34  }
0x105: {  	v34 =	vld.idx.msk [tilespmem:v61+s12+$0x0], $0xffff  }
0x106: {  	v33 =	vor.u32 v31, v33;
	_ =	sdelay $0x3  }
0x107: {  	[tilespmem:v48+s8+$0x0] =	vst.idx.msk $0xffff, v34  }
0x108: {  	v33 =	vld.idx.msk [tilespmem:v33+s12+$0x0], $0xffff;
	_ =	sdelay $0x4  }
0x109: {  	[tilespmem:v49+s8+$0x0] =	vst.idx.msk $0xffff, v33  }
0x10a: {  	_ =	swait.ge [sflag:s9], $0x1000  }
0x10b: {  	[sflag:s9] =	ssyncset.done $0x0  }
0x10c: {  	[sflag:s9] =	ssyncadd.s32 $0xFFFFF000  }
0x10d: {  	_ =	swait.ge [sflag:s11], $0x1000  }
0x10e: {  	[sflag:s11] =	ssyncset.done $0x0  }
0x10f: {  	[sflag:s11] =	ssyncadd.s32 $0xFFFFF000  }
0x110: {  	_ =	swait.ge [sflag:s3], $0x1000  }
0x111: {  	[sflag:s3] =	ssyncset.done $0x0  }
0x112: {  	[sflag:s3] =	ssyncadd.s32 $0xFFFFF000  }
0x113: {  	_ =	swait.ge [sflag:s13], $0x1000  }
0x114: {  	[sflag:s13] =	ssyncset.done $0x0  }
0x115: {  	[sflag:s13] =	ssyncadd.s32 $0xFFFFF000  }
0x116: {  	_ =	swait.ge [sflag:s14], $0x1000  }
0x117: {  	[sflag:s14] =	ssyncset.done $0x0  }
0x118: {  	[sflag:s14] =	ssyncadd.s32 $0xFFFFF000  }
0x119: {  	_ =	swait.ge [sflag:s15], $0x1000  }
0x11a: {  	[sflag:s15] =	ssyncset.done $0x0  }
0x11b: {  	[sflag:s15] =	ssyncadd.s32 $0xFFFFF000  }
0x11c: {  	_ =	swait.ge [sflag:s16], $0x1000  }
0x11d: {  	[sflag:s16] =	ssyncset.done $0x0  }
0x11e: {  	[sflag:s16] =	ssyncadd.s32 $0xFFFFF000  }
0x11f: {  	_ =	swait.ge [sflag:s17], $0x1000  }
0x120: {  	[sflag:s17] =	ssyncset.done $0x0  }
0x121: {  	[sflag:s17] =	ssyncadd.s32 $0xFFFFF000  }
0x122: {  	v62 =	vld.idx.msk [tilespmem:v36+s4+$0x0], $0xffff;
	_ =	sdelay $0x4  }
0x123: {  	v33 =	vand.u32 $0x7F, v62  }
0x124: {  	v63 =	vor.u32 v2, v33;
	_ =	sdelay $0x4  }
0x125: {  	v34 =	vld.idx.msk [tilespmem:v63+s20+$0x0], $0xffff  }
0x126: {  	v36 =	vor.u32 v3, v33;
	_ =	sdelay $0x3  }
0x127: {  	[tilespmem:v37+s18+$0x0] =	vst.idx.msk $0xffff, v34  }
0x128: {  	v34 =	vld.idx.msk [tilespmem:v36+s20+$0x0], $0xffff  }
0x129: {  	v37 =	vor.u32 v5, v33;
	_ =	sdelay $0x3  }
0x12a: {  	[tilespmem:v38+s18+$0x0] =	vst.idx.msk $0xffff, v34  }
0x12b: {  	v34 =	vld.idx.msk [tilespmem:v37+s20+$0x0], $0xffff  }
0x12c: {  	v38 =	vor.u32 v7, v33;
	_ =	sdelay $0x3  }
0x12d: {  	[tilespmem:v39+s18+$0x0] =	vst.idx.msk $0xffff, v34  }
0x12e: {  	v34 =	vld.idx.msk [tilespmem:v38+s20+$0x0], $0xffff  }
0x12f: {  	v53 =	vor.u32 v9, v33;
	_ =	sdelay $0x3  }
0x130: {  	[tilespmem:v50+s18+$0x0] =	vst.idx.msk $0xffff, v34  }
0x131: {  	v34 =	vld.idx.msk [tilespmem:v53+s20+$0x0], $0xffff  }
0x132: {  	v54 =	vor.u32 v11, v33;
	_ =	sdelay $0x3  }
0x133: {  	[tilespmem:v51+s18+$0x0] =	vst.idx.msk $0xffff, v34  }
0x134: {  	v34 =	vld.idx.msk [tilespmem:v54+s20+$0x0], $0xffff  }
0x135: {  	v55 =	vor.u32 v13, v33;
	_ =	sdelay $0x3  }
0x136: {  	[tilespmem:v52+s18+$0x0] =	vst.idx.msk $0xffff, v34  }
0x137: {  	v34 =	vld.idx.msk [tilespmem:v55+s20+$0x0], $0xffff  }
0x138: {  	v56 =	vor.u32 v15, v33;
	_ =	sdelay $0x3  }
0x139: {  	[tilespmem:v40+s18+$0x0] =	vst.idx.msk $0xffff, v34  }
0x13a: {  	v34 =	vld.idx.msk [tilespmem:v56+s20+$0x0], $0xffff  }
0x13b: {  	v57 =	vor.u32 v17, v33;
	_ =	sdelay $0x3  }
0x13c: {  	[tilespmem:v41+s18+$0x0] =	vst.idx.msk $0xffff, v34  }
0x13d: {  	v34 =	vld.idx.msk [tilespmem:v57+s20+$0x0], $0xffff  }
0x13e: {  	v58 =	vor.u32 v19, v33;
	_ =	sdelay $0x3  }
0x13f: {  	[tilespmem:v42+s18+$0x0] =	vst.idx.msk $0xffff, v34  }
0x140: {  	v34 =	vld.idx.msk [tilespmem:v58+s20+$0x0], $0xffff  }
0x141: {  	v59 =	vor.u32 v21, v33;
	_ =	sdelay $0x3  }
0x142: {  	[tilespmem:v43+s18+$0x0] =	vst.idx.msk $0xffff, v34  }
0x143: {  	v34 =	vld.idx.msk [tilespmem:v59+s20+$0x0], $0xffff  }
0x144: {  	v60 =	vor.u32 v23, v33;
	_ =	sdelay $0x3  }
0x145: {  	[tilespmem:v44+s18+$0x0] =	vst.idx.msk $0xffff, v34  }
0x146: {  	v34 =	vld.idx.msk [tilespmem:v60+s20+$0x0], $0xffff  }
0x147: {  	v61 =	vor.u32 v25, v33;
	_ =	sdelay $0x3  }
0x148: {  	[tilespmem:v45+s18+$0x0] =	vst.idx.msk $0xffff, v34  }
0x149: {  	v34 =	vld.idx.msk [tilespmem:v61+s20+$0x0], $0xffff  }
0x14a: {  	v62 =	vor.u32 v27, v33;
	_ =	sdelay $0x3  }
0x14b: {  	[tilespmem:v46+s18+$0x0] =	vst.idx.msk $0xffff, v34  }
0x14c: {  	v34 =	vld.idx.msk [tilespmem:v62+s20+$0x0], $0xffff  }
0x14d: {  	v63 =	vor.u32 v29, v33;
	_ =	sdelay $0x3  }
0x14e: {  	[tilespmem:v47+s18+$0x0] =	vst.idx.msk $0xffff, v34  }
0x14f: {  	v34 =	vld.idx.msk [tilespmem:v63+s20+$0x0], $0xffff  }
0x150: {  	v33 =	vor.u32 v31, v33;
	_ =	sdelay $0x3  }
0x151: {  	[tilespmem:v48+s18+$0x0] =	vst.idx.msk $0xffff, v34  }
0x152: {  	v33 =	vld.idx.msk [tilespmem:v33+s20+$0x0], $0xffff;
	_ =	sdelay $0x3  }
0x153: {  	s25 =	simm.s32 $0x1000  }
0x154: {  	s5 =	simm.s32 $0x20000;
	s21 =	simm.s32 $0x11;
	s19 =	rddreg [dreg:$0x8];
	[tilespmem:v49+s18+$0x0] =	vst.idx.msk $0xffff, v33  }
0x155: {  	[hbm4b:s19+s25] =	stream.strided.scatter [tilespmem:s8], [sflag:$0x11], $0x4000, s5, s25, $0x38;
	[tilespmem:$0x18400] =	vst v63  }
0x156: {  	_ =	swait.ge [sflag:s21], $0x4000  }
0x157: {  	[sflag:s21] =	ssyncset.done $0x0  }
0x158: {  	s22 =	rddreg [dreg:$0x9];
	[sflag:s21] =	ssyncadd.s32 $0xFFFFC000  }
0x159: {  	[hbm4b:s22+s25] =	stream.strided.scatter [tilespmem:s18], [sflag:$0x11], $0x4000, s5, s25, $0x38;
	[tilespmem:$0x18400] =	vst v63  }
0x15a: {  	_ =	swait.ge [sflag:s21], $0x4000  }
0x15b: {  	s23 =	rddreg [dreg:$0xb]  }
0x15c: {  	s25 =	rddreg [dreg:$0xa];
	s2 =	sadd.s32 $0x1, s23  }
0x15d: {  	p0 =	sne.s32 s2, s25  }
.Ltmp1:
0x15e: {  	_ = 	snop;
	(pc) =	sbr.rel @!p0 .LBB2_8-.Ltmp1, $3  }
0x15f: {  	_ =	sdelay $0x1  }
0x160: {  	[sflag:s21] =	ssyncset.done $0x0  }
0x161: {  	[sflag:s21] =	ssyncadd.s32 $0xFFFFC000  }
.LBB2_1:
0x162: {  	[dreg:$0xb] =	wrdreg s2  }
0x163: {  	s19 =	rddreg [dreg:$0x6]  }
0x164: {  	[tilespmem:s24], [sflag:$0x11] =	stream.linear.gather [hbm4b:s19+s24], $0x200, $0x38;
	[tilespmem:$0x18400] =	vst v63  }
0x165: {  	_ =	swait.ge [sflag:s21], $0x200  }
0x166: {  	[sflag:s21] =	ssyncset.done $0x0  }
.Ltmp2:
0x167: {  	s25 =	rddreg [dreg:$0x7];
	[sflag:s21] =	ssyncadd.s32 $0xFFFFFE00;
	(pc) =	sbr.rel .LBB2_2-.Ltmp2, $4  }
0x168: {  	[tilespmem:s4], [sflag:$0x11] =	stream.linear.gather [hbm4b:s25+s24], $0x200, $0x38;
	[tilespmem:$0x18400] =	vst v63  }
0x169: {  	_ =	swait.ge [sflag:s21], $0x200  }
0x16a: {  	s22 =	simm.s32 $0x0;
	[sflag:s21] =	ssyncset.done $0x0  }
0x16b: {  	s19 =	simm.s32 $0x200;
	[sflag:s21] =	ssyncadd.s32 $0xFFFFFE00;
	s21 =	simm.s32 $0x0  }
.LBB2_6:
0x16c: {  	(v2sf) =	vpush v50, $0x0;
	_ =	sdelay $0x1  }
0x16d: {  	(v2sf) =	vpush v50, $0x1;
	_ =	sdelay $0x1  }
0x16e: {  	(v2sf) =	vpush v50, $0x2;
	_ =	sdelay $0x2  }
0x16f: {  	(v2sf) =	vpush v50, $0x3;
	_ =	sdelay $0x7  }
0x170: {  	s23 =	spop (v2sf);
	(v2sf) =	vpush v50, $0x4;
	_ =	sdelay $0x1  }
0x171: {  	s2 =	spop (v2sf);
	(v2sf) =	vpush v50, $0x5  }
0x172: {  	s23 =	sand.u32 $0xFFFFF80, s23  }
0x173: {  	s23 =	sadd.s32 s1, s23;
	s4 =	spop (v2sf)  }
0x174: {  	(v2sf) =	vpush v50, $0x6;
	[tilespmem:s20], [sflag:$0x9] =	stream.strided.gather [hbm4b:s23+s12], $0x1000, s10, s12, $0x38;
	[tilespmem:$0x18400] =	vst v63  }
0x175: {  	s23 =	sand.u32 $0xFFFFF80, s2  }
0x176: {  	s24 =	spop (v2sf);
	s23 =	sadd.s32 s1, s23  }
0x177: {  	(v2sf) =	vpush v50, $0x7;
	[tilespmem:s26], [sflag:$0xA] =	stream.strided.gather [hbm4b:s23+s12], $0x1000, s10, s12, $0x38;
	[tilespmem:$0x18400] =	vst v63  }
0x178: {  	s23 =	sand.u32 $0xFFFFF80, s4  }
0x179: {  	s23 =	sadd.s32 s1, s23  }
0x17a: {  	[tilespmem:s28], [sflag:$0xB] =	stream.strided.gather [hbm4b:s23+s12], $0x1000, s10, s12, $0x38;
	[tilespmem:$0x18400] =	vst v63  }
0x17b: {  	s23 =	sand.u32 $0xFFFFF80, s24  }
0x17c: {  	s23 =	sadd.s32 s1, s23  }
0x17d: {  	[tilespmem:s29], [sflag:$0xC] =	stream.strided.gather [hbm4b:s23+s12], $0x1000, s10, s12, $0x38;
	[tilespmem:$0x18400] =	vst v63  }
0x17e: {  	s25 =	spop (v2sf)  }
0x17f: {  	s23 =	sand.u32 $0xFFFFF80, s25  }
0x180: {  	s2 =	spop (v2sf);
	s23 =	sadd.s32 s1, s23  }
0x181: {  	[tilespmem:s30], [sflag:$0xD] =	stream.strided.gather [hbm4b:s23+s12], $0x1000, s10, s12, $0x38;
	[tilespmem:$0x18400] =	vst v63  }
0x182: {  	s23 =	sand.u32 $0xFFFFF80, s2  }
0x183: {  	s4 =	spop (v2sf);
	s23 =	sadd.s32 s1, s23  }
0x184: {  	[tilespmem:s31], [sflag:$0xE] =	stream.strided.gather [hbm4b:s23+s12], $0x1000, s10, s12, $0x38;
	[tilespmem:$0x18400] =	vst v63  }
0x185: {  	s23 =	sand.u32 $0xFFFFF80, s4  }
0x186: {  	s2 =	simm.s32 $0xE400;
	s24 =	spop (v2sf);
	s23 =	sadd.s32 s1, s23  }
0x187: {  	[tilespmem:s2], [sflag:$0xF] =	stream.strided.gather [hbm4b:s23+s12], $0x1000, s10, s12, $0x38;
	[tilespmem:$0x18400] =	vst v63  }
0x188: {  	s23 =	sand.u32 $0xFFFFF80, s24  }
0x189: {  	s25 =	simm.s32 $0x1;
	s4 =	simm.s32 $0xF400;
	s23 =	sadd.s32 s1, s23  }
0x18a: {  	[tilespmem:s4], [sflag:$0x10] =	stream.strided.gather [hbm4b:s23+s12], $0x1000, s10, s12, $0x38;
	[tilespmem:$0x18400] =	vst v63  }
0x18b: {  	_ =	swait.ge [sflag:s25], $0x1000  }
0x18c: {  	[sflag:s25] =	ssyncset.done $0x0  }
0x18d: {  	s24 =	simm.s32 $0x2;
	[sflag:s25] =	ssyncadd.s32 $0xFFFFF000  }
0x18e: {  	_ =	swait.ge [sflag:s24], $0x1000  }
0x18f: {  	[sflag:s24] =	ssyncset.done $0x0  }
0x190: {  	s25 =	simm.s32 $0x3;
	[sflag:s24] =	ssyncadd.s32 $0xFFFFF000  }
0x191: {  	_ =	swait.ge [sflag:s25], $0x1000  }
0x192: {  	[sflag:s25] =	ssyncset.done $0x0  }
0x193: {  	s24 =	simm.s32 $0x4;
	[sflag:s25] =	ssyncadd.s32 $0xFFFFF000  }
0x194: {  	_ =	swait.ge [sflag:s24], $0x1000  }
0x195: {  	[sflag:s24] =	ssyncset.done $0x0  }
0x196: {  	s25 =	simm.s32 $0x5;
	[sflag:s24] =	ssyncadd.s32 $0xFFFFF000  }
0x197: {  	_ =	swait.ge [sflag:s25], $0x1000  }
0x198: {  	[sflag:s25] =	ssyncset.done $0x0  }
0x199: {  	s24 =	simm.s32 $0x6;
	[sflag:s25] =	ssyncadd.s32 $0xFFFFF000  }
0x19a: {  	_ =	swait.ge [sflag:s24], $0x1000  }
0x19b: {  	[sflag:s24] =	ssyncset.done $0x0  }
0x19c: {  	[sflag:s24] =	ssyncadd.s32 $0xFFFFF000  }
0x19d: {  	_ =	swait.ge [sflag:s6], $0x1000  }
0x19e: {  	v52 =	vor.u32 s22, v0;
	[sflag:s6] =	ssyncset.done $0x0  }
0x19f: {  	[sflag:s6] =	ssyncadd.s32 $0xFFFFF000  }
0x1a0: {  	_ =	swait.ge [sflag:s7], $0x1000  }
0x1a1: {  	[sflag:s7] =	ssyncset.done $0x0  }
0x1a2: {  	s24 =	simm.s32 $0x0;
	[sflag:s7] =	ssyncadd.s32 $0xFFFFF000  }
0x1a3: {  	v53 =	vld.idx.msk [tilespmem:v52+s24+$0x0], $0xffff;
	_ =	sdelay $0x4  }
0x1a4: {  	v56 =	vand.u32 $0x7F, v53  }
0x1a5: {  	v53 =	vor.u32 v2, v56  }
0x1a6: {  	v54 =	vmov s22  }
0x1a7: {  	v54 =	vshll.u32 v54, $0x3  }
0x1a8: {  	v55 =	vand.u32 $0x77, v52;
	v54 =	vand.u32 $0xC00, v54  }
0x1a9: {  	v57 =	vor.u32 v54, v55  }
0x1aa: {  	v38 =	vld.idx.msk [tilespmem:v53+s12+$0x0], $0xffff;
	v53 =	vor.u32 v1, v57  }
0x1ab: {  	v39 =	vor.u32 v3, v56;
	_ =	sdelay $0x3  }
0x1ac: {  	[tilespmem:v53+s8+$0x0] =	vst.idx.msk $0xffff, v38  }
0x1ad: {  	v54 =	vor.u32 v4, v57;
	v55 =	vld.idx.msk [tilespmem:v39+s12+$0x0], $0xffff  }
0x1ae: {  	v58 =	vor.u32 v5, v56;
	_ =	sdelay $0x3  }
0x1af: {  	[tilespmem:v54+s8+$0x0] =	vst.idx.msk $0xffff, v55  }
0x1b0: {  	v55 =	vor.u32 v6, v57;
	v58 =	vld.idx.msk [tilespmem:v58+s12+$0x0], $0xffff  }
0x1b1: {  	v59 =	vor.u32 v7, v56;
	_ =	sdelay $0x3  }
0x1b2: {  	[tilespmem:v55+s8+$0x0] =	vst.idx.msk $0xffff, v58  }
0x1b3: {  	v58 =	vld.idx.msk [tilespmem:v59+s12+$0x0], $0xffff;
	v59 =	vor.u32 v8, v57  }
0x1b4: {  	v60 =	vor.u32 v9, v56;
	_ =	sdelay $0x3  }
0x1b5: {  	[tilespmem:v59+s8+$0x0] =	vst.idx.msk $0xffff, v58  }
0x1b6: {  	v58 =	vld.idx.msk [tilespmem:v60+s12+$0x0], $0xffff;
	v60 =	vor.u32 v10, v57  }
0x1b7: {  	v61 =	vor.u32 v11, v56;
	_ =	sdelay $0x3  }
0x1b8: {  	[tilespmem:v60+s8+$0x0] =	vst.idx.msk $0xffff, v58  }
0x1b9: {  	v58 =	vld.idx.msk [tilespmem:v61+s12+$0x0], $0xffff;
	v61 =	vor.u32 v12, v57  }
0x1ba: {  	v62 =	vor.u32 v13, v56;
	_ =	sdelay $0x3  }
0x1bb: {  	[tilespmem:v61+s8+$0x0] =	vst.idx.msk $0xffff, v58  }
0x1bc: {  	v58 =	vld.idx.msk [tilespmem:v62+s12+$0x0], $0xffff;
	v62 =	vor.u32 v14, v57  }
0x1bd: {  	v63 =	vor.u32 v15, v56;
	_ =	sdelay $0x3  }
0x1be: {  	[tilespmem:v62+s8+$0x0] =	vst.idx.msk $0xffff, v58  }
0x1bf: {  	v58 =	vld.idx.msk [tilespmem:v63+s12+$0x0], $0xffff;
	v63 =	vor.u32 v16, v57  }
0x1c0: {  	v33 =	vor.u32 v17, v56;
	_ =	sdelay $0x3  }
0x1c1: {  	[tilespmem:v63+s8+$0x0] =	vst.idx.msk $0xffff, v58  }
0x1c2: {  	v58 =	vor.u32 v18, v57;
	v33 =	vld.idx.msk [tilespmem:v33+s12+$0x0], $0xffff  }
0x1c3: {  	v34 =	vor.u32 v19, v56;
	_ =	sdelay $0x3  }
0x1c4: {  	[tilespmem:v58+s8+$0x0] =	vst.idx.msk $0xffff, v33  }
0x1c5: {  	v33 =	vld.idx.msk [tilespmem:v34+s12+$0x0], $0xffff;
	v34 =	vor.u32 v20, v57  }
0x1c6: {  	v35 =	vor.u32 v21, v56;
	_ =	sdelay $0x3  }
0x1c7: {  	[tilespmem:v34+s8+$0x0] =	vst.idx.msk $0xffff, v33  }
0x1c8: {  	v33 =	vld.idx.msk [tilespmem:v35+s12+$0x0], $0xffff;
	v35 =	vor.u32 v22, v57  }
0x1c9: {  	v36 =	vor.u32 v23, v56;
	_ =	sdelay $0x3  }
0x1ca: {  	[tilespmem:v35+s8+$0x0] =	vst.idx.msk $0xffff, v33  }
0x1cb: {  	v33 =	vld.idx.msk [tilespmem:v36+s12+$0x0], $0xffff;
	v36 =	vor.u32 v24, v57  }
0x1cc: {  	v37 =	vor.u32 v25, v56;
	_ =	sdelay $0x3  }
0x1cd: {  	[tilespmem:v36+s8+$0x0] =	vst.idx.msk $0xffff, v33  }
0x1ce: {  	v33 =	vld.idx.msk [tilespmem:v37+s12+$0x0], $0xffff;
	v37 =	vor.u32 v26, v57  }
0x1cf: {  	v38 =	vor.u32 v27, v56;
	_ =	sdelay $0x3  }
0x1d0: {  	[tilespmem:v37+s8+$0x0] =	vst.idx.msk $0xffff, v33  }
0x1d1: {  	(v2sf) =	vpush v51, $0x8;
	v33 =	vld.idx.msk [tilespmem:v38+s12+$0x0], $0xffff;
	v38 =	vor.u32 v28, v57  }
0x1d2: {  	v39 =	vor.u32 v29, v56  }
0x1d3: {  	(v2sf) =	vpush v51, $0x9;
	_ =	sdelay $0x2  }
0x1d4: {  	[tilespmem:v38+s8+$0x0] =	vst.idx.msk $0xffff, v33  }
0x1d5: {  	v33 =	vld.idx.msk [tilespmem:v39+s12+$0x0], $0xffff;
	v39 =	vor.u32 v30, v57  }
0x1d6: {  	(v2sf) =	vpush v51, $0xA;
	v56 =	vor.u32 v31, v56;
	_ =	sdelay $0x3  }
0x1d7: {  	(v2sf) =	vpush v51, $0xB;
	[tilespmem:v39+s8+$0x0] =	vst.idx.msk $0xffff, v33  }
0x1d8: {  	v33 =	vld.idx.msk [tilespmem:v56+s12+$0x0], $0xffff;
	v56 =	vor.u32 v32, v57;
	_ =	sdelay $0x2  }
0x1d9: {  	s25 =	spop (v2sf);
	(v2sf) =	vpush v51, $0xC  }
0x1da: {  	s23 =	sand.u32 $0xFFFFF80, s25  }
0x1db: {  	s25 =	spop (v2sf);
	s23 =	sadd.s32 s0, s23;
	[tilespmem:v56+s8+$0x0] =	vst.idx.msk $0xffff, v33  }
0x1dc: {  	[tilespmem:s12], [sflag:$0x1] =	stream.strided.gather [hbm4b:s23+s12], $0x1000, s10, s12, $0x38;
	[tilespmem:$0x18400] =	vst v63  }
0x1dd: {  	(v2sf) =	vpush v51, $0xD;
	s23 =	sand.u32 $0xFFFFF80, s25  }
0x1de: {  	s25 =	simm.s32 $0x1400;
	s23 =	sadd.s32 s0, s23  }
0x1df: {  	[tilespmem:s25], [sflag:$0x2] =	stream.strided.gather [hbm4b:s23+s12], $0x1000, s10, s12, $0x38;
	[tilespmem:$0x18400] =	vst v63  }
0x1e0: {  	s25 =	spop (v2sf)  }
0x1e1: {  	(v2sf) =	vpush v51, $0xE;
	s23 =	sand.u32 $0xFFFFF80, s25  }
0x1e2: {  	s25 =	simm.s32 $0x2400;
	s23 =	sadd.s32 s0, s23  }
0x1e3: {  	[tilespmem:s25], [sflag:$0x3] =	stream.strided.gather [hbm4b:s23+s12], $0x1000, s10, s12, $0x38;
	[tilespmem:$0x18400] =	vst v63  }
0x1e4: {  	s25 =	spop (v2sf)  }
0x1e5: {  	(v2sf) =	vpush v51, $0xF;
	s23 =	sand.u32 $0xFFFFF80, s25  }
0x1e6: {  	s25 =	simm.s32 $0x3400;
	s23 =	sadd.s32 s0, s23  }
0x1e7: {  	[tilespmem:s25], [sflag:$0x4] =	stream.strided.gather [hbm4b:s23+s12], $0x1000, s10, s12, $0x38;
	[tilespmem:$0x18400] =	vst v63  }
0x1e8: {  	s25 =	spop (v2sf)  }
0x1e9: {  	s23 =	sand.u32 $0xFFFFF80, s25  }
0x1ea: {  	s25 =	simm.s32 $0x4400;
	s23 =	sadd.s32 s0, s23  }
0x1eb: {  	[tilespmem:s25], [sflag:$0x5] =	stream.strided.gather [hbm4b:s23+s12], $0x1000, s10, s12, $0x38;
	[tilespmem:$0x18400] =	vst v63  }
0x1ec: {  	s25 =	spop (v2sf)  }
0x1ed: {  	s23 =	sand.u32 $0xFFFFF80, s25  }
0x1ee: {  	s25 =	simm.s32 $0x5400;
	s23 =	sadd.s32 s0, s23  }
0x1ef: {  	[tilespmem:s25], [sflag:$0x6] =	stream.strided.gather [hbm4b:s23+s12], $0x1000, s10, s12, $0x38;
	[tilespmem:$0x18400] =	vst v63  }
0x1f0: {  	s25 =	spop (v2sf)  }
0x1f1: {  	s23 =	sand.u32 $0xFFFFF80, s25  }
0x1f2: {  	s25 =	simm.s32 $0x6400;
	s23 =	sadd.s32 s0, s23  }
0x1f3: {  	[tilespmem:s25], [sflag:$0x7] =	stream.strided.gather [hbm4b:s23+s12], $0x1000, s10, s12, $0x38;
	[tilespmem:$0x18400] =	vst v63  }
0x1f4: {  	s25 =	spop (v2sf)  }
0x1f5: {  	s23 =	sand.u32 $0xFFFFF80, s25  }
0x1f6: {  	s25 =	simm.s32 $0x7400;
	s23 =	sadd.s32 s0, s23  }
0x1f7: {  	[tilespmem:s25], [sflag:$0x8] =	stream.strided.gather [hbm4b:s23+s12], $0x1000, s10, s12, $0x38;
	[tilespmem:$0x18400] =	vst v63  }
0x1f8: {  	_ =	swait.ge [sflag:s9], $0x1000  }
0x1f9: {  	[sflag:s9] =	ssyncset.done $0x0  }
0x1fa: {  	[sflag:s9] =	ssyncadd.s32 $0xFFFFF000  }
0x1fb: {  	_ =	swait.ge [sflag:s11], $0x1000  }
0x1fc: {  	[sflag:s11] =	ssyncset.done $0x0  }
0x1fd: {  	[sflag:s11] =	ssyncadd.s32 $0xFFFFF000  }
0x1fe: {  	_ =	swait.ge [sflag:s3], $0x1000  }
0x1ff: {  	[sflag:s3] =	ssyncset.done $0x0  }
0x200: {  	[sflag:s3] =	ssyncadd.s32 $0xFFFFF000  }
0x201: {  	_ =	swait.ge [sflag:s13], $0x1000  }
0x202: {  	[sflag:s13] =	ssyncset.done $0x0  }
0x203: {  	[sflag:s13] =	ssyncadd.s32 $0xFFFFF000  }
0x204: {  	_ =	swait.ge [sflag:s14], $0x1000  }
0x205: {  	[sflag:s14] =	ssyncset.done $0x0  }
0x206: {  	[sflag:s14] =	ssyncadd.s32 $0xFFFFF000  }
0x207: {  	_ =	swait.ge [sflag:s15], $0x1000  }
0x208: {  	[sflag:s15] =	ssyncset.done $0x0  }
0x209: {  	[sflag:s15] =	ssyncadd.s32 $0xFFFFF000  }
0x20a: {  	_ =	swait.ge [sflag:s16], $0x1000  }
0x20b: {  	[sflag:s16] =	ssyncset.done $0x0  }
0x20c: {  	[sflag:s16] =	ssyncadd.s32 $0xFFFFF000  }
0x20d: {  	_ =	swait.ge [sflag:s17], $0x1000  }
0x20e: {  	[sflag:s17] =	ssyncset.done $0x0  }
0x20f: {  	[sflag:s17] =	ssyncadd.s32 $0xFFFFF000  }
0x210: {  	v52 =	vld.idx.msk [tilespmem:v52+s5+$0x0], $0xffff;
	_ =	sdelay $0x4  }
0x211: {  	v33 =	vand.u32 $0x7F, v52  }
0x212: {  	v57 =	vor.u32 v2, v33;
	_ =	sdelay $0x4  }
0x213: {  	v51 =	vld.idx.msk [tilespmem:v57+s20+$0x0], $0xffff  }
0x214: {  	v57 =	vor.u32 v3, v33;
	_ =	sdelay $0x3  }
0x215: {  	[tilespmem:v53+s18+$0x0] =	vst.idx.msk $0xffff, v51  }
0x216: {  	v51 =	vld.idx.msk [tilespmem:v57+s20+$0x0], $0xffff  }
0x217: {  	v57 =	vor.u32 v5, v33;
	_ =	sdelay $0x3  }
0x218: {  	[tilespmem:v54+s18+$0x0] =	vst.idx.msk $0xffff, v51  }
0x219: {  	v51 =	vld.idx.msk [tilespmem:v57+s20+$0x0], $0xffff  }
0x21a: {  	v57 =	vor.u32 v7, v33;
	_ =	sdelay $0x3  }
0x21b: {  	[tilespmem:v55+s18+$0x0] =	vst.idx.msk $0xffff, v51  }
0x21c: {  	v51 =	vld.idx.msk [tilespmem:v57+s20+$0x0], $0xffff  }
0x21d: {  	v57 =	vor.u32 v9, v33;
	_ =	sdelay $0x3  }
0x21e: {  	[tilespmem:v59+s18+$0x0] =	vst.idx.msk $0xffff, v51  }
0x21f: {  	v51 =	vld.idx.msk [tilespmem:v57+s20+$0x0], $0xffff  }
0x220: {  	v59 =	vor.u32 v11, v33;
	_ =	sdelay $0x3  }
0x221: {  	[tilespmem:v60+s18+$0x0] =	vst.idx.msk $0xffff, v51  }
0x222: {  	v51 =	vld.idx.msk [tilespmem:v59+s20+$0x0], $0xffff  }
0x223: {  	v60 =	vor.u32 v13, v33;
	_ =	sdelay $0x3  }
0x224: {  	[tilespmem:v61+s18+$0x0] =	vst.idx.msk $0xffff, v51  }
0x225: {  	v51 =	vld.idx.msk [tilespmem:v60+s20+$0x0], $0xffff  }
0x226: {  	v61 =	vor.u32 v15, v33;
	_ =	sdelay $0x3  }
0x227: {  	[tilespmem:v62+s18+$0x0] =	vst.idx.msk $0xffff, v51  }
0x228: {  	v51 =	vld.idx.msk [tilespmem:v61+s20+$0x0], $0xffff  }
0x229: {  	v62 =	vor.u32 v17, v33;
	_ =	sdelay $0x3  }
0x22a: {  	[tilespmem:v63+s18+$0x0] =	vst.idx.msk $0xffff, v51  }
0x22b: {  	v51 =	vld.idx.msk [tilespmem:v62+s20+$0x0], $0xffff  }
0x22c: {  	v57 =	vor.u32 v19, v33;
	_ =	sdelay $0x3  }
0x22d: {  	[tilespmem:v58+s18+$0x0] =	vst.idx.msk $0xffff, v51  }
0x22e: {  	v51 =	vld.idx.msk [tilespmem:v57+s20+$0x0], $0xffff  }
0x22f: {  	v59 =	vor.u32 v21, v33;
	_ =	sdelay $0x3  }
0x230: {  	[tilespmem:v34+s18+$0x0] =	vst.idx.msk $0xffff, v51  }
0x231: {  	v34 =	vld.idx.msk [tilespmem:v59+s20+$0x0], $0xffff  }
0x232: {  	v60 =	vor.u32 v23, v33;
	_ =	sdelay $0x3  }
0x233: {  	[tilespmem:v35+s18+$0x0] =	vst.idx.msk $0xffff, v34  }
0x234: {  	v34 =	vld.idx.msk [tilespmem:v60+s20+$0x0], $0xffff  }
0x235: {  	v61 =	vor.u32 v25, v33;
	_ =	sdelay $0x3  }
0x236: {  	[tilespmem:v36+s18+$0x0] =	vst.idx.msk $0xffff, v34  }
0x237: {  	v34 =	vld.idx.msk [tilespmem:v61+s20+$0x0], $0xffff  }
0x238: {  	v62 =	vor.u32 v27, v33  }
0x239: {  	(v2sf) =	vpush v50, $0x8;
	_ =	sdelay $0x2  }
0x23a: {  	(v2sf) =	vpush v50, $0x9;
	[tilespmem:v37+s18+$0x0] =	vst.idx.msk $0xffff, v34  }
0x23b: {  	v34 =	vld.idx.msk [tilespmem:v62+s20+$0x0], $0xffff  }
0x23c: {  	v63 =	vor.u32 v29, v33  }
0x23d: {  	(v2sf) =	vpush v50, $0xA;
	_ =	sdelay $0x2  }
0x23e: {  	[tilespmem:v38+s18+$0x0] =	vst.idx.msk $0xffff, v34  }
0x23f: {  	v34 =	vld.idx.msk [tilespmem:v63+s20+$0x0], $0xffff  }
0x240: {  	(v2sf) =	vpush v50, $0xB;
	v33 =	vor.u32 v31, v33;
	_ =	sdelay $0x3  }
0x241: {  	s5 =	spop (v2sf);
	(v2sf) =	vpush v50, $0xC;
	[tilespmem:v39+s18+$0x0] =	vst.idx.msk $0xffff, v34  }
0x242: {  	v33 =	vld.idx.msk [tilespmem:v33+s20+$0x0], $0xffff;
	_ =	sdelay $0x1  }
0x243: {  	s25 =	spop (v2sf);
	(v2sf) =	vpush v50, $0xD;
	_ =	sdelay $0x1  }
0x244: {  	s23 =	sand.u32 $0xFFFFF80, s5  }
0x245: {  	s23 =	sadd.s32 s1, s23;
	s5 =	spop (v2sf);
	(v2sf) =	vpush v50, $0xE;
	[tilespmem:v56+s18+$0x0] =	vst.idx.msk $0xffff, v33  }
0x246: {  	[tilespmem:s20], [sflag:$0x9] =	stream.strided.gather [hbm4b:s23+s12], $0x1000, s10, s12, $0x38;
	[tilespmem:$0x18400] =	vst v63  }
0x247: {  	s23 =	sand.u32 $0xFFFFF80, s25  }
0x248: {  	s23 =	sadd.s32 s1, s23  }
0x249: {  	[tilespmem:s26], [sflag:$0xA] =	stream.strided.gather [hbm4b:s23+s12], $0x1000, s10, s12, $0x38;
	[tilespmem:$0x18400] =	vst v63  }
0x24a: {  	s25 =	spop (v2sf);
	(v2sf) =	vpush v50, $0xF;
	s23 =	sand.u32 $0xFFFFF80, s5  }
0x24b: {  	s23 =	sadd.s32 s1, s23  }
0x24c: {  	[tilespmem:s28], [sflag:$0xB] =	stream.strided.gather [hbm4b:s23+s12], $0x1000, s10, s12, $0x38;
	[tilespmem:$0x18400] =	vst v63  }
0x24d: {  	s23 =	sand.u32 $0xFFFFF80, s25  }
0x24e: {  	s5 =	spop (v2sf);
	s23 =	sadd.s32 s1, s23  }
0x24f: {  	[tilespmem:s29], [sflag:$0xC] =	stream.strided.gather [hbm4b:s23+s12], $0x1000, s10, s12, $0x38;
	[tilespmem:$0x18400] =	vst v63  }
0x250: {  	s23 =	sand.u32 $0xFFFFF80, s5  }
0x251: {  	s25 =	spop (v2sf);
	s23 =	sadd.s32 s1, s23  }
0x252: {  	[tilespmem:s30], [sflag:$0xD] =	stream.strided.gather [hbm4b:s23+s12], $0x1000, s10, s12, $0x38;
	[tilespmem:$0x18400] =	vst v63  }
0x253: {  	s23 =	sand.u32 $0xFFFFF80, s25  }
0x254: {  	s5 =	spop (v2sf);
	s23 =	sadd.s32 s1, s23  }
0x255: {  	[tilespmem:s31], [sflag:$0xE] =	stream.strided.gather [hbm4b:s23+s12], $0x1000, s10, s12, $0x38;
	[tilespmem:$0x18400] =	vst v63  }
0x256: {  	s22 =	sadd.s32 $0x10, s22;
	s23 =	sand.u32 $0xFFFFF80, s5  }
0x257: {  	p0 =	sne.s32 s22, $0x200;
	s23 =	sadd.s32 s1, s23  }
0x258: {  	[tilespmem:s2], [sflag:$0xF] =	stream.strided.gather [hbm4b:s23+s12], $0x1000, s10, s12, $0x38;
	[tilespmem:$0x18400] =	vst v63  }
.Ltmp3:
0x259: {  	s25 =	spop (v2sf);
	(pc) =	sbr.rel @!p0 .LBB2_7-.Ltmp3, $4  }
0x25a: {  	s23 =	sand.u32 $0xFFFFF80, s25  }
0x25b: {  	s23 =	sadd.s32 s1, s23  }
0x25c: {  	[tilespmem:s4], [sflag:$0x10] =	stream.strided.gather [hbm4b:s23+s12], $0x1000, s10, s12, $0x38;
	[tilespmem:$0x18400] =	vst v63  }
0x25d: {  	s21 =	sadd.s32 $0x10, s21;
	s19 =	sadd.s32 $0x10, s19;
	s4 =	simm.s32 $0x200  }
.LBB2_2:
0x25e: {  	p0 =	seq.s32 s22, $0x0  }
.Ltmp4:
0x25f: {  	v50 =	vld [tilespmem:s19+$0x0];
	(pc) =	sbr.rel @p0 .LBB2_4-.Ltmp4, $2  }
0x260: {  	_ =	sdelay $0x2  }
0x261: {  	v51 =	vld [tilespmem:s21+$0x0];
	s23 =	sadd.s32 $0xFFFFFFF8, s22  }
0x262: {  	s2 =	simm.s32 $0x1  }
0x263: {  	_ =	swait.ge [sflag:s2], $0x1000  }
0x264: {  	[sflag:s2] =	ssyncset.done $0x0  }
0x265: {  	s5 =	simm.s32 $0x2;
	[sflag:s2] =	ssyncadd.s32 $0xFFFFF000  }
0x266: {  	_ =	swait.ge [sflag:s5], $0x1000  }
0x267: {  	[sflag:s5] =	ssyncset.done $0x0  }
0x268: {  	s25 =	simm.s32 $0x3;
	[sflag:s5] =	ssyncadd.s32 $0xFFFFF000  }
0x269: {  	_ =	swait.ge [sflag:s25], $0x1000  }
0x26a: {  	[sflag:s25] =	ssyncset.done $0x0  }
0x26b: {  	s4 =	simm.s32 $0x4;
	[sflag:s25] =	ssyncadd.s32 $0xFFFFF000  }
0x26c: {  	_ =	swait.ge [sflag:s4], $0x1000  }
0x26d: {  	[sflag:s4] =	ssyncset.done $0x0  }
0x26e: {  	s5 =	simm.s32 $0x5;
	[sflag:s4] =	ssyncadd.s32 $0xFFFFF000  }
0x26f: {  	_ =	swait.ge [sflag:s5], $0x1000  }
0x270: {  	[sflag:s5] =	ssyncset.done $0x0  }
0x271: {  	s25 =	simm.s32 $0x6;
	[sflag:s5] =	ssyncadd.s32 $0xFFFFF000  }
0x272: {  	_ =	swait.ge [sflag:s25], $0x1000  }
0x273: {  	[sflag:s25] =	ssyncset.done $0x0  }
0x274: {  	[sflag:s25] =	ssyncadd.s32 $0xFFFFF000  }
0x275: {  	_ =	swait.ge [sflag:s6], $0x1000  }
0x276: {  	v52 =	vor.u32 s23, v0;
	[sflag:s6] =	ssyncset.done $0x0  }
0x277: {  	[sflag:s6] =	ssyncadd.s32 $0xFFFFF000  }
0x278: {  	_ =	swait.ge [sflag:s7], $0x1000  }
0x279: {  	[sflag:s7] =	ssyncset.done $0x0  }
0x27a: {  	[sflag:s7] =	ssyncadd.s32 $0xFFFFF000  }
0x27b: {  	v53 =	vld.idx.msk [tilespmem:v52+s24+$0x0], $0xffff;
	_ =	sdelay $0x4  }
0x27c: {  	v53 =	vand.u32 $0x7F, v53  }
0x27d: {  	v54 =	vor.u32 v2, v53  }
0x27e: {  	v55 =	vmov s23  }
0x27f: {  	v55 =	vshll.u32 v55, $0x3  }
0x280: {  	v55 =	vand.u32 $0xFFFFFC00, v55;
	v52 =	vand.u32 $0x7F, v52  }
0x281: {  	v52 =	vor.u32 v55, v52  }
0x282: {  	v55 =	vor.u32 v1, v52;
	v54 =	vld.idx.msk [tilespmem:v54+s12+$0x0], $0xffff  }
0x283: {  	v56 =	vor.u32 v3, v53;
	_ =	sdelay $0x3  }
0x284: {  	[tilespmem:v55+s8+$0x0] =	vst.idx.msk $0xffff, v54  }
0x285: {  	v39 =	vor.u32 v4, v52;
	v54 =	vld.idx.msk [tilespmem:v56+s12+$0x0], $0xffff  }
0x286: {  	v60 =	vor.u32 v5, v53;
	_ =	sdelay $0x3  }
0x287: {  	[tilespmem:v39+s8+$0x0] =	vst.idx.msk $0xffff, v54  }
0x288: {  	v61 =	vor.u32 v6, v52;
	v54 =	vld.idx.msk [tilespmem:v60+s12+$0x0], $0xffff  }
0x289: {  	v62 =	vor.u32 v7, v53;
	_ =	sdelay $0x3  }
0x28a: {  	[tilespmem:v61+s8+$0x0] =	vst.idx.msk $0xffff, v54  }
0x28b: {  	v63 =	vor.u32 v8, v52;
	v54 =	vld.idx.msk [tilespmem:v62+s12+$0x0], $0xffff  }
0x28c: {  	v33 =	vor.u32 v9, v53;
	_ =	sdelay $0x3  }
0x28d: {  	[tilespmem:v63+s8+$0x0] =	vst.idx.msk $0xffff, v54  }
0x28e: {  	v34 =	vadd.s32 v10, v52;
	v54 =	vld.idx.msk [tilespmem:v33+s12+$0x0], $0xffff  }
0x28f: {  	v35 =	vor.u32 v11, v53;
	_ =	sdelay $0x3  }
0x290: {  	[tilespmem:v34+s8+$0x0] =	vst.idx.msk $0xffff, v54  }
0x291: {  	v36 =	vadd.s32 v12, v52;
	v54 =	vld.idx.msk [tilespmem:v35+s12+$0x0], $0xffff  }
0x292: {  	v37 =	vor.u32 v13, v53;
	_ =	sdelay $0x3  }
0x293: {  	[tilespmem:v36+s8+$0x0] =	vst.idx.msk $0xffff, v54  }
0x294: {  	v38 =	vadd.s32 v14, v52;
	v54 =	vld.idx.msk [tilespmem:v37+s12+$0x0], $0xffff  }
0x295: {  	v39 =	vor.u32 v15, v53;
	_ =	sdelay $0x3  }
0x296: {  	[tilespmem:v38+s8+$0x0] =	vst.idx.msk $0xffff, v54  }
0x297: {  	v60 =	vadd.s32 v16, v52;
	v54 =	vld.idx.msk [tilespmem:v39+s12+$0x0], $0xffff  }
0x298: {  	v61 =	vor.u32 v17, v53;
	_ =	sdelay $0x3  }
0x299: {  	[tilespmem:v60+s8+$0x0] =	vst.idx.msk $0xffff, v54  }
0x29a: {  	v62 =	vadd.s32 v18, v52;
	v54 =	vld.idx.msk [tilespmem:v61+s12+$0x0], $0xffff  }
0x29b: {  	v63 =	vor.u32 v19, v53;
	_ =	sdelay $0x3  }
0x29c: {  	[tilespmem:v62+s8+$0x0] =	vst.idx.msk $0xffff, v54  }
0x29d: {  	v33 =	vadd.s32 v20, v52;
	v54 =	vld.idx.msk [tilespmem:v63+s12+$0x0], $0xffff  }
0x29e: {  	v34 =	vor.u32 v21, v53;
	_ =	sdelay $0x3  }
0x29f: {  	[tilespmem:v33+s8+$0x0] =	vst.idx.msk $0xffff, v54  }
0x2a0: {  	v35 =	vadd.s32 v22, v52;
	v54 =	vld.idx.msk [tilespmem:v34+s12+$0x0], $0xffff  }
0x2a1: {  	v36 =	vor.u32 v23, v53;
	_ =	sdelay $0x3  }
0x2a2: {  	[tilespmem:v35+s8+$0x0] =	vst.idx.msk $0xffff, v54  }
0x2a3: {  	v37 =	vadd.s32 v24, v52;
	v54 =	vld.idx.msk [tilespmem:v36+s12+$0x0], $0xffff  }
0x2a4: {  	v38 =	vor.u32 v25, v53;
	_ =	sdelay $0x3  }
0x2a5: {  	[tilespmem:v37+s8+$0x0] =	vst.idx.msk $0xffff, v54  }
0x2a6: {  	v39 =	vadd.s32 v26, v52;
	v54 =	vld.idx.msk [tilespmem:v38+s12+$0x0], $0xffff  }
0x2a7: {  	v60 =	vor.u32 v27, v53;
	_ =	sdelay $0x3  }
0x2a8: {  	[tilespmem:v39+s8+$0x0] =	vst.idx.msk $0xffff, v54  }
0x2a9: {  	v61 =	vadd.s32 v28, v52;
	v54 =	vld.idx.msk [tilespmem:v60+s12+$0x0], $0xffff  }
0x2aa: {  	v62 =	vor.u32 v29, v53;
	_ =	sdelay $0x3  }
0x2ab: {  	[tilespmem:v61+s8+$0x0] =	vst.idx.msk $0xffff, v54  }
0x2ac: {  	v63 =	vadd.s32 v30, v52;
	v54 =	vld.idx.msk [tilespmem:v62+s12+$0x0], $0xffff  }
0x2ad: {  	v53 =	vor.u32 v31, v53;
	_ =	sdelay $0x3  }
0x2ae: {  	[tilespmem:v63+s8+$0x0] =	vst.idx.msk $0xffff, v54  }
0x2af: {  	v52 =	vadd.s32 v32, v52;
	v53 =	vld.idx.msk [tilespmem:v53+s12+$0x0], $0xffff;
	_ =	sdelay $0x4  }
0x2b0: {  	[tilespmem:v52+s8+$0x0] =	vst.idx.msk $0xffff, v53  }
.LBB2_4:
0x2b1: {  	_ =	sdelay $0x3  }
0x2b2: {  	(v2sf) =	vpush v51, $0x0;
	_ =	sdelay $0x1  }
0x2b3: {  	(v2sf) =	vpush v51, $0x1;
	_ =	sdelay $0x4  }
0x2b4: {  	(v2sf) =	vpush v51, $0x2;
	_ =	sdelay $0x2  }
0x2b5: {  	(v2sf) =	vpush v51, $0x3;
	_ =	sdelay $0x4  }
0x2b6: {  	s24 =	spop (v2sf);
	(v2sf) =	vpush v51, $0x4  }
0x2b7: {  	s24 =	sand.u32 $0xFFFFF80, s24  }
0x2b8: {  	s5 =	spop (v2sf);
	(v2sf) =	vpush v51, $0x5;
	s24 =	sadd.s32 s0, s24  }
0x2b9: {  	[tilespmem:s12], [sflag:$0x1] =	stream.strided.gather [hbm4b:s24+s12], $0x1000, s10, s12, $0x38;
	[tilespmem:$0x18400] =	vst v63  }
0x2ba: {  	s24 =	sand.u32 $0xFFFFF80, s5  }
0x2bb: {  	s25 =	simm.s32 $0x1400;
	s24 =	sadd.s32 s0, s24  }
0x2bc: {  	[tilespmem:s25], [sflag:$0x2] =	stream.strided.gather [hbm4b:s24+s12], $0x1000, s10, s12, $0x38;
	[tilespmem:$0x18400] =	vst v63  }
0x2bd: {  	s25 =	spop (v2sf);
	(v2sf) =	vpush v51, $0x6;
	_ =	sdelay $0x1  }
0x2be: {  	s24 =	sand.u32 $0xFFFFF80, s25  }
0x2bf: {  	s2 =	simm.s32 $0x2400;
	s4 =	spop (v2sf);
	s24 =	sadd.s32 s0, s24  }
0x2c0: {  	(v2sf) =	vpush v51, $0x7;
	[tilespmem:s2], [sflag:$0x3] =	stream.strided.gather [hbm4b:s24+s12], $0x1000, s10, s12, $0x38;
	[tilespmem:$0x18400] =	vst v63  }
0x2c1: {  	s24 =	sand.u32 $0xFFFFF80, s4  }
0x2c2: {  	s5 =	simm.s32 $0x3400;
	s24 =	sadd.s32 s0, s24  }
0x2c3: {  	[tilespmem:s5], [sflag:$0x4] =	stream.strided.gather [hbm4b:s24+s12], $0x1000, s10, s12, $0x38;
	[tilespmem:$0x18400] =	vst v63  }
0x2c4: {  	s25 =	spop (v2sf)  }
0x2c5: {  	s24 =	sand.u32 $0xFFFFF80, s25  }
0x2c6: {  	s2 =	simm.s32 $0x4400;
	s4 =	spop (v2sf);
	s24 =	sadd.s32 s0, s24  }
0x2c7: {  	[tilespmem:s2], [sflag:$0x5] =	stream.strided.gather [hbm4b:s24+s12], $0x1000, s10, s12, $0x38;
	[tilespmem:$0x18400] =	vst v63  }
0x2c8: {  	s24 =	sand.u32 $0xFFFFF80, s4  }
0x2c9: {  	s5 =	simm.s32 $0x5400;
	s24 =	sadd.s32 s0, s24  }
0x2ca: {  	[tilespmem:s5], [sflag:$0x6] =	stream.strided.gather [hbm4b:s24+s12], $0x1000, s10, s12, $0x38;
	[tilespmem:$0x18400] =	vst v63  }
0x2cb: {  	s25 =	spop (v2sf)  }
0x2cc: {  	s24 =	sand.u32 $0xFFFFF80, s25  }
0x2cd: {  	s2 =	simm.s32 $0x6400;
	s24 =	sadd.s32 s0, s24  }
0x2ce: {  	[tilespmem:s2], [sflag:$0x7] =	stream.strided.gather [hbm4b:s24+s12], $0x1000, s10, s12, $0x38;
	[tilespmem:$0x18400] =	vst v63  }
.Ltmp5:
0x2cf: {  	s4 =	spop (v2sf);
	(pc) =	sbr.rel @p0 .LBB2_6-.Ltmp5, $4  }
0x2d0: {  	s24 =	sand.u32 $0xFFFFF80, s4  }
0x2d1: {  	s5 =	simm.s32 $0x7400;
	s24 =	sadd.s32 s0, s24  }
0x2d2: {  	[tilespmem:s5], [sflag:$0x8] =	stream.strided.gather [hbm4b:s24+s12], $0x1000, s10, s12, $0x38;
	[tilespmem:$0x18400] =	vst v63  }
0x2d3: {  	s5 =	simm.s32 $0x200  }
0x2d4: {  	_ =	swait.ge [sflag:s9], $0x1000  }
0x2d5: {  	[sflag:s9] =	ssyncset.done $0x0  }
0x2d6: {  	[sflag:s9] =	ssyncadd.s32 $0xFFFFF000  }
0x2d7: {  	_ =	swait.ge [sflag:s11], $0x1000  }
0x2d8: {  	[sflag:s11] =	ssyncset.done $0x0  }
0x2d9: {  	[sflag:s11] =	ssyncadd.s32 $0xFFFFF000  }
0x2da: {  	_ =	swait.ge [sflag:s3], $0x1000  }
0x2db: {  	[sflag:s3] =	ssyncset.done $0x0  }
0x2dc: {  	[sflag:s3] =	ssyncadd.s32 $0xFFFFF000  }
0x2dd: {  	_ =	swait.ge [sflag:s13], $0x1000  }
0x2de: {  	[sflag:s13] =	ssyncset.done $0x0  }
0x2df: {  	[sflag:s13] =	ssyncadd.s32 $0xFFFFF000  }
0x2e0: {  	_ =	swait.ge [sflag:s14], $0x1000  }
0x2e1: {  	[sflag:s14] =	ssyncset.done $0x0  }
0x2e2: {  	[sflag:s14] =	ssyncadd.s32 $0xFFFFF000  }
0x2e3: {  	_ =	swait.ge [sflag:s15], $0x1000  }
0x2e4: {  	[sflag:s15] =	ssyncset.done $0x0  }
0x2e5: {  	[sflag:s15] =	ssyncadd.s32 $0xFFFFF000  }
0x2e6: {  	_ =	swait.ge [sflag:s16], $0x1000  }
0x2e7: {  	v52 =	vor.u32 s23, v0;
	[sflag:s16] =	ssyncset.done $0x0  }
0x2e8: {  	[sflag:s16] =	ssyncadd.s32 $0xFFFFF000  }
0x2e9: {  	_ =	swait.ge [sflag:s17], $0x1000  }
0x2ea: {  	[sflag:s17] =	ssyncset.done $0x0  }
0x2eb: {  	[sflag:s17] =	ssyncadd.s32 $0xFFFFF000  }
0x2ec: {  	v53 =	vld.idx.msk [tilespmem:v52+s5+$0x0], $0xffff;
	_ =	sdelay $0x4  }
0x2ed: {  	v53 =	vand.u32 $0x7F, v53  }
0x2ee: {  	v54 =	vor.u32 v2, v53  }
0x2ef: {  	v55 =	vmov s23  }
0x2f0: {  	v55 =	vshll.u32 v55, $0x3  }
0x2f1: {  	v55 =	vand.u32 $0xFFFFFC00, v55;
	v52 =	vand.u32 $0x7F, v52  }
0x2f2: {  	v52 =	vor.u32 v55, v52  }
0x2f3: {  	v55 =	vor.u32 v1, v52;
	v54 =	vld.idx.msk [tilespmem:v54+s20+$0x0], $0xffff  }
0x2f4: {  	v56 =	vor.u32 v3, v53;
	_ =	sdelay $0x3  }
0x2f5: {  	[tilespmem:v55+s18+$0x0] =	vst.idx.msk $0xffff, v54  }
0x2f6: {  	v39 =	vor.u32 v4, v52;
	v54 =	vld.idx.msk [tilespmem:v56+s20+$0x0], $0xffff  }
0x2f7: {  	v60 =	vor.u32 v5, v53;
	_ =	sdelay $0x3  }
0x2f8: {  	[tilespmem:v39+s18+$0x0] =	vst.idx.msk $0xffff, v54  }
0x2f9: {  	v61 =	vor.u32 v6, v52;
	v54 =	vld.idx.msk [tilespmem:v60+s20+$0x0], $0xffff  }
0x2fa: {  	v62 =	vor.u32 v7, v53;
	_ =	sdelay $0x3  }
0x2fb: {  	[tilespmem:v61+s18+$0x0] =	vst.idx.msk $0xffff, v54  }
0x2fc: {  	v63 =	vor.u32 v8, v52;
	v54 =	vld.idx.msk [tilespmem:v62+s20+$0x0], $0xffff  }
0x2fd: {  	v33 =	vor.u32 v9, v53;
	_ =	sdelay $0x3  }
0x2fe: {  	[tilespmem:v63+s18+$0x0] =	vst.idx.msk $0xffff, v54  }
0x2ff: {  	v34 =	vadd.s32 v10, v52;
	v54 =	vld.idx.msk [tilespmem:v33+s20+$0x0], $0xffff  }
0x300: {  	v35 =	vor.u32 v11, v53;
	_ =	sdelay $0x3  }
0x301: {  	[tilespmem:v34+s18+$0x0] =	vst.idx.msk $0xffff, v54  }
0x302: {  	v36 =	vadd.s32 v12, v52;
	v54 =	vld.idx.msk [tilespmem:v35+s20+$0x0], $0xffff  }
0x303: {  	v37 =	vor.u32 v13, v53;
	_ =	sdelay $0x3  }
0x304: {  	[tilespmem:v36+s18+$0x0] =	vst.idx.msk $0xffff, v54  }
0x305: {  	v38 =	vadd.s32 v14, v52;
	v54 =	vld.idx.msk [tilespmem:v37+s20+$0x0], $0xffff  }
0x306: {  	v39 =	vor.u32 v15, v53;
	_ =	sdelay $0x3  }
0x307: {  	[tilespmem:v38+s18+$0x0] =	vst.idx.msk $0xffff, v54  }
0x308: {  	v60 =	vadd.s32 v16, v52;
	v54 =	vld.idx.msk [tilespmem:v39+s20+$0x0], $0xffff  }
0x309: {  	v61 =	vor.u32 v17, v53;
	_ =	sdelay $0x3  }
0x30a: {  	[tilespmem:v60+s18+$0x0] =	vst.idx.msk $0xffff, v54  }
0x30b: {  	v62 =	vadd.s32 v18, v52;
	v54 =	vld.idx.msk [tilespmem:v61+s20+$0x0], $0xffff  }
0x30c: {  	v63 =	vor.u32 v19, v53;
	_ =	sdelay $0x3  }
0x30d: {  	[tilespmem:v62+s18+$0x0] =	vst.idx.msk $0xffff, v54  }
0x30e: {  	v33 =	vadd.s32 v20, v52;
	v54 =	vld.idx.msk [tilespmem:v63+s20+$0x0], $0xffff  }
0x30f: {  	v34 =	vor.u32 v21, v53;
	_ =	sdelay $0x3  }
0x310: {  	[tilespmem:v33+s18+$0x0] =	vst.idx.msk $0xffff, v54  }
0x311: {  	v35 =	vadd.s32 v22, v52;
	v54 =	vld.idx.msk [tilespmem:v34+s20+$0x0], $0xffff  }
0x312: {  	v36 =	vor.u32 v23, v53;
	_ =	sdelay $0x3  }
0x313: {  	[tilespmem:v35+s18+$0x0] =	vst.idx.msk $0xffff, v54  }
0x314: {  	v37 =	vadd.s32 v24, v52;
	v54 =	vld.idx.msk [tilespmem:v36+s20+$0x0], $0xffff  }
0x315: {  	v38 =	vor.u32 v25, v53;
	_ =	sdelay $0x3  }
0x316: {  	[tilespmem:v37+s18+$0x0] =	vst.idx.msk $0xffff, v54  }
0x317: {  	v39 =	vadd.s32 v26, v52;
	v54 =	vld.idx.msk [tilespmem:v38+s20+$0x0], $0xffff  }
0x318: {  	v60 =	vor.u32 v27, v53;
	_ =	sdelay $0x3  }
0x319: {  	[tilespmem:v39+s18+$0x0] =	vst.idx.msk $0xffff, v54  }
0x31a: {  	v61 =	vadd.s32 v28, v52;
	v54 =	vld.idx.msk [tilespmem:v60+s20+$0x0], $0xffff  }
0x31b: {  	v62 =	vor.u32 v29, v53;
	_ =	sdelay $0x3  }
0x31c: {  	[tilespmem:v61+s18+$0x0] =	vst.idx.msk $0xffff, v54  }
0x31d: {  	v63 =	vadd.s32 v30, v52;
	v54 =	vld.idx.msk [tilespmem:v62+s20+$0x0], $0xffff  }
0x31e: {  	v53 =	vor.u32 v31, v53;
	_ =	sdelay $0x3  }
0x31f: {  	[tilespmem:v63+s18+$0x0] =	vst.idx.msk $0xffff, v54  }
0x320: {  	v52 =	vadd.s32 v32, v52;
	v53 =	vld.idx.msk [tilespmem:v53+s20+$0x0], $0xffff  }
.Ltmp6:
0x321: {  	_ = 	snop;
	(pc) =	sbr.rel .LBB2_6-.Ltmp6, $2  }
0x322: {  	_ =	sdelay $0x2  }
0x323: {  	[tilespmem:v52+s18+$0x0] =	vst.idx.msk $0xffff, v53  }
.LBB2_8:
0x324: {  	_ =	sfence.sel $0x180000  }
0x325: {  	[bflag:$0x0] =	sbarrier.arrive $0xFFFF  }
0x326: {  	_ =	strace $0x90000047  }
0x327: {  	s0 =	stileid.u32;
	[bflag:$0x2] =	sbarrier.arrive $0xFFFF  }
0x328: {  	p0 =	sne.s32 s0, $0x0;
	s0 =	rddreg [dreg:$0x5]  }
0x329: {  	s0 =	sadd.s32 @!p0 $0x100000, s0  }
0x32a: {  	[sflag:s0] =	ssyncadd.tile.s32 @!p0 $0x1;
	_ =	shalt  }
.Lfunc_end2:
_tile_overlayer_lowered:
.L_overlay_start_2:
0x32b: {  	(tag) =	ssettag $0x2  }
0x32c: {  	s0 =	rddreg [dreg:$0x0];
	s2 =	stileid.u32  }
0x32d: {  	s1 =	rddreg [dreg:$0x1];
	p0 =	sne.s32 s2, $0x0  }
0x32e: {  	s3 =	rddreg [dreg:$0x2];
	[bflag:$0x3] =	sbarrier.arrive $0xFFFF;
	s2 =	simm.s32 @!p0 $0x1C11  }
0x32f: {  	[timem:s3], [sflag:s2] =	dma.local @!p0 [hbm:s0], s1  }
0x330: {  	s0 =	simm.s32 @!p0 $0x11  }
0x331: {  	_ =	swait.ge @!p0 [sflag:s0], s1  }
0x332: {  	s1 =	ssub.s32 @!p0 $0x0, s1;
	[sflag:s0] =	ssyncset.done @!p0 $0x0  }
0x333: {  	[sflag:s0] =	ssyncadd.s32 @!p0 s1  }
0x334: {  	[bflag:$0x3] =	sbarrier.arrive $0xFFFF  }
0x335: {  	_ =	shalt  }

</sc_bundles>
